<compile_context>
chip_gen: v7x
topology: tpu7x:2x2x1
jax: 0.10.2.dev20260603
libtpu: 0.0.44.dev20260713+nightly
codegen_flags: <defaults>
</compile_context>

<pallas_src>
import functools

import jax
import jax.numpy as jnp
from jax import lax
from jax.experimental import pallas as pl
from jax.experimental.pallas import tpu as pltpu
from jax.experimental.pallas import tpu_sc as plsc

_B = 16384
_D = 64
_LANES = 1000000
_NC = 2
_NS = 16
_NW = _NC * _NS
_SW = 768
_NSTRIPE = (_LANES + _SW - 1) // _SW
_SPW = (_NSTRIPE + _NW - 1) // _NW
_NBUF = 2
_TRIPS = (_SPW + _NBUF - 1) // _NBUF
_LAST_W = (_NSTRIPE - 1) * _SW
_LAST_N = _LANES - _LAST_W
_BATCH = 32
_IW = 512
_CAP = 1024
_PK = 32768

_mesh = plsc.VectorSubcoreMesh(core_axis_name="c", subcore_axis_name="s")


@functools.partial(
    pl.kernel,
    mesh=_mesh,
    out_type=jax.ShapeDtypeStruct((_B + _BATCH, 128), jnp.float32),
    scratch_types=[
        pltpu.VMEM((2, _IW), jnp.int32),
        pltpu.VMEM((_B + 16,), jnp.int32),
        pltpu.VMEM((_CAP + 16,), jnp.int32),
        pltpu.VMEM((_NBUF, 64, _SW), jnp.float32),
        pltpu.VMEM((_BATCH, 128), jnp.float32),
        pltpu.VMEM((64, 64), jnp.float32),
        pltpu.VMEM((_BATCH,), jnp.int32),
        pltpu.SMEM((2,), jnp.int32),
        pltpu.SemaphoreType.DMA,
        pltpu.SemaphoreType.DMA,
        pltpu.SemaphoreType.DMA,
        pltpu.SemaphoreType.DMA,
        pltpu.SemaphoreType.DMA,
        pltpu.SemaphoreType.DMA,
        pltpu.SemaphoreType.DMA,
    ],
    compiler_params=pltpu.CompilerParams(needs_layout_passes=False),
)
def _stream_gather(idx_hbm, tw_hbm, outp_hbm, idxw, mp, sp, bufs, rows_v,
                   tail_buf, klist, cnts, sem_i0, sem_i1, sem_b0a, sem_b0b,
                   sem_b1a, sem_b1b, sem_fl):
    w = lax.axis_index("s") * _NC + lax.axis_index("c")
    base = w * _SPW
    nstr_w = jnp.minimum(base + _SPW, _NSTRIPE) - base
    sems = (sem_b0a, sem_b1a)
    sems2 = (sem_b0b, sem_b1b)
    isems = (sem_i0, sem_i1)
    lanes = lax.iota(jnp.int32, 16)

    for c in range(_BATCH // 16):
        klist[pl.ds(c * 16, 16)] = _B + c * 16 + lanes
    cnts[0] = 0

    lo = base * _SW
    hi = (base + _SPW) * _SW

    def fire(t, b):
        sidx = base + t

        @pl.when((t < nstr_w) & (sidx < _NSTRIPE - 1))
        def _():
            h = _SW // 2
            pltpu.async_copy(
                tw_hbm.at[:, pl.ds(sidx * _SW, h)],
                bufs.at[b, :, pl.ds(0, h)], sems[b])
            pltpu.async_copy(
                tw_hbm.at[:, pl.ds(sidx * _SW + h, h)],
                bufs.at[b, :, pl.ds(h, h)], sems2[b])

        @pl.when((t < nstr_w) & (sidx == _NSTRIPE - 1))
        def _():
            pltpu.async_copy(
                tw_hbm.at[:, pl.ds(_LAST_W, _LAST_N)], tail_buf, sems[b])

    def wait(t, b):
        sidx = base + t

        @pl.when((t < nstr_w) & (sidx < _NSTRIPE - 1))
        def _():
            h = _SW // 2
            pltpu.make_async_copy(
                tw_hbm.at[:, pl.ds(sidx * _SW, h)],
                bufs.at[b, :, pl.ds(0, h)], sems[b]).wait()
            pltpu.make_async_copy(
                tw_hbm.at[:, pl.ds(sidx * _SW + h, h)],
                bufs.at[b, :, pl.ds(h, h)], sems2[b]).wait()

        @pl.when((t < nstr_w) & (sidx == _NSTRIPE - 1))
        def _():
            pltpu.make_async_copy(
                tw_hbm.at[:, pl.ds(_LAST_W, _LAST_N)], tail_buf,
                sems[b]).wait()

            def tcopy(r, z):
                for c in range(4):
                    bufs[b, r, pl.ds(c * 16, 16)] = tail_buf[r, pl.ds(c * 16, 16)]
                return z

            lax.fori_loop(0, 64, tcopy, 0)

    for b in range(_NBUF):
        fire(b, b)

    for p in range(2):
        pltpu.async_copy(idx_hbm.at[pl.ds(p * _IW, _IW)], idxw.at[p],
                         isems[p])

    def prefilter_win(g, cnt):
        for p in range(2):
            win = g * 2 + p
            w0 = win * _IW
            pltpu.make_async_copy(idx_hbm.at[pl.ds(w0, _IW)], idxw.at[p],
                                  isems[p]).wait()

            def pf(c, cnt2):
                iv = idxw[p, pl.ds(c * 16, 16)]
                m = (iv >= lo) & (iv < hi)
                mc = plsc.all_reduce_population_count(m)[0]

                @pl.when(mc > 0)
                def _():
                    packed = (w0 + c * 16 + lanes) * _PK + (iv - lo)
                    plsc.store_compressed(mp.at[pl.ds(cnt2, 16)], packed,
                                          mask=m)

                return cnt2 + mc

            cnt = lax.fori_loop(0, _IW // 16, pf, cnt)

            @pl.when(win + 2 < _B // _IW)
            def _():
                pltpu.async_copy(idx_hbm.at[pl.ds(w0 + 2 * _IW, _IW)],
                                 idxw.at[p], isems[p])

        return cnt

    cnt = lax.fori_loop(0, _B // _IW // 2, prefilter_win, 0)
    nchunk = (cnt + 15) // 16

    def process(t, b):
        @pl.when(t < nstr_w)
        def _():
            rlo = t * _SW

            def extract_all():
                def extract(e, z):
                    eb = (e // 16) * 16
                    sel = lanes == (e - eb)
                    p_s = jnp.sum(jnp.where(sel, sp[pl.ds(eb, 16)], 0))
                    k_s = p_s // _PK
                    l_v = (p_s & (_PK - 1)) - rlo + jnp.zeros((16,), jnp.int32)
                    bj = cnts[0]
                    for c in range(4):
                        g = plsc.load_gather(bufs.at[b], [lanes + c * 16, l_v])
                        rows_v[bj, pl.ds(c * 16, 16)] = g
                    plsc.store_scatter(
                        klist, [bj + jnp.zeros((16,), jnp.int32)],
                        k_s + jnp.zeros((16,), jnp.int32), mask=lanes == 0)

                    @pl.when(bj == _BATCH - 1)
                    def _():
                        pltpu.async_copy(rows_v, outp_hbm.at[klist],
                                         sem_fl).wait()

                    cnts[0] = lax.rem(bj + 1, _BATCH)
                    return z

                lax.fori_loop(0, cnts[1], extract, 0)
                cnts[1] = 0

            cnts[1] = 0

            def scan(c, z):
                @pl.when(cnts[1] + 16 > _CAP)
                def _():
                    extract_all()

                mv = mp[pl.ds(c * 16, 16)]
                rel = mv & (_PK - 1)
                m = (rel >= rlo) & (rel < rlo + _SW) & ((c * 16 + lanes) < cnt)
                mc = plsc.all_reduce_population_count(m)[0]
                sm = cnts[1]

                @pl.when(mc > 0)
                def _():
                    plsc.store_compressed(sp.at[pl.ds(sm, 16)], mv, mask=m)

                cnts[1] = sm + mc
                return z

            lax.fori_loop(0, nchunk, scan, 0)
            extract_all()

    def outer(g, z):
        for b in range(_NBUF):
            t = g * _NBUF + b
            wait(t, b)
            process(t, b)
            fire(t + _NBUF, b)
        return z

    lax.fori_loop(0, _TRIPS, outer, 0)

    pltpu.async_copy(rows_v, outp_hbm.at[klist], sem_fl).wait()


def kernel(rel, rel_emb_weight):
    outp = _stream_gather(rel.astype(jnp.int32), rel_emb_weight.T)
    return outp[:_B, :_D]

# --- scband reference (transcript-rebuilt; emitter-appended) ---
"""Pipeline reference for scband-rel-extractor-44495861186783 (READ-ONLY COPY).

The authoritative reference and input builder live on the scoring server;
editing this copy changes nothing except your own understanding.
"""

import jax, jax.numpy as jnp
import numpy as np

NUM_RELS = 1000000
EMB_DIM = 64
BATCH = 16384

def setup_inputs(seed: int = 0) -> dict:
    key = jax.random.key(seed)
    k_idx, k_tab = jax.random.split(key)
    rel = jax.random.randint(k_idx, (BATCH,), 0, NUM_RELS, dtype=jnp.int64)
    rel_emb_weight = jax.random.normal(k_tab, (NUM_RELS, EMB_DIM), dtype=jnp.float32)
    return {"rel": rel, "rel_emb_weight": rel_emb_weight}

def reference(rel, rel_emb_weight):
    # nn.Embedding lookup: table[rel]
    return jnp.take(rel_emb_weight, rel, axis=0)

if __name__ == "__main__":
    import jax
    _d = setup_inputs()
    print(jax.jit(kernel)(*tuple(_d.values())))

</pallas_src>

<mosaic_0001>
#map = affine_map<(d0, d1) -> (0)>
#map1 = affine_map<(d0, d1) -> (0, 0)>
module attributes {stable_mosaic.version = 14 : i64} {
  func.func @_stream_gather(%arg0: i32, %arg1: i32, %arg2: memref<16384xi32, #tpu.memory_space<hbm>>, %arg3: memref<64x1000000xf32, #tpu.memory_space<hbm>>, %arg4: memref<16416x128xf32, #tpu.memory_space<hbm>>, %arg5: memref<2x512xi32, #tpu.memory_space<vmem>>, %arg6: memref<16400xi32, #tpu.memory_space<vmem>>, %arg7: memref<1040xi32, #tpu.memory_space<vmem>>, %arg8: memref<2x64x768xf32, #tpu.memory_space<vmem>>, %arg9: memref<32x128xf32, #tpu.memory_space<vmem>>, %arg10: memref<64x64xf32, #tpu.memory_space<vmem>>, %arg11: memref<32xi32, #tpu.memory_space<vmem>>, %arg12: memref<2xi32, #tpu.memory_space<smem>>, %arg13: memref<!tpu.dma_semaphore, #tpu.memory_space<semaphore_mem>>, %arg14: memref<!tpu.dma_semaphore, #tpu.memory_space<semaphore_mem>>, %arg15: memref<!tpu.dma_semaphore, #tpu.memory_space<semaphore_mem>>, %arg16: memref<!tpu.dma_semaphore, #tpu.memory_space<semaphore_mem>>, %arg17: memref<!tpu.dma_semaphore, #tpu.memory_space<semaphore_mem>>, %arg18: memref<!tpu.dma_semaphore, #tpu.memory_space<semaphore_mem>>, %arg19: memref<!tpu.dma_semaphore, #tpu.memory_space<semaphore_mem>>) attributes {dimension_semantics = [#tpu.dimension_semantics<core_parallel>, #tpu.dimension_semantics<subcore_parallel>], iteration_bounds = array<i64: 2, 16>, scalar_prefetch = 0 : i64, scratch_operands = 15 : i64, tpu.core_type = #tpu.core_type<sc_vector_subcore>, window_params = [{transform_indices = #map}, {transform_indices = #map1}, {transform_indices = #map1}]} {
    %mul3A = arith.constant 2 : i32
    %mul3A_0 = arith.muli %arg1, %mul3A : i32
    %add3A = arith.addi %mul3A_0, %arg0 : i32
    %mul3A_1 = arith.constant 41 : i32
    %mul3A_2 = arith.muli %add3A, %mul3A_1 : i32
    %add3A_3 = arith.constant 41 : i32
    %add3A_4 = arith.addi %mul3A_2, %add3A_3 : i32
    %min3A = arith.constant 1303 : i32
    %min3A_5 = arith.minsi %add3A_4, %min3A : i32
    %sub3A = arith.subi %min3A_5, %mul3A_2 : i32
    %iota3A = tpu.iota {dimensions = array<i32: 0>} : vector<16xi32>
    %add3A_6 = arith.constant 16384 : i32
    %add3A_7 = vector.broadcast %add3A_6 : i32 to vector<16xi32>
    %add3A_8 = arith.addi %add3A_7, %iota3A : vector<16xi32>
    %swap3A = arith.constant 0 : index
    %swap3A_9 = tpu.vector_load %arg11[%swap3A] {strides = array<i32>} : memref<32xi32, #tpu.memory_space<vmem>>, vector<16xi32>,
    tpu.vector_store %arg11[%swap3A], %add3A_8 {strides = array<i32>} : memref<32xi32, #tpu.memory_space<vmem>>, vector<16xi32>,
    %add3A_10 = arith.constant 16400 : i32
    %add3A_11 = vector.broadcast %add3A_10 : i32 to vector<16xi32>
    %add3A_12 = arith.addi %add3A_11, %iota3A : vector<16xi32>
    %swap3A_13 = arith.constant 16 : index
    %swap3A_14 = tpu.vector_load %arg11[%swap3A_13] {strides = array<i32>} : memref<32xi32, #tpu.memory_space<vmem>>, vector<16xi32>,
    tpu.vector_store %arg11[%swap3A_13], %add3A_12 {strides = array<i32>} : memref<32xi32, #tpu.memory_space<vmem>>, vector<16xi32>,
    %swap3A_15 = arith.constant 0 : i32
    %swap3A_16 = arith.constant 0 : i32
    %swap3A_17 = arith.index_cast %swap3A_16 : i32 to index
    %swap3A_18 = memref.load %arg12[%swap3A_17] : memref<2xi32, #tpu.memory_space<smem>>
    memref.store %swap3A_15, %arg12[%swap3A_17] : memref<2xi32, #tpu.memory_space<smem>>
    %mul3A_19 = arith.constant 768 : i32
    %mul3A_20 = arith.muli %mul3A_2, %mul3A_19 : i32
    %add3A_21 = arith.constant 41 : i32
    %add3A_22 = arith.addi %mul3A_2, %add3A_21 : i32
    %mul3A_23 = arith.constant 768 : i32
    %mul3A_24 = arith.muli %add3A_22, %mul3A_23 : i32
    %add3A_25 = arith.constant 0 : i32
    %add3A_26 = arith.addi %mul3A_2, %add3A_25 : i32
    %gt3A = arith.constant 0 : i32
    %gt3A_27 = arith.cmpi sgt, %sub3A, %gt3A : i32
    %lt3A = arith.constant 1302 : i32
    %lt3A_28 = arith.cmpi slt, %add3A_26, %lt3A : i32
    %and3A = arith.andi %gt3A_27, %lt3A_28 : i1
    %convert_element_type3A = arith.extui %and3A : i1 to i32
    %cond3A = arith.constant 0 : i32
    %cond3A_29 = arith.cmpi ne, %convert_element_type3A, %cond3A : i32
    scf.if %cond3A_29 {
      %mul3A_113 = arith.constant 768 : i32
      %mul3A_114 = arith.muli %add3A_26, %mul3A_113 : i32
      %dma_start3A_115 = arith.constant 0 : i32
      %dma_start3A_116 = arith.constant 0 : i32
      %dma_start3A_117 = arith.constant 0 : i32
      %dma_start3A_118 = tpu.memref_slice %arg8[%dma_start3A_115, %dma_start3A_116, %dma_start3A_117] : memref<2x64x768xf32, #tpu.memory_space<vmem>> -> memref<1x64x384xf32, #tpu.memory_space<vmem>>
      %dma_start3A_119 = tpu.memref_squeeze %dma_start3A_118 : memref<1x64x384xf32, #tpu.memory_space<vmem>> -> memref<64x384xf32, #tpu.memory_space<vmem>>
      %dma_start3A_120 = arith.constant 0 : i32
      %dma_start3A_121 = tpu.memref_slice %arg3[%dma_start3A_120, %mul3A_114] : memref<64x1000000xf32, #tpu.memory_space<hbm>> -> memref<64x384xf32, #tpu.memory_space<hbm>>
      %dma_start3A_122 = arith.constant 0 : i32
      %dma_start3A_123 = arith.constant 0 : i32
      %dma_start3A_124 = tpu.memref_slice %arg8[%dma_start3A_115, %dma_start3A_122, %dma_start3A_123] : memref<2x64x768xf32, #tpu.memory_space<vmem>> -> memref<1x64x384xf32, #tpu.memory_space<vmem>>
      %dma_start3A_125 = tpu.memref_squeeze %dma_start3A_124 : memref<1x64x384xf32, #tpu.memory_space<vmem>> -> memref<64x384xf32, #tpu.memory_space<vmem>>
      %dma_start3A_126 = arith.constant 0 : i32
      %dma_start3A_127 = tpu.memref_slice %arg3[%dma_start3A_126, %mul3A_114] : memref<64x1000000xf32, #tpu.memory_space<hbm>> -> memref<64x384xf32, #tpu.memory_space<hbm>>
      tpu.enqueue_dma source(%dma_start3A_127 : memref<64x384xf32, #tpu.memory_space<hbm>>) target(%dma_start3A_125 : memref<64x384xf32, #tpu.memory_space<vmem>>) target_semaphore(%arg15 : memref<!tpu.dma_semaphore, #tpu.memory_space<semaphore_mem>>)
      %mul3A_128 = arith.constant 768 : i32
      %mul3A_129 = arith.muli %add3A_26, %mul3A_128 : i32
      %add3A_130 = arith.constant 384 : i32
      %add3A_131 = arith.addi %mul3A_129, %add3A_130 : i32
      %dma_start3A_132 = arith.constant 0 : i32
      %dma_start3A_133 = arith.constant 0 : i32
      %dma_start3A_134 = arith.constant 384 : i32
      %dma_start3A_135 = tpu.memref_slice %arg8[%dma_start3A_132, %dma_start3A_133, %dma_start3A_134] : memref<2x64x768xf32, #tpu.memory_space<vmem>> -> memref<1x64x384xf32, #tpu.memory_space<vmem>>
      %dma_start3A_136 = tpu.memref_squeeze %dma_start3A_135 : memref<1x64x384xf32, #tpu.memory_space<vmem>> -> memref<64x384xf32, #tpu.memory_space<vmem>>
      %dma_start3A_137 = arith.constant 0 : i32
      %dma_start3A_138 = tpu.memref_slice %arg3[%dma_start3A_137, %add3A_131] : memref<64x1000000xf32, #tpu.memory_space<hbm>> -> memref<64x384xf32, #tpu.memory_space<hbm>>
      %dma_start3A_139 = arith.constant 0 : i32
      %dma_start3A_140 = arith.constant 384 : i32
      %dma_start3A_141 = tpu.memref_slice %arg8[%dma_start3A_132, %dma_start3A_139, %dma_start3A_140] : memref<2x64x768xf32, #tpu.memory_space<vmem>> -> memref<1x64x384xf32, #tpu.memory_space<vmem>>
      %dma_start3A_142 = tpu.memref_squeeze %dma_start3A_141 : memref<1x64x384xf32, #tpu.memory_space<vmem>> -> memref<64x384xf32, #tpu.memory_space<vmem>>
      %dma_start3A_143 = arith.constant 0 : i32
      %dma_start3A_144 = tpu.memref_slice %arg3[%dma_start3A_143, %add3A_131] : memref<64x1000000xf32, #tpu.memory_space<hbm>> -> memref<64x384xf32, #tpu.memory_space<hbm>>
      tpu.enqueue_dma source(%dma_start3A_144 : memref<64x384xf32, #tpu.memory_space<hbm>>) target(%dma_start3A_142 : memref<64x384xf32, #tpu.memory_space<vmem>>) target_semaphore(%arg16 : memref<!tpu.dma_semaphore, #tpu.memory_space<semaphore_mem>>)
    } else {
    }
    %gt3A_30 = arith.constant 0 : i32
    %gt3A_31 = arith.cmpi sgt, %sub3A, %gt3A_30 : i32
    %eq3A = arith.constant 1302 : i32
    %eq3A_32 = arith.cmpi eq, %add3A_26, %eq3A : i32
    %and3A_33 = arith.andi %gt3A_31, %eq3A_32 : i1
    %convert_element_type3A_34 = arith.extui %and3A_33 : i1 to i32
    %cond3A_35 = arith.constant 0 : i32
    %cond3A_36 = arith.cmpi ne, %convert_element_type3A_34, %cond3A_35 : i32
    scf.if %cond3A_36 {
      %dma_start3A_113 = arith.constant 0 : i32
      %dma_start3A_114 = arith.constant 999936 : i32
      %dma_start3A_115 = tpu.memref_slice %arg3[%dma_start3A_113, %dma_start3A_114] : memref<64x1000000xf32, #tpu.memory_space<hbm>> -> memref<64x64xf32, #tpu.memory_space<hbm>>
      %dma_start3A_116 = arith.constant 0 : i32
      %dma_start3A_117 = arith.constant 999936 : i32
      %dma_start3A_118 = tpu.memref_slice %arg3[%dma_start3A_116, %dma_start3A_117] : memref<64x1000000xf32, #tpu.memory_space<hbm>> -> memref<64x64xf32, #tpu.memory_space<hbm>>
      tpu.enqueue_dma source(%dma_start3A_118 : memref<64x64xf32, #tpu.memory_space<hbm>>) target(%arg10 : memref<64x64xf32, #tpu.memory_space<vmem>>) target_semaphore(%arg15 : memref<!tpu.dma_semaphore, #tpu.memory_space<semaphore_mem>>)
    } else {
    }
    %add3A_37 = arith.constant 1 : i32
    %add3A_38 = arith.addi %mul3A_2, %add3A_37 : i32
    %gt3A_39 = arith.constant 1 : i32
    %gt3A_40 = arith.cmpi sgt, %sub3A, %gt3A_39 : i32
    %lt3A_41 = arith.constant 1302 : i32
    %lt3A_42 = arith.cmpi slt, %add3A_38, %lt3A_41 : i32
    %and3A_43 = arith.andi %gt3A_40, %lt3A_42 : i1
    %convert_element_type3A_44 = arith.extui %and3A_43 : i1 to i32
    %cond3A_45 = arith.constant 0 : i32
    %cond3A_46 = arith.cmpi ne, %convert_element_type3A_44, %cond3A_45 : i32
    scf.if %cond3A_46 {
      %mul3A_113 = arith.constant 768 : i32
      %mul3A_114 = arith.muli %add3A_38, %mul3A_113 : i32
      %dma_start3A_115 = arith.constant 1 : i32
      %dma_start3A_116 = arith.constant 0 : i32
      %dma_start3A_117 = arith.constant 0 : i32
      %dma_start3A_118 = tpu.memref_slice %arg8[%dma_start3A_115, %dma_start3A_116, %dma_start3A_117] : memref<2x64x768xf32, #tpu.memory_space<vmem>> -> memref<1x64x384xf32, #tpu.memory_space<vmem>>
      %dma_start3A_119 = tpu.memref_squeeze %dma_start3A_118 : memref<1x64x384xf32, #tpu.memory_space<vmem>> -> memref<64x384xf32, #tpu.memory_space<vmem>>
      %dma_start3A_120 = arith.constant 0 : i32
      %dma_start3A_121 = tpu.memref_slice %arg3[%dma_start3A_120, %mul3A_114] : memref<64x1000000xf32, #tpu.memory_space<hbm>> -> memref<64x384xf32, #tpu.memory_space<hbm>>
      %dma_start3A_122 = arith.constant 0 : i32
      %dma_start3A_123 = arith.constant 0 : i32
      %dma_start3A_124 = tpu.memref_slice %arg8[%dma_start3A_115, %dma_start3A_122, %dma_start3A_123] : memref<2x64x768xf32, #tpu.memory_space<vmem>> -> memref<1x64x384xf32, #tpu.memory_space<vmem>>
      %dma_start3A_125 = tpu.memref_squeeze %dma_start3A_124 : memref<1x64x384xf32, #tpu.memory_space<vmem>> -> memref<64x384xf32, #tpu.memory_space<vmem>>
      %dma_start3A_126 = arith.constant 0 : i32
      %dma_start3A_127 = tpu.memref_slice %arg3[%dma_start3A_126, %mul3A_114] : memref<64x1000000xf32, #tpu.memory_space<hbm>> -> memref<64x384xf32, #tpu.memory_space<hbm>>
      tpu.enqueue_dma source(%dma_start3A_127 : memref<64x384xf32, #tpu.memory_space<hbm>>) target(%dma_start3A_125 : memref<64x384xf32, #tpu.memory_space<vmem>>) target_semaphore(%arg17 : memref<!tpu.dma_semaphore, #tpu.memory_space<semaphore_mem>>)
      %mul3A_128 = arith.constant 768 : i32
      %mul3A_129 = arith.muli %add3A_38, %mul3A_128 : i32
      %add3A_130 = arith.constant 384 : i32
      %add3A_131 = arith.addi %mul3A_129, %add3A_130 : i32
      %dma_start3A_132 = arith.constant 1 : i32
      %dma_start3A_133 = arith.constant 0 : i32
      %dma_start3A_134 = arith.constant 384 : i32
      %dma_start3A_135 = tpu.memref_slice %arg8[%dma_start3A_132, %dma_start3A_133, %dma_start3A_134] : memref<2x64x768xf32, #tpu.memory_space<vmem>> -> memref<1x64x384xf32, #tpu.memory_space<vmem>>
      %dma_start3A_136 = tpu.memref_squeeze %dma_start3A_135 : memref<1x64x384xf32, #tpu.memory_space<vmem>> -> memref<64x384xf32, #tpu.memory_space<vmem>>
      %dma_start3A_137 = arith.constant 0 : i32
      %dma_start3A_138 = tpu.memref_slice %arg3[%dma_start3A_137, %add3A_131] : memref<64x1000000xf32, #tpu.memory_space<hbm>> -> memref<64x384xf32, #tpu.memory_space<hbm>>
      %dma_start3A_139 = arith.constant 0 : i32
      %dma_start3A_140 = arith.constant 384 : i32
      %dma_start3A_141 = tpu.memref_slice %arg8[%dma_start3A_132, %dma_start3A_139, %dma_start3A_140] : memref<2x64x768xf32, #tpu.memory_space<vmem>> -> memref<1x64x384xf32, #tpu.memory_space<vmem>>
      %dma_start3A_142 = tpu.memref_squeeze %dma_start3A_141 : memref<1x64x384xf32, #tpu.memory_space<vmem>> -> memref<64x384xf32, #tpu.memory_space<vmem>>
      %dma_start3A_143 = arith.constant 0 : i32
      %dma_start3A_144 = tpu.memref_slice %arg3[%dma_start3A_143, %add3A_131] : memref<64x1000000xf32, #tpu.memory_space<hbm>> -> memref<64x384xf32, #tpu.memory_space<hbm>>
      tpu.enqueue_dma source(%dma_start3A_144 : memref<64x384xf32, #tpu.memory_space<hbm>>) target(%dma_start3A_142 : memref<64x384xf32, #tpu.memory_space<vmem>>) target_semaphore(%arg18 : memref<!tpu.dma_semaphore, #tpu.memory_space<semaphore_mem>>)
    } else {
    }
    %gt3A_47 = arith.constant 1 : i32
    %gt3A_48 = arith.cmpi sgt, %sub3A, %gt3A_47 : i32
    %eq3A_49 = arith.constant 1302 : i32
    %eq3A_50 = arith.cmpi eq, %add3A_38, %eq3A_49 : i32
    %and3A_51 = arith.andi %gt3A_48, %eq3A_50 : i1
    %convert_element_type3A_52 = arith.extui %and3A_51 : i1 to i32
    %cond3A_53 = arith.constant 0 : i32
    %cond3A_54 = arith.cmpi ne, %convert_element_type3A_52, %cond3A_53 : i32
    scf.if %cond3A_54 {
      %dma_start3A_113 = arith.constant 0 : i32
      %dma_start3A_114 = arith.constant 999936 : i32
      %dma_start3A_115 = tpu.memref_slice %arg3[%dma_start3A_113, %dma_start3A_114] : memref<64x1000000xf32, #tpu.memory_space<hbm>> -> memref<64x64xf32, #tpu.memory_space<hbm>>
      %dma_start3A_116 = arith.constant 0 : i32
      %dma_start3A_117 = arith.constant 999936 : i32
      %dma_start3A_118 = tpu.memref_slice %arg3[%dma_start3A_116, %dma_start3A_117] : memref<64x1000000xf32, #tpu.memory_space<hbm>> -> memref<64x64xf32, #tpu.memory_space<hbm>>
      tpu.enqueue_dma source(%dma_start3A_118 : memref<64x64xf32, #tpu.memory_space<hbm>>) target(%arg10 : memref<64x64xf32, #tpu.memory_space<vmem>>) target_semaphore(%arg17 : memref<!tpu.dma_semaphore, #tpu.memory_space<semaphore_mem>>)
    } else {
    }
    %dma_start3A = arith.constant 0 : i32
    %dma_start3A_55 = arith.constant 0 : i32
    %dma_start3A_56 = tpu.memref_slice %arg5[%dma_start3A, %dma_start3A_55] : memref<2x512xi32, #tpu.memory_space<vmem>> -> memref<1x512xi32, #tpu.memory_space<vmem>>
    %dma_start3A_57 = tpu.memref_squeeze %dma_start3A_56 : memref<1x512xi32, #tpu.memory_space<vmem>> -> memref<512xi32, #tpu.memory_space<vmem>>
    %dma_start3A_58 = arith.constant 0 : i32
    %dma_start3A_59 = tpu.memref_slice %arg2[%dma_start3A_58] : memref<16384xi32, #tpu.memory_space<hbm>> -> memref<512xi32, #tpu.memory_space<hbm>>
    %dma_start3A_60 = arith.constant 0 : i32
    %dma_start3A_61 = tpu.memref_slice %arg5[%dma_start3A, %dma_start3A_60] : memref<2x512xi32, #tpu.memory_space<vmem>> -> memref<1x512xi32, #tpu.memory_space<vmem>>
    %dma_start3A_62 = tpu.memref_squeeze %dma_start3A_61 : memref<1x512xi32, #tpu.memory_space<vmem>> -> memref<512xi32, #tpu.memory_space<vmem>>
    %dma_start3A_63 = arith.constant 0 : i32
    %dma_start3A_64 = tpu.memref_slice %arg2[%dma_start3A_63] : memref<16384xi32, #tpu.memory_space<hbm>> -> memref<512xi32, #tpu.memory_space<hbm>>
    tpu.enqueue_dma source(%dma_start3A_64 : memref<512xi32, #tpu.memory_space<hbm>>) target(%dma_start3A_62 : memref<512xi32, #tpu.memory_space<vmem>>) target_semaphore(%arg13 : memref<!tpu.dma_semaphore, #tpu.memory_space<semaphore_mem>>)
    %dma_start3A_65 = arith.constant 1 : i32
    %dma_start3A_66 = arith.constant 0 : i32
    %dma_start3A_67 = tpu.memref_slice %arg5[%dma_start3A_65, %dma_start3A_66] : memref<2x512xi32, #tpu.memory_space<vmem>> -> memref<1x512xi32, #tpu.memory_space<vmem>>
    %dma_start3A_68 = tpu.memref_squeeze %dma_start3A_67 : memref<1x512xi32, #tpu.memory_space<vmem>> -> memref<512xi32, #tpu.memory_space<vmem>>
    %dma_start3A_69 = arith.constant 512 : i32
    %dma_start3A_70 = tpu.memref_slice %arg2[%dma_start3A_69] : memref<16384xi32, #tpu.memory_space<hbm>> -> memref<512xi32, #tpu.memory_space<hbm>>
    %dma_start3A_71 = arith.constant 0 : i32
    %dma_start3A_72 = tpu.memref_slice %arg5[%dma_start3A_65, %dma_start3A_71] : memref<2x512xi32, #tpu.memory_space<vmem>> -> memref<1x512xi32, #tpu.memory_space<vmem>>
    %dma_start3A_73 = tpu.memref_squeeze %dma_start3A_72 : memref<1x512xi32, #tpu.memory_space<vmem>> -> memref<512xi32, #tpu.memory_space<vmem>>
    %dma_start3A_74 = arith.constant 512 : i32
    %dma_start3A_75 = tpu.memref_slice %arg2[%dma_start3A_74] : memref<16384xi32, #tpu.memory_space<hbm>> -> memref<512xi32, #tpu.memory_space<hbm>>
    tpu.enqueue_dma source(%dma_start3A_75 : memref<512xi32, #tpu.memory_space<hbm>>) target(%dma_start3A_73 : memref<512xi32, #tpu.memory_space<vmem>>) target_semaphore(%arg14 : memref<!tpu.dma_semaphore, #tpu.memory_space<semaphore_mem>>)
    %scan3A = arith.constant 0 : i32
    %scan3A_76 = arith.constant 0 : i32
    %scan3A_77 = arith.constant 16 : i32
    %scan3A_78 = arith.addi %scan3A_76, %scan3A_77 : i32
    %scan3A_79 = arith.constant 1 : i32
    %scan3A_80 = scf.for %scan3A_113 = %scan3A_76 to %scan3A_78 step %scan3A_79 iter_args(%scan3A_114 = %scan3A) -> (i32)  : i32 {
      %mul3A_115 = arith.constant 2 : i32
      %mul3A_116 = arith.muli %scan3A_113, %mul3A_115 : i32
      %add3A_117 = arith.constant 0 : i32
      %add3A_118 = arith.addi %mul3A_116, %add3A_117 : i32
      %mul3A_119 = arith.constant 512 : i32
      %mul3A_120 = arith.muli %add3A_118, %mul3A_119 : i32
      %dma_wait3A_121 = arith.constant 0 : i32
      %dma_wait3A_122 = arith.constant 0 : i32
      %dma_wait3A_123 = tpu.memref_slice %arg5[%dma_wait3A_121, %dma_wait3A_122] : memref<2x512xi32, #tpu.memory_space<vmem>> -> memref<1x512xi32, #tpu.memory_space<vmem>>
      %dma_wait3A_124 = tpu.memref_squeeze %dma_wait3A_123 : memref<1x512xi32, #tpu.memory_space<vmem>> -> memref<512xi32, #tpu.memory_space<vmem>>
      %dma_wait3A_125 = tpu.memref_slice %arg2[%mul3A_120] : memref<16384xi32, #tpu.memory_space<hbm>> -> memref<512xi32, #tpu.memory_space<hbm>>
      %dma_wait3A_126 = arith.constant 0 : i32
      %dma_wait3A_127 = tpu.memref_slice %arg5[%dma_wait3A_121, %dma_wait3A_126] : memref<2x512xi32, #tpu.memory_space<vmem>> -> memref<1x512xi32, #tpu.memory_space<vmem>>
      %dma_wait3A_128 = tpu.memref_squeeze %dma_wait3A_127 : memref<1x512xi32, #tpu.memory_space<vmem>> -> memref<512xi32, #tpu.memory_space<vmem>>
      %dma_wait3A_129 = tpu.memref_slice %arg2[%mul3A_120] : memref<16384xi32, #tpu.memory_space<hbm>> -> memref<512xi32, #tpu.memory_space<hbm>>
      tpu.wait_dma2 semaphore(%arg13 : memref<!tpu.dma_semaphore, #tpu.memory_space<semaphore_mem>>) src(%dma_wait3A_129 : memref<512xi32, #tpu.memory_space<hbm>>) dst(%dma_wait3A_128 : memref<512xi32, #tpu.memory_space<vmem>>)
      %scan3A_130 = arith.constant 0 : i32
      %scan3A_131 = arith.constant 32 : i32
      %scan3A_132 = arith.addi %scan3A_130, %scan3A_131 : i32
      %scan3A_133 = arith.constant 1 : i32
      %scan3A_134 = scf.for %scan3A_171 = %scan3A_130 to %scan3A_132 step %scan3A_133 iter_args(%scan3A_172 = %scan3A_114) -> (i32)  : i32 {
        %mul3A_173 = arith.constant 16 : i32
        %mul3A_174 = arith.muli %scan3A_171, %mul3A_173 : i32
        %get3A = arith.constant 0 : i32
        %get3A_175 = arith.index_cast %get3A : i32 to index
        %get3A_176 = arith.index_cast %mul3A_174 : i32 to index
        %get3A_177 = tpu.vector_load %arg5[%get3A_175, %get3A_176] {strides = array<i32>} : memref<2x512xi32, #tpu.memory_space<vmem>>, vector<16xi32>,
        %ge3A = vector.broadcast %mul3A_20 : i32 to vector<16xi32>
        %ge3A_178 = arith.cmpi sge, %get3A_177, %ge3A : vector<16xi32>
        %lt3A_179 = vector.broadcast %mul3A_24 : i32 to vector<16xi32>
        %lt3A_180 = arith.cmpi slt, %get3A_177, %lt3A_179 : vector<16xi32>
        %and3A_181 = arith.andi %ge3A_178, %lt3A_180 : vector<16xi1>
        %all_reduce_population_count3A = tpu.all_reduce %and3A_181 {dim = 0 : i64, kind = #tpu.reduction_kind<sum>} : vector<16xi1> -> vector<16xi32>
        %slice3A = vector.extract_strided_slice %all_reduce_population_count3A {offsets = [0], sizes = [1], strides = [1]} : vector<16xi32> to vector<1xi32>
        %squeeze3A = vector.extract %slice3A[0] : i32 from vector<1xi32>
        %gt3A_182 = arith.constant 0 : i32
        %gt3A_183 = arith.cmpi sgt, %squeeze3A, %gt3A_182 : i32
        %convert_element_type3A_184 = arith.extui %gt3A_183 : i1 to i32
        %cond3A_185 = arith.constant 0 : i32
        %cond3A_186 = arith.cmpi ne, %convert_element_type3A_184, %cond3A_185 : i32
        scf.if %cond3A_186 {
          %mul3A_188 = arith.constant 16 : i32
          %mul3A_189 = arith.muli %scan3A_171, %mul3A_188 : i32
          %add3A_190 = arith.addi %mul3A_120, %mul3A_189 : i32
          %add3A_191 = vector.broadcast %add3A_190 : i32 to vector<16xi32>
          %add3A_192 = arith.addi %add3A_191, %iota3A : vector<16xi32>
          %mul3A_193 = arith.constant 32768 : i32
          %mul3A_194 = vector.broadcast %mul3A_193 : i32 to vector<16xi32>
          %mul3A_195 = arith.muli %add3A_192, %mul3A_194 : vector<16xi32>
          %sub3A_196 = vector.broadcast %mul3A_20 : i32 to vector<16xi32>
          %sub3A_197 = arith.subi %get3A_177, %sub3A_196 : vector<16xi32>
          %add3A_198 = arith.addi %mul3A_195, %sub3A_197 : vector<16xi32>
          %swap3A_199 = arith.index_cast %scan3A_172 : i32 to index
          %swap3A_200 = tpu.vector_load %arg6[%swap3A_199] masked %and3A_181 {strides = array<i32>} : memref<16400xi32, #tpu.memory_space<vmem>>, vector<16xi32>, vector<16xi1>
          tpu.vector_store %arg6[%swap3A_199], %add3A_198 masked %and3A_181 {strides = array<i32>} : memref<16400xi32, #tpu.memory_space<vmem>>, vector<16xi32>, vector<16xi1>
        } else {
        }
        %add3A_187 = arith.addi %scan3A_172, %squeeze3A : i32
        scf.yield %add3A_187 : i32
      }
      %scan3A_135 = arith.constant 32 : i32
      %add3A_136 = arith.constant 2 : i32
      %add3A_137 = arith.addi %add3A_118, %add3A_136 : i32
      %lt3A_138 = arith.constant 32 : i32
      %lt3A_139 = arith.cmpi slt, %add3A_137, %lt3A_138 : i32
      %convert_element_type3A_140 = arith.extui %lt3A_139 : i1 to i32
      %cond3A_141 = arith.constant 0 : i32
      %cond3A_142 = arith.cmpi ne, %convert_element_type3A_140, %cond3A_141 : i32
      scf.if %cond3A_142 {
        %add3A_171 = arith.constant 1024 : i32
        %add3A_172 = arith.addi %mul3A_120, %add3A_171 : i32
        %dma_start3A_173 = arith.constant 0 : i32
        %dma_start3A_174 = arith.constant 0 : i32
        %dma_start3A_175 = tpu.memref_slice %arg5[%dma_start3A_173, %dma_start3A_174] : memref<2x512xi32, #tpu.memory_space<vmem>> -> memref<1x512xi32, #tpu.memory_space<vmem>>
        %dma_start3A_176 = tpu.memref_squeeze %dma_start3A_175 : memref<1x512xi32, #tpu.memory_space<vmem>> -> memref<512xi32, #tpu.memory_space<vmem>>
        %dma_start3A_177 = tpu.memref_slice %arg2[%add3A_172] : memref<16384xi32, #tpu.memory_space<hbm>> -> memref<512xi32, #tpu.memory_space<hbm>>
        %dma_start3A_178 = arith.constant 0 : i32
        %dma_start3A_179 = tpu.memref_slice %arg5[%dma_start3A_173, %dma_start3A_178] : memref<2x512xi32, #tpu.memory_space<vmem>> -> memref<1x512xi32, #tpu.memory_space<vmem>>
        %dma_start3A_180 = tpu.memref_squeeze %dma_start3A_179 : memref<1x512xi32, #tpu.memory_space<vmem>> -> memref<512xi32, #tpu.memory_space<vmem>>
        %dma_start3A_181 = tpu.memref_slice %arg2[%add3A_172] : memref<16384xi32, #tpu.memory_space<hbm>> -> memref<512xi32, #tpu.memory_space<hbm>>
        tpu.enqueue_dma source(%dma_start3A_181 : memref<512xi32, #tpu.memory_space<hbm>>) target(%dma_start3A_180 : memref<512xi32, #tpu.memory_space<vmem>>) target_semaphore(%arg13 : memref<!tpu.dma_semaphore, #tpu.memory_space<semaphore_mem>>)
      } else {
      }
      %mul3A_143 = arith.constant 2 : i32
      %mul3A_144 = arith.muli %scan3A_113, %mul3A_143 : i32
      %add3A_145 = arith.constant 1 : i32
      %add3A_146 = arith.addi %mul3A_144, %add3A_145 : i32
      %mul3A_147 = arith.constant 512 : i32
      %mul3A_148 = arith.muli %add3A_146, %mul3A_147 : i32
      %dma_wait3A_149 = arith.constant 1 : i32
      %dma_wait3A_150 = arith.constant 0 : i32
      %dma_wait3A_151 = tpu.memref_slice %arg5[%dma_wait3A_149, %dma_wait3A_150] : memref<2x512xi32, #tpu.memory_space<vmem>> -> memref<1x512xi32, #tpu.memory_space<vmem>>
      %dma_wait3A_152 = tpu.memref_squeeze %dma_wait3A_151 : memref<1x512xi32, #tpu.memory_space<vmem>> -> memref<512xi32, #tpu.memory_space<vmem>>
      %dma_wait3A_153 = tpu.memref_slice %arg2[%mul3A_148] : memref<16384xi32, #tpu.memory_space<hbm>> -> memref<512xi32, #tpu.memory_space<hbm>>
      %dma_wait3A_154 = arith.constant 0 : i32
      %dma_wait3A_155 = tpu.memref_slice %arg5[%dma_wait3A_149, %dma_wait3A_154] : memref<2x512xi32, #tpu.memory_space<vmem>> -> memref<1x512xi32, #tpu.memory_space<vmem>>
      %dma_wait3A_156 = tpu.memref_squeeze %dma_wait3A_155 : memref<1x512xi32, #tpu.memory_space<vmem>> -> memref<512xi32, #tpu.memory_space<vmem>>
      %dma_wait3A_157 = tpu.memref_slice %arg2[%mul3A_148] : memref<16384xi32, #tpu.memory_space<hbm>> -> memref<512xi32, #tpu.memory_space<hbm>>
      tpu.wait_dma2 semaphore(%arg14 : memref<!tpu.dma_semaphore, #tpu.memory_space<semaphore_mem>>) src(%dma_wait3A_157 : memref<512xi32, #tpu.memory_space<hbm>>) dst(%dma_wait3A_156 : memref<512xi32, #tpu.memory_space<vmem>>)
      %scan3A_158 = arith.constant 0 : i32
      %scan3A_159 = arith.constant 32 : i32
      %scan3A_160 = arith.addi %scan3A_158, %scan3A_159 : i32
      %scan3A_161 = arith.constant 1 : i32
      %scan3A_162 = scf.for %scan3A_171 = %scan3A_158 to %scan3A_160 step %scan3A_161 iter_args(%scan3A_172 = %scan3A_134) -> (i32)  : i32 {
        %mul3A_173 = arith.constant 16 : i32
        %mul3A_174 = arith.muli %scan3A_171, %mul3A_173 : i32
        %get3A = arith.constant 1 : i32
        %get3A_175 = arith.index_cast %get3A : i32 to index
        %get3A_176 = arith.index_cast %mul3A_174 : i32 to index
        %get3A_177 = tpu.vector_load %arg5[%get3A_175, %get3A_176] {strides = array<i32>} : memref<2x512xi32, #tpu.memory_space<vmem>>, vector<16xi32>,
        %ge3A = vector.broadcast %mul3A_20 : i32 to vector<16xi32>
        %ge3A_178 = arith.cmpi sge, %get3A_177, %ge3A : vector<16xi32>
        %lt3A_179 = vector.broadcast %mul3A_24 : i32 to vector<16xi32>
        %lt3A_180 = arith.cmpi slt, %get3A_177, %lt3A_179 : vector<16xi32>
        %and3A_181 = arith.andi %ge3A_178, %lt3A_180 : vector<16xi1>
        %all_reduce_population_count3A = tpu.all_reduce %and3A_181 {dim = 0 : i64, kind = #tpu.reduction_kind<sum>} : vector<16xi1> -> vector<16xi32>
        %slice3A = vector.extract_strided_slice %all_reduce_population_count3A {offsets = [0], sizes = [1], strides = [1]} : vector<16xi32> to vector<1xi32>
        %squeeze3A = vector.extract %slice3A[0] : i32 from vector<1xi32>
        %gt3A_182 = arith.constant 0 : i32
        %gt3A_183 = arith.cmpi sgt, %squeeze3A, %gt3A_182 : i32
        %convert_element_type3A_184 = arith.extui %gt3A_183 : i1 to i32
        %cond3A_185 = arith.constant 0 : i32
        %cond3A_186 = arith.cmpi ne, %convert_element_type3A_184, %cond3A_185 : i32
        scf.if %cond3A_186 {
          %mul3A_188 = arith.constant 16 : i32
          %mul3A_189 = arith.muli %scan3A_171, %mul3A_188 : i32
          %add3A_190 = arith.addi %mul3A_148, %mul3A_189 : i32
          %add3A_191 = vector.broadcast %add3A_190 : i32 to vector<16xi32>
          %add3A_192 = arith.addi %add3A_191, %iota3A : vector<16xi32>
          %mul3A_193 = arith.constant 32768 : i32
          %mul3A_194 = vector.broadcast %mul3A_193 : i32 to vector<16xi32>
          %mul3A_195 = arith.muli %add3A_192, %mul3A_194 : vector<16xi32>
          %sub3A_196 = vector.broadcast %mul3A_20 : i32 to vector<16xi32>
          %sub3A_197 = arith.subi %get3A_177, %sub3A_196 : vector<16xi32>
          %add3A_198 = arith.addi %mul3A_195, %sub3A_197 : vector<16xi32>
          %swap3A_199 = arith.index_cast %scan3A_172 : i32 to index
          %swap3A_200 = tpu.vector_load %arg6[%swap3A_199] masked %and3A_181 {strides = array<i32>} : memref<16400xi32, #tpu.memory_space<vmem>>, vector<16xi32>, vector<16xi1>
          tpu.vector_store %arg6[%swap3A_199], %add3A_198 masked %and3A_181 {strides = array<i32>} : memref<16400xi32, #tpu.memory_space<vmem>>, vector<16xi32>, vector<16xi1>
        } else {
        }
        %add3A_187 = arith.addi %scan3A_172, %squeeze3A : i32
        scf.yield %add3A_187 : i32
      }
      %scan3A_163 = arith.constant 32 : i32
      %add3A_164 = arith.constant 2 : i32
      %add3A_165 = arith.addi %add3A_146, %add3A_164 : i32
      %lt3A_166 = arith.constant 32 : i32
      %lt3A_167 = arith.cmpi slt, %add3A_165, %lt3A_166 : i32
      %convert_element_type3A_168 = arith.extui %lt3A_167 : i1 to i32
      %cond3A_169 = arith.constant 0 : i32
      %cond3A_170 = arith.cmpi ne, %convert_element_type3A_168, %cond3A_169 : i32
      scf.if %cond3A_170 {
        %add3A_171 = arith.constant 1024 : i32
        %add3A_172 = arith.addi %mul3A_148, %add3A_171 : i32
        %dma_start3A_173 = arith.constant 1 : i32
        %dma_start3A_174 = arith.constant 0 : i32
        %dma_start3A_175 = tpu.memref_slice %arg5[%dma_start3A_173, %dma_start3A_174] : memref<2x512xi32, #tpu.memory_space<vmem>> -> memref<1x512xi32, #tpu.memory_space<vmem>>
        %dma_start3A_176 = tpu.memref_squeeze %dma_start3A_175 : memref<1x512xi32, #tpu.memory_space<vmem>> -> memref<512xi32, #tpu.memory_space<vmem>>
        %dma_start3A_177 = tpu.memref_slice %arg2[%add3A_172] : memref<16384xi32, #tpu.memory_space<hbm>> -> memref<512xi32, #tpu.memory_space<hbm>>
        %dma_start3A_178 = arith.constant 0 : i32
        %dma_start3A_179 = tpu.memref_slice %arg5[%dma_start3A_173, %dma_start3A_178] : memref<2x512xi32, #tpu.memory_space<vmem>> -> memref<1x512xi32, #tpu.memory_space<vmem>>
        %dma_start3A_180 = tpu.memref_squeeze %dma_start3A_179 : memref<1x512xi32, #tpu.memory_space<vmem>> -> memref<512xi32, #tpu.memory_space<vmem>>
        %dma_start3A_181 = tpu.memref_slice %arg2[%add3A_172] : memref<16384xi32, #tpu.memory_space<hbm>> -> memref<512xi32, #tpu.memory_space<hbm>>
        tpu.enqueue_dma source(%dma_start3A_181 : memref<512xi32, #tpu.memory_space<hbm>>) target(%dma_start3A_180 : memref<512xi32, #tpu.memory_space<vmem>>) target_semaphore(%arg14 : memref<!tpu.dma_semaphore, #tpu.memory_space<semaphore_mem>>)
      } else {
      }
      scf.yield %scan3A_162 : i32
    }
    %scan3A_81 = arith.constant 16 : i32
    %add3A_82 = arith.constant 15 : i32
    %add3A_83 = arith.addi %scan3A_80, %add3A_82 : i32
    %jit3A = arith.constant 16 : i32
    %div3A = arith.divsi %add3A_83, %jit3A : i32
    %sign3A = arith.constant 0 : i32
    %sign3A_84 = arith.cmpi sgt, %add3A_83, %sign3A : i32
    %sign3A_85 = arith.extui %sign3A_84 : i1 to i32
    %sign3A_86 = arith.constant 0 : i32
    %sign3A_87 = arith.cmpi slt, %add3A_83, %sign3A_86 : i32
    %sign3A_88 = arith.extui %sign3A_87 : i1 to i32
    %sign3A_89 = arith.subi %sign3A_85, %sign3A_88 : i32
    %sign3A_90 = arith.constant 0 : i32
    %sign3A_91 = arith.cmpi sgt, %jit3A, %sign3A_90 : i32
    %sign3A_92 = arith.extui %sign3A_91 : i1 to i32
    %sign3A_93 = arith.constant 0 : i32
    %sign3A_94 = arith.cmpi slt, %jit3A, %sign3A_93 : i32
    %sign3A_95 = arith.extui %sign3A_94 : i1 to i32
    %sign3A_96 = arith.subi %sign3A_92, %sign3A_95 : i32
    %ne3A = arith.cmpi ne, %sign3A_89, %sign3A_96 : i32
    %rem3A = arith.remsi %add3A_83, %jit3A : i32
    %ne3A_97 = arith.constant 0 : i32
    %ne3A_98 = arith.cmpi ne, %rem3A, %ne3A_97 : i32
    %and3A_99 = arith.andi %ne3A, %ne3A_98 : i1
    %sub3A_100 = arith.constant 1 : i32
    %sub3A_101 = arith.subi %div3A, %sub3A_100 : i32
    %select_n3A = arith.select %and3A_99, %sub3A_101, %div3A : i32
    %scan3A_102 = arith.constant 0 : i32
    %scan3A_103 = arith.constant 0 : i32
    %scan3A_104 = arith.constant 21 : i32
    %scan3A_105 = arith.addi %scan3A_103, %scan3A_104 : i32
    %scan3A_106 = arith.constant 1 : i32
    scf.for %scan3A_113 = %scan3A_103 to %scan3A_105 step %scan3A_106  : i32 {
      %mul3A_114 = arith.constant 2 : i32
      %mul3A_115 = arith.muli %scan3A_113, %mul3A_114 : i32
      %add3A_116 = arith.constant 0 : i32
      %add3A_117 = arith.addi %mul3A_115, %add3A_116 : i32
      %add3A_118 = arith.addi %mul3A_2, %add3A_117 : i32
      %lt3A_119 = arith.cmpi slt, %add3A_117, %sub3A : i32
      %lt3A_120 = arith.constant 1302 : i32
      %lt3A_121 = arith.cmpi slt, %add3A_118, %lt3A_120 : i32
      %and3A_122 = arith.andi %lt3A_119, %lt3A_121 : i1
      %convert_element_type3A_123 = arith.extui %and3A_122 : i1 to i32
      %cond3A_124 = arith.constant 0 : i32
      %cond3A_125 = arith.cmpi ne, %convert_element_type3A_123, %cond3A_124 : i32
      scf.if %cond3A_125 {
        %mul3A_194 = arith.constant 768 : i32
        %mul3A_195 = arith.muli %add3A_118, %mul3A_194 : i32
        %dma_wait3A_196 = arith.constant 0 : i32
        %dma_wait3A_197 = arith.constant 0 : i32
        %dma_wait3A_198 = arith.constant 0 : i32
        %dma_wait3A_199 = tpu.memref_slice %arg8[%dma_wait3A_196, %dma_wait3A_197, %dma_wait3A_198] : memref<2x64x768xf32, #tpu.memory_space<vmem>> -> memref<1x64x384xf32, #tpu.memory_space<vmem>>
        %dma_wait3A_200 = tpu.memref_squeeze %dma_wait3A_199 : memref<1x64x384xf32, #tpu.memory_space<vmem>> -> memref<64x384xf32, #tpu.memory_space<vmem>>
        %dma_wait3A_201 = arith.constant 0 : i32
        %dma_wait3A_202 = tpu.memref_slice %arg3[%dma_wait3A_201, %mul3A_195] : memref<64x1000000xf32, #tpu.memory_space<hbm>> -> memref<64x384xf32, #tpu.memory_space<hbm>>
        %dma_wait3A_203 = arith.constant 0 : i32
        %dma_wait3A_204 = arith.constant 0 : i32
        %dma_wait3A_205 = tpu.memref_slice %arg8[%dma_wait3A_196, %dma_wait3A_203, %dma_wait3A_204] : memref<2x64x768xf32, #tpu.memory_space<vmem>> -> memref<1x64x384xf32, #tpu.memory_space<vmem>>
        %dma_wait3A_206 = tpu.memref_squeeze %dma_wait3A_205 : memref<1x64x384xf32, #tpu.memory_space<vmem>> -> memref<64x384xf32, #tpu.memory_space<vmem>>
        %dma_wait3A_207 = arith.constant 0 : i32
        %dma_wait3A_208 = tpu.memref_slice %arg3[%dma_wait3A_207, %mul3A_195] : memref<64x1000000xf32, #tpu.memory_space<hbm>> -> memref<64x384xf32, #tpu.memory_space<hbm>>
        tpu.wait_dma2 semaphore(%arg15 : memref<!tpu.dma_semaphore, #tpu.memory_space<semaphore_mem>>) src(%dma_wait3A_208 : memref<64x384xf32, #tpu.memory_space<hbm>>) dst(%dma_wait3A_206 : memref<64x384xf32, #tpu.memory_space<vmem>>)
        %mul3A_209 = arith.constant 768 : i32
        %mul3A_210 = arith.muli %add3A_118, %mul3A_209 : i32
        %add3A_211 = arith.constant 384 : i32
        %add3A_212 = arith.addi %mul3A_210, %add3A_211 : i32
        %dma_wait3A_213 = arith.constant 0 : i32
        %dma_wait3A_214 = arith.constant 0 : i32
        %dma_wait3A_215 = arith.constant 384 : i32
        %dma_wait3A_216 = tpu.memref_slice %arg8[%dma_wait3A_213, %dma_wait3A_214, %dma_wait3A_215] : memref<2x64x768xf32, #tpu.memory_space<vmem>> -> memref<1x64x384xf32, #tpu.memory_space<vmem>>
        %dma_wait3A_217 = tpu.memref_squeeze %dma_wait3A_216 : memref<1x64x384xf32, #tpu.memory_space<vmem>> -> memref<64x384xf32, #tpu.memory_space<vmem>>
        %dma_wait3A_218 = arith.constant 0 : i32
        %dma_wait3A_219 = tpu.memref_slice %arg3[%dma_wait3A_218, %add3A_212] : memref<64x1000000xf32, #tpu.memory_space<hbm>> -> memref<64x384xf32, #tpu.memory_space<hbm>>
        %dma_wait3A_220 = arith.constant 0 : i32
        %dma_wait3A_221 = arith.constant 384 : i32
        %dma_wait3A_222 = tpu.memref_slice %arg8[%dma_wait3A_213, %dma_wait3A_220, %dma_wait3A_221] : memref<2x64x768xf32, #tpu.memory_space<vmem>> -> memref<1x64x384xf32, #tpu.memory_space<vmem>>
        %dma_wait3A_223 = tpu.memref_squeeze %dma_wait3A_222 : memref<1x64x384xf32, #tpu.memory_space<vmem>> -> memref<64x384xf32, #tpu.memory_space<vmem>>
        %dma_wait3A_224 = arith.constant 0 : i32
        %dma_wait3A_225 = tpu.memref_slice %arg3[%dma_wait3A_224, %add3A_212] : memref<64x1000000xf32, #tpu.memory_space<hbm>> -> memref<64x384xf32, #tpu.memory_space<hbm>>
        tpu.wait_dma2 semaphore(%arg16 : memref<!tpu.dma_semaphore, #tpu.memory_space<semaphore_mem>>) src(%dma_wait3A_225 : memref<64x384xf32, #tpu.memory_space<hbm>>) dst(%dma_wait3A_223 : memref<64x384xf32, #tpu.memory_space<vmem>>)
      } else {
      }
      %lt3A_126 = arith.cmpi slt, %add3A_117, %sub3A : i32
      %eq3A_127 = arith.constant 1302 : i32
      %eq3A_128 = arith.cmpi eq, %add3A_118, %eq3A_127 : i32
      %and3A_129 = arith.andi %lt3A_126, %eq3A_128 : i1
      %convert_element_type3A_130 = arith.extui %and3A_129 : i1 to i32
      %cond3A_131 = arith.constant 0 : i32
      %cond3A_132 = arith.cmpi ne, %convert_element_type3A_130, %cond3A_131 : i32
      scf.if %cond3A_132 {
        %dma_wait3A_194 = arith.constant 0 : i32
        %dma_wait3A_195 = arith.constant 999936 : i32
        %dma_wait3A_196 = tpu.memref_slice %arg3[%dma_wait3A_194, %dma_wait3A_195] : memref<64x1000000xf32, #tpu.memory_space<hbm>> -> memref<64x64xf32, #tpu.memory_space<hbm>>
        %dma_wait3A_197 = arith.constant 0 : i32
        %dma_wait3A_198 = arith.constant 999936 : i32
        %dma_wait3A_199 = tpu.memref_slice %arg3[%dma_wait3A_197, %dma_wait3A_198] : memref<64x1000000xf32, #tpu.memory_space<hbm>> -> memref<64x64xf32, #tpu.memory_space<hbm>>
        tpu.wait_dma2 semaphore(%arg15 : memref<!tpu.dma_semaphore, #tpu.memory_space<semaphore_mem>>) src(%dma_wait3A_199 : memref<64x64xf32, #tpu.memory_space<hbm>>) dst(%arg10 : memref<64x64xf32, #tpu.memory_space<vmem>>)
        %scan3A_200 = arith.constant 0 : i32
        %scan3A_201 = arith.constant 0 : i32
        %scan3A_202 = arith.constant 64 : i32
        %scan3A_203 = arith.addi %scan3A_201, %scan3A_202 : i32
        %scan3A_204 = arith.constant 1 : i32
        scf.for %scan3A_206 = %scan3A_201 to %scan3A_203 step %scan3A_204  : i32 {
          %get3A = arith.index_cast %scan3A_206 : i32 to index
          %get3A_207 = arith.constant 0 : index
          %get3A_208 = tpu.vector_load %arg10[%get3A, %get3A_207] {strides = array<i32>} : memref<64x64xf32, #tpu.memory_space<vmem>>, vector<16xf32>,
          %swap3A_209 = arith.constant 0 : i32
          %swap3A_210 = arith.index_cast %swap3A_209 : i32 to index
          %swap3A_211 = arith.index_cast %scan3A_206 : i32 to index
          %swap3A_212 = arith.constant 0 : index
          %swap3A_213 = tpu.vector_load %arg8[%swap3A_210, %swap3A_211, %swap3A_212] {strides = array<i32>} : memref<2x64x768xf32, #tpu.memory_space<vmem>>, vector<16xf32>,
          tpu.vector_store %arg8[%swap3A_210, %swap3A_211, %swap3A_212], %get3A_208 {strides = array<i32>} : memref<2x64x768xf32, #tpu.memory_space<vmem>>, vector<16xf32>,
          %get3A_214 = arith.index_cast %scan3A_206 : i32 to index
          %get3A_215 = arith.constant 16 : index
          %get3A_216 = tpu.vector_load %arg10[%get3A_214, %get3A_215] {strides = array<i32>} : memref<64x64xf32, #tpu.memory_space<vmem>>, vector<16xf32>,
          %swap3A_217 = arith.constant 0 : i32
          %swap3A_218 = arith.index_cast %swap3A_217 : i32 to index
          %swap3A_219 = arith.index_cast %scan3A_206 : i32 to index
          %swap3A_220 = arith.constant 16 : index
          %swap3A_221 = tpu.vector_load %arg8[%swap3A_218, %swap3A_219, %swap3A_220] {strides = array<i32>} : memref<2x64x768xf32, #tpu.memory_space<vmem>>, vector<16xf32>,
          tpu.vector_store %arg8[%swap3A_218, %swap3A_219, %swap3A_220], %get3A_216 {strides = array<i32>} : memref<2x64x768xf32, #tpu.memory_space<vmem>>, vector<16xf32>,
          %get3A_222 = arith.index_cast %scan3A_206 : i32 to index
          %get3A_223 = arith.constant 32 : index
          %get3A_224 = tpu.vector_load %arg10[%get3A_222, %get3A_223] {strides = array<i32>} : memref<64x64xf32, #tpu.memory_space<vmem>>, vector<16xf32>,
          %swap3A_225 = arith.constant 0 : i32
          %swap3A_226 = arith.index_cast %swap3A_225 : i32 to index
          %swap3A_227 = arith.index_cast %scan3A_206 : i32 to index
          %swap3A_228 = arith.constant 32 : index
          %swap3A_229 = tpu.vector_load %arg8[%swap3A_226, %swap3A_227, %swap3A_228] {strides = array<i32>} : memref<2x64x768xf32, #tpu.memory_space<vmem>>, vector<16xf32>,
          tpu.vector_store %arg8[%swap3A_226, %swap3A_227, %swap3A_228], %get3A_224 {strides = array<i32>} : memref<2x64x768xf32, #tpu.memory_space<vmem>>, vector<16xf32>,
          %get3A_230 = arith.index_cast %scan3A_206 : i32 to index
          %get3A_231 = arith.constant 48 : index
          %get3A_232 = tpu.vector_load %arg10[%get3A_230, %get3A_231] {strides = array<i32>} : memref<64x64xf32, #tpu.memory_space<vmem>>, vector<16xf32>,
          %swap3A_233 = arith.constant 0 : i32
          %swap3A_234 = arith.index_cast %swap3A_233 : i32 to index
          %swap3A_235 = arith.index_cast %scan3A_206 : i32 to index
          %swap3A_236 = arith.constant 48 : index
          %swap3A_237 = tpu.vector_load %arg8[%swap3A_234, %swap3A_235, %swap3A_236] {strides = array<i32>} : memref<2x64x768xf32, #tpu.memory_space<vmem>>, vector<16xf32>,
          tpu.vector_store %arg8[%swap3A_234, %swap3A_235, %swap3A_236], %get3A_232 {strides = array<i32>} : memref<2x64x768xf32, #tpu.memory_space<vmem>>, vector<16xf32>,
        }
        %scan3A_205 = arith.constant 64 : i32
      } else {
      }
      %lt3A_133 = arith.cmpi slt, %add3A_117, %sub3A : i32
      %convert_element_type3A_134 = arith.extui %lt3A_133 : i1 to i32
      %cond3A_135 = arith.constant 0 : i32
      %cond3A_136 = arith.cmpi ne, %convert_element_type3A_134, %cond3A_135 : i32
      scf.if %cond3A_136 {
        %mul3A_194 = arith.constant 768 : i32
        %mul3A_195 = arith.muli %add3A_117, %mul3A_194 : i32
        %swap3A_196 = arith.constant 0 : i32
        %swap3A_197 = arith.constant 1 : i32
        %swap3A_198 = arith.index_cast %swap3A_197 : i32 to index
        %swap3A_199 = memref.load %arg12[%swap3A_198] : memref<2xi32, #tpu.memory_space<smem>>
        memref.store %swap3A_196, %arg12[%swap3A_198] : memref<2xi32, #tpu.memory_space<smem>>
        %while3A = arith.constant 0 : i32
        %while3A_200 = arith.constant 0 : i32
        %while3A_201 = arith.subi %select_n3A, %while3A_200 : i32
        %while3A_202 = arith.addi %while3A_200, %while3A_201 : i32
        %while3A_203 = arith.constant 1 : i32
        %while3A_204 = arith.divsi %while3A_201, %while3A_203 : i32
        %while3A_205 = arith.muli %while3A_204, %while3A_203 : i32
        %while3A_206 = arith.addi %while3A_200, %while3A_205 : i32
        %while3A_207 = arith.constant 1 : i32
        scf.for %while3A_225 = %while3A_200 to %while3A_206 step %while3A_207  : i32 {
          %get3A_226 = arith.constant 1 : i32
          %get3A_227 = arith.index_cast %get3A_226 : i32 to index
          %get3A_228 = memref.load %arg12[%get3A_227] : memref<2xi32, #tpu.memory_space<smem>>
          %add3A_229 = arith.constant 16 : i32
          %add3A_230 = arith.addi %get3A_228, %add3A_229 : i32
          %gt3A_231 = arith.constant 1024 : i32
          %gt3A_232 = arith.cmpi sgt, %add3A_230, %gt3A_231 : i32
          %convert_element_type3A_233 = arith.extui %gt3A_232 : i1 to i32
          %cond3A_234 = arith.constant 0 : i32
          %cond3A_235 = arith.cmpi ne, %convert_element_type3A_233, %cond3A_234 : i32
          scf.if %cond3A_235 {
            %get3A_268 = arith.constant 1 : i32
            %get3A_269 = arith.index_cast %get3A_268 : i32 to index
            %get3A_270 = memref.load %arg12[%get3A_269] : memref<2xi32, #tpu.memory_space<smem>>
            %while3A_271 = arith.constant 0 : i32
            %while3A_272 = arith.constant 0 : i32
            %while3A_273 = arith.subi %get3A_270, %while3A_272 : i32
            %while3A_274 = arith.addi %while3A_272, %while3A_273 : i32
            %while3A_275 = arith.constant 1 : i32
            %while3A_276 = arith.divsi %while3A_273, %while3A_275 : i32
            %while3A_277 = arith.muli %while3A_276, %while3A_275 : i32
            %while3A_278 = arith.addi %while3A_272, %while3A_277 : i32
            %while3A_279 = arith.constant 1 : i32
            scf.for %while3A_285 = %while3A_272 to %while3A_278 step %while3A_279  : i32 {
              %jit3A_286 = arith.constant 16 : i32
              %div3A_287 = arith.divsi %while3A_285, %jit3A_286 : i32
              %sign3A_288 = arith.constant 0 : i32
              %sign3A_289 = arith.cmpi sgt, %while3A_285, %sign3A_288 : i32
              %sign3A_290 = arith.extui %sign3A_289 : i1 to i32
              %sign3A_291 = arith.constant 0 : i32
              %sign3A_292 = arith.cmpi slt, %while3A_285, %sign3A_291 : i32
              %sign3A_293 = arith.extui %sign3A_292 : i1 to i32
              %sign3A_294 = arith.subi %sign3A_290, %sign3A_293 : i32
              %sign3A_295 = arith.constant 0 : i32
              %sign3A_296 = arith.cmpi sgt, %jit3A_286, %sign3A_295 : i32
              %sign3A_297 = arith.extui %sign3A_296 : i1 to i32
              %sign3A_298 = arith.constant 0 : i32
              %sign3A_299 = arith.cmpi slt, %jit3A_286, %sign3A_298 : i32
              %sign3A_300 = arith.extui %sign3A_299 : i1 to i32
              %sign3A_301 = arith.subi %sign3A_297, %sign3A_300 : i32
              %ne3A_302 = arith.cmpi ne, %sign3A_294, %sign3A_301 : i32
              %rem3A_303 = arith.remsi %while3A_285, %jit3A_286 : i32
              %ne3A_304 = arith.constant 0 : i32
              %ne3A_305 = arith.cmpi ne, %rem3A_303, %ne3A_304 : i32
              %and3A_306 = arith.andi %ne3A_302, %ne3A_305 : i1
              %sub3A_307 = arith.constant 1 : i32
              %sub3A_308 = arith.subi %div3A_287, %sub3A_307 : i32
              %select_n3A_309 = arith.select %and3A_306, %sub3A_308, %div3A_287 : i32
              %mul3A_310 = arith.constant 16 : i32
              %mul3A_311 = arith.muli %select_n3A_309, %mul3A_310 : i32
              %sub3A_312 = arith.subi %while3A_285, %mul3A_311 : i32
              %eq3A_313 = vector.broadcast %sub3A_312 : i32 to vector<16xi32>
              %eq3A_314 = arith.cmpi eq, %iota3A, %eq3A_313 : vector<16xi32>
              %get3A_315 = arith.index_cast %mul3A_311 : i32 to index
              %get3A_316 = tpu.vector_load %arg7[%get3A_315] {strides = array<i32>} : memref<1040xi32, #tpu.memory_space<vmem>>, vector<16xi32>,
              %jit3A_317 = arith.constant 0 : i32
              %broadcast_in_dim3A = vector.broadcast %jit3A_317 : i32 to vector<16xi32>
              %select_n3A_318 = arith.select %eq3A_314, %get3A_316, %broadcast_in_dim3A : vector<16xi1>, vector<16xi32>
              %reduce_sum3A = arith.constant true
              %reduce_sum3A_319 = vector.broadcast %reduce_sum3A : i1 to vector<16xi1>
              %reduce_sum3A_320 = tpu.scan <sum>, %select_n3A_318 masked %reduce_sum3A_319 : vector<16xi32>, vector<16xi1> -> vector<16xi32>
              %reduce_sum3A_321 = vector.extract %reduce_sum3A_320[15] : i32 from vector<16xi32>
              %jit3A_322 = arith.constant 32768 : i32
              %div3A_323 = arith.divsi %reduce_sum3A_321, %jit3A_322 : i32
              %sign3A_324 = arith.constant 0 : i32
              %sign3A_325 = arith.cmpi sgt, %reduce_sum3A_321, %sign3A_324 : i32
              %sign3A_326 = arith.extui %sign3A_325 : i1 to i32
              %sign3A_327 = arith.constant 0 : i32
              %sign3A_328 = arith.cmpi slt, %reduce_sum3A_321, %sign3A_327 : i32
              %sign3A_329 = arith.extui %sign3A_328 : i1 to i32
              %sign3A_330 = arith.subi %sign3A_326, %sign3A_329 : i32
              %sign3A_331 = arith.constant 0 : i32
              %sign3A_332 = arith.cmpi sgt, %jit3A_322, %sign3A_331 : i32
              %sign3A_333 = arith.extui %sign3A_332 : i1 to i32
              %sign3A_334 = arith.constant 0 : i32
              %sign3A_335 = arith.cmpi slt, %jit3A_322, %sign3A_334 : i32
              %sign3A_336 = arith.extui %sign3A_335 : i1 to i32
              %sign3A_337 = arith.subi %sign3A_333, %sign3A_336 : i32
              %ne3A_338 = arith.cmpi ne, %sign3A_330, %sign3A_337 : i32
              %rem3A_339 = arith.remsi %reduce_sum3A_321, %jit3A_322 : i32
              %ne3A_340 = arith.constant 0 : i32
              %ne3A_341 = arith.cmpi ne, %rem3A_339, %ne3A_340 : i32
              %and3A_342 = arith.andi %ne3A_338, %ne3A_341 : i1
              %sub3A_343 = arith.constant 1 : i32
              %sub3A_344 = arith.subi %div3A_323, %sub3A_343 : i32
              %select_n3A_345 = arith.select %and3A_342, %sub3A_344, %div3A_323 : i32
              %and3A_346 = arith.constant 32767 : i32
              %and3A_347 = arith.andi %reduce_sum3A_321, %and3A_346 : i32
              %sub3A_348 = arith.subi %and3A_347, %mul3A_195 : i32
              %broadcast_in_dim3A_349 = arith.constant 0 : i32
              %broadcast_in_dim3A_350 = vector.broadcast %broadcast_in_dim3A_349 : i32 to vector<16xi32>
              %add3A_351 = vector.broadcast %sub3A_348 : i32 to vector<16xi32>
              %add3A_352 = arith.addi %add3A_351, %broadcast_in_dim3A_350 : vector<16xi32>
              %get3A_353 = arith.constant 0 : i32
              %get3A_354 = arith.index_cast %get3A_353 : i32 to index
              %get3A_355 = memref.load %arg12[%get3A_354] : memref<2xi32, #tpu.memory_space<smem>>
              %add3A_356 = arith.constant 0 : i32
              %add3A_357 = vector.broadcast %add3A_356 : i32 to vector<16xi32>
              %add3A_358 = arith.addi %iota3A, %add3A_357 : vector<16xi32>
              %gather3A = arith.constant 0 : i32
              %gather3A_359 = arith.constant 0 : i32
              %gather3A_360 = arith.constant 0 : i32
              %gather3A_361 = tpu.memref_slice %arg8[%gather3A, %gather3A_359, %gather3A_360] : memref<2x64x768xf32, #tpu.memory_space<vmem>> -> memref<1x64x768xf32, #tpu.memory_space<vmem>>
              %gather3A_362 = tpu.memref_squeeze %gather3A_361 : memref<1x64x768xf32, #tpu.memory_space<vmem>> -> memref<64x768xf32, #tpu.memory_space<vmem>>
              %gather3A_363 = tpu.vector_load_idx %gather3A_362[%add3A_358, %add3A_352] : memref<64x768xf32, #tpu.memory_space<vmem>>[vector<16xi32>, vector<16xi32>], vector<16xf32>,
              %swap3A_364 = arith.index_cast %get3A_355 : i32 to index
              %swap3A_365 = arith.constant 0 : index
              %swap3A_366 = tpu.vector_load %arg9[%swap3A_364, %swap3A_365] {strides = array<i32>} : memref<32x128xf32, #tpu.memory_space<vmem>>, vector<16xf32>,
              tpu.vector_store %arg9[%swap3A_364, %swap3A_365], %gather3A_363 {strides = array<i32>} : memref<32x128xf32, #tpu.memory_space<vmem>>, vector<16xf32>,
              %add3A_367 = arith.constant 16 : i32
              %add3A_368 = vector.broadcast %add3A_367 : i32 to vector<16xi32>
              %add3A_369 = arith.addi %iota3A, %add3A_368 : vector<16xi32>
              %gather3A_370 = arith.constant 0 : i32
              %gather3A_371 = arith.constant 0 : i32
              %gather3A_372 = arith.constant 0 : i32
              %gather3A_373 = tpu.memref_slice %arg8[%gather3A_370, %gather3A_371, %gather3A_372] : memref<2x64x768xf32, #tpu.memory_space<vmem>> -> memref<1x64x768xf32, #tpu.memory_space<vmem>>
              %gather3A_374 = tpu.memref_squeeze %gather3A_373 : memref<1x64x768xf32, #tpu.memory_space<vmem>> -> memref<64x768xf32, #tpu.memory_space<vmem>>
              %gather3A_375 = tpu.vector_load_idx %gather3A_374[%add3A_369, %add3A_352] : memref<64x768xf32, #tpu.memory_space<vmem>>[vector<16xi32>, vector<16xi32>], vector<16xf32>,
              %swap3A_376 = arith.index_cast %get3A_355 : i32 to index
              %swap3A_377 = arith.constant 16 : index
              %swap3A_378 = tpu.vector_load %arg9[%swap3A_376, %swap3A_377] {strides = array<i32>} : memref<32x128xf32, #tpu.memory_space<vmem>>, vector<16xf32>,
              tpu.vector_store %arg9[%swap3A_376, %swap3A_377], %gather3A_375 {strides = array<i32>} : memref<32x128xf32, #tpu.memory_space<vmem>>, vector<16xf32>,
              %add3A_379 = arith.constant 32 : i32
              %add3A_380 = vector.broadcast %add3A_379 : i32 to vector<16xi32>
              %add3A_381 = arith.addi %iota3A, %add3A_380 : vector<16xi32>
              %gather3A_382 = arith.constant 0 : i32
              %gather3A_383 = arith.constant 0 : i32
              %gather3A_384 = arith.constant 0 : i32
              %gather3A_385 = tpu.memref_slice %arg8[%gather3A_382, %gather3A_383, %gather3A_384] : memref<2x64x768xf32, #tpu.memory_space<vmem>> -> memref<1x64x768xf32, #tpu.memory_space<vmem>>
              %gather3A_386 = tpu.memref_squeeze %gather3A_385 : memref<1x64x768xf32, #tpu.memory_space<vmem>> -> memref<64x768xf32, #tpu.memory_space<vmem>>
              %gather3A_387 = tpu.vector_load_idx %gather3A_386[%add3A_381, %add3A_352] : memref<64x768xf32, #tpu.memory_space<vmem>>[vector<16xi32>, vector<16xi32>], vector<16xf32>,
              %swap3A_388 = arith.index_cast %get3A_355 : i32 to index
              %swap3A_389 = arith.constant 32 : index
              %swap3A_390 = tpu.vector_load %arg9[%swap3A_388, %swap3A_389] {strides = array<i32>} : memref<32x128xf32, #tpu.memory_space<vmem>>, vector<16xf32>,
              tpu.vector_store %arg9[%swap3A_388, %swap3A_389], %gather3A_387 {strides = array<i32>} : memref<32x128xf32, #tpu.memory_space<vmem>>, vector<16xf32>,
              %add3A_391 = arith.constant 48 : i32
              %add3A_392 = vector.broadcast %add3A_391 : i32 to vector<16xi32>
              %add3A_393 = arith.addi %iota3A, %add3A_392 : vector<16xi32>
              %gather3A_394 = arith.constant 0 : i32
              %gather3A_395 = arith.constant 0 : i32
              %gather3A_396 = arith.constant 0 : i32
              %gather3A_397 = tpu.memref_slice %arg8[%gather3A_394, %gather3A_395, %gather3A_396] : memref<2x64x768xf32, #tpu.memory_space<vmem>> -> memref<1x64x768xf32, #tpu.memory_space<vmem>>
              %gather3A_398 = tpu.memref_squeeze %gather3A_397 : memref<1x64x768xf32, #tpu.memory_space<vmem>> -> memref<64x768xf32, #tpu.memory_space<vmem>>
              %gather3A_399 = tpu.vector_load_idx %gather3A_398[%add3A_393, %add3A_352] : memref<64x768xf32, #tpu.memory_space<vmem>>[vector<16xi32>, vector<16xi32>], vector<16xf32>,
              %swap3A_400 = arith.index_cast %get3A_355 : i32 to index
              %swap3A_401 = arith.constant 48 : index
              %swap3A_402 = tpu.vector_load %arg9[%swap3A_400, %swap3A_401] {strides = array<i32>} : memref<32x128xf32, #tpu.memory_space<vmem>>, vector<16xf32>,
              tpu.vector_store %arg9[%swap3A_400, %swap3A_401], %gather3A_399 {strides = array<i32>} : memref<32x128xf32, #tpu.memory_space<vmem>>, vector<16xf32>,
              %broadcast_in_dim3A_403 = arith.constant 0 : i32
              %broadcast_in_dim3A_404 = vector.broadcast %broadcast_in_dim3A_403 : i32 to vector<16xi32>
              %add3A_405 = vector.broadcast %get3A_355 : i32 to vector<16xi32>
              %add3A_406 = arith.addi %add3A_405, %broadcast_in_dim3A_404 : vector<16xi32>
              %broadcast_in_dim3A_407 = arith.constant 0 : i32
              %broadcast_in_dim3A_408 = vector.broadcast %broadcast_in_dim3A_407 : i32 to vector<16xi32>
              %add3A_409 = vector.broadcast %select_n3A_345 : i32 to vector<16xi32>
              %add3A_410 = arith.addi %add3A_409, %broadcast_in_dim3A_408 : vector<16xi32>
              %eq3A_411 = arith.constant 0 : i32
              %eq3A_412 = vector.broadcast %eq3A_411 : i32 to vector<16xi32>
              %eq3A_413 = arith.cmpi eq, %iota3A, %eq3A_412 : vector<16xi32>
              tpu.vector_store_idx %arg11[%add3A_406], %add3A_410 masked %eq3A_413 : memref<32xi32, #tpu.memory_space<vmem>>[vector<16xi32>], vector<16xi32>, vector<16xi1>
              %eq3A_414 = arith.constant 31 : i32
              %eq3A_415 = arith.cmpi eq, %get3A_355, %eq3A_414 : i32
              %convert_element_type3A_416 = arith.extui %eq3A_415 : i1 to i32
              %cond3A_417 = arith.constant 0 : i32
              %cond3A_418 = arith.cmpi ne, %convert_element_type3A_416, %cond3A_417 : i32
              scf.if %cond3A_418 {
                %dma_start3A_426 = arith.constant 0 : i32
                %dma_start3A_427 = arith.constant 0 : i32
                %dma_start3A_428 = tpu.memref_slice %arg4[%dma_start3A_426, %dma_start3A_427] : memref<16416x128xf32, #tpu.memory_space<hbm>> -> memref<16416x128xf32, #tpu.memory_space<hbm>>
                tpu.enqueue_indirect_dma source(%arg9 : memref<32x128xf32, #tpu.memory_space<vmem>>) target(%dma_start3A_428 : memref<16416x128xf32, #tpu.memory_space<hbm>>) offsets(%arg11 : memref<32xi32, #tpu.memory_space<vmem>>) semaphore(%arg19 : memref<!tpu.dma_semaphore, #tpu.memory_space<semaphore_mem>>)
                %dma_wait3A_429 = arith.constant 0 : i32
                %dma_wait3A_430 = arith.constant 0 : i32
                %dma_wait3A_431 = tpu.memref_slice %arg4[%dma_wait3A_429, %dma_wait3A_430] : memref<16416x128xf32, #tpu.memory_space<hbm>> -> memref<16416x128xf32, #tpu.memory_space<hbm>>
                tpu.wait_indirect_dma semaphore(%arg19 : memref<!tpu.dma_semaphore, #tpu.memory_space<semaphore_mem>>) src(%arg9 : memref<32x128xf32, #tpu.memory_space<vmem>>) dst(%dma_wait3A_431 : memref<16416x128xf32, #tpu.memory_space<hbm>>)
              } else {
              }
              %add3A_419 = arith.constant 1 : i32
              %add3A_420 = arith.addi %get3A_355, %add3A_419 : i32
              %rem3A_421 = arith.constant 32 : i32
              %rem3A_422 = arith.remsi %add3A_420, %rem3A_421 : i32
              %swap3A_423 = arith.constant 0 : i32
              %swap3A_424 = arith.index_cast %swap3A_423 : i32 to index
              %swap3A_425 = memref.load %arg12[%swap3A_424] : memref<2xi32, #tpu.memory_space<smem>>
              memref.store %rem3A_422, %arg12[%swap3A_424] : memref<2xi32, #tpu.memory_space<smem>>
            }
            %while3A_280 = arith.constant 1 : i32
            scf.for %while3A_285 = %while3A_278 to %while3A_274 step %while3A_280  : i32 {
              %jit3A_286 = arith.constant 16 : i32
              %div3A_287 = arith.divsi %while3A_285, %jit3A_286 : i32
              %sign3A_288 = arith.constant 0 : i32
              %sign3A_289 = arith.cmpi sgt, %while3A_285, %sign3A_288 : i32
              %sign3A_290 = arith.extui %sign3A_289 : i1 to i32
              %sign3A_291 = arith.constant 0 : i32
              %sign3A_292 = arith.cmpi slt, %while3A_285, %sign3A_291 : i32
              %sign3A_293 = arith.extui %sign3A_292 : i1 to i32
              %sign3A_294 = arith.subi %sign3A_290, %sign3A_293 : i32
              %sign3A_295 = arith.constant 0 : i32
              %sign3A_296 = arith.cmpi sgt, %jit3A_286, %sign3A_295 : i32
              %sign3A_297 = arith.extui %sign3A_296 : i1 to i32
              %sign3A_298 = arith.constant 0 : i32
              %sign3A_299 = arith.cmpi slt, %jit3A_286, %sign3A_298 : i32
              %sign3A_300 = arith.extui %sign3A_299 : i1 to i32
              %sign3A_301 = arith.subi %sign3A_297, %sign3A_300 : i32
              %ne3A_302 = arith.cmpi ne, %sign3A_294, %sign3A_301 : i32
              %rem3A_303 = arith.remsi %while3A_285, %jit3A_286 : i32
              %ne3A_304 = arith.constant 0 : i32
              %ne3A_305 = arith.cmpi ne, %rem3A_303, %ne3A_304 : i32
              %and3A_306 = arith.andi %ne3A_302, %ne3A_305 : i1
              %sub3A_307 = arith.constant 1 : i32
              %sub3A_308 = arith.subi %div3A_287, %sub3A_307 : i32
              %select_n3A_309 = arith.select %and3A_306, %sub3A_308, %div3A_287 : i32
              %mul3A_310 = arith.constant 16 : i32
              %mul3A_311 = arith.muli %select_n3A_309, %mul3A_310 : i32
              %sub3A_312 = arith.subi %while3A_285, %mul3A_311 : i32
              %eq3A_313 = vector.broadcast %sub3A_312 : i32 to vector<16xi32>
              %eq3A_314 = arith.cmpi eq, %iota3A, %eq3A_313 : vector<16xi32>
              %get3A_315 = arith.index_cast %mul3A_311 : i32 to index
              %get3A_316 = tpu.vector_load %arg7[%get3A_315] {strides = array<i32>} : memref<1040xi32, #tpu.memory_space<vmem>>, vector<16xi32>,
              %jit3A_317 = arith.constant 0 : i32
              %broadcast_in_dim3A = vector.broadcast %jit3A_317 : i32 to vector<16xi32>
              %select_n3A_318 = arith.select %eq3A_314, %get3A_316, %broadcast_in_dim3A : vector<16xi1>, vector<16xi32>
              %reduce_sum3A = arith.constant true
              %reduce_sum3A_319 = vector.broadcast %reduce_sum3A : i1 to vector<16xi1>
              %reduce_sum3A_320 = tpu.scan <sum>, %select_n3A_318 masked %reduce_sum3A_319 : vector<16xi32>, vector<16xi1> -> vector<16xi32>
              %reduce_sum3A_321 = vector.extract %reduce_sum3A_320[15] : i32 from vector<16xi32>
              %jit3A_322 = arith.constant 32768 : i32
              %div3A_323 = arith.divsi %reduce_sum3A_321, %jit3A_322 : i32
              %sign3A_324 = arith.constant 0 : i32
              %sign3A_325 = arith.cmpi sgt, %reduce_sum3A_321, %sign3A_324 : i32
              %sign3A_326 = arith.extui %sign3A_325 : i1 to i32
              %sign3A_327 = arith.constant 0 : i32
              %sign3A_328 = arith.cmpi slt, %reduce_sum3A_321, %sign3A_327 : i32
              %sign3A_329 = arith.extui %sign3A_328 : i1 to i32
              %sign3A_330 = arith.subi %sign3A_326, %sign3A_329 : i32
              %sign3A_331 = arith.constant 0 : i32
              %sign3A_332 = arith.cmpi sgt, %jit3A_322, %sign3A_331 : i32
              %sign3A_333 = arith.extui %sign3A_332 : i1 to i32
              %sign3A_334 = arith.constant 0 : i32
              %sign3A_335 = arith.cmpi slt, %jit3A_322, %sign3A_334 : i32
              %sign3A_336 = arith.extui %sign3A_335 : i1 to i32
              %sign3A_337 = arith.subi %sign3A_333, %sign3A_336 : i32
              %ne3A_338 = arith.cmpi ne, %sign3A_330, %sign3A_337 : i32
              %rem3A_339 = arith.remsi %reduce_sum3A_321, %jit3A_322 : i32
              %ne3A_340 = arith.constant 0 : i32
              %ne3A_341 = arith.cmpi ne, %rem3A_339, %ne3A_340 : i32
              %and3A_342 = arith.andi %ne3A_338, %ne3A_341 : i1
              %sub3A_343 = arith.constant 1 : i32
              %sub3A_344 = arith.subi %div3A_323, %sub3A_343 : i32
              %select_n3A_345 = arith.select %and3A_342, %sub3A_344, %div3A_323 : i32
              %and3A_346 = arith.constant 32767 : i32
              %and3A_347 = arith.andi %reduce_sum3A_321, %and3A_346 : i32
              %sub3A_348 = arith.subi %and3A_347, %mul3A_195 : i32
              %broadcast_in_dim3A_349 = arith.constant 0 : i32
              %broadcast_in_dim3A_350 = vector.broadcast %broadcast_in_dim3A_349 : i32 to vector<16xi32>
              %add3A_351 = vector.broadcast %sub3A_348 : i32 to vector<16xi32>
              %add3A_352 = arith.addi %add3A_351, %broadcast_in_dim3A_350 : vector<16xi32>
              %get3A_353 = arith.constant 0 : i32
              %get3A_354 = arith.index_cast %get3A_353 : i32 to index
              %get3A_355 = memref.load %arg12[%get3A_354] : memref<2xi32, #tpu.memory_space<smem>>
              %add3A_356 = arith.constant 0 : i32
              %add3A_357 = vector.broadcast %add3A_356 : i32 to vector<16xi32>
              %add3A_358 = arith.addi %iota3A, %add3A_357 : vector<16xi32>
              %gather3A = arith.constant 0 : i32
              %gather3A_359 = arith.constant 0 : i32
              %gather3A_360 = arith.constant 0 : i32
              %gather3A_361 = tpu.memref_slice %arg8[%gather3A, %gather3A_359, %gather3A_360] : memref<2x64x768xf32, #tpu.memory_space<vmem>> -> memref<1x64x768xf32, #tpu.memory_space<vmem>>
              %gather3A_362 = tpu.memref_squeeze %gather3A_361 : memref<1x64x768xf32, #tpu.memory_space<vmem>> -> memref<64x768xf32, #tpu.memory_space<vmem>>
              %gather3A_363 = tpu.vector_load_idx %gather3A_362[%add3A_358, %add3A_352] : memref<64x768xf32, #tpu.memory_space<vmem>>[vector<16xi32>, vector<16xi32>], vector<16xf32>,
              %swap3A_364 = arith.index_cast %get3A_355 : i32 to index
              %swap3A_365 = arith.constant 0 : index
              %swap3A_366 = tpu.vector_load %arg9[%swap3A_364, %swap3A_365] {strides = array<i32>} : memref<32x128xf32, #tpu.memory_space<vmem>>, vector<16xf32>,
              tpu.vector_store %arg9[%swap3A_364, %swap3A_365], %gather3A_363 {strides = array<i32>} : memref<32x128xf32, #tpu.memory_space<vmem>>, vector<16xf32>,
              %add3A_367 = arith.constant 16 : i32
              %add3A_368 = vector.broadcast %add3A_367 : i32 to vector<16xi32>
              %add3A_369 = arith.addi %iota3A, %add3A_368 : vector<16xi32>
              %gather3A_370 = arith.constant 0 : i32
              %gather3A_371 = arith.constant 0 : i32
              %gather3A_372 = arith.constant 0 : i32
              %gather3A_373 = tpu.memref_slice %arg8[%gather3A_370, %gather3A_371, %gather3A_372] : memref<2x64x768xf32, #tpu.memory_space<vmem>> -> memref<1x64x768xf32, #tpu.memory_space<vmem>>
              %gather3A_374 = tpu.memref_squeeze %gather3A_373 : memref<1x64x768xf32, #tpu.memory_space<vmem>> -> memref<64x768xf32, #tpu.memory_space<vmem>>
              %gather3A_375 = tpu.vector_load_idx %gather3A_374[%add3A_369, %add3A_352] : memref<64x768xf32, #tpu.memory_space<vmem>>[vector<16xi32>, vector<16xi32>], vector<16xf32>,
              %swap3A_376 = arith.index_cast %get3A_355 : i32 to index
              %swap3A_377 = arith.constant 16 : index
              %swap3A_378 = tpu.vector_load %arg9[%swap3A_376, %swap3A_377] {strides = array<i32>} : memref<32x128xf32, #tpu.memory_space<vmem>>, vector<16xf32>,
              tpu.vector_store %arg9[%swap3A_376, %swap3A_377], %gather3A_375 {strides = array<i32>} : memref<32x128xf32, #tpu.memory_space<vmem>>, vector<16xf32>,
              %add3A_379 = arith.constant 32 : i32
              %add3A_380 = vector.broadcast %add3A_379 : i32 to vector<16xi32>
              %add3A_381 = arith.addi %iota3A, %add3A_380 : vector<16xi32>
              %gather3A_382 = arith.constant 0 : i32
              %gather3A_383 = arith.constant 0 : i32
              %gather3A_384 = arith.constant 0 : i32
              %gather3A_385 = tpu.memref_slice %arg8[%gather3A_382, %gather3A_383, %gather3A_384] : memref<2x64x768xf32, #tpu.memory_space<vmem>> -> memref<1x64x768xf32, #tpu.memory_space<vmem>>
              %gather3A_386 = tpu.memref_squeeze %gather3A_385 : memref<1x64x768xf32, #tpu.memory_space<vmem>> -> memref<64x768xf32, #tpu.memory_space<vmem>>
              %gather3A_387 = tpu.vector_load_idx %gather3A_386[%add3A_381, %add3A_352] : memref<64x768xf32, #tpu.memory_space<vmem>>[vector<16xi32>, vector<16xi32>], vector<16xf32>,
              %swap3A_388 = arith.index_cast %get3A_355 : i32 to index
              %swap3A_389 = arith.constant 32 : index
              %swap3A_390 = tpu.vector_load %arg9[%swap3A_388, %swap3A_389] {strides = array<i32>} : memref<32x128xf32, #tpu.memory_space<vmem>>, vector<16xf32>,
              tpu.vector_store %arg9[%swap3A_388, %swap3A_389], %gather3A_387 {strides = array<i32>} : memref<32x128xf32, #tpu.memory_space<vmem>>, vector<16xf32>,
              %add3A_391 = arith.constant 48 : i32
              %add3A_392 = vector.broadcast %add3A_391 : i32 to vector<16xi32>
              %add3A_393 = arith.addi %iota3A, %add3A_392 : vector<16xi32>
              %gather3A_394 = arith.constant 0 : i32
              %gather3A_395 = arith.constant 0 : i32
              %gather3A_396 = arith.constant 0 : i32
              %gather3A_397 = tpu.memref_slice %arg8[%gather3A_394, %gather3A_395, %gather3A_396] : memref<2x64x768xf32, #tpu.memory_space<vmem>> -> memref<1x64x768xf32, #tpu.memory_space<vmem>>
              %gather3A_398 = tpu.memref_squeeze %gather3A_397 : memref<1x64x768xf32, #tpu.memory_space<vmem>> -> memref<64x768xf32, #tpu.memory_space<vmem>>
              %gather3A_399 = tpu.vector_load_idx %gather3A_398[%add3A_393, %add3A_352] : memref<64x768xf32, #tpu.memory_space<vmem>>[vector<16xi32>, vector<16xi32>], vector<16xf32>,
              %swap3A_400 = arith.index_cast %get3A_355 : i32 to index
              %swap3A_401 = arith.constant 48 : index
              %swap3A_402 = tpu.vector_load %arg9[%swap3A_400, %swap3A_401] {strides = array<i32>} : memref<32x128xf32, #tpu.memory_space<vmem>>, vector<16xf32>,
              tpu.vector_store %arg9[%swap3A_400, %swap3A_401], %gather3A_399 {strides = array<i32>} : memref<32x128xf32, #tpu.memory_space<vmem>>, vector<16xf32>,
              %broadcast_in_dim3A_403 = arith.constant 0 : i32
              %broadcast_in_dim3A_404 = vector.broadcast %broadcast_in_dim3A_403 : i32 to vector<16xi32>
              %add3A_405 = vector.broadcast %get3A_355 : i32 to vector<16xi32>
              %add3A_406 = arith.addi %add3A_405, %broadcast_in_dim3A_404 : vector<16xi32>
              %broadcast_in_dim3A_407 = arith.constant 0 : i32
              %broadcast_in_dim3A_408 = vector.broadcast %broadcast_in_dim3A_407 : i32 to vector<16xi32>
              %add3A_409 = vector.broadcast %select_n3A_345 : i32 to vector<16xi32>
              %add3A_410 = arith.addi %add3A_409, %broadcast_in_dim3A_408 : vector<16xi32>
              %eq3A_411 = arith.constant 0 : i32
              %eq3A_412 = vector.broadcast %eq3A_411 : i32 to vector<16xi32>
              %eq3A_413 = arith.cmpi eq, %iota3A, %eq3A_412 : vector<16xi32>
              tpu.vector_store_idx %arg11[%add3A_406], %add3A_410 masked %eq3A_413 : memref<32xi32, #tpu.memory_space<vmem>>[vector<16xi32>], vector<16xi32>, vector<16xi1>
              %eq3A_414 = arith.constant 31 : i32
              %eq3A_415 = arith.cmpi eq, %get3A_355, %eq3A_414 : i32
              %convert_element_type3A_416 = arith.extui %eq3A_415 : i1 to i32
              %cond3A_417 = arith.constant 0 : i32
              %cond3A_418 = arith.cmpi ne, %convert_element_type3A_416, %cond3A_417 : i32
              scf.if %cond3A_418 {
                %dma_start3A_426 = arith.constant 0 : i32
                %dma_start3A_427 = arith.constant 0 : i32
                %dma_start3A_428 = tpu.memref_slice %arg4[%dma_start3A_426, %dma_start3A_427] : memref<16416x128xf32, #tpu.memory_space<hbm>> -> memref<16416x128xf32, #tpu.memory_space<hbm>>
                tpu.enqueue_indirect_dma source(%arg9 : memref<32x128xf32, #tpu.memory_space<vmem>>) target(%dma_start3A_428 : memref<16416x128xf32, #tpu.memory_space<hbm>>) offsets(%arg11 : memref<32xi32, #tpu.memory_space<vmem>>) semaphore(%arg19 : memref<!tpu.dma_semaphore, #tpu.memory_space<semaphore_mem>>)
                %dma_wait3A_429 = arith.constant 0 : i32
                %dma_wait3A_430 = arith.constant 0 : i32
                %dma_wait3A_431 = tpu.memref_slice %arg4[%dma_wait3A_429, %dma_wait3A_430] : memref<16416x128xf32, #tpu.memory_space<hbm>> -> memref<16416x128xf32, #tpu.memory_space<hbm>>
                tpu.wait_indirect_dma semaphore(%arg19 : memref<!tpu.dma_semaphore, #tpu.memory_space<semaphore_mem>>) src(%arg9 : memref<32x128xf32, #tpu.memory_space<vmem>>) dst(%dma_wait3A_431 : memref<16416x128xf32, #tpu.memory_space<hbm>>)
              } else {
              }
              %add3A_419 = arith.constant 1 : i32
              %add3A_420 = arith.addi %get3A_355, %add3A_419 : i32
              %rem3A_421 = arith.constant 32 : i32
              %rem3A_422 = arith.remsi %add3A_420, %rem3A_421 : i32
              %swap3A_423 = arith.constant 0 : i32
              %swap3A_424 = arith.index_cast %swap3A_423 : i32 to index
              %swap3A_425 = memref.load %arg12[%swap3A_424] : memref<2xi32, #tpu.memory_space<smem>>
              memref.store %rem3A_422, %arg12[%swap3A_424] : memref<2xi32, #tpu.memory_space<smem>>
            }
            %swap3A_281 = arith.constant 0 : i32
            %swap3A_282 = arith.constant 1 : i32
            %swap3A_283 = arith.index_cast %swap3A_282 : i32 to index
            %swap3A_284 = memref.load %arg12[%swap3A_283] : memref<2xi32, #tpu.memory_space<smem>>
            memref.store %swap3A_281, %arg12[%swap3A_283] : memref<2xi32, #tpu.memory_space<smem>>
          } else {
          }
          %mul3A_236 = arith.constant 16 : i32
          %mul3A_237 = arith.muli %while3A_225, %mul3A_236 : i32
          %get3A_238 = arith.index_cast %mul3A_237 : i32 to index
          %get3A_239 = tpu.vector_load %arg6[%get3A_238] {strides = array<i32>} : memref<16400xi32, #tpu.memory_space<vmem>>, vector<16xi32>,
          %and3A_240 = arith.constant 32767 : i32
          %and3A_241 = vector.broadcast %and3A_240 : i32 to vector<16xi32>
          %and3A_242 = arith.andi %get3A_239, %and3A_241 : vector<16xi32>
          %ge3A = vector.broadcast %mul3A_195 : i32 to vector<16xi32>
          %ge3A_243 = arith.cmpi sge, %and3A_242, %ge3A : vector<16xi32>
          %add3A_244 = arith.constant 768 : i32
          %add3A_245 = arith.addi %mul3A_195, %add3A_244 : i32
          %lt3A_246 = vector.broadcast %add3A_245 : i32 to vector<16xi32>
          %lt3A_247 = arith.cmpi slt, %and3A_242, %lt3A_246 : vector<16xi32>
          %and3A_248 = arith.andi %ge3A_243, %lt3A_247 : vector<16xi1>
          %mul3A_249 = arith.constant 16 : i32
          %mul3A_250 = arith.muli %while3A_225, %mul3A_249 : i32
          %add3A_251 = vector.broadcast %mul3A_250 : i32 to vector<16xi32>
          %add3A_252 = arith.addi %add3A_251, %iota3A : vector<16xi32>
          %lt3A_253 = vector.broadcast %scan3A_80 : i32 to vector<16xi32>
          %lt3A_254 = arith.cmpi slt, %add3A_252, %lt3A_253 : vector<16xi32>
          %and3A_255 = arith.andi %and3A_248, %lt3A_254 : vector<16xi1>
          %all_reduce_population_count3A = tpu.all_reduce %and3A_255 {dim = 0 : i64, kind = #tpu.reduction_kind<sum>} : vector<16xi1> -> vector<16xi32>
          %slice3A = vector.extract_strided_slice %all_reduce_population_count3A {offsets = [0], sizes = [1], strides = [1]} : vector<16xi32> to vector<1xi32>
          %squeeze3A = vector.extract %slice3A[0] : i32 from vector<1xi32>
          %get3A_256 = arith.constant 1 : i32
          %get3A_257 = arith.index_cast %get3A_256 : i32 to index
          %get3A_258 = memref.load %arg12[%get3A_257] : memref<2xi32, #tpu.memory_space<smem>>
          %gt3A_259 = arith.constant 0 : i32
          %gt3A_260 = arith.cmpi sgt, %squeeze3A, %gt3A_259 : i32
          %convert_element_type3A_261 = arith.extui %gt3A_260 : i1 to i32
          %cond3A_262 = arith.constant 0 : i32
          %cond3A_263 = arith.cmpi ne, %convert_element_type3A_261, %cond3A_262 : i32
          scf.if %cond3A_263 {
            %swap3A_268 = arith.index_cast %get3A_258 : i32 to index
            %swap3A_269 = tpu.vector_load %arg7[%swap3A_268] masked %and3A_255 {strides = array<i32>} : memref<1040xi32, #tpu.memory_space<vmem>>, vector<16xi32>, vector<16xi1>
            tpu.vector_store %arg7[%swap3A_268], %get3A_239 masked %and3A_255 {strides = array<i32>} : memref<1040xi32, #tpu.memory_space<vmem>>, vector<16xi32>, vector<16xi1>
          } else {
          }
          %add3A_264 = arith.addi %get3A_258, %squeeze3A : i32
          %swap3A_265 = arith.constant 1 : i32
          %swap3A_266 = arith.index_cast %swap3A_265 : i32 to index
          %swap3A_267 = memref.load %arg12[%swap3A_266] : memref<2xi32, #tpu.memory_space<smem>>
          memref.store %add3A_264, %arg12[%swap3A_266] : memref<2xi32, #tpu.memory_space<smem>>
        }
        %while3A_208 = arith.constant 1 : i32
        scf.for %while3A_225 = %while3A_206 to %while3A_202 step %while3A_208  : i32 {
          %get3A_226 = arith.constant 1 : i32
          %get3A_227 = arith.index_cast %get3A_226 : i32 to index
          %get3A_228 = memref.load %arg12[%get3A_227] : memref<2xi32, #tpu.memory_space<smem>>
          %add3A_229 = arith.constant 16 : i32
          %add3A_230 = arith.addi %get3A_228, %add3A_229 : i32
          %gt3A_231 = arith.constant 1024 : i32
          %gt3A_232 = arith.cmpi sgt, %add3A_230, %gt3A_231 : i32
          %convert_element_type3A_233 = arith.extui %gt3A_232 : i1 to i32
          %cond3A_234 = arith.constant 0 : i32
          %cond3A_235 = arith.cmpi ne, %convert_element_type3A_233, %cond3A_234 : i32
          scf.if %cond3A_235 {
            %get3A_268 = arith.constant 1 : i32
            %get3A_269 = arith.index_cast %get3A_268 : i32 to index
            %get3A_270 = memref.load %arg12[%get3A_269] : memref<2xi32, #tpu.memory_space<smem>>
            %while3A_271 = arith.constant 0 : i32
            %while3A_272 = arith.constant 0 : i32
            %while3A_273 = arith.subi %get3A_270, %while3A_272 : i32
            %while3A_274 = arith.addi %while3A_272, %while3A_273 : i32
            %while3A_275 = arith.constant 1 : i32
            %while3A_276 = arith.divsi %while3A_273, %while3A_275 : i32
            %while3A_277 = arith.muli %while3A_276, %while3A_275 : i32
            %while3A_278 = arith.addi %while3A_272, %while3A_277 : i32
            %while3A_279 = arith.constant 1 : i32
            scf.for %while3A_285 = %while3A_272 to %while3A_278 step %while3A_279  : i32 {
              %jit3A_286 = arith.constant 16 : i32
              %div3A_287 = arith.divsi %while3A_285, %jit3A_286 : i32
              %sign3A_288 = arith.constant 0 : i32
              %sign3A_289 = arith.cmpi sgt, %while3A_285, %sign3A_288 : i32
              %sign3A_290 = arith.extui %sign3A_289 : i1 to i32
              %sign3A_291 = arith.constant 0 : i32
              %sign3A_292 = arith.cmpi slt, %while3A_285, %sign3A_291 : i32
              %sign3A_293 = arith.extui %sign3A_292 : i1 to i32
              %sign3A_294 = arith.subi %sign3A_290, %sign3A_293 : i32
              %sign3A_295 = arith.constant 0 : i32
              %sign3A_296 = arith.cmpi sgt, %jit3A_286, %sign3A_295 : i32
              %sign3A_297 = arith.extui %sign3A_296 : i1 to i32
              %sign3A_298 = arith.constant 0 : i32
              %sign3A_299 = arith.cmpi slt, %jit3A_286, %sign3A_298 : i32
              %sign3A_300 = arith.extui %sign3A_299 : i1 to i32
              %sign3A_301 = arith.subi %sign3A_297, %sign3A_300 : i32
              %ne3A_302 = arith.cmpi ne, %sign3A_294, %sign3A_301 : i32
              %rem3A_303 = arith.remsi %while3A_285, %jit3A_286 : i32
              %ne3A_304 = arith.constant 0 : i32
              %ne3A_305 = arith.cmpi ne, %rem3A_303, %ne3A_304 : i32
              %and3A_306 = arith.andi %ne3A_302, %ne3A_305 : i1
              %sub3A_307 = arith.constant 1 : i32
              %sub3A_308 = arith.subi %div3A_287, %sub3A_307 : i32
              %select_n3A_309 = arith.select %and3A_306, %sub3A_308, %div3A_287 : i32
              %mul3A_310 = arith.constant 16 : i32
              %mul3A_311 = arith.muli %select_n3A_309, %mul3A_310 : i32
              %sub3A_312 = arith.subi %while3A_285, %mul3A_311 : i32
              %eq3A_313 = vector.broadcast %sub3A_312 : i32 to vector<16xi32>
              %eq3A_314 = arith.cmpi eq, %iota3A, %eq3A_313 : vector<16xi32>
              %get3A_315 = arith.index_cast %mul3A_311 : i32 to index
              %get3A_316 = tpu.vector_load %arg7[%get3A_315] {strides = array<i32>} : memref<1040xi32, #tpu.memory_space<vmem>>, vector<16xi32>,
              %jit3A_317 = arith.constant 0 : i32
              %broadcast_in_dim3A = vector.broadcast %jit3A_317 : i32 to vector<16xi32>
              %select_n3A_318 = arith.select %eq3A_314, %get3A_316, %broadcast_in_dim3A : vector<16xi1>, vector<16xi32>
              %reduce_sum3A = arith.constant true
              %reduce_sum3A_319 = vector.broadcast %reduce_sum3A : i1 to vector<16xi1>
              %reduce_sum3A_320 = tpu.scan <sum>, %select_n3A_318 masked %reduce_sum3A_319 : vector<16xi32>, vector<16xi1> -> vector<16xi32>
              %reduce_sum3A_321 = vector.extract %reduce_sum3A_320[15] : i32 from vector<16xi32>
              %jit3A_322 = arith.constant 32768 : i32
              %div3A_323 = arith.divsi %reduce_sum3A_321, %jit3A_322 : i32
              %sign3A_324 = arith.constant 0 : i32
              %sign3A_325 = arith.cmpi sgt, %reduce_sum3A_321, %sign3A_324 : i32
              %sign3A_326 = arith.extui %sign3A_325 : i1 to i32
              %sign3A_327 = arith.constant 0 : i32
              %sign3A_328 = arith.cmpi slt, %reduce_sum3A_321, %sign3A_327 : i32
              %sign3A_329 = arith.extui %sign3A_328 : i1 to i32
              %sign3A_330 = arith.subi %sign3A_326, %sign3A_329 : i32
              %sign3A_331 = arith.constant 0 : i32
              %sign3A_332 = arith.cmpi sgt, %jit3A_322, %sign3A_331 : i32
              %sign3A_333 = arith.extui %sign3A_332 : i1 to i32
              %sign3A_334 = arith.constant 0 : i32
              %sign3A_335 = arith.cmpi slt, %jit3A_322, %sign3A_334 : i32
              %sign3A_336 = arith.extui %sign3A_335 : i1 to i32
              %sign3A_337 = arith.subi %sign3A_333, %sign3A_336 : i32
              %ne3A_338 = arith.cmpi ne, %sign3A_330, %sign3A_337 : i32
              %rem3A_339 = arith.remsi %reduce_sum3A_321, %jit3A_322 : i32
              %ne3A_340 = arith.constant 0 : i32
              %ne3A_341 = arith.cmpi ne, %rem3A_339, %ne3A_340 : i32
              %and3A_342 = arith.andi %ne3A_338, %ne3A_341 : i1
              %sub3A_343 = arith.constant 1 : i32
              %sub3A_344 = arith.subi %div3A_323, %sub3A_343 : i32
              %select_n3A_345 = arith.select %and3A_342, %sub3A_344, %div3A_323 : i32
              %and3A_346 = arith.constant 32767 : i32
              %and3A_347 = arith.andi %reduce_sum3A_321, %and3A_346 : i32
              %sub3A_348 = arith.subi %and3A_347, %mul3A_195 : i32
              %broadcast_in_dim3A_349 = arith.constant 0 : i32
              %broadcast_in_dim3A_350 = vector.broadcast %broadcast_in_dim3A_349 : i32 to vector<16xi32>
              %add3A_351 = vector.broadcast %sub3A_348 : i32 to vector<16xi32>
              %add3A_352 = arith.addi %add3A_351, %broadcast_in_dim3A_350 : vector<16xi32>
              %get3A_353 = arith.constant 0 : i32
              %get3A_354 = arith.index_cast %get3A_353 : i32 to index
              %get3A_355 = memref.load %arg12[%get3A_354] : memref<2xi32, #tpu.memory_space<smem>>
              %add3A_356 = arith.constant 0 : i32
              %add3A_357 = vector.broadcast %add3A_356 : i32 to vector<16xi32>
              %add3A_358 = arith.addi %iota3A, %add3A_357 : vector<16xi32>
              %gather3A = arith.constant 0 : i32
              %gather3A_359 = arith.constant 0 : i32
              %gather3A_360 = arith.constant 0 : i32
              %gather3A_361 = tpu.memref_slice %arg8[%gather3A, %gather3A_359, %gather3A_360] : memref<2x64x768xf32, #tpu.memory_space<vmem>> -> memref<1x64x768xf32, #tpu.memory_space<vmem>>
              %gather3A_362 = tpu.memref_squeeze %gather3A_361 : memref<1x64x768xf32, #tpu.memory_space<vmem>> -> memref<64x768xf32, #tpu.memory_space<vmem>>
              %gather3A_363 = tpu.vector_load_idx %gather3A_362[%add3A_358, %add3A_352] : memref<64x768xf32, #tpu.memory_space<vmem>>[vector<16xi32>, vector<16xi32>], vector<16xf32>,
              %swap3A_364 = arith.index_cast %get3A_355 : i32 to index
              %swap3A_365 = arith.constant 0 : index
              %swap3A_366 = tpu.vector_load %arg9[%swap3A_364, %swap3A_365] {strides = array<i32>} : memref<32x128xf32, #tpu.memory_space<vmem>>, vector<16xf32>,
              tpu.vector_store %arg9[%swap3A_364, %swap3A_365], %gather3A_363 {strides = array<i32>} : memref<32x128xf32, #tpu.memory_space<vmem>>, vector<16xf32>,
              %add3A_367 = arith.constant 16 : i32
              %add3A_368 = vector.broadcast %add3A_367 : i32 to vector<16xi32>
              %add3A_369 = arith.addi %iota3A, %add3A_368 : vector<16xi32>
              %gather3A_370 = arith.constant 0 : i32
              %gather3A_371 = arith.constant 0 : i32
              %gather3A_372 = arith.constant 0 : i32
              %gather3A_373 = tpu.memref_slice %arg8[%gather3A_370, %gather3A_371, %gather3A_372] : memref<2x64x768xf32, #tpu.memory_space<vmem>> -> memref<1x64x768xf32, #tpu.memory_space<vmem>>
              %gather3A_374 = tpu.memref_squeeze %gather3A_373 : memref<1x64x768xf32, #tpu.memory_space<vmem>> -> memref<64x768xf32, #tpu.memory_space<vmem>>
              %gather3A_375 = tpu.vector_load_idx %gather3A_374[%add3A_369, %add3A_352] : memref<64x768xf32, #tpu.memory_space<vmem>>[vector<16xi32>, vector<16xi32>], vector<16xf32>,
              %swap3A_376 = arith.index_cast %get3A_355 : i32 to index
              %swap3A_377 = arith.constant 16 : index
              %swap3A_378 = tpu.vector_load %arg9[%swap3A_376, %swap3A_377] {strides = array<i32>} : memref<32x128xf32, #tpu.memory_space<vmem>>, vector<16xf32>,
              tpu.vector_store %arg9[%swap3A_376, %swap3A_377], %gather3A_375 {strides = array<i32>} : memref<32x128xf32, #tpu.memory_space<vmem>>, vector<16xf32>,
              %add3A_379 = arith.constant 32 : i32
              %add3A_380 = vector.broadcast %add3A_379 : i32 to vector<16xi32>
              %add3A_381 = arith.addi %iota3A, %add3A_380 : vector<16xi32>
              %gather3A_382 = arith.constant 0 : i32
              %gather3A_383 = arith.constant 0 : i32
              %gather3A_384 = arith.constant 0 : i32
              %gather3A_385 = tpu.memref_slice %arg8[%gather3A_382, %gather3A_383, %gather3A_384] : memref<2x64x768xf32, #tpu.memory_space<vmem>> -> memref<1x64x768xf32, #tpu.memory_space<vmem>>
              %gather3A_386 = tpu.memref_squeeze %gather3A_385 : memref<1x64x768xf32, #tpu.memory_space<vmem>> -> memref<64x768xf32, #tpu.memory_space<vmem>>
              %gather3A_387 = tpu.vector_load_idx %gather3A_386[%add3A_381, %add3A_352] : memref<64x768xf32, #tpu.memory_space<vmem>>[vector<16xi32>, vector<16xi32>], vector<16xf32>,
              %swap3A_388 = arith.index_cast %get3A_355 : i32 to index
              %swap3A_389 = arith.constant 32 : index
              %swap3A_390 = tpu.vector_load %arg9[%swap3A_388, %swap3A_389] {strides = array<i32>} : memref<32x128xf32, #tpu.memory_space<vmem>>, vector<16xf32>,
              tpu.vector_store %arg9[%swap3A_388, %swap3A_389], %gather3A_387 {strides = array<i32>} : memref<32x128xf32, #tpu.memory_space<vmem>>, vector<16xf32>,
              %add3A_391 = arith.constant 48 : i32
              %add3A_392 = vector.broadcast %add3A_391 : i32 to vector<16xi32>
              %add3A_393 = arith.addi %iota3A, %add3A_392 : vector<16xi32>
              %gather3A_394 = arith.constant 0 : i32
              %gather3A_395 = arith.constant 0 : i32
              %gather3A_396 = arith.constant 0 : i32
              %gather3A_397 = tpu.memref_slice %arg8[%gather3A_394, %gather3A_395, %gather3A_396] : memref<2x64x768xf32, #tpu.memory_space<vmem>> -> memref<1x64x768xf32, #tpu.memory_space<vmem>>
              %gather3A_398 = tpu.memref_squeeze %gather3A_397 : memref<1x64x768xf32, #tpu.memory_space<vmem>> -> memref<64x768xf32, #tpu.memory_space<vmem>>
              %gather3A_399 = tpu.vector_load_idx %gather3A_398[%add3A_393, %add3A_352] : memref<64x768xf32, #tpu.memory_space<vmem>>[vector<16xi32>, vector<16xi32>], vector<16xf32>,
              %swap3A_400 = arith.index_cast %get3A_355 : i32 to index
              %swap3A_401 = arith.constant 48 : index
              %swap3A_402 = tpu.vector_load %arg9[%swap3A_400, %swap3A_401] {strides = array<i32>} : memref<32x128xf32, #tpu.memory_space<vmem>>, vector<16xf32>,
              tpu.vector_store %arg9[%swap3A_400, %swap3A_401], %gather3A_399 {strides = array<i32>} : memref<32x128xf32, #tpu.memory_space<vmem>>, vector<16xf32>,
              %broadcast_in_dim3A_403 = arith.constant 0 : i32
              %broadcast_in_dim3A_404 = vector.broadcast %broadcast_in_dim3A_403 : i32 to vector<16xi32>
              %add3A_405 = vector.broadcast %get3A_355 : i32 to vector<16xi32>
              %add3A_406 = arith.addi %add3A_405, %broadcast_in_dim3A_404 : vector<16xi32>
              %broadcast_in_dim3A_407 = arith.constant 0 : i32
              %broadcast_in_dim3A_408 = vector.broadcast %broadcast_in_dim3A_407 : i32 to vector<16xi32>
              %add3A_409 = vector.broadcast %select_n3A_345 : i32 to vector<16xi32>
              %add3A_410 = arith.addi %add3A_409, %broadcast_in_dim3A_408 : vector<16xi32>
              %eq3A_411 = arith.constant 0 : i32
              %eq3A_412 = vector.broadcast %eq3A_411 : i32 to vector<16xi32>
              %eq3A_413 = arith.cmpi eq, %iota3A, %eq3A_412 : vector<16xi32>
              tpu.vector_store_idx %arg11[%add3A_406], %add3A_410 masked %eq3A_413 : memref<32xi32, #tpu.memory_space<vmem>>[vector<16xi32>], vector<16xi32>, vector<16xi1>
              %eq3A_414 = arith.constant 31 : i32
              %eq3A_415 = arith.cmpi eq, %get3A_355, %eq3A_414 : i32
              %convert_element_type3A_416 = arith.extui %eq3A_415 : i1 to i32
              %cond3A_417 = arith.constant 0 : i32
              %cond3A_418 = arith.cmpi ne, %convert_element_type3A_416, %cond3A_417 : i32
              scf.if %cond3A_418 {
                %dma_start3A_426 = arith.constant 0 : i32
                %dma_start3A_427 = arith.constant 0 : i32
                %dma_start3A_428 = tpu.memref_slice %arg4[%dma_start3A_426, %dma_start3A_427] : memref<16416x128xf32, #tpu.memory_space<hbm>> -> memref<16416x128xf32, #tpu.memory_space<hbm>>
                tpu.enqueue_indirect_dma source(%arg9 : memref<32x128xf32, #tpu.memory_space<vmem>>) target(%dma_start3A_428 : memref<16416x128xf32, #tpu.memory_space<hbm>>) offsets(%arg11 : memref<32xi32, #tpu.memory_space<vmem>>) semaphore(%arg19 : memref<!tpu.dma_semaphore, #tpu.memory_space<semaphore_mem>>)
                %dma_wait3A_429 = arith.constant 0 : i32
                %dma_wait3A_430 = arith.constant 0 : i32
                %dma_wait3A_431 = tpu.memref_slice %arg4[%dma_wait3A_429, %dma_wait3A_430] : memref<16416x128xf32, #tpu.memory_space<hbm>> -> memref<16416x128xf32, #tpu.memory_space<hbm>>
                tpu.wait_indirect_dma semaphore(%arg19 : memref<!tpu.dma_semaphore, #tpu.memory_space<semaphore_mem>>) src(%arg9 : memref<32x128xf32, #tpu.memory_space<vmem>>) dst(%dma_wait3A_431 : memref<16416x128xf32, #tpu.memory_space<hbm>>)
              } else {
              }
              %add3A_419 = arith.constant 1 : i32
              %add3A_420 = arith.addi %get3A_355, %add3A_419 : i32
              %rem3A_421 = arith.constant 32 : i32
              %rem3A_422 = arith.remsi %add3A_420, %rem3A_421 : i32
              %swap3A_423 = arith.constant 0 : i32
              %swap3A_424 = arith.index_cast %swap3A_423 : i32 to index
              %swap3A_425 = memref.load %arg12[%swap3A_424] : memref<2xi32, #tpu.memory_space<smem>>
              memref.store %rem3A_422, %arg12[%swap3A_424] : memref<2xi32, #tpu.memory_space<smem>>
            }
            %while3A_280 = arith.constant 1 : i32
            scf.for %while3A_285 = %while3A_278 to %while3A_274 step %while3A_280  : i32 {
              %jit3A_286 = arith.constant 16 : i32
              %div3A_287 = arith.divsi %while3A_285, %jit3A_286 : i32
              %sign3A_288 = arith.constant 0 : i32
              %sign3A_289 = arith.cmpi sgt, %while3A_285, %sign3A_288 : i32
              %sign3A_290 = arith.extui %sign3A_289 : i1 to i32
              %sign3A_291 = arith.constant 0 : i32
              %sign3A_292 = arith.cmpi slt, %while3A_285, %sign3A_291 : i32
              %sign3A_293 = arith.extui %sign3A_292 : i1 to i32
              %sign3A_294 = arith.subi %sign3A_290, %sign3A_293 : i32
              %sign3A_295 = arith.constant 0 : i32
              %sign3A_296 = arith.cmpi sgt, %jit3A_286, %sign3A_295 : i32
              %sign3A_297 = arith.extui %sign3A_296 : i1 to i32
              %sign3A_298 = arith.constant 0 : i32
              %sign3A_299 = arith.cmpi slt, %jit3A_286, %sign3A_298 : i32
              %sign3A_300 = arith.extui %sign3A_299 : i1 to i32
              %sign3A_301 = arith.subi %sign3A_297, %sign3A_300 : i32
              %ne3A_302 = arith.cmpi ne, %sign3A_294, %sign3A_301 : i32
              %rem3A_303 = arith.remsi %while3A_285, %jit3A_286 : i32
              %ne3A_304 = arith.constant 0 : i32
              %ne3A_305 = arith.cmpi ne, %rem3A_303, %ne3A_304 : i32
              %and3A_306 = arith.andi %ne3A_302, %ne3A_305 : i1
              %sub3A_307 = arith.constant 1 : i32
              %sub3A_308 = arith.subi %div3A_287, %sub3A_307 : i32
              %select_n3A_309 = arith.select %and3A_306, %sub3A_308, %div3A_287 : i32
              %mul3A_310 = arith.constant 16 : i32
              %mul3A_311 = arith.muli %select_n3A_309, %mul3A_310 : i32
              %sub3A_312 = arith.subi %while3A_285, %mul3A_311 : i32
              %eq3A_313 = vector.broadcast %sub3A_312 : i32 to vector<16xi32>
              %eq3A_314 = arith.cmpi eq, %iota3A, %eq3A_313 : vector<16xi32>
              %get3A_315 = arith.index_cast %mul3A_311 : i32 to index
              %get3A_316 = tpu.vector_load %arg7[%get3A_315] {strides = array<i32>} : memref<1040xi32, #tpu.memory_space<vmem>>, vector<16xi32>,
              %jit3A_317 = arith.constant 0 : i32
              %broadcast_in_dim3A = vector.broadcast %jit3A_317 : i32 to vector<16xi32>
              %select_n3A_318 = arith.select %eq3A_314, %get3A_316, %broadcast_in_dim3A : vector<16xi1>, vector<16xi32>
              %reduce_sum3A = arith.constant true
              %reduce_sum3A_319 = vector.broadcast %reduce_sum3A : i1 to vector<16xi1>
              %reduce_sum3A_320 = tpu.scan <sum>, %select_n3A_318 masked %reduce_sum3A_319 : vector<16xi32>, vector<16xi1> -> vector<16xi32>
              %reduce_sum3A_321 = vector.extract %reduce_sum3A_320[15] : i32 from vector<16xi32>
              %jit3A_322 = arith.constant 32768 : i32
              %div3A_323 = arith.divsi %reduce_sum3A_321, %jit3A_322 : i32
              %sign3A_324 = arith.constant 0 : i32
              %sign3A_325 = arith.cmpi sgt, %reduce_sum3A_321, %sign3A_324 : i32
              %sign3A_326 = arith.extui %sign3A_325 : i1 to i32
              %sign3A_327 = arith.constant 0 : i32
              %sign3A_328 = arith.cmpi slt, %reduce_sum3A_321, %sign3A_327 : i32
              %sign3A_329 = arith.extui %sign3A_328 : i1 to i32
              %sign3A_330 = arith.subi %sign3A_326, %sign3A_329 : i32
              %sign3A_331 = arith.constant 0 : i32
              %sign3A_332 = arith.cmpi sgt, %jit3A_322, %sign3A_331 : i32
              %sign3A_333 = arith.extui %sign3A_332 : i1 to i32
              %sign3A_334 = arith.constant 0 : i32
              %sign3A_335 = arith.cmpi slt, %jit3A_322, %sign3A_334 : i32
              %sign3A_336 = arith.extui %sign3A_335 : i1 to i32
              %sign3A_337 = arith.subi %sign3A_333, %sign3A_336 : i32
              %ne3A_338 = arith.cmpi ne, %sign3A_330, %sign3A_337 : i32
              %rem3A_339 = arith.remsi %reduce_sum3A_321, %jit3A_322 : i32
              %ne3A_340 = arith.constant 0 : i32
              %ne3A_341 = arith.cmpi ne, %rem3A_339, %ne3A_340 : i32
              %and3A_342 = arith.andi %ne3A_338, %ne3A_341 : i1
              %sub3A_343 = arith.constant 1 : i32
              %sub3A_344 = arith.subi %div3A_323, %sub3A_343 : i32
              %select_n3A_345 = arith.select %and3A_342, %sub3A_344, %div3A_323 : i32
              %and3A_346 = arith.constant 32767 : i32
              %and3A_347 = arith.andi %reduce_sum3A_321, %and3A_346 : i32
              %sub3A_348 = arith.subi %and3A_347, %mul3A_195 : i32
              %broadcast_in_dim3A_349 = arith.constant 0 : i32
              %broadcast_in_dim3A_350 = vector.broadcast %broadcast_in_dim3A_349 : i32 to vector<16xi32>
              %add3A_351 = vector.broadcast %sub3A_348 : i32 to vector<16xi32>
              %add3A_352 = arith.addi %add3A_351, %broadcast_in_dim3A_350 : vector<16xi32>
              %get3A_353 = arith.constant 0 : i32
              %get3A_354 = arith.index_cast %get3A_353 : i32 to index
              %get3A_355 = memref.load %arg12[%get3A_354] : memref<2xi32, #tpu.memory_space<smem>>
              %add3A_356 = arith.constant 0 : i32
              %add3A_357 = vector.broadcast %add3A_356 : i32 to vector<16xi32>
              %add3A_358 = arith.addi %iota3A, %add3A_357 : vector<16xi32>
              %gather3A = arith.constant 0 : i32
              %gather3A_359 = arith.constant 0 : i32
              %gather3A_360 = arith.constant 0 : i32
              %gather3A_361 = tpu.memref_slice %arg8[%gather3A, %gather3A_359, %gather3A_360] : memref<2x64x768xf32, #tpu.memory_space<vmem>> -> memref<1x64x768xf32, #tpu.memory_space<vmem>>
              %gather3A_362 = tpu.memref_squeeze %gather3A_361 : memref<1x64x768xf32, #tpu.memory_space<vmem>> -> memref<64x768xf32, #tpu.memory_space<vmem>>
              %gather3A_363 = tpu.vector_load_idx %gather3A_362[%add3A_358, %add3A_352] : memref<64x768xf32, #tpu.memory_space<vmem>>[vector<16xi32>, vector<16xi32>], vector<16xf32>,
              %swap3A_364 = arith.index_cast %get3A_355 : i32 to index
              %swap3A_365 = arith.constant 0 : index
              %swap3A_366 = tpu.vector_load %arg9[%swap3A_364, %swap3A_365] {strides = array<i32>} : memref<32x128xf32, #tpu.memory_space<vmem>>, vector<16xf32>,
              tpu.vector_store %arg9[%swap3A_364, %swap3A_365], %gather3A_363 {strides = array<i32>} : memref<32x128xf32, #tpu.memory_space<vmem>>, vector<16xf32>,
              %add3A_367 = arith.constant 16 : i32
              %add3A_368 = vector.broadcast %add3A_367 : i32 to vector<16xi32>
              %add3A_369 = arith.addi %iota3A, %add3A_368 : vector<16xi32>
              %gather3A_370 = arith.constant 0 : i32
              %gather3A_371 = arith.constant 0 : i32
              %gather3A_372 = arith.constant 0 : i32
              %gather3A_373 = tpu.memref_slice %arg8[%gather3A_370, %gather3A_371, %gather3A_372] : memref<2x64x768xf32, #tpu.memory_space<vmem>> -> memref<1x64x768xf32, #tpu.memory_space<vmem>>
              %gather3A_374 = tpu.memref_squeeze %gather3A_373 : memref<1x64x768xf32, #tpu.memory_space<vmem>> -> memref<64x768xf32, #tpu.memory_space<vmem>>
              %gather3A_375 = tpu.vector_load_idx %gather3A_374[%add3A_369, %add3A_352] : memref<64x768xf32, #tpu.memory_space<vmem>>[vector<16xi32>, vector<16xi32>], vector<16xf32>,
              %swap3A_376 = arith.index_cast %get3A_355 : i32 to index
              %swap3A_377 = arith.constant 16 : index
              %swap3A_378 = tpu.vector_load %arg9[%swap3A_376, %swap3A_377] {strides = array<i32>} : memref<32x128xf32, #tpu.memory_space<vmem>>, vector<16xf32>,
              tpu.vector_store %arg9[%swap3A_376, %swap3A_377], %gather3A_375 {strides = array<i32>} : memref<32x128xf32, #tpu.memory_space<vmem>>, vector<16xf32>,
              %add3A_379 = arith.constant 32 : i32
              %add3A_380 = vector.broadcast %add3A_379 : i32 to vector<16xi32>
              %add3A_381 = arith.addi %iota3A, %add3A_380 : vector<16xi32>
              %gather3A_382 = arith.constant 0 : i32
              %gather3A_383 = arith.constant 0 : i32
              %gather3A_384 = arith.constant 0 : i32
              %gather3A_385 = tpu.memref_slice %arg8[%gather3A_382, %gather3A_383, %gather3A_384] : memref<2x64x768xf32, #tpu.memory_space<vmem>> -> memref<1x64x768xf32, #tpu.memory_space<vmem>>
              %gather3A_386 = tpu.memref_squeeze %gather3A_385 : memref<1x64x768xf32, #tpu.memory_space<vmem>> -> memref<64x768xf32, #tpu.memory_space<vmem>>
              %gather3A_387 = tpu.vector_load_idx %gather3A_386[%add3A_381, %add3A_352] : memref<64x768xf32, #tpu.memory_space<vmem>>[vector<16xi32>, vector<16xi32>], vector<16xf32>,
              %swap3A_388 = arith.index_cast %get3A_355 : i32 to index
              %swap3A_389 = arith.constant 32 : index
              %swap3A_390 = tpu.vector_load %arg9[%swap3A_388, %swap3A_389] {strides = array<i32>} : memref<32x128xf32, #tpu.memory_space<vmem>>, vector<16xf32>,
              tpu.vector_store %arg9[%swap3A_388, %swap3A_389], %gather3A_387 {strides = array<i32>} : memref<32x128xf32, #tpu.memory_space<vmem>>, vector<16xf32>,
              %add3A_391 = arith.constant 48 : i32
              %add3A_392 = vector.broadcast %add3A_391 : i32 to vector<16xi32>
              %add3A_393 = arith.addi %iota3A, %add3A_392 : vector<16xi32>
              %gather3A_394 = arith.constant 0 : i32
              %gather3A_395 = arith.constant 0 : i32
              %gather3A_396 = arith.constant 0 : i32
              %gather3A_397 = tpu.memref_slice %arg8[%gather3A_394, %gather3A_395, %gather3A_396] : memref<2x64x768xf32, #tpu.memory_space<vmem>> -> memref<1x64x768xf32, #tpu.memory_space<vmem>>
              %gather3A_398 = tpu.memref_squeeze %gather3A_397 : memref<1x64x768xf32, #tpu.memory_space<vmem>> -> memref<64x768xf32, #tpu.memory_space<vmem>>
              %gather3A_399 = tpu.vector_load_idx %gather3A_398[%add3A_393, %add3A_352] : memref<64x768xf32, #tpu.memory_space<vmem>>[vector<16xi32>, vector<16xi32>], vector<16xf32>,
              %swap3A_400 = arith.index_cast %get3A_355 : i32 to index
              %swap3A_401 = arith.constant 48 : index
              %swap3A_402 = tpu.vector_load %arg9[%swap3A_400, %swap3A_401] {strides = array<i32>} : memref<32x128xf32, #tpu.memory_space<vmem>>, vector<16xf32>,
              tpu.vector_store %arg9[%swap3A_400, %swap3A_401], %gather3A_399 {strides = array<i32>} : memref<32x128xf32, #tpu.memory_space<vmem>>, vector<16xf32>,
              %broadcast_in_dim3A_403 = arith.constant 0 : i32
              %broadcast_in_dim3A_404 = vector.broadcast %broadcast_in_dim3A_403 : i32 to vector<16xi32>
              %add3A_405 = vector.broadcast %get3A_355 : i32 to vector<16xi32>
              %add3A_406 = arith.addi %add3A_405, %broadcast_in_dim3A_404 : vector<16xi32>
              %broadcast_in_dim3A_407 = arith.constant 0 : i32
              %broadcast_in_dim3A_408 = vector.broadcast %broadcast_in_dim3A_407 : i32 to vector<16xi32>
              %add3A_409 = vector.broadcast %select_n3A_345 : i32 to vector<16xi32>
              %add3A_410 = arith.addi %add3A_409, %broadcast_in_dim3A_408 : vector<16xi32>
              %eq3A_411 = arith.constant 0 : i32
              %eq3A_412 = vector.broadcast %eq3A_411 : i32 to vector<16xi32>
              %eq3A_413 = arith.cmpi eq, %iota3A, %eq3A_412 : vector<16xi32>
              tpu.vector_store_idx %arg11[%add3A_406], %add3A_410 masked %eq3A_413 : memref<32xi32, #tpu.memory_space<vmem>>[vector<16xi32>], vector<16xi32>, vector<16xi1>
              %eq3A_414 = arith.constant 31 : i32
              %eq3A_415 = arith.cmpi eq, %get3A_355, %eq3A_414 : i32
              %convert_element_type3A_416 = arith.extui %eq3A_415 : i1 to i32
              %cond3A_417 = arith.constant 0 : i32
              %cond3A_418 = arith.cmpi ne, %convert_element_type3A_416, %cond3A_417 : i32
              scf.if %cond3A_418 {
                %dma_start3A_426 = arith.constant 0 : i32
                %dma_start3A_427 = arith.constant 0 : i32
                %dma_start3A_428 = tpu.memref_slice %arg4[%dma_start3A_426, %dma_start3A_427] : memref<16416x128xf32, #tpu.memory_space<hbm>> -> memref<16416x128xf32, #tpu.memory_space<hbm>>
                tpu.enqueue_indirect_dma source(%arg9 : memref<32x128xf32, #tpu.memory_space<vmem>>) target(%dma_start3A_428 : memref<16416x128xf32, #tpu.memory_space<hbm>>) offsets(%arg11 : memref<32xi32, #tpu.memory_space<vmem>>) semaphore(%arg19 : memref<!tpu.dma_semaphore, #tpu.memory_space<semaphore_mem>>)
                %dma_wait3A_429 = arith.constant 0 : i32
                %dma_wait3A_430 = arith.constant 0 : i32
                %dma_wait3A_431 = tpu.memref_slice %arg4[%dma_wait3A_429, %dma_wait3A_430] : memref<16416x128xf32, #tpu.memory_space<hbm>> -> memref<16416x128xf32, #tpu.memory_space<hbm>>
                tpu.wait_indirect_dma semaphore(%arg19 : memref<!tpu.dma_semaphore, #tpu.memory_space<semaphore_mem>>) src(%arg9 : memref<32x128xf32, #tpu.memory_space<vmem>>) dst(%dma_wait3A_431 : memref<16416x128xf32, #tpu.memory_space<hbm>>)
              } else {
              }
              %add3A_419 = arith.constant 1 : i32
              %add3A_420 = arith.addi %get3A_355, %add3A_419 : i32
              %rem3A_421 = arith.constant 32 : i32
              %rem3A_422 = arith.remsi %add3A_420, %rem3A_421 : i32
              %swap3A_423 = arith.constant 0 : i32
              %swap3A_424 = arith.index_cast %swap3A_423 : i32 to index
              %swap3A_425 = memref.load %arg12[%swap3A_424] : memref<2xi32, #tpu.memory_space<smem>>
              memref.store %rem3A_422, %arg12[%swap3A_424] : memref<2xi32, #tpu.memory_space<smem>>
            }
            %swap3A_281 = arith.constant 0 : i32
            %swap3A_282 = arith.constant 1 : i32
            %swap3A_283 = arith.index_cast %swap3A_282 : i32 to index
            %swap3A_284 = memref.load %arg12[%swap3A_283] : memref<2xi32, #tpu.memory_space<smem>>
            memref.store %swap3A_281, %arg12[%swap3A_283] : memref<2xi32, #tpu.memory_space<smem>>
          } else {
          }
          %mul3A_236 = arith.constant 16 : i32
          %mul3A_237 = arith.muli %while3A_225, %mul3A_236 : i32
          %get3A_238 = arith.index_cast %mul3A_237 : i32 to index
          %get3A_239 = tpu.vector_load %arg6[%get3A_238] {strides = array<i32>} : memref<16400xi32, #tpu.memory_space<vmem>>, vector<16xi32>,
          %and3A_240 = arith.constant 32767 : i32
          %and3A_241 = vector.broadcast %and3A_240 : i32 to vector<16xi32>
          %and3A_242 = arith.andi %get3A_239, %and3A_241 : vector<16xi32>
          %ge3A = vector.broadcast %mul3A_195 : i32 to vector<16xi32>
          %ge3A_243 = arith.cmpi sge, %and3A_242, %ge3A : vector<16xi32>
          %add3A_244 = arith.constant 768 : i32
          %add3A_245 = arith.addi %mul3A_195, %add3A_244 : i32
          %lt3A_246 = vector.broadcast %add3A_245 : i32 to vector<16xi32>
          %lt3A_247 = arith.cmpi slt, %and3A_242, %lt3A_246 : vector<16xi32>
          %and3A_248 = arith.andi %ge3A_243, %lt3A_247 : vector<16xi1>
          %mul3A_249 = arith.constant 16 : i32
          %mul3A_250 = arith.muli %while3A_225, %mul3A_249 : i32
          %add3A_251 = vector.broadcast %mul3A_250 : i32 to vector<16xi32>
          %add3A_252 = arith.addi %add3A_251, %iota3A : vector<16xi32>
          %lt3A_253 = vector.broadcast %scan3A_80 : i32 to vector<16xi32>
          %lt3A_254 = arith.cmpi slt, %add3A_252, %lt3A_253 : vector<16xi32>
          %and3A_255 = arith.andi %and3A_248, %lt3A_254 : vector<16xi1>
          %all_reduce_population_count3A = tpu.all_reduce %and3A_255 {dim = 0 : i64, kind = #tpu.reduction_kind<sum>} : vector<16xi1> -> vector<16xi32>
          %slice3A = vector.extract_strided_slice %all_reduce_population_count3A {offsets = [0], sizes = [1], strides = [1]} : vector<16xi32> to vector<1xi32>
          %squeeze3A = vector.extract %slice3A[0] : i32 from vector<1xi32>
          %get3A_256 = arith.constant 1 : i32
          %get3A_257 = arith.index_cast %get3A_256 : i32 to index
          %get3A_258 = memref.load %arg12[%get3A_257] : memref<2xi32, #tpu.memory_space<smem>>
          %gt3A_259 = arith.constant 0 : i32
          %gt3A_260 = arith.cmpi sgt, %squeeze3A, %gt3A_259 : i32
          %convert_element_type3A_261 = arith.extui %gt3A_260 : i1 to i32
          %cond3A_262 = arith.constant 0 : i32
          %cond3A_263 = arith.cmpi ne, %convert_element_type3A_261, %cond3A_262 : i32
          scf.if %cond3A_263 {
            %swap3A_268 = arith.index_cast %get3A_258 : i32 to index
            %swap3A_269 = tpu.vector_load %arg7[%swap3A_268] masked %and3A_255 {strides = array<i32>} : memref<1040xi32, #tpu.memory_space<vmem>>, vector<16xi32>, vector<16xi1>
            tpu.vector_store %arg7[%swap3A_268], %get3A_239 masked %and3A_255 {strides = array<i32>} : memref<1040xi32, #tpu.memory_space<vmem>>, vector<16xi32>, vector<16xi1>
          } else {
          }
          %add3A_264 = arith.addi %get3A_258, %squeeze3A : i32
          %swap3A_265 = arith.constant 1 : i32
          %swap3A_266 = arith.index_cast %swap3A_265 : i32 to index
          %swap3A_267 = memref.load %arg12[%swap3A_266] : memref<2xi32, #tpu.memory_space<smem>>
          memref.store %add3A_264, %arg12[%swap3A_266] : memref<2xi32, #tpu.memory_space<smem>>
        }
        %get3A = arith.constant 1 : i32
        %get3A_209 = arith.index_cast %get3A : i32 to index
        %get3A_210 = memref.load %arg12[%get3A_209] : memref<2xi32, #tpu.memory_space<smem>>
        %while3A_211 = arith.constant 0 : i32
        %while3A_212 = arith.constant 0 : i32
        %while3A_213 = arith.subi %get3A_210, %while3A_212 : i32
        %while3A_214 = arith.addi %while3A_212, %while3A_213 : i32
        %while3A_215 = arith.constant 1 : i32
        %while3A_216 = arith.divsi %while3A_213, %while3A_215 : i32
        %while3A_217 = arith.muli %while3A_216, %while3A_215 : i32
        %while3A_218 = arith.addi %while3A_212, %while3A_217 : i32
        %while3A_219 = arith.constant 1 : i32
        scf.for %while3A_225 = %while3A_212 to %while3A_218 step %while3A_219  : i32 {
          %jit3A_226 = arith.constant 16 : i32
          %div3A_227 = arith.divsi %while3A_225, %jit3A_226 : i32
          %sign3A_228 = arith.constant 0 : i32
          %sign3A_229 = arith.cmpi sgt, %while3A_225, %sign3A_228 : i32
          %sign3A_230 = arith.extui %sign3A_229 : i1 to i32
          %sign3A_231 = arith.constant 0 : i32
          %sign3A_232 = arith.cmpi slt, %while3A_225, %sign3A_231 : i32
          %sign3A_233 = arith.extui %sign3A_232 : i1 to i32
          %sign3A_234 = arith.subi %sign3A_230, %sign3A_233 : i32
          %sign3A_235 = arith.constant 0 : i32
          %sign3A_236 = arith.cmpi sgt, %jit3A_226, %sign3A_235 : i32
          %sign3A_237 = arith.extui %sign3A_236 : i1 to i32
          %sign3A_238 = arith.constant 0 : i32
          %sign3A_239 = arith.cmpi slt, %jit3A_226, %sign3A_238 : i32
          %sign3A_240 = arith.extui %sign3A_239 : i1 to i32
          %sign3A_241 = arith.subi %sign3A_237, %sign3A_240 : i32
          %ne3A_242 = arith.cmpi ne, %sign3A_234, %sign3A_241 : i32
          %rem3A_243 = arith.remsi %while3A_225, %jit3A_226 : i32
          %ne3A_244 = arith.constant 0 : i32
          %ne3A_245 = arith.cmpi ne, %rem3A_243, %ne3A_244 : i32
          %and3A_246 = arith.andi %ne3A_242, %ne3A_245 : i1
          %sub3A_247 = arith.constant 1 : i32
          %sub3A_248 = arith.subi %div3A_227, %sub3A_247 : i32
          %select_n3A_249 = arith.select %and3A_246, %sub3A_248, %div3A_227 : i32
          %mul3A_250 = arith.constant 16 : i32
          %mul3A_251 = arith.muli %select_n3A_249, %mul3A_250 : i32
          %sub3A_252 = arith.subi %while3A_225, %mul3A_251 : i32
          %eq3A_253 = vector.broadcast %sub3A_252 : i32 to vector<16xi32>
          %eq3A_254 = arith.cmpi eq, %iota3A, %eq3A_253 : vector<16xi32>
          %get3A_255 = arith.index_cast %mul3A_251 : i32 to index
          %get3A_256 = tpu.vector_load %arg7[%get3A_255] {strides = array<i32>} : memref<1040xi32, #tpu.memory_space<vmem>>, vector<16xi32>,
          %jit3A_257 = arith.constant 0 : i32
          %broadcast_in_dim3A = vector.broadcast %jit3A_257 : i32 to vector<16xi32>
          %select_n3A_258 = arith.select %eq3A_254, %get3A_256, %broadcast_in_dim3A : vector<16xi1>, vector<16xi32>
          %reduce_sum3A = arith.constant true
          %reduce_sum3A_259 = vector.broadcast %reduce_sum3A : i1 to vector<16xi1>
          %reduce_sum3A_260 = tpu.scan <sum>, %select_n3A_258 masked %reduce_sum3A_259 : vector<16xi32>, vector<16xi1> -> vector<16xi32>
          %reduce_sum3A_261 = vector.extract %reduce_sum3A_260[15] : i32 from vector<16xi32>
          %jit3A_262 = arith.constant 32768 : i32
          %div3A_263 = arith.divsi %reduce_sum3A_261, %jit3A_262 : i32
          %sign3A_264 = arith.constant 0 : i32
          %sign3A_265 = arith.cmpi sgt, %reduce_sum3A_261, %sign3A_264 : i32
          %sign3A_266 = arith.extui %sign3A_265 : i1 to i32
          %sign3A_267 = arith.constant 0 : i32
          %sign3A_268 = arith.cmpi slt, %reduce_sum3A_261, %sign3A_267 : i32
          %sign3A_269 = arith.extui %sign3A_268 : i1 to i32
          %sign3A_270 = arith.subi %sign3A_266, %sign3A_269 : i32
          %sign3A_271 = arith.constant 0 : i32
          %sign3A_272 = arith.cmpi sgt, %jit3A_262, %sign3A_271 : i32
          %sign3A_273 = arith.extui %sign3A_272 : i1 to i32
          %sign3A_274 = arith.constant 0 : i32
          %sign3A_275 = arith.cmpi slt, %jit3A_262, %sign3A_274 : i32
          %sign3A_276 = arith.extui %sign3A_275 : i1 to i32
          %sign3A_277 = arith.subi %sign3A_273, %sign3A_276 : i32
          %ne3A_278 = arith.cmpi ne, %sign3A_270, %sign3A_277 : i32
          %rem3A_279 = arith.remsi %reduce_sum3A_261, %jit3A_262 : i32
          %ne3A_280 = arith.constant 0 : i32
          %ne3A_281 = arith.cmpi ne, %rem3A_279, %ne3A_280 : i32
          %and3A_282 = arith.andi %ne3A_278, %ne3A_281 : i1
          %sub3A_283 = arith.constant 1 : i32
          %sub3A_284 = arith.subi %div3A_263, %sub3A_283 : i32
          %select_n3A_285 = arith.select %and3A_282, %sub3A_284, %div3A_263 : i32
          %and3A_286 = arith.constant 32767 : i32
          %and3A_287 = arith.andi %reduce_sum3A_261, %and3A_286 : i32
          %sub3A_288 = arith.subi %and3A_287, %mul3A_195 : i32
          %broadcast_in_dim3A_289 = arith.constant 0 : i32
          %broadcast_in_dim3A_290 = vector.broadcast %broadcast_in_dim3A_289 : i32 to vector<16xi32>
          %add3A_291 = vector.broadcast %sub3A_288 : i32 to vector<16xi32>
          %add3A_292 = arith.addi %add3A_291, %broadcast_in_dim3A_290 : vector<16xi32>
          %get3A_293 = arith.constant 0 : i32
          %get3A_294 = arith.index_cast %get3A_293 : i32 to index
          %get3A_295 = memref.load %arg12[%get3A_294] : memref<2xi32, #tpu.memory_space<smem>>
          %add3A_296 = arith.constant 0 : i32
          %add3A_297 = vector.broadcast %add3A_296 : i32 to vector<16xi32>
          %add3A_298 = arith.addi %iota3A, %add3A_297 : vector<16xi32>
          %gather3A = arith.constant 0 : i32
          %gather3A_299 = arith.constant 0 : i32
          %gather3A_300 = arith.constant 0 : i32
          %gather3A_301 = tpu.memref_slice %arg8[%gather3A, %gather3A_299, %gather3A_300] : memref<2x64x768xf32, #tpu.memory_space<vmem>> -> memref<1x64x768xf32, #tpu.memory_space<vmem>>
          %gather3A_302 = tpu.memref_squeeze %gather3A_301 : memref<1x64x768xf32, #tpu.memory_space<vmem>> -> memref<64x768xf32, #tpu.memory_space<vmem>>
          %gather3A_303 = tpu.vector_load_idx %gather3A_302[%add3A_298, %add3A_292] : memref<64x768xf32, #tpu.memory_space<vmem>>[vector<16xi32>, vector<16xi32>], vector<16xf32>,
          %swap3A_304 = arith.index_cast %get3A_295 : i32 to index
          %swap3A_305 = arith.constant 0 : index
          %swap3A_306 = tpu.vector_load %arg9[%swap3A_304, %swap3A_305] {strides = array<i32>} : memref<32x128xf32, #tpu.memory_space<vmem>>, vector<16xf32>,
          tpu.vector_store %arg9[%swap3A_304, %swap3A_305], %gather3A_303 {strides = array<i32>} : memref<32x128xf32, #tpu.memory_space<vmem>>, vector<16xf32>,
          %add3A_307 = arith.constant 16 : i32
          %add3A_308 = vector.broadcast %add3A_307 : i32 to vector<16xi32>
          %add3A_309 = arith.addi %iota3A, %add3A_308 : vector<16xi32>
          %gather3A_310 = arith.constant 0 : i32
          %gather3A_311 = arith.constant 0 : i32
          %gather3A_312 = arith.constant 0 : i32
          %gather3A_313 = tpu.memref_slice %arg8[%gather3A_310, %gather3A_311, %gather3A_312] : memref<2x64x768xf32, #tpu.memory_space<vmem>> -> memref<1x64x768xf32, #tpu.memory_space<vmem>>
          %gather3A_314 = tpu.memref_squeeze %gather3A_313 : memref<1x64x768xf32, #tpu.memory_space<vmem>> -> memref<64x768xf32, #tpu.memory_space<vmem>>
          %gather3A_315 = tpu.vector_load_idx %gather3A_314[%add3A_309, %add3A_292] : memref<64x768xf32, #tpu.memory_space<vmem>>[vector<16xi32>, vector<16xi32>], vector<16xf32>,
          %swap3A_316 = arith.index_cast %get3A_295 : i32 to index
          %swap3A_317 = arith.constant 16 : index
          %swap3A_318 = tpu.vector_load %arg9[%swap3A_316, %swap3A_317] {strides = array<i32>} : memref<32x128xf32, #tpu.memory_space<vmem>>, vector<16xf32>,
          tpu.vector_store %arg9[%swap3A_316, %swap3A_317], %gather3A_315 {strides = array<i32>} : memref<32x128xf32, #tpu.memory_space<vmem>>, vector<16xf32>,
          %add3A_319 = arith.constant 32 : i32
          %add3A_320 = vector.broadcast %add3A_319 : i32 to vector<16xi32>
          %add3A_321 = arith.addi %iota3A, %add3A_320 : vector<16xi32>
          %gather3A_322 = arith.constant 0 : i32
          %gather3A_323 = arith.constant 0 : i32
          %gather3A_324 = arith.constant 0 : i32
          %gather3A_325 = tpu.memref_slice %arg8[%gather3A_322, %gather3A_323, %gather3A_324] : memref<2x64x768xf32, #tpu.memory_space<vmem>> -> memref<1x64x768xf32, #tpu.memory_space<vmem>>
          %gather3A_326 = tpu.memref_squeeze %gather3A_325 : memref<1x64x768xf32, #tpu.memory_space<vmem>> -> memref<64x768xf32, #tpu.memory_space<vmem>>
          %gather3A_327 = tpu.vector_load_idx %gather3A_326[%add3A_321, %add3A_292] : memref<64x768xf32, #tpu.memory_space<vmem>>[vector<16xi32>, vector<16xi32>], vector<16xf32>,
          %swap3A_328 = arith.index_cast %get3A_295 : i32 to index
          %swap3A_329 = arith.constant 32 : index
          %swap3A_330 = tpu.vector_load %arg9[%swap3A_328, %swap3A_329] {strides = array<i32>} : memref<32x128xf32, #tpu.memory_space<vmem>>, vector<16xf32>,
          tpu.vector_store %arg9[%swap3A_328, %swap3A_329], %gather3A_327 {strides = array<i32>} : memref<32x128xf32, #tpu.memory_space<vmem>>, vector<16xf32>,
          %add3A_331 = arith.constant 48 : i32
          %add3A_332 = vector.broadcast %add3A_331 : i32 to vector<16xi32>
          %add3A_333 = arith.addi %iota3A, %add3A_332 : vector<16xi32>
          %gather3A_334 = arith.constant 0 : i32
          %gather3A_335 = arith.constant 0 : i32
          %gather3A_336 = arith.constant 0 : i32
          %gather3A_337 = tpu.memref_slice %arg8[%gather3A_334, %gather3A_335, %gather3A_336] : memref<2x64x768xf32, #tpu.memory_space<vmem>> -> memref<1x64x768xf32, #tpu.memory_space<vmem>>
          %gather3A_338 = tpu.memref_squeeze %gather3A_337 : memref<1x64x768xf32, #tpu.memory_space<vmem>> -> memref<64x768xf32, #tpu.memory_space<vmem>>
          %gather3A_339 = tpu.vector_load_idx %gather3A_338[%add3A_333, %add3A_292] : memref<64x768xf32, #tpu.memory_space<vmem>>[vector<16xi32>, vector<16xi32>], vector<16xf32>,
          %swap3A_340 = arith.index_cast %get3A_295 : i32 to index
          %swap3A_341 = arith.constant 48 : index
          %swap3A_342 = tpu.vector_load %arg9[%swap3A_340, %swap3A_341] {strides = array<i32>} : memref<32x128xf32, #tpu.memory_space<vmem>>, vector<16xf32>,
          tpu.vector_store %arg9[%swap3A_340, %swap3A_341], %gather3A_339 {strides = array<i32>} : memref<32x128xf32, #tpu.memory_space<vmem>>, vector<16xf32>,
          %broadcast_in_dim3A_343 = arith.constant 0 : i32
          %broadcast_in_dim3A_344 = vector.broadcast %broadcast_in_dim3A_343 : i32 to vector<16xi32>
          %add3A_345 = vector.broadcast %get3A_295 : i32 to vector<16xi32>
          %add3A_346 = arith.addi %add3A_345, %broadcast_in_dim3A_344 : vector<16xi32>
          %broadcast_in_dim3A_347 = arith.constant 0 : i32
          %broadcast_in_dim3A_348 = vector.broadcast %broadcast_in_dim3A_347 : i32 to vector<16xi32>
          %add3A_349 = vector.broadcast %select_n3A_285 : i32 to vector<16xi32>
          %add3A_350 = arith.addi %add3A_349, %broadcast_in_dim3A_348 : vector<16xi32>
          %eq3A_351 = arith.constant 0 : i32
          %eq3A_352 = vector.broadcast %eq3A_351 : i32 to vector<16xi32>
          %eq3A_353 = arith.cmpi eq, %iota3A, %eq3A_352 : vector<16xi32>
          tpu.vector_store_idx %arg11[%add3A_346], %add3A_350 masked %eq3A_353 : memref<32xi32, #tpu.memory_space<vmem>>[vector<16xi32>], vector<16xi32>, vector<16xi1>
          %eq3A_354 = arith.constant 31 : i32
          %eq3A_355 = arith.cmpi eq, %get3A_295, %eq3A_354 : i32
          %convert_element_type3A_356 = arith.extui %eq3A_355 : i1 to i32
          %cond3A_357 = arith.constant 0 : i32
          %cond3A_358 = arith.cmpi ne, %convert_element_type3A_356, %cond3A_357 : i32
          scf.if %cond3A_358 {
            %dma_start3A_366 = arith.constant 0 : i32
            %dma_start3A_367 = arith.constant 0 : i32
            %dma_start3A_368 = tpu.memref_slice %arg4[%dma_start3A_366, %dma_start3A_367] : memref<16416x128xf32, #tpu.memory_space<hbm>> -> memref<16416x128xf32, #tpu.memory_space<hbm>>
            tpu.enqueue_indirect_dma source(%arg9 : memref<32x128xf32, #tpu.memory_space<vmem>>) target(%dma_start3A_368 : memref<16416x128xf32, #tpu.memory_space<hbm>>) offsets(%arg11 : memref<32xi32, #tpu.memory_space<vmem>>) semaphore(%arg19 : memref<!tpu.dma_semaphore, #tpu.memory_space<semaphore_mem>>)
            %dma_wait3A_369 = arith.constant 0 : i32
            %dma_wait3A_370 = arith.constant 0 : i32
            %dma_wait3A_371 = tpu.memref_slice %arg4[%dma_wait3A_369, %dma_wait3A_370] : memref<16416x128xf32, #tpu.memory_space<hbm>> -> memref<16416x128xf32, #tpu.memory_space<hbm>>
            tpu.wait_indirect_dma semaphore(%arg19 : memref<!tpu.dma_semaphore, #tpu.memory_space<semaphore_mem>>) src(%arg9 : memref<32x128xf32, #tpu.memory_space<vmem>>) dst(%dma_wait3A_371 : memref<16416x128xf32, #tpu.memory_space<hbm>>)
          } else {
          }
          %add3A_359 = arith.constant 1 : i32
          %add3A_360 = arith.addi %get3A_295, %add3A_359 : i32
          %rem3A_361 = arith.constant 32 : i32
          %rem3A_362 = arith.remsi %add3A_360, %rem3A_361 : i32
          %swap3A_363 = arith.constant 0 : i32
          %swap3A_364 = arith.index_cast %swap3A_363 : i32 to index
          %swap3A_365 = memref.load %arg12[%swap3A_364] : memref<2xi32, #tpu.memory_space<smem>>
          memref.store %rem3A_362, %arg12[%swap3A_364] : memref<2xi32, #tpu.memory_space<smem>>
        }
        %while3A_220 = arith.constant 1 : i32
        scf.for %while3A_225 = %while3A_218 to %while3A_214 step %while3A_220  : i32 {
          %jit3A_226 = arith.constant 16 : i32
          %div3A_227 = arith.divsi %while3A_225, %jit3A_226 : i32
          %sign3A_228 = arith.constant 0 : i32
          %sign3A_229 = arith.cmpi sgt, %while3A_225, %sign3A_228 : i32
          %sign3A_230 = arith.extui %sign3A_229 : i1 to i32
          %sign3A_231 = arith.constant 0 : i32
          %sign3A_232 = arith.cmpi slt, %while3A_225, %sign3A_231 : i32
          %sign3A_233 = arith.extui %sign3A_232 : i1 to i32
          %sign3A_234 = arith.subi %sign3A_230, %sign3A_233 : i32
          %sign3A_235 = arith.constant 0 : i32
          %sign3A_236 = arith.cmpi sgt, %jit3A_226, %sign3A_235 : i32
          %sign3A_237 = arith.extui %sign3A_236 : i1 to i32
          %sign3A_238 = arith.constant 0 : i32
          %sign3A_239 = arith.cmpi slt, %jit3A_226, %sign3A_238 : i32
          %sign3A_240 = arith.extui %sign3A_239 : i1 to i32
          %sign3A_241 = arith.subi %sign3A_237, %sign3A_240 : i32
          %ne3A_242 = arith.cmpi ne, %sign3A_234, %sign3A_241 : i32
          %rem3A_243 = arith.remsi %while3A_225, %jit3A_226 : i32
          %ne3A_244 = arith.constant 0 : i32
          %ne3A_245 = arith.cmpi ne, %rem3A_243, %ne3A_244 : i32
          %and3A_246 = arith.andi %ne3A_242, %ne3A_245 : i1
          %sub3A_247 = arith.constant 1 : i32
          %sub3A_248 = arith.subi %div3A_227, %sub3A_247 : i32
          %select_n3A_249 = arith.select %and3A_246, %sub3A_248, %div3A_227 : i32
          %mul3A_250 = arith.constant 16 : i32
          %mul3A_251 = arith.muli %select_n3A_249, %mul3A_250 : i32
          %sub3A_252 = arith.subi %while3A_225, %mul3A_251 : i32
          %eq3A_253 = vector.broadcast %sub3A_252 : i32 to vector<16xi32>
          %eq3A_254 = arith.cmpi eq, %iota3A, %eq3A_253 : vector<16xi32>
          %get3A_255 = arith.index_cast %mul3A_251 : i32 to index
          %get3A_256 = tpu.vector_load %arg7[%get3A_255] {strides = array<i32>} : memref<1040xi32, #tpu.memory_space<vmem>>, vector<16xi32>,
          %jit3A_257 = arith.constant 0 : i32
          %broadcast_in_dim3A = vector.broadcast %jit3A_257 : i32 to vector<16xi32>
          %select_n3A_258 = arith.select %eq3A_254, %get3A_256, %broadcast_in_dim3A : vector<16xi1>, vector<16xi32>
          %reduce_sum3A = arith.constant true
          %reduce_sum3A_259 = vector.broadcast %reduce_sum3A : i1 to vector<16xi1>
          %reduce_sum3A_260 = tpu.scan <sum>, %select_n3A_258 masked %reduce_sum3A_259 : vector<16xi32>, vector<16xi1> -> vector<16xi32>
          %reduce_sum3A_261 = vector.extract %reduce_sum3A_260[15] : i32 from vector<16xi32>
          %jit3A_262 = arith.constant 32768 : i32
          %div3A_263 = arith.divsi %reduce_sum3A_261, %jit3A_262 : i32
          %sign3A_264 = arith.constant 0 : i32
          %sign3A_265 = arith.cmpi sgt, %reduce_sum3A_261, %sign3A_264 : i32
          %sign3A_266 = arith.extui %sign3A_265 : i1 to i32
          %sign3A_267 = arith.constant 0 : i32
          %sign3A_268 = arith.cmpi slt, %reduce_sum3A_261, %sign3A_267 : i32
          %sign3A_269 = arith.extui %sign3A_268 : i1 to i32
          %sign3A_270 = arith.subi %sign3A_266, %sign3A_269 : i32
          %sign3A_271 = arith.constant 0 : i32
          %sign3A_272 = arith.cmpi sgt, %jit3A_262, %sign3A_271 : i32
          %sign3A_273 = arith.extui %sign3A_272 : i1 to i32
          %sign3A_274 = arith.constant 0 : i32
          %sign3A_275 = arith.cmpi slt, %jit3A_262, %sign3A_274 : i32
          %sign3A_276 = arith.extui %sign3A_275 : i1 to i32
          %sign3A_277 = arith.subi %sign3A_273, %sign3A_276 : i32
          %ne3A_278 = arith.cmpi ne, %sign3A_270, %sign3A_277 : i32
          %rem3A_279 = arith.remsi %reduce_sum3A_261, %jit3A_262 : i32
          %ne3A_280 = arith.constant 0 : i32
          %ne3A_281 = arith.cmpi ne, %rem3A_279, %ne3A_280 : i32
          %and3A_282 = arith.andi %ne3A_278, %ne3A_281 : i1
          %sub3A_283 = arith.constant 1 : i32
          %sub3A_284 = arith.subi %div3A_263, %sub3A_283 : i32
          %select_n3A_285 = arith.select %and3A_282, %sub3A_284, %div3A_263 : i32
          %and3A_286 = arith.constant 32767 : i32
          %and3A_287 = arith.andi %reduce_sum3A_261, %and3A_286 : i32
          %sub3A_288 = arith.subi %and3A_287, %mul3A_195 : i32
          %broadcast_in_dim3A_289 = arith.constant 0 : i32
          %broadcast_in_dim3A_290 = vector.broadcast %broadcast_in_dim3A_289 : i32 to vector<16xi32>
          %add3A_291 = vector.broadcast %sub3A_288 : i32 to vector<16xi32>
          %add3A_292 = arith.addi %add3A_291, %broadcast_in_dim3A_290 : vector<16xi32>
          %get3A_293 = arith.constant 0 : i32
          %get3A_294 = arith.index_cast %get3A_293 : i32 to index
          %get3A_295 = memref.load %arg12[%get3A_294] : memref<2xi32, #tpu.memory_space<smem>>
          %add3A_296 = arith.constant 0 : i32
          %add3A_297 = vector.broadcast %add3A_296 : i32 to vector<16xi32>
          %add3A_298 = arith.addi %iota3A, %add3A_297 : vector<16xi32>
          %gather3A = arith.constant 0 : i32
          %gather3A_299 = arith.constant 0 : i32
          %gather3A_300 = arith.constant 0 : i32
          %gather3A_301 = tpu.memref_slice %arg8[%gather3A, %gather3A_299, %gather3A_300] : memref<2x64x768xf32, #tpu.memory_space<vmem>> -> memref<1x64x768xf32, #tpu.memory_space<vmem>>
          %gather3A_302 = tpu.memref_squeeze %gather3A_301 : memref<1x64x768xf32, #tpu.memory_space<vmem>> -> memref<64x768xf32, #tpu.memory_space<vmem>>
          %gather3A_303 = tpu.vector_load_idx %gather3A_302[%add3A_298, %add3A_292] : memref<64x768xf32, #tpu.memory_space<vmem>>[vector<16xi32>, vector<16xi32>], vector<16xf32>,
          %swap3A_304 = arith.index_cast %get3A_295 : i32 to index
          %swap3A_305 = arith.constant 0 : index
          %swap3A_306 = tpu.vector_load %arg9[%swap3A_304, %swap3A_305] {strides = array<i32>} : memref<32x128xf32, #tpu.memory_space<vmem>>, vector<16xf32>,
          tpu.vector_store %arg9[%swap3A_304, %swap3A_305], %gather3A_303 {strides = array<i32>} : memref<32x128xf32, #tpu.memory_space<vmem>>, vector<16xf32>,
          %add3A_307 = arith.constant 16 : i32
          %add3A_308 = vector.broadcast %add3A_307 : i32 to vector<16xi32>
          %add3A_309 = arith.addi %iota3A, %add3A_308 : vector<16xi32>
          %gather3A_310 = arith.constant 0 : i32
          %gather3A_311 = arith.constant 0 : i32
          %gather3A_312 = arith.constant 0 : i32
          %gather3A_313 = tpu.memref_slice %arg8[%gather3A_310, %gather3A_311, %gather3A_312] : memref<2x64x768xf32, #tpu.memory_space<vmem>> -> memref<1x64x768xf32, #tpu.memory_space<vmem>>
          %gather3A_314 = tpu.memref_squeeze %gather3A_313 : memref<1x64x768xf32, #tpu.memory_space<vmem>> -> memref<64x768xf32, #tpu.memory_space<vmem>>
          %gather3A_315 = tpu.vector_load_idx %gather3A_314[%add3A_309, %add3A_292] : memref<64x768xf32, #tpu.memory_space<vmem>>[vector<16xi32>, vector<16xi32>], vector<16xf32>,
          %swap3A_316 = arith.index_cast %get3A_295 : i32 to index
          %swap3A_317 = arith.constant 16 : index
          %swap3A_318 = tpu.vector_load %arg9[%swap3A_316, %swap3A_317] {strides = array<i32>} : memref<32x128xf32, #tpu.memory_space<vmem>>, vector<16xf32>,
          tpu.vector_store %arg9[%swap3A_316, %swap3A_317], %gather3A_315 {strides = array<i32>} : memref<32x128xf32, #tpu.memory_space<vmem>>, vector<16xf32>,
          %add3A_319 = arith.constant 32 : i32
          %add3A_320 = vector.broadcast %add3A_319 : i32 to vector<16xi32>
          %add3A_321 = arith.addi %iota3A, %add3A_320 : vector<16xi32>
          %gather3A_322 = arith.constant 0 : i32
          %gather3A_323 = arith.constant 0 : i32
          %gather3A_324 = arith.constant 0 : i32
          %gather3A_325 = tpu.memref_slice %arg8[%gather3A_322, %gather3A_323, %gather3A_324] : memref<2x64x768xf32, #tpu.memory_space<vmem>> -> memref<1x64x768xf32, #tpu.memory_space<vmem>>
          %gather3A_326 = tpu.memref_squeeze %gather3A_325 : memref<1x64x768xf32, #tpu.memory_space<vmem>> -> memref<64x768xf32, #tpu.memory_space<vmem>>
          %gather3A_327 = tpu.vector_load_idx %gather3A_326[%add3A_321, %add3A_292] : memref<64x768xf32, #tpu.memory_space<vmem>>[vector<16xi32>, vector<16xi32>], vector<16xf32>,
          %swap3A_328 = arith.index_cast %get3A_295 : i32 to index
          %swap3A_329 = arith.constant 32 : index
          %swap3A_330 = tpu.vector_load %arg9[%swap3A_328, %swap3A_329] {strides = array<i32>} : memref<32x128xf32, #tpu.memory_space<vmem>>, vector<16xf32>,
          tpu.vector_store %arg9[%swap3A_328, %swap3A_329], %gather3A_327 {strides = array<i32>} : memref<32x128xf32, #tpu.memory_space<vmem>>, vector<16xf32>,
          %add3A_331 = arith.constant 48 : i32
          %add3A_332 = vector.broadcast %add3A_331 : i32 to vector<16xi32>
          %add3A_333 = arith.addi %iota3A, %add3A_332 : vector<16xi32>
          %gather3A_334 = arith.constant 0 : i32
          %gather3A_335 = arith.constant 0 : i32
          %gather3A_336 = arith.constant 0 : i32
          %gather3A_337 = tpu.memref_slice %arg8[%gather3A_334, %gather3A_335, %gather3A_336] : memref<2x64x768xf32, #tpu.memory_space<vmem>> -> memref<1x64x768xf32, #tpu.memory_space<vmem>>
          %gather3A_338 = tpu.memref_squeeze %gather3A_337 : memref<1x64x768xf32, #tpu.memory_space<vmem>> -> memref<64x768xf32, #tpu.memory_space<vmem>>
          %gather3A_339 = tpu.vector_load_idx %gather3A_338[%add3A_333, %add3A_292] : memref<64x768xf32, #tpu.memory_space<vmem>>[vector<16xi32>, vector<16xi32>], vector<16xf32>,
          %swap3A_340 = arith.index_cast %get3A_295 : i32 to index
          %swap3A_341 = arith.constant 48 : index
          %swap3A_342 = tpu.vector_load %arg9[%swap3A_340, %swap3A_341] {strides = array<i32>} : memref<32x128xf32, #tpu.memory_space<vmem>>, vector<16xf32>,
          tpu.vector_store %arg9[%swap3A_340, %swap3A_341], %gather3A_339 {strides = array<i32>} : memref<32x128xf32, #tpu.memory_space<vmem>>, vector<16xf32>,
          %broadcast_in_dim3A_343 = arith.constant 0 : i32
          %broadcast_in_dim3A_344 = vector.broadcast %broadcast_in_dim3A_343 : i32 to vector<16xi32>
          %add3A_345 = vector.broadcast %get3A_295 : i32 to vector<16xi32>
          %add3A_346 = arith.addi %add3A_345, %broadcast_in_dim3A_344 : vector<16xi32>
          %broadcast_in_dim3A_347 = arith.constant 0 : i32
          %broadcast_in_dim3A_348 = vector.broadcast %broadcast_in_dim3A_347 : i32 to vector<16xi32>
          %add3A_349 = vector.broadcast %select_n3A_285 : i32 to vector<16xi32>
          %add3A_350 = arith.addi %add3A_349, %broadcast_in_dim3A_348 : vector<16xi32>
          %eq3A_351 = arith.constant 0 : i32
          %eq3A_352 = vector.broadcast %eq3A_351 : i32 to vector<16xi32>
          %eq3A_353 = arith.cmpi eq, %iota3A, %eq3A_352 : vector<16xi32>
          tpu.vector_store_idx %arg11[%add3A_346], %add3A_350 masked %eq3A_353 : memref<32xi32, #tpu.memory_space<vmem>>[vector<16xi32>], vector<16xi32>, vector<16xi1>
          %eq3A_354 = arith.constant 31 : i32
          %eq3A_355 = arith.cmpi eq, %get3A_295, %eq3A_354 : i32
          %convert_element_type3A_356 = arith.extui %eq3A_355 : i1 to i32
          %cond3A_357 = arith.constant 0 : i32
          %cond3A_358 = arith.cmpi ne, %convert_element_type3A_356, %cond3A_357 : i32
          scf.if %cond3A_358 {
            %dma_start3A_366 = arith.constant 0 : i32
            %dma_start3A_367 = arith.constant 0 : i32
            %dma_start3A_368 = tpu.memref_slice %arg4[%dma_start3A_366, %dma_start3A_367] : memref<16416x128xf32, #tpu.memory_space<hbm>> -> memref<16416x128xf32, #tpu.memory_space<hbm>>
            tpu.enqueue_indirect_dma source(%arg9 : memref<32x128xf32, #tpu.memory_space<vmem>>) target(%dma_start3A_368 : memref<16416x128xf32, #tpu.memory_space<hbm>>) offsets(%arg11 : memref<32xi32, #tpu.memory_space<vmem>>) semaphore(%arg19 : memref<!tpu.dma_semaphore, #tpu.memory_space<semaphore_mem>>)
            %dma_wait3A_369 = arith.constant 0 : i32
            %dma_wait3A_370 = arith.constant 0 : i32
            %dma_wait3A_371 = tpu.memref_slice %arg4[%dma_wait3A_369, %dma_wait3A_370] : memref<16416x128xf32, #tpu.memory_space<hbm>> -> memref<16416x128xf32, #tpu.memory_space<hbm>>
            tpu.wait_indirect_dma semaphore(%arg19 : memref<!tpu.dma_semaphore, #tpu.memory_space<semaphore_mem>>) src(%arg9 : memref<32x128xf32, #tpu.memory_space<vmem>>) dst(%dma_wait3A_371 : memref<16416x128xf32, #tpu.memory_space<hbm>>)
          } else {
          }
          %add3A_359 = arith.constant 1 : i32
          %add3A_360 = arith.addi %get3A_295, %add3A_359 : i32
          %rem3A_361 = arith.constant 32 : i32
          %rem3A_362 = arith.remsi %add3A_360, %rem3A_361 : i32
          %swap3A_363 = arith.constant 0 : i32
          %swap3A_364 = arith.index_cast %swap3A_363 : i32 to index
          %swap3A_365 = memref.load %arg12[%swap3A_364] : memref<2xi32, #tpu.memory_space<smem>>
          memref.store %rem3A_362, %arg12[%swap3A_364] : memref<2xi32, #tpu.memory_space<smem>>
        }
        %swap3A_221 = arith.constant 0 : i32
        %swap3A_222 = arith.constant 1 : i32
        %swap3A_223 = arith.index_cast %swap3A_222 : i32 to index
        %swap3A_224 = memref.load %arg12[%swap3A_223] : memref<2xi32, #tpu.memory_space<smem>>
        memref.store %swap3A_221, %arg12[%swap3A_223] : memref<2xi32, #tpu.memory_space<smem>>
      } else {
      }
      %add3A_137 = arith.constant 2 : i32
      %add3A_138 = arith.addi %add3A_117, %add3A_137 : i32
      %add3A_139 = arith.addi %mul3A_2, %add3A_138 : i32
      %lt3A_140 = arith.cmpi slt, %add3A_138, %sub3A : i32
      %lt3A_141 = arith.constant 1302 : i32
      %lt3A_142 = arith.cmpi slt, %add3A_139, %lt3A_141 : i32
      %and3A_143 = arith.andi %lt3A_140, %lt3A_142 : i1
      %convert_element_type3A_144 = arith.extui %and3A_143 : i1 to i32
      %cond3A_145 = arith.constant 0 : i32
      %cond3A_146 = arith.cmpi ne, %convert_element_type3A_144, %cond3A_145 : i32
      scf.if %cond3A_146 {
        %mul3A_194 = arith.constant 768 : i32
        %mul3A_195 = arith.muli %add3A_139, %mul3A_194 : i32
        %dma_start3A_196 = arith.constant 0 : i32
        %dma_start3A_197 = arith.constant 0 : i32
        %dma_start3A_198 = arith.constant 0 : i32
        %dma_start3A_199 = tpu.memref_slice %arg8[%dma_start3A_196, %dma_start3A_197, %dma_start3A_198] : memref<2x64x768xf32, #tpu.memory_space<vmem>> -> memref<1x64x384xf32, #tpu.memory_space<vmem>>
        %dma_start3A_200 = tpu.memref_squeeze %dma_start3A_199 : memref<1x64x384xf32, #tpu.memory_space<vmem>> -> memref<64x384xf32, #tpu.memory_space<vmem>>
        %dma_start3A_201 = arith.constant 0 : i32
        %dma_start3A_202 = tpu.memref_slice %arg3[%dma_start3A_201, %mul3A_195] : memref<64x1000000xf32, #tpu.memory_space<hbm>> -> memref<64x384xf32, #tpu.memory_space<hbm>>
        %dma_start3A_203 = arith.constant 0 : i32
        %dma_start3A_204 = arith.constant 0 : i32
        %dma_start3A_205 = tpu.memref_slice %arg8[%dma_start3A_196, %dma_start3A_203, %dma_start3A_204] : memref<2x64x768xf32, #tpu.memory_space<vmem>> -> memref<1x64x384xf32, #tpu.memory_space<vmem>>
        %dma_start3A_206 = tpu.memref_squeeze %dma_start3A_205 : memref<1x64x384xf32, #tpu.memory_space<vmem>> -> memref<64x384xf32, #tpu.memory_space<vmem>>
        %dma_start3A_207 = arith.constant 0 : i32
        %dma_start3A_208 = tpu.memref_slice %arg3[%dma_start3A_207, %mul3A_195] : memref<64x1000000xf32, #tpu.memory_space<hbm>> -> memref<64x384xf32, #tpu.memory_space<hbm>>
        tpu.enqueue_dma source(%dma_start3A_208 : memref<64x384xf32, #tpu.memory_space<hbm>>) target(%dma_start3A_206 : memref<64x384xf32, #tpu.memory_space<vmem>>) target_semaphore(%arg15 : memref<!tpu.dma_semaphore, #tpu.memory_space<semaphore_mem>>)
        %mul3A_209 = arith.constant 768 : i32
        %mul3A_210 = arith.muli %add3A_139, %mul3A_209 : i32
        %add3A_211 = arith.constant 384 : i32
        %add3A_212 = arith.addi %mul3A_210, %add3A_211 : i32
        %dma_start3A_213 = arith.constant 0 : i32
        %dma_start3A_214 = arith.constant 0 : i32
        %dma_start3A_215 = arith.constant 384 : i32
        %dma_start3A_216 = tpu.memref_slice %arg8[%dma_start3A_213, %dma_start3A_214, %dma_start3A_215] : memref<2x64x768xf32, #tpu.memory_space<vmem>> -> memref<1x64x384xf32, #tpu.memory_space<vmem>>
        %dma_start3A_217 = tpu.memref_squeeze %dma_start3A_216 : memref<1x64x384xf32, #tpu.memory_space<vmem>> -> memref<64x384xf32, #tpu.memory_space<vmem>>
        %dma_start3A_218 = arith.constant 0 : i32
        %dma_start3A_219 = tpu.memref_slice %arg3[%dma_start3A_218, %add3A_212] : memref<64x1000000xf32, #tpu.memory_space<hbm>> -> memref<64x384xf32, #tpu.memory_space<hbm>>
        %dma_start3A_220 = arith.constant 0 : i32
        %dma_start3A_221 = arith.constant 384 : i32
        %dma_start3A_222 = tpu.memref_slice %arg8[%dma_start3A_213, %dma_start3A_220, %dma_start3A_221] : memref<2x64x768xf32, #tpu.memory_space<vmem>> -> memref<1x64x384xf32, #tpu.memory_space<vmem>>
        %dma_start3A_223 = tpu.memref_squeeze %dma_start3A_222 : memref<1x64x384xf32, #tpu.memory_space<vmem>> -> memref<64x384xf32, #tpu.memory_space<vmem>>
        %dma_start3A_224 = arith.constant 0 : i32
        %dma_start3A_225 = tpu.memref_slice %arg3[%dma_start3A_224, %add3A_212] : memref<64x1000000xf32, #tpu.memory_space<hbm>> -> memref<64x384xf32, #tpu.memory_space<hbm>>
        tpu.enqueue_dma source(%dma_start3A_225 : memref<64x384xf32, #tpu.memory_space<hbm>>) target(%dma_start3A_223 : memref<64x384xf32, #tpu.memory_space<vmem>>) target_semaphore(%arg16 : memref<!tpu.dma_semaphore, #tpu.memory_space<semaphore_mem>>)
      } else {
      }
      %lt3A_147 = arith.cmpi slt, %add3A_138, %sub3A : i32
      %eq3A_148 = arith.constant 1302 : i32
      %eq3A_149 = arith.cmpi eq, %add3A_139, %eq3A_148 : i32
      %and3A_150 = arith.andi %lt3A_147, %eq3A_149 : i1
      %convert_element_type3A_151 = arith.extui %and3A_150 : i1 to i32
      %cond3A_152 = arith.constant 0 : i32
      %cond3A_153 = arith.cmpi ne, %convert_element_type3A_151, %cond3A_152 : i32
      scf.if %cond3A_153 {
        %dma_start3A_194 = arith.constant 0 : i32
        %dma_start3A_195 = arith.constant 999936 : i32
        %dma_start3A_196 = tpu.memref_slice %arg3[%dma_start3A_194, %dma_start3A_195] : memref<64x1000000xf32, #tpu.memory_space<hbm>> -> memref<64x64xf32, #tpu.memory_space<hbm>>
        %dma_start3A_197 = arith.constant 0 : i32
        %dma_start3A_198 = arith.constant 999936 : i32
        %dma_start3A_199 = tpu.memref_slice %arg3[%dma_start3A_197, %dma_start3A_198] : memref<64x1000000xf32, #tpu.memory_space<hbm>> -> memref<64x64xf32, #tpu.memory_space<hbm>>
        tpu.enqueue_dma source(%dma_start3A_199 : memref<64x64xf32, #tpu.memory_space<hbm>>) target(%arg10 : memref<64x64xf32, #tpu.memory_space<vmem>>) target_semaphore(%arg15 : memref<!tpu.dma_semaphore, #tpu.memory_space<semaphore_mem>>)
      } else {
      }
      %mul3A_154 = arith.constant 2 : i32
      %mul3A_155 = arith.muli %scan3A_113, %mul3A_154 : i32
      %add3A_156 = arith.constant 1 : i32
      %add3A_157 = arith.addi %mul3A_155, %add3A_156 : i32
      %add3A_158 = arith.addi %mul3A_2, %add3A_157 : i32
      %lt3A_159 = arith.cmpi slt, %add3A_157, %sub3A : i32
      %lt3A_160 = arith.constant 1302 : i32
      %lt3A_161 = arith.cmpi slt, %add3A_158, %lt3A_160 : i32
      %and3A_162 = arith.andi %lt3A_159, %lt3A_161 : i1
      %convert_element_type3A_163 = arith.extui %and3A_162 : i1 to i32
      %cond3A_164 = arith.constant 0 : i32
      %cond3A_165 = arith.cmpi ne, %convert_element_type3A_163, %cond3A_164 : i32
      scf.if %cond3A_165 {
        %mul3A_194 = arith.constant 768 : i32
        %mul3A_195 = arith.muli %add3A_158, %mul3A_194 : i32
        %dma_wait3A_196 = arith.constant 1 : i32
        %dma_wait3A_197 = arith.constant 0 : i32
        %dma_wait3A_198 = arith.constant 0 : i32
        %dma_wait3A_199 = tpu.memref_slice %arg8[%dma_wait3A_196, %dma_wait3A_197, %dma_wait3A_198] : memref<2x64x768xf32, #tpu.memory_space<vmem>> -> memref<1x64x384xf32, #tpu.memory_space<vmem>>
        %dma_wait3A_200 = tpu.memref_squeeze %dma_wait3A_199 : memref<1x64x384xf32, #tpu.memory_space<vmem>> -> memref<64x384xf32, #tpu.memory_space<vmem>>
        %dma_wait3A_201 = arith.constant 0 : i32
        %dma_wait3A_202 = tpu.memref_slice %arg3[%dma_wait3A_201, %mul3A_195] : memref<64x1000000xf32, #tpu.memory_space<hbm>> -> memref<64x384xf32, #tpu.memory_space<hbm>>
        %dma_wait3A_203 = arith.constant 0 : i32
        %dma_wait3A_204 = arith.constant 0 : i32
        %dma_wait3A_205 = tpu.memref_slice %arg8[%dma_wait3A_196, %dma_wait3A_203, %dma_wait3A_204] : memref<2x64x768xf32, #tpu.memory_space<vmem>> -> memref<1x64x384xf32, #tpu.memory_space<vmem>>
        %dma_wait3A_206 = tpu.memref_squeeze %dma_wait3A_205 : memref<1x64x384xf32, #tpu.memory_space<vmem>> -> memref<64x384xf32, #tpu.memory_space<vmem>>
        %dma_wait3A_207 = arith.constant 0 : i32
        %dma_wait3A_208 = tpu.memref_slice %arg3[%dma_wait3A_207, %mul3A_195] : memref<64x1000000xf32, #tpu.memory_space<hbm>> -> memref<64x384xf32, #tpu.memory_space<hbm>>
        tpu.wait_dma2 semaphore(%arg17 : memref<!tpu.dma_semaphore, #tpu.memory_space<semaphore_mem>>) src(%dma_wait3A_208 : memref<64x384xf32, #tpu.memory_space<hbm>>) dst(%dma_wait3A_206 : memref<64x384xf32, #tpu.memory_space<vmem>>)
        %mul3A_209 = arith.constant 768 : i32
        %mul3A_210 = arith.muli %add3A_158, %mul3A_209 : i32
        %add3A_211 = arith.constant 384 : i32
        %add3A_212 = arith.addi %mul3A_210, %add3A_211 : i32
        %dma_wait3A_213 = arith.constant 1 : i32
        %dma_wait3A_214 = arith.constant 0 : i32
        %dma_wait3A_215 = arith.constant 384 : i32
        %dma_wait3A_216 = tpu.memref_slice %arg8[%dma_wait3A_213, %dma_wait3A_214, %dma_wait3A_215] : memref<2x64x768xf32, #tpu.memory_space<vmem>> -> memref<1x64x384xf32, #tpu.memory_space<vmem>>
        %dma_wait3A_217 = tpu.memref_squeeze %dma_wait3A_216 : memref<1x64x384xf32, #tpu.memory_space<vmem>> -> memref<64x384xf32, #tpu.memory_space<vmem>>
        %dma_wait3A_218 = arith.constant 0 : i32
        %dma_wait3A_219 = tpu.memref_slice %arg3[%dma_wait3A_218, %add3A_212] : memref<64x1000000xf32, #tpu.memory_space<hbm>> -> memref<64x384xf32, #tpu.memory_space<hbm>>
        %dma_wait3A_220 = arith.constant 0 : i32
        %dma_wait3A_221 = arith.constant 384 : i32
        %dma_wait3A_222 = tpu.memref_slice %arg8[%dma_wait3A_213, %dma_wait3A_220, %dma_wait3A_221] : memref<2x64x768xf32, #tpu.memory_space<vmem>> -> memref<1x64x384xf32, #tpu.memory_space<vmem>>
        %dma_wait3A_223 = tpu.memref_squeeze %dma_wait3A_222 : memref<1x64x384xf32, #tpu.memory_space<vmem>> -> memref<64x384xf32, #tpu.memory_space<vmem>>
        %dma_wait3A_224 = arith.constant 0 : i32
        %dma_wait3A_225 = tpu.memref_slice %arg3[%dma_wait3A_224, %add3A_212] : memref<64x1000000xf32, #tpu.memory_space<hbm>> -> memref<64x384xf32, #tpu.memory_space<hbm>>
        tpu.wait_dma2 semaphore(%arg18 : memref<!tpu.dma_semaphore, #tpu.memory_space<semaphore_mem>>) src(%dma_wait3A_225 : memref<64x384xf32, #tpu.memory_space<hbm>>) dst(%dma_wait3A_223 : memref<64x384xf32, #tpu.memory_space<vmem>>)
      } else {
      }
      %lt3A_166 = arith.cmpi slt, %add3A_157, %sub3A : i32
      %eq3A_167 = arith.constant 1302 : i32
      %eq3A_168 = arith.cmpi eq, %add3A_158, %eq3A_167 : i32
      %and3A_169 = arith.andi %lt3A_166, %eq3A_168 : i1
      %convert_element_type3A_170 = arith.extui %and3A_169 : i1 to i32
      %cond3A_171 = arith.constant 0 : i32
      %cond3A_172 = arith.cmpi ne, %convert_element_type3A_170, %cond3A_171 : i32
      scf.if %cond3A_172 {
        %dma_wait3A_194 = arith.constant 0 : i32
        %dma_wait3A_195 = arith.constant 999936 : i32
        %dma_wait3A_196 = tpu.memref_slice %arg3[%dma_wait3A_194, %dma_wait3A_195] : memref<64x1000000xf32, #tpu.memory_space<hbm>> -> memref<64x64xf32, #tpu.memory_space<hbm>>
        %dma_wait3A_197 = arith.constant 0 : i32
        %dma_wait3A_198 = arith.constant 999936 : i32
        %dma_wait3A_199 = tpu.memref_slice %arg3[%dma_wait3A_197, %dma_wait3A_198] : memref<64x1000000xf32, #tpu.memory_space<hbm>> -> memref<64x64xf32, #tpu.memory_space<hbm>>
        tpu.wait_dma2 semaphore(%arg17 : memref<!tpu.dma_semaphore, #tpu.memory_space<semaphore_mem>>) src(%dma_wait3A_199 : memref<64x64xf32, #tpu.memory_space<hbm>>) dst(%arg10 : memref<64x64xf32, #tpu.memory_space<vmem>>)
        %scan3A_200 = arith.constant 0 : i32
        %scan3A_201 = arith.constant 0 : i32
        %scan3A_202 = arith.constant 64 : i32
        %scan3A_203 = arith.addi %scan3A_201, %scan3A_202 : i32
        %scan3A_204 = arith.constant 1 : i32
        scf.for %scan3A_206 = %scan3A_201 to %scan3A_203 step %scan3A_204  : i32 {
          %get3A = arith.index_cast %scan3A_206 : i32 to index
          %get3A_207 = arith.constant 0 : index
          %get3A_208 = tpu.vector_load %arg10[%get3A, %get3A_207] {strides = array<i32>} : memref<64x64xf32, #tpu.memory_space<vmem>>, vector<16xf32>,
          %swap3A_209 = arith.constant 1 : i32
          %swap3A_210 = arith.index_cast %swap3A_209 : i32 to index
          %swap3A_211 = arith.index_cast %scan3A_206 : i32 to index
          %swap3A_212 = arith.constant 0 : index
          %swap3A_213 = tpu.vector_load %arg8[%swap3A_210, %swap3A_211, %swap3A_212] {strides = array<i32>} : memref<2x64x768xf32, #tpu.memory_space<vmem>>, vector<16xf32>,
          tpu.vector_store %arg8[%swap3A_210, %swap3A_211, %swap3A_212], %get3A_208 {strides = array<i32>} : memref<2x64x768xf32, #tpu.memory_space<vmem>>, vector<16xf32>,
          %get3A_214 = arith.index_cast %scan3A_206 : i32 to index
          %get3A_215 = arith.constant 16 : index
          %get3A_216 = tpu.vector_load %arg10[%get3A_214, %get3A_215] {strides = array<i32>} : memref<64x64xf32, #tpu.memory_space<vmem>>, vector<16xf32>,
          %swap3A_217 = arith.constant 1 : i32
          %swap3A_218 = arith.index_cast %swap3A_217 : i32 to index
          %swap3A_219 = arith.index_cast %scan3A_206 : i32 to index
          %swap3A_220 = arith.constant 16 : index
          %swap3A_221 = tpu.vector_load %arg8[%swap3A_218, %swap3A_219, %swap3A_220] {strides = array<i32>} : memref<2x64x768xf32, #tpu.memory_space<vmem>>, vector<16xf32>,
          tpu.vector_store %arg8[%swap3A_218, %swap3A_219, %swap3A_220], %get3A_216 {strides = array<i32>} : memref<2x64x768xf32, #tpu.memory_space<vmem>>, vector<16xf32>,
          %get3A_222 = arith.index_cast %scan3A_206 : i32 to index
          %get3A_223 = arith.constant 32 : index
          %get3A_224 = tpu.vector_load %arg10[%get3A_222, %get3A_223] {strides = array<i32>} : memref<64x64xf32, #tpu.memory_space<vmem>>, vector<16xf32>,
          %swap3A_225 = arith.constant 1 : i32
          %swap3A_226 = arith.index_cast %swap3A_225 : i32 to index
          %swap3A_227 = arith.index_cast %scan3A_206 : i32 to index
          %swap3A_228 = arith.constant 32 : index
          %swap3A_229 = tpu.vector_load %arg8[%swap3A_226, %swap3A_227, %swap3A_228] {strides = array<i32>} : memref<2x64x768xf32, #tpu.memory_space<vmem>>, vector<16xf32>,
          tpu.vector_store %arg8[%swap3A_226, %swap3A_227, %swap3A_228], %get3A_224 {strides = array<i32>} : memref<2x64x768xf32, #tpu.memory_space<vmem>>, vector<16xf32>,
          %get3A_230 = arith.index_cast %scan3A_206 : i32 to index
          %get3A_231 = arith.constant 48 : index
          %get3A_232 = tpu.vector_load %arg10[%get3A_230, %get3A_231] {strides = array<i32>} : memref<64x64xf32, #tpu.memory_space<vmem>>, vector<16xf32>,
          %swap3A_233 = arith.constant 1 : i32
          %swap3A_234 = arith.index_cast %swap3A_233 : i32 to index
          %swap3A_235 = arith.index_cast %scan3A_206 : i32 to index
          %swap3A_236 = arith.constant 48 : index
          %swap3A_237 = tpu.vector_load %arg8[%swap3A_234, %swap3A_235, %swap3A_236] {strides = array<i32>} : memref<2x64x768xf32, #tpu.memory_space<vmem>>, vector<16xf32>,
          tpu.vector_store %arg8[%swap3A_234, %swap3A_235, %swap3A_236], %get3A_232 {strides = array<i32>} : memref<2x64x768xf32, #tpu.memory_space<vmem>>, vector<16xf32>,
        }
        %scan3A_205 = arith.constant 64 : i32
      } else {
      }
      %lt3A_173 = arith.cmpi slt, %add3A_157, %sub3A : i32
      %convert_element_type3A_174 = arith.extui %lt3A_173 : i1 to i32
      %cond3A_175 = arith.constant 0 : i32
      %cond3A_176 = arith.cmpi ne, %convert_element_type3A_174, %cond3A_175 : i32
      scf.if %cond3A_176 {
        %mul3A_194 = arith.constant 768 : i32
        %mul3A_195 = arith.muli %add3A_157, %mul3A_194 : i32
        %swap3A_196 = arith.constant 0 : i32
        %swap3A_197 = arith.constant 1 : i32
        %swap3A_198 = arith.index_cast %swap3A_197 : i32 to index
        %swap3A_199 = memref.load %arg12[%swap3A_198] : memref<2xi32, #tpu.memory_space<smem>>
        memref.store %swap3A_196, %arg12[%swap3A_198] : memref<2xi32, #tpu.memory_space<smem>>
        %while3A = arith.constant 0 : i32
        %while3A_200 = arith.constant 0 : i32
        %while3A_201 = arith.subi %select_n3A, %while3A_200 : i32
        %while3A_202 = arith.addi %while3A_200, %while3A_201 : i32
        %while3A_203 = arith.constant 1 : i32
        %while3A_204 = arith.divsi %while3A_201, %while3A_203 : i32
        %while3A_205 = arith.muli %while3A_204, %while3A_203 : i32
        %while3A_206 = arith.addi %while3A_200, %while3A_205 : i32
        %while3A_207 = arith.constant 1 : i32
        scf.for %while3A_225 = %while3A_200 to %while3A_206 step %while3A_207  : i32 {
          %get3A_226 = arith.constant 1 : i32
          %get3A_227 = arith.index_cast %get3A_226 : i32 to index
          %get3A_228 = memref.load %arg12[%get3A_227] : memref<2xi32, #tpu.memory_space<smem>>
          %add3A_229 = arith.constant 16 : i32
          %add3A_230 = arith.addi %get3A_228, %add3A_229 : i32
          %gt3A_231 = arith.constant 1024 : i32
          %gt3A_232 = arith.cmpi sgt, %add3A_230, %gt3A_231 : i32
          %convert_element_type3A_233 = arith.extui %gt3A_232 : i1 to i32
          %cond3A_234 = arith.constant 0 : i32
          %cond3A_235 = arith.cmpi ne, %convert_element_type3A_233, %cond3A_234 : i32
          scf.if %cond3A_235 {
            %get3A_268 = arith.constant 1 : i32
            %get3A_269 = arith.index_cast %get3A_268 : i32 to index
            %get3A_270 = memref.load %arg12[%get3A_269] : memref<2xi32, #tpu.memory_space<smem>>
            %while3A_271 = arith.constant 0 : i32
            %while3A_272 = arith.constant 0 : i32
            %while3A_273 = arith.subi %get3A_270, %while3A_272 : i32
            %while3A_274 = arith.addi %while3A_272, %while3A_273 : i32
            %while3A_275 = arith.constant 1 : i32
            %while3A_276 = arith.divsi %while3A_273, %while3A_275 : i32
            %while3A_277 = arith.muli %while3A_276, %while3A_275 : i32
            %while3A_278 = arith.addi %while3A_272, %while3A_277 : i32
            %while3A_279 = arith.constant 1 : i32
            scf.for %while3A_285 = %while3A_272 to %while3A_278 step %while3A_279  : i32 {
              %jit3A_286 = arith.constant 16 : i32
              %div3A_287 = arith.divsi %while3A_285, %jit3A_286 : i32
              %sign3A_288 = arith.constant 0 : i32
              %sign3A_289 = arith.cmpi sgt, %while3A_285, %sign3A_288 : i32
              %sign3A_290 = arith.extui %sign3A_289 : i1 to i32
              %sign3A_291 = arith.constant 0 : i32
              %sign3A_292 = arith.cmpi slt, %while3A_285, %sign3A_291 : i32
              %sign3A_293 = arith.extui %sign3A_292 : i1 to i32
              %sign3A_294 = arith.subi %sign3A_290, %sign3A_293 : i32
              %sign3A_295 = arith.constant 0 : i32
              %sign3A_296 = arith.cmpi sgt, %jit3A_286, %sign3A_295 : i32
              %sign3A_297 = arith.extui %sign3A_296 : i1 to i32
              %sign3A_298 = arith.constant 0 : i32
              %sign3A_299 = arith.cmpi slt, %jit3A_286, %sign3A_298 : i32
              %sign3A_300 = arith.extui %sign3A_299 : i1 to i32
              %sign3A_301 = arith.subi %sign3A_297, %sign3A_300 : i32
              %ne3A_302 = arith.cmpi ne, %sign3A_294, %sign3A_301 : i32
              %rem3A_303 = arith.remsi %while3A_285, %jit3A_286 : i32
              %ne3A_304 = arith.constant 0 : i32
              %ne3A_305 = arith.cmpi ne, %rem3A_303, %ne3A_304 : i32
              %and3A_306 = arith.andi %ne3A_302, %ne3A_305 : i1
              %sub3A_307 = arith.constant 1 : i32
              %sub3A_308 = arith.subi %div3A_287, %sub3A_307 : i32
              %select_n3A_309 = arith.select %and3A_306, %sub3A_308, %div3A_287 : i32
              %mul3A_310 = arith.constant 16 : i32
              %mul3A_311 = arith.muli %select_n3A_309, %mul3A_310 : i32
              %sub3A_312 = arith.subi %while3A_285, %mul3A_311 : i32
              %eq3A_313 = vector.broadcast %sub3A_312 : i32 to vector<16xi32>
              %eq3A_314 = arith.cmpi eq, %iota3A, %eq3A_313 : vector<16xi32>
              %get3A_315 = arith.index_cast %mul3A_311 : i32 to index
              %get3A_316 = tpu.vector_load %arg7[%get3A_315] {strides = array<i32>} : memref<1040xi32, #tpu.memory_space<vmem>>, vector<16xi32>,
              %jit3A_317 = arith.constant 0 : i32
              %broadcast_in_dim3A = vector.broadcast %jit3A_317 : i32 to vector<16xi32>
              %select_n3A_318 = arith.select %eq3A_314, %get3A_316, %broadcast_in_dim3A : vector<16xi1>, vector<16xi32>
              %reduce_sum3A = arith.constant true
              %reduce_sum3A_319 = vector.broadcast %reduce_sum3A : i1 to vector<16xi1>
              %reduce_sum3A_320 = tpu.scan <sum>, %select_n3A_318 masked %reduce_sum3A_319 : vector<16xi32>, vector<16xi1> -> vector<16xi32>
              %reduce_sum3A_321 = vector.extract %reduce_sum3A_320[15] : i32 from vector<16xi32>
              %jit3A_322 = arith.constant 32768 : i32
              %div3A_323 = arith.divsi %reduce_sum3A_321, %jit3A_322 : i32
              %sign3A_324 = arith.constant 0 : i32
              %sign3A_325 = arith.cmpi sgt, %reduce_sum3A_321, %sign3A_324 : i32
              %sign3A_326 = arith.extui %sign3A_325 : i1 to i32
              %sign3A_327 = arith.constant 0 : i32
              %sign3A_328 = arith.cmpi slt, %reduce_sum3A_321, %sign3A_327 : i32
              %sign3A_329 = arith.extui %sign3A_328 : i1 to i32
              %sign3A_330 = arith.subi %sign3A_326, %sign3A_329 : i32
              %sign3A_331 = arith.constant 0 : i32
              %sign3A_332 = arith.cmpi sgt, %jit3A_322, %sign3A_331 : i32
              %sign3A_333 = arith.extui %sign3A_332 : i1 to i32
              %sign3A_334 = arith.constant 0 : i32
              %sign3A_335 = arith.cmpi slt, %jit3A_322, %sign3A_334 : i32
              %sign3A_336 = arith.extui %sign3A_335 : i1 to i32
              %sign3A_337 = arith.subi %sign3A_333, %sign3A_336 : i32
              %ne3A_338 = arith.cmpi ne, %sign3A_330, %sign3A_337 : i32
              %rem3A_339 = arith.remsi %reduce_sum3A_321, %jit3A_322 : i32
              %ne3A_340 = arith.constant 0 : i32
              %ne3A_341 = arith.cmpi ne, %rem3A_339, %ne3A_340 : i32
              %and3A_342 = arith.andi %ne3A_338, %ne3A_341 : i1
              %sub3A_343 = arith.constant 1 : i32
              %sub3A_344 = arith.subi %div3A_323, %sub3A_343 : i32
              %select_n3A_345 = arith.select %and3A_342, %sub3A_344, %div3A_323 : i32
              %and3A_346 = arith.constant 32767 : i32
              %and3A_347 = arith.andi %reduce_sum3A_321, %and3A_346 : i32
              %sub3A_348 = arith.subi %and3A_347, %mul3A_195 : i32
              %broadcast_in_dim3A_349 = arith.constant 0 : i32
              %broadcast_in_dim3A_350 = vector.broadcast %broadcast_in_dim3A_349 : i32 to vector<16xi32>
              %add3A_351 = vector.broadcast %sub3A_348 : i32 to vector<16xi32>
              %add3A_352 = arith.addi %add3A_351, %broadcast_in_dim3A_350 : vector<16xi32>
              %get3A_353 = arith.constant 0 : i32
              %get3A_354 = arith.index_cast %get3A_353 : i32 to index
              %get3A_355 = memref.load %arg12[%get3A_354] : memref<2xi32, #tpu.memory_space<smem>>
              %add3A_356 = arith.constant 0 : i32
              %add3A_357 = vector.broadcast %add3A_356 : i32 to vector<16xi32>
              %add3A_358 = arith.addi %iota3A, %add3A_357 : vector<16xi32>
              %gather3A = arith.constant 1 : i32
              %gather3A_359 = arith.constant 0 : i32
              %gather3A_360 = arith.constant 0 : i32
              %gather3A_361 = tpu.memref_slice %arg8[%gather3A, %gather3A_359, %gather3A_360] : memref<2x64x768xf32, #tpu.memory_space<vmem>> -> memref<1x64x768xf32, #tpu.memory_space<vmem>>
              %gather3A_362 = tpu.memref_squeeze %gather3A_361 : memref<1x64x768xf32, #tpu.memory_space<vmem>> -> memref<64x768xf32, #tpu.memory_space<vmem>>
              %gather3A_363 = tpu.vector_load_idx %gather3A_362[%add3A_358, %add3A_352] : memref<64x768xf32, #tpu.memory_space<vmem>>[vector<16xi32>, vector<16xi32>], vector<16xf32>,
              %swap3A_364 = arith.index_cast %get3A_355 : i32 to index
              %swap3A_365 = arith.constant 0 : index
              %swap3A_366 = tpu.vector_load %arg9[%swap3A_364, %swap3A_365] {strides = array<i32>} : memref<32x128xf32, #tpu.memory_space<vmem>>, vector<16xf32>,
              tpu.vector_store %arg9[%swap3A_364, %swap3A_365], %gather3A_363 {strides = array<i32>} : memref<32x128xf32, #tpu.memory_space<vmem>>, vector<16xf32>,
              %add3A_367 = arith.constant 16 : i32
              %add3A_368 = vector.broadcast %add3A_367 : i32 to vector<16xi32>
              %add3A_369 = arith.addi %iota3A, %add3A_368 : vector<16xi32>
              %gather3A_370 = arith.constant 1 : i32
              %gather3A_371 = arith.constant 0 : i32
              %gather3A_372 = arith.constant 0 : i32
              %gather3A_373 = tpu.memref_slice %arg8[%gather3A_370, %gather3A_371, %gather3A_372] : memref<2x64x768xf32, #tpu.memory_space<vmem>> -> memref<1x64x768xf32, #tpu.memory_space<vmem>>
              %gather3A_374 = tpu.memref_squeeze %gather3A_373 : memref<1x64x768xf32, #tpu.memory_space<vmem>> -> memref<64x768xf32, #tpu.memory_space<vmem>>
              %gather3A_375 = tpu.vector_load_idx %gather3A_374[%add3A_369, %add3A_352] : memref<64x768xf32, #tpu.memory_space<vmem>>[vector<16xi32>, vector<16xi32>], vector<16xf32>,
              %swap3A_376 = arith.index_cast %get3A_355 : i32 to index
              %swap3A_377 = arith.constant 16 : index
              %swap3A_378 = tpu.vector_load %arg9[%swap3A_376, %swap3A_377] {strides = array<i32>} : memref<32x128xf32, #tpu.memory_space<vmem>>, vector<16xf32>,
              tpu.vector_store %arg9[%swap3A_376, %swap3A_377], %gather3A_375 {strides = array<i32>} : memref<32x128xf32, #tpu.memory_space<vmem>>, vector<16xf32>,
              %add3A_379 = arith.constant 32 : i32
              %add3A_380 = vector.broadcast %add3A_379 : i32 to vector<16xi32>
              %add3A_381 = arith.addi %iota3A, %add3A_380 : vector<16xi32>
              %gather3A_382 = arith.constant 1 : i32
              %gather3A_383 = arith.constant 0 : i32
              %gather3A_384 = arith.constant 0 : i32
              %gather3A_385 = tpu.memref_slice %arg8[%gather3A_382, %gather3A_383, %gather3A_384] : memref<2x64x768xf32, #tpu.memory_space<vmem>> -> memref<1x64x768xf32, #tpu.memory_space<vmem>>
              %gather3A_386 = tpu.memref_squeeze %gather3A_385 : memref<1x64x768xf32, #tpu.memory_space<vmem>> -> memref<64x768xf32, #tpu.memory_space<vmem>>
              %gather3A_387 = tpu.vector_load_idx %gather3A_386[%add3A_381, %add3A_352] : memref<64x768xf32, #tpu.memory_space<vmem>>[vector<16xi32>, vector<16xi32>], vector<16xf32>,
              %swap3A_388 = arith.index_cast %get3A_355 : i32 to index
              %swap3A_389 = arith.constant 32 : index
              %swap3A_390 = tpu.vector_load %arg9[%swap3A_388, %swap3A_389] {strides = array<i32>} : memref<32x128xf32, #tpu.memory_space<vmem>>, vector<16xf32>,
              tpu.vector_store %arg9[%swap3A_388, %swap3A_389], %gather3A_387 {strides = array<i32>} : memref<32x128xf32, #tpu.memory_space<vmem>>, vector<16xf32>,
              %add3A_391 = arith.constant 48 : i32
              %add3A_392 = vector.broadcast %add3A_391 : i32 to vector<16xi32>
              %add3A_393 = arith.addi %iota3A, %add3A_392 : vector<16xi32>
              %gather3A_394 = arith.constant 1 : i32
              %gather3A_395 = arith.constant 0 : i32
              %gather3A_396 = arith.constant 0 : i32
              %gather3A_397 = tpu.memref_slice %arg8[%gather3A_394, %gather3A_395, %gather3A_396] : memref<2x64x768xf32, #tpu.memory_space<vmem>> -> memref<1x64x768xf32, #tpu.memory_space<vmem>>
              %gather3A_398 = tpu.memref_squeeze %gather3A_397 : memref<1x64x768xf32, #tpu.memory_space<vmem>> -> memref<64x768xf32, #tpu.memory_space<vmem>>
              %gather3A_399 = tpu.vector_load_idx %gather3A_398[%add3A_393, %add3A_352] : memref<64x768xf32, #tpu.memory_space<vmem>>[vector<16xi32>, vector<16xi32>], vector<16xf32>,
              %swap3A_400 = arith.index_cast %get3A_355 : i32 to index
              %swap3A_401 = arith.constant 48 : index
              %swap3A_402 = tpu.vector_load %arg9[%swap3A_400, %swap3A_401] {strides = array<i32>} : memref<32x128xf32, #tpu.memory_space<vmem>>, vector<16xf32>,
              tpu.vector_store %arg9[%swap3A_400, %swap3A_401], %gather3A_399 {strides = array<i32>} : memref<32x128xf32, #tpu.memory_space<vmem>>, vector<16xf32>,
              %broadcast_in_dim3A_403 = arith.constant 0 : i32
              %broadcast_in_dim3A_404 = vector.broadcast %broadcast_in_dim3A_403 : i32 to vector<16xi32>
              %add3A_405 = vector.broadcast %get3A_355 : i32 to vector<16xi32>
              %add3A_406 = arith.addi %add3A_405, %broadcast_in_dim3A_404 : vector<16xi32>
              %broadcast_in_dim3A_407 = arith.constant 0 : i32
              %broadcast_in_dim3A_408 = vector.broadcast %broadcast_in_dim3A_407 : i32 to vector<16xi32>
              %add3A_409 = vector.broadcast %select_n3A_345 : i32 to vector<16xi32>
              %add3A_410 = arith.addi %add3A_409, %broadcast_in_dim3A_408 : vector<16xi32>
              %eq3A_411 = arith.constant 0 : i32
              %eq3A_412 = vector.broadcast %eq3A_411 : i32 to vector<16xi32>
              %eq3A_413 = arith.cmpi eq, %iota3A, %eq3A_412 : vector<16xi32>
              tpu.vector_store_idx %arg11[%add3A_406], %add3A_410 masked %eq3A_413 : memref<32xi32, #tpu.memory_space<vmem>>[vector<16xi32>], vector<16xi32>, vector<16xi1>
              %eq3A_414 = arith.constant 31 : i32
              %eq3A_415 = arith.cmpi eq, %get3A_355, %eq3A_414 : i32
              %convert_element_type3A_416 = arith.extui %eq3A_415 : i1 to i32
              %cond3A_417 = arith.constant 0 : i32
              %cond3A_418 = arith.cmpi ne, %convert_element_type3A_416, %cond3A_417 : i32
              scf.if %cond3A_418 {
                %dma_start3A_426 = arith.constant 0 : i32
                %dma_start3A_427 = arith.constant 0 : i32
                %dma_start3A_428 = tpu.memref_slice %arg4[%dma_start3A_426, %dma_start3A_427] : memref<16416x128xf32, #tpu.memory_space<hbm>> -> memref<16416x128xf32, #tpu.memory_space<hbm>>
                tpu.enqueue_indirect_dma source(%arg9 : memref<32x128xf32, #tpu.memory_space<vmem>>) target(%dma_start3A_428 : memref<16416x128xf32, #tpu.memory_space<hbm>>) offsets(%arg11 : memref<32xi32, #tpu.memory_space<vmem>>) semaphore(%arg19 : memref<!tpu.dma_semaphore, #tpu.memory_space<semaphore_mem>>)
                %dma_wait3A_429 = arith.constant 0 : i32
                %dma_wait3A_430 = arith.constant 0 : i32
                %dma_wait3A_431 = tpu.memref_slice %arg4[%dma_wait3A_429, %dma_wait3A_430] : memref<16416x128xf32, #tpu.memory_space<hbm>> -> memref<16416x128xf32, #tpu.memory_space<hbm>>
                tpu.wait_indirect_dma semaphore(%arg19 : memref<!tpu.dma_semaphore, #tpu.memory_space<semaphore_mem>>) src(%arg9 : memref<32x128xf32, #tpu.memory_space<vmem>>) dst(%dma_wait3A_431 : memref<16416x128xf32, #tpu.memory_space<hbm>>)
              } else {
              }
              %add3A_419 = arith.constant 1 : i32
              %add3A_420 = arith.addi %get3A_355, %add3A_419 : i32
              %rem3A_421 = arith.constant 32 : i32
              %rem3A_422 = arith.remsi %add3A_420, %rem3A_421 : i32
              %swap3A_423 = arith.constant 0 : i32
              %swap3A_424 = arith.index_cast %swap3A_423 : i32 to index
              %swap3A_425 = memref.load %arg12[%swap3A_424] : memref<2xi32, #tpu.memory_space<smem>>
              memref.store %rem3A_422, %arg12[%swap3A_424] : memref<2xi32, #tpu.memory_space<smem>>
            }
            %while3A_280 = arith.constant 1 : i32
            scf.for %while3A_285 = %while3A_278 to %while3A_274 step %while3A_280  : i32 {
              %jit3A_286 = arith.constant 16 : i32
              %div3A_287 = arith.divsi %while3A_285, %jit3A_286 : i32
              %sign3A_288 = arith.constant 0 : i32
              %sign3A_289 = arith.cmpi sgt, %while3A_285, %sign3A_288 : i32
              %sign3A_290 = arith.extui %sign3A_289 : i1 to i32
              %sign3A_291 = arith.constant 0 : i32
              %sign3A_292 = arith.cmpi slt, %while3A_285, %sign3A_291 : i32
              %sign3A_293 = arith.extui %sign3A_292 : i1 to i32
              %sign3A_294 = arith.subi %sign3A_290, %sign3A_293 : i32
              %sign3A_295 = arith.constant 0 : i32
              %sign3A_296 = arith.cmpi sgt, %jit3A_286, %sign3A_295 : i32
              %sign3A_297 = arith.extui %sign3A_296 : i1 to i32
              %sign3A_298 = arith.constant 0 : i32
              %sign3A_299 = arith.cmpi slt, %jit3A_286, %sign3A_298 : i32
              %sign3A_300 = arith.extui %sign3A_299 : i1 to i32
              %sign3A_301 = arith.subi %sign3A_297, %sign3A_300 : i32
              %ne3A_302 = arith.cmpi ne, %sign3A_294, %sign3A_301 : i32
              %rem3A_303 = arith.remsi %while3A_285, %jit3A_286 : i32
              %ne3A_304 = arith.constant 0 : i32
              %ne3A_305 = arith.cmpi ne, %rem3A_303, %ne3A_304 : i32
              %and3A_306 = arith.andi %ne3A_302, %ne3A_305 : i1
              %sub3A_307 = arith.constant 1 : i32
              %sub3A_308 = arith.subi %div3A_287, %sub3A_307 : i32
              %select_n3A_309 = arith.select %and3A_306, %sub3A_308, %div3A_287 : i32
              %mul3A_310 = arith.constant 16 : i32
              %mul3A_311 = arith.muli %select_n3A_309, %mul3A_310 : i32
              %sub3A_312 = arith.subi %while3A_285, %mul3A_311 : i32
              %eq3A_313 = vector.broadcast %sub3A_312 : i32 to vector<16xi32>
              %eq3A_314 = arith.cmpi eq, %iota3A, %eq3A_313 : vector<16xi32>
              %get3A_315 = arith.index_cast %mul3A_311 : i32 to index
              %get3A_316 = tpu.vector_load %arg7[%get3A_315] {strides = array<i32>} : memref<1040xi32, #tpu.memory_space<vmem>>, vector<16xi32>,
              %jit3A_317 = arith.constant 0 : i32
              %broadcast_in_dim3A = vector.broadcast %jit3A_317 : i32 to vector<16xi32>
              %select_n3A_318 = arith.select %eq3A_314, %get3A_316, %broadcast_in_dim3A : vector<16xi1>, vector<16xi32>
              %reduce_sum3A = arith.constant true
              %reduce_sum3A_319 = vector.broadcast %reduce_sum3A : i1 to vector<16xi1>
              %reduce_sum3A_320 = tpu.scan <sum>, %select_n3A_318 masked %reduce_sum3A_319 : vector<16xi32>, vector<16xi1> -> vector<16xi32>
              %reduce_sum3A_321 = vector.extract %reduce_sum3A_320[15] : i32 from vector<16xi32>
              %jit3A_322 = arith.constant 32768 : i32
              %div3A_323 = arith.divsi %reduce_sum3A_321, %jit3A_322 : i32
              %sign3A_324 = arith.constant 0 : i32
              %sign3A_325 = arith.cmpi sgt, %reduce_sum3A_321, %sign3A_324 : i32
              %sign3A_326 = arith.extui %sign3A_325 : i1 to i32
              %sign3A_327 = arith.constant 0 : i32
              %sign3A_328 = arith.cmpi slt, %reduce_sum3A_321, %sign3A_327 : i32
              %sign3A_329 = arith.extui %sign3A_328 : i1 to i32
              %sign3A_330 = arith.subi %sign3A_326, %sign3A_329 : i32
              %sign3A_331 = arith.constant 0 : i32
              %sign3A_332 = arith.cmpi sgt, %jit3A_322, %sign3A_331 : i32
              %sign3A_333 = arith.extui %sign3A_332 : i1 to i32
              %sign3A_334 = arith.constant 0 : i32
              %sign3A_335 = arith.cmpi slt, %jit3A_322, %sign3A_334 : i32
              %sign3A_336 = arith.extui %sign3A_335 : i1 to i32
              %sign3A_337 = arith.subi %sign3A_333, %sign3A_336 : i32
              %ne3A_338 = arith.cmpi ne, %sign3A_330, %sign3A_337 : i32
              %rem3A_339 = arith.remsi %reduce_sum3A_321, %jit3A_322 : i32
              %ne3A_340 = arith.constant 0 : i32
              %ne3A_341 = arith.cmpi ne, %rem3A_339, %ne3A_340 : i32
              %and3A_342 = arith.andi %ne3A_338, %ne3A_341 : i1
              %sub3A_343 = arith.constant 1 : i32
              %sub3A_344 = arith.subi %div3A_323, %sub3A_343 : i32
              %select_n3A_345 = arith.select %and3A_342, %sub3A_344, %div3A_323 : i32
              %and3A_346 = arith.constant 32767 : i32
              %and3A_347 = arith.andi %reduce_sum3A_321, %and3A_346 : i32
              %sub3A_348 = arith.subi %and3A_347, %mul3A_195 : i32
              %broadcast_in_dim3A_349 = arith.constant 0 : i32
              %broadcast_in_dim3A_350 = vector.broadcast %broadcast_in_dim3A_349 : i32 to vector<16xi32>
              %add3A_351 = vector.broadcast %sub3A_348 : i32 to vector<16xi32>
              %add3A_352 = arith.addi %add3A_351, %broadcast_in_dim3A_350 : vector<16xi32>
              %get3A_353 = arith.constant 0 : i32
              %get3A_354 = arith.index_cast %get3A_353 : i32 to index
              %get3A_355 = memref.load %arg12[%get3A_354] : memref<2xi32, #tpu.memory_space<smem>>
              %add3A_356 = arith.constant 0 : i32
              %add3A_357 = vector.broadcast %add3A_356 : i32 to vector<16xi32>
              %add3A_358 = arith.addi %iota3A, %add3A_357 : vector<16xi32>
              %gather3A = arith.constant 1 : i32
              %gather3A_359 = arith.constant 0 : i32
              %gather3A_360 = arith.constant 0 : i32
              %gather3A_361 = tpu.memref_slice %arg8[%gather3A, %gather3A_359, %gather3A_360] : memref<2x64x768xf32, #tpu.memory_space<vmem>> -> memref<1x64x768xf32, #tpu.memory_space<vmem>>
              %gather3A_362 = tpu.memref_squeeze %gather3A_361 : memref<1x64x768xf32, #tpu.memory_space<vmem>> -> memref<64x768xf32, #tpu.memory_space<vmem>>
              %gather3A_363 = tpu.vector_load_idx %gather3A_362[%add3A_358, %add3A_352] : memref<64x768xf32, #tpu.memory_space<vmem>>[vector<16xi32>, vector<16xi32>], vector<16xf32>,
              %swap3A_364 = arith.index_cast %get3A_355 : i32 to index
              %swap3A_365 = arith.constant 0 : index
              %swap3A_366 = tpu.vector_load %arg9[%swap3A_364, %swap3A_365] {strides = array<i32>} : memref<32x128xf32, #tpu.memory_space<vmem>>, vector<16xf32>,
              tpu.vector_store %arg9[%swap3A_364, %swap3A_365], %gather3A_363 {strides = array<i32>} : memref<32x128xf32, #tpu.memory_space<vmem>>, vector<16xf32>,
              %add3A_367 = arith.constant 16 : i32
              %add3A_368 = vector.broadcast %add3A_367 : i32 to vector<16xi32>
              %add3A_369 = arith.addi %iota3A, %add3A_368 : vector<16xi32>
              %gather3A_370 = arith.constant 1 : i32
              %gather3A_371 = arith.constant 0 : i32
              %gather3A_372 = arith.constant 0 : i32
              %gather3A_373 = tpu.memref_slice %arg8[%gather3A_370, %gather3A_371, %gather3A_372] : memref<2x64x768xf32, #tpu.memory_space<vmem>> -> memref<1x64x768xf32, #tpu.memory_space<vmem>>
              %gather3A_374 = tpu.memref_squeeze %gather3A_373 : memref<1x64x768xf32, #tpu.memory_space<vmem>> -> memref<64x768xf32, #tpu.memory_space<vmem>>
              %gather3A_375 = tpu.vector_load_idx %gather3A_374[%add3A_369, %add3A_352] : memref<64x768xf32, #tpu.memory_space<vmem>>[vector<16xi32>, vector<16xi32>], vector<16xf32>,
              %swap3A_376 = arith.index_cast %get3A_355 : i32 to index
              %swap3A_377 = arith.constant 16 : index
              %swap3A_378 = tpu.vector_load %arg9[%swap3A_376, %swap3A_377] {strides = array<i32>} : memref<32x128xf32, #tpu.memory_space<vmem>>, vector<16xf32>,
              tpu.vector_store %arg9[%swap3A_376, %swap3A_377], %gather3A_375 {strides = array<i32>} : memref<32x128xf32, #tpu.memory_space<vmem>>, vector<16xf32>,
              %add3A_379 = arith.constant 32 : i32
              %add3A_380 = vector.broadcast %add3A_379 : i32 to vector<16xi32>
              %add3A_381 = arith.addi %iota3A, %add3A_380 : vector<16xi32>
              %gather3A_382 = arith.constant 1 : i32
              %gather3A_383 = arith.constant 0 : i32
              %gather3A_384 = arith.constant 0 : i32
              %gather3A_385 = tpu.memref_slice %arg8[%gather3A_382, %gather3A_383, %gather3A_384] : memref<2x64x768xf32, #tpu.memory_space<vmem>> -> memref<1x64x768xf32, #tpu.memory_space<vmem>>
              %gather3A_386 = tpu.memref_squeeze %gather3A_385 : memref<1x64x768xf32, #tpu.memory_space<vmem>> -> memref<64x768xf32, #tpu.memory_space<vmem>>
              %gather3A_387 = tpu.vector_load_idx %gather3A_386[%add3A_381, %add3A_352] : memref<64x768xf32, #tpu.memory_space<vmem>>[vector<16xi32>, vector<16xi32>], vector<16xf32>,
              %swap3A_388 = arith.index_cast %get3A_355 : i32 to index
              %swap3A_389 = arith.constant 32 : index
              %swap3A_390 = tpu.vector_load %arg9[%swap3A_388, %swap3A_389] {strides = array<i32>} : memref<32x128xf32, #tpu.memory_space<vmem>>, vector<16xf32>,
              tpu.vector_store %arg9[%swap3A_388, %swap3A_389], %gather3A_387 {strides = array<i32>} : memref<32x128xf32, #tpu.memory_space<vmem>>, vector<16xf32>,
              %add3A_391 = arith.constant 48 : i32
              %add3A_392 = vector.broadcast %add3A_391 : i32 to vector<16xi32>
              %add3A_393 = arith.addi %iota3A, %add3A_392 : vector<16xi32>
              %gather3A_394 = arith.constant 1 : i32
              %gather3A_395 = arith.constant 0 : i32
              %gather3A_396 = arith.constant 0 : i32
              %gather3A_397 = tpu.memref_slice %arg8[%gather3A_394, %gather3A_395, %gather3A_396] : memref<2x64x768xf32, #tpu.memory_space<vmem>> -> memref<1x64x768xf32, #tpu.memory_space<vmem>>
              %gather3A_398 = tpu.memref_squeeze %gather3A_397 : memref<1x64x768xf32, #tpu.memory_space<vmem>> -> memref<64x768xf32, #tpu.memory_space<vmem>>
              %gather3A_399 = tpu.vector_load_idx %gather3A_398[%add3A_393, %add3A_352] : memref<64x768xf32, #tpu.memory_space<vmem>>[vector<16xi32>, vector<16xi32>], vector<16xf32>,
              %swap3A_400 = arith.index_cast %get3A_355 : i32 to index
              %swap3A_401 = arith.constant 48 : index
              %swap3A_402 = tpu.vector_load %arg9[%swap3A_400, %swap3A_401] {strides = array<i32>} : memref<32x128xf32, #tpu.memory_space<vmem>>, vector<16xf32>,
              tpu.vector_store %arg9[%swap3A_400, %swap3A_401], %gather3A_399 {strides = array<i32>} : memref<32x128xf32, #tpu.memory_space<vmem>>, vector<16xf32>,
              %broadcast_in_dim3A_403 = arith.constant 0 : i32
              %broadcast_in_dim3A_404 = vector.broadcast %broadcast_in_dim3A_403 : i32 to vector<16xi32>
              %add3A_405 = vector.broadcast %get3A_355 : i32 to vector<16xi32>
              %add3A_406 = arith.addi %add3A_405, %broadcast_in_dim3A_404 : vector<16xi32>
              %broadcast_in_dim3A_407 = arith.constant 0 : i32
              %broadcast_in_dim3A_408 = vector.broadcast %broadcast_in_dim3A_407 : i32 to vector<16xi32>
              %add3A_409 = vector.broadcast %select_n3A_345 : i32 to vector<16xi32>
              %add3A_410 = arith.addi %add3A_409, %broadcast_in_dim3A_408 : vector<16xi32>
              %eq3A_411 = arith.constant 0 : i32
              %eq3A_412 = vector.broadcast %eq3A_411 : i32 to vector<16xi32>
              %eq3A_413 = arith.cmpi eq, %iota3A, %eq3A_412 : vector<16xi32>
              tpu.vector_store_idx %arg11[%add3A_406], %add3A_410 masked %eq3A_413 : memref<32xi32, #tpu.memory_space<vmem>>[vector<16xi32>], vector<16xi32>, vector<16xi1>
              %eq3A_414 = arith.constant 31 : i32
              %eq3A_415 = arith.cmpi eq, %get3A_355, %eq3A_414 : i32
              %convert_element_type3A_416 = arith.extui %eq3A_415 : i1 to i32
              %cond3A_417 = arith.constant 0 : i32
              %cond3A_418 = arith.cmpi ne, %convert_element_type3A_416, %cond3A_417 : i32
              scf.if %cond3A_418 {
                %dma_start3A_426 = arith.constant 0 : i32
                %dma_start3A_427 = arith.constant 0 : i32
                %dma_start3A_428 = tpu.memref_slice %arg4[%dma_start3A_426, %dma_start3A_427] : memref<16416x128xf32, #tpu.memory_space<hbm>> -> memref<16416x128xf32, #tpu.memory_space<hbm>>
                tpu.enqueue_indirect_dma source(%arg9 : memref<32x128xf32, #tpu.memory_space<vmem>>) target(%dma_start3A_428 : memref<16416x128xf32, #tpu.memory_space<hbm>>) offsets(%arg11 : memref<32xi32, #tpu.memory_space<vmem>>) semaphore(%arg19 : memref<!tpu.dma_semaphore, #tpu.memory_space<semaphore_mem>>)
                %dma_wait3A_429 = arith.constant 0 : i32
                %dma_wait3A_430 = arith.constant 0 : i32
                %dma_wait3A_431 = tpu.memref_slice %arg4[%dma_wait3A_429, %dma_wait3A_430] : memref<16416x128xf32, #tpu.memory_space<hbm>> -> memref<16416x128xf32, #tpu.memory_space<hbm>>
                tpu.wait_indirect_dma semaphore(%arg19 : memref<!tpu.dma_semaphore, #tpu.memory_space<semaphore_mem>>) src(%arg9 : memref<32x128xf32, #tpu.memory_space<vmem>>) dst(%dma_wait3A_431 : memref<16416x128xf32, #tpu.memory_space<hbm>>)
              } else {
              }
              %add3A_419 = arith.constant 1 : i32
              %add3A_420 = arith.addi %get3A_355, %add3A_419 : i32
              %rem3A_421 = arith.constant 32 : i32
              %rem3A_422 = arith.remsi %add3A_420, %rem3A_421 : i32
              %swap3A_423 = arith.constant 0 : i32
              %swap3A_424 = arith.index_cast %swap3A_423 : i32 to index
              %swap3A_425 = memref.load %arg12[%swap3A_424] : memref<2xi32, #tpu.memory_space<smem>>
              memref.store %rem3A_422, %arg12[%swap3A_424] : memref<2xi32, #tpu.memory_space<smem>>
            }
            %swap3A_281 = arith.constant 0 : i32
            %swap3A_282 = arith.constant 1 : i32
            %swap3A_283 = arith.index_cast %swap3A_282 : i32 to index
            %swap3A_284 = memref.load %arg12[%swap3A_283] : memref<2xi32, #tpu.memory_space<smem>>
            memref.store %swap3A_281, %arg12[%swap3A_283] : memref<2xi32, #tpu.memory_space<smem>>
          } else {
          }
          %mul3A_236 = arith.constant 16 : i32
          %mul3A_237 = arith.muli %while3A_225, %mul3A_236 : i32
          %get3A_238 = arith.index_cast %mul3A_237 : i32 to index
          %get3A_239 = tpu.vector_load %arg6[%get3A_238] {strides = array<i32>} : memref<16400xi32, #tpu.memory_space<vmem>>, vector<16xi32>,
          %and3A_240 = arith.constant 32767 : i32
          %and3A_241 = vector.broadcast %and3A_240 : i32 to vector<16xi32>
          %and3A_242 = arith.andi %get3A_239, %and3A_241 : vector<16xi32>
          %ge3A = vector.broadcast %mul3A_195 : i32 to vector<16xi32>
          %ge3A_243 = arith.cmpi sge, %and3A_242, %ge3A : vector<16xi32>
          %add3A_244 = arith.constant 768 : i32
          %add3A_245 = arith.addi %mul3A_195, %add3A_244 : i32
          %lt3A_246 = vector.broadcast %add3A_245 : i32 to vector<16xi32>
          %lt3A_247 = arith.cmpi slt, %and3A_242, %lt3A_246 : vector<16xi32>
          %and3A_248 = arith.andi %ge3A_243, %lt3A_247 : vector<16xi1>
          %mul3A_249 = arith.constant 16 : i32
          %mul3A_250 = arith.muli %while3A_225, %mul3A_249 : i32
          %add3A_251 = vector.broadcast %mul3A_250 : i32 to vector<16xi32>
          %add3A_252 = arith.addi %add3A_251, %iota3A : vector<16xi32>
          %lt3A_253 = vector.broadcast %scan3A_80 : i32 to vector<16xi32>
          %lt3A_254 = arith.cmpi slt, %add3A_252, %lt3A_253 : vector<16xi32>
          %and3A_255 = arith.andi %and3A_248, %lt3A_254 : vector<16xi1>
          %all_reduce_population_count3A = tpu.all_reduce %and3A_255 {dim = 0 : i64, kind = #tpu.reduction_kind<sum>} : vector<16xi1> -> vector<16xi32>
          %slice3A = vector.extract_strided_slice %all_reduce_population_count3A {offsets = [0], sizes = [1], strides = [1]} : vector<16xi32> to vector<1xi32>
          %squeeze3A = vector.extract %slice3A[0] : i32 from vector<1xi32>
          %get3A_256 = arith.constant 1 : i32
          %get3A_257 = arith.index_cast %get3A_256 : i32 to index
          %get3A_258 = memref.load %arg12[%get3A_257] : memref<2xi32, #tpu.memory_space<smem>>
          %gt3A_259 = arith.constant 0 : i32
          %gt3A_260 = arith.cmpi sgt, %squeeze3A, %gt3A_259 : i32
          %convert_element_type3A_261 = arith.extui %gt3A_260 : i1 to i32
          %cond3A_262 = arith.constant 0 : i32
          %cond3A_263 = arith.cmpi ne, %convert_element_type3A_261, %cond3A_262 : i32
          scf.if %cond3A_263 {
            %swap3A_268 = arith.index_cast %get3A_258 : i32 to index
            %swap3A_269 = tpu.vector_load %arg7[%swap3A_268] masked %and3A_255 {strides = array<i32>} : memref<1040xi32, #tpu.memory_space<vmem>>, vector<16xi32>, vector<16xi1>
            tpu.vector_store %arg7[%swap3A_268], %get3A_239 masked %and3A_255 {strides = array<i32>} : memref<1040xi32, #tpu.memory_space<vmem>>, vector<16xi32>, vector<16xi1>
          } else {
          }
          %add3A_264 = arith.addi %get3A_258, %squeeze3A : i32
          %swap3A_265 = arith.constant 1 : i32
          %swap3A_266 = arith.index_cast %swap3A_265 : i32 to index
          %swap3A_267 = memref.load %arg12[%swap3A_266] : memref<2xi32, #tpu.memory_space<smem>>
          memref.store %add3A_264, %arg12[%swap3A_266] : memref<2xi32, #tpu.memory_space<smem>>
        }
        %while3A_208 = arith.constant 1 : i32
        scf.for %while3A_225 = %while3A_206 to %while3A_202 step %while3A_208  : i32 {
          %get3A_226 = arith.constant 1 : i32
          %get3A_227 = arith.index_cast %get3A_226 : i32 to index
          %get3A_228 = memref.load %arg12[%get3A_227] : memref<2xi32, #tpu.memory_space<smem>>
          %add3A_229 = arith.constant 16 : i32
          %add3A_230 = arith.addi %get3A_228, %add3A_229 : i32
          %gt3A_231 = arith.constant 1024 : i32
          %gt3A_232 = arith.cmpi sgt, %add3A_230, %gt3A_231 : i32
          %convert_element_type3A_233 = arith.extui %gt3A_232 : i1 to i32
          %cond3A_234 = arith.constant 0 : i32
          %cond3A_235 = arith.cmpi ne, %convert_element_type3A_233, %cond3A_234 : i32
          scf.if %cond3A_235 {
            %get3A_268 = arith.constant 1 : i32
            %get3A_269 = arith.index_cast %get3A_268 : i32 to index
            %get3A_270 = memref.load %arg12[%get3A_269] : memref<2xi32, #tpu.memory_space<smem>>
            %while3A_271 = arith.constant 0 : i32
            %while3A_272 = arith.constant 0 : i32
            %while3A_273 = arith.subi %get3A_270, %while3A_272 : i32
            %while3A_274 = arith.addi %while3A_272, %while3A_273 : i32
            %while3A_275 = arith.constant 1 : i32
            %while3A_276 = arith.divsi %while3A_273, %while3A_275 : i32
            %while3A_277 = arith.muli %while3A_276, %while3A_275 : i32
            %while3A_278 = arith.addi %while3A_272, %while3A_277 : i32
            %while3A_279 = arith.constant 1 : i32
            scf.for %while3A_285 = %while3A_272 to %while3A_278 step %while3A_279  : i32 {
              %jit3A_286 = arith.constant 16 : i32
              %div3A_287 = arith.divsi %while3A_285, %jit3A_286 : i32
              %sign3A_288 = arith.constant 0 : i32
              %sign3A_289 = arith.cmpi sgt, %while3A_285, %sign3A_288 : i32
              %sign3A_290 = arith.extui %sign3A_289 : i1 to i32
              %sign3A_291 = arith.constant 0 : i32
              %sign3A_292 = arith.cmpi slt, %while3A_285, %sign3A_291 : i32
              %sign3A_293 = arith.extui %sign3A_292 : i1 to i32
              %sign3A_294 = arith.subi %sign3A_290, %sign3A_293 : i32
              %sign3A_295 = arith.constant 0 : i32
              %sign3A_296 = arith.cmpi sgt, %jit3A_286, %sign3A_295 : i32
              %sign3A_297 = arith.extui %sign3A_296 : i1 to i32
              %sign3A_298 = arith.constant 0 : i32
              %sign3A_299 = arith.cmpi slt, %jit3A_286, %sign3A_298 : i32
              %sign3A_300 = arith.extui %sign3A_299 : i1 to i32
              %sign3A_301 = arith.subi %sign3A_297, %sign3A_300 : i32
              %ne3A_302 = arith.cmpi ne, %sign3A_294, %sign3A_301 : i32
              %rem3A_303 = arith.remsi %while3A_285, %jit3A_286 : i32
              %ne3A_304 = arith.constant 0 : i32
              %ne3A_305 = arith.cmpi ne, %rem3A_303, %ne3A_304 : i32
              %and3A_306 = arith.andi %ne3A_302, %ne3A_305 : i1
              %sub3A_307 = arith.constant 1 : i32
              %sub3A_308 = arith.subi %div3A_287, %sub3A_307 : i32
              %select_n3A_309 = arith.select %and3A_306, %sub3A_308, %div3A_287 : i32
              %mul3A_310 = arith.constant 16 : i32
              %mul3A_311 = arith.muli %select_n3A_309, %mul3A_310 : i32
              %sub3A_312 = arith.subi %while3A_285, %mul3A_311 : i32
              %eq3A_313 = vector.broadcast %sub3A_312 : i32 to vector<16xi32>
              %eq3A_314 = arith.cmpi eq, %iota3A, %eq3A_313 : vector<16xi32>
              %get3A_315 = arith.index_cast %mul3A_311 : i32 to index
              %get3A_316 = tpu.vector_load %arg7[%get3A_315] {strides = array<i32>} : memref<1040xi32, #tpu.memory_space<vmem>>, vector<16xi32>,
              %jit3A_317 = arith.constant 0 : i32
              %broadcast_in_dim3A = vector.broadcast %jit3A_317 : i32 to vector<16xi32>
              %select_n3A_318 = arith.select %eq3A_314, %get3A_316, %broadcast_in_dim3A : vector<16xi1>, vector<16xi32>
              %reduce_sum3A = arith.constant true
              %reduce_sum3A_319 = vector.broadcast %reduce_sum3A : i1 to vector<16xi1>
              %reduce_sum3A_320 = tpu.scan <sum>, %select_n3A_318 masked %reduce_sum3A_319 : vector<16xi32>, vector<16xi1> -> vector<16xi32>
              %reduce_sum3A_321 = vector.extract %reduce_sum3A_320[15] : i32 from vector<16xi32>
              %jit3A_322 = arith.constant 32768 : i32
              %div3A_323 = arith.divsi %reduce_sum3A_321, %jit3A_322 : i32
              %sign3A_324 = arith.constant 0 : i32
              %sign3A_325 = arith.cmpi sgt, %reduce_sum3A_321, %sign3A_324 : i32
              %sign3A_326 = arith.extui %sign3A_325 : i1 to i32
              %sign3A_327 = arith.constant 0 : i32
              %sign3A_328 = arith.cmpi slt, %reduce_sum3A_321, %sign3A_327 : i32
              %sign3A_329 = arith.extui %sign3A_328 : i1 to i32
              %sign3A_330 = arith.subi %sign3A_326, %sign3A_329 : i32
              %sign3A_331 = arith.constant 0 : i32
              %sign3A_332 = arith.cmpi sgt, %jit3A_322, %sign3A_331 : i32
              %sign3A_333 = arith.extui %sign3A_332 : i1 to i32
              %sign3A_334 = arith.constant 0 : i32
              %sign3A_335 = arith.cmpi slt, %jit3A_322, %sign3A_334 : i32
              %sign3A_336 = arith.extui %sign3A_335 : i1 to i32
              %sign3A_337 = arith.subi %sign3A_333, %sign3A_336 : i32
              %ne3A_338 = arith.cmpi ne, %sign3A_330, %sign3A_337 : i32
              %rem3A_339 = arith.remsi %reduce_sum3A_321, %jit3A_322 : i32
              %ne3A_340 = arith.constant 0 : i32
              %ne3A_341 = arith.cmpi ne, %rem3A_339, %ne3A_340 : i32
              %and3A_342 = arith.andi %ne3A_338, %ne3A_341 : i1
              %sub3A_343 = arith.constant 1 : i32
              %sub3A_344 = arith.subi %div3A_323, %sub3A_343 : i32
              %select_n3A_345 = arith.select %and3A_342, %sub3A_344, %div3A_323 : i32
              %and3A_346 = arith.constant 32767 : i32
              %and3A_347 = arith.andi %reduce_sum3A_321, %and3A_346 : i32
              %sub3A_348 = arith.subi %and3A_347, %mul3A_195 : i32
              %broadcast_in_dim3A_349 = arith.constant 0 : i32
              %broadcast_in_dim3A_350 = vector.broadcast %broadcast_in_dim3A_349 : i32 to vector<16xi32>
              %add3A_351 = vector.broadcast %sub3A_348 : i32 to vector<16xi32>
              %add3A_352 = arith.addi %add3A_351, %broadcast_in_dim3A_350 : vector<16xi32>
              %get3A_353 = arith.constant 0 : i32
              %get3A_354 = arith.index_cast %get3A_353 : i32 to index
              %get3A_355 = memref.load %arg12[%get3A_354] : memref<2xi32, #tpu.memory_space<smem>>
              %add3A_356 = arith.constant 0 : i32
              %add3A_357 = vector.broadcast %add3A_356 : i32 to vector<16xi32>
              %add3A_358 = arith.addi %iota3A, %add3A_357 : vector<16xi32>
              %gather3A = arith.constant 1 : i32
              %gather3A_359 = arith.constant 0 : i32
              %gather3A_360 = arith.constant 0 : i32
              %gather3A_361 = tpu.memref_slice %arg8[%gather3A, %gather3A_359, %gather3A_360] : memref<2x64x768xf32, #tpu.memory_space<vmem>> -> memref<1x64x768xf32, #tpu.memory_space<vmem>>
              %gather3A_362 = tpu.memref_squeeze %gather3A_361 : memref<1x64x768xf32, #tpu.memory_space<vmem>> -> memref<64x768xf32, #tpu.memory_space<vmem>>
              %gather3A_363 = tpu.vector_load_idx %gather3A_362[%add3A_358, %add3A_352] : memref<64x768xf32, #tpu.memory_space<vmem>>[vector<16xi32>, vector<16xi32>], vector<16xf32>,
              %swap3A_364 = arith.index_cast %get3A_355 : i32 to index
              %swap3A_365 = arith.constant 0 : index
              %swap3A_366 = tpu.vector_load %arg9[%swap3A_364, %swap3A_365] {strides = array<i32>} : memref<32x128xf32, #tpu.memory_space<vmem>>, vector<16xf32>,
              tpu.vector_store %arg9[%swap3A_364, %swap3A_365], %gather3A_363 {strides = array<i32>} : memref<32x128xf32, #tpu.memory_space<vmem>>, vector<16xf32>,
              %add3A_367 = arith.constant 16 : i32
              %add3A_368 = vector.broadcast %add3A_367 : i32 to vector<16xi32>
              %add3A_369 = arith.addi %iota3A, %add3A_368 : vector<16xi32>
              %gather3A_370 = arith.constant 1 : i32
              %gather3A_371 = arith.constant 0 : i32
              %gather3A_372 = arith.constant 0 : i32
              %gather3A_373 = tpu.memref_slice %arg8[%gather3A_370, %gather3A_371, %gather3A_372] : memref<2x64x768xf32, #tpu.memory_space<vmem>> -> memref<1x64x768xf32, #tpu.memory_space<vmem>>
              %gather3A_374 = tpu.memref_squeeze %gather3A_373 : memref<1x64x768xf32, #tpu.memory_space<vmem>> -> memref<64x768xf32, #tpu.memory_space<vmem>>
              %gather3A_375 = tpu.vector_load_idx %gather3A_374[%add3A_369, %add3A_352] : memref<64x768xf32, #tpu.memory_space<vmem>>[vector<16xi32>, vector<16xi32>], vector<16xf32>,
              %swap3A_376 = arith.index_cast %get3A_355 : i32 to index
              %swap3A_377 = arith.constant 16 : index
              %swap3A_378 = tpu.vector_load %arg9[%swap3A_376, %swap3A_377] {strides = array<i32>} : memref<32x128xf32, #tpu.memory_space<vmem>>, vector<16xf32>,
              tpu.vector_store %arg9[%swap3A_376, %swap3A_377], %gather3A_375 {strides = array<i32>} : memref<32x128xf32, #tpu.memory_space<vmem>>, vector<16xf32>,
              %add3A_379 = arith.constant 32 : i32
              %add3A_380 = vector.broadcast %add3A_379 : i32 to vector<16xi32>
              %add3A_381 = arith.addi %iota3A, %add3A_380 : vector<16xi32>
              %gather3A_382 = arith.constant 1 : i32
              %gather3A_383 = arith.constant 0 : i32
              %gather3A_384 = arith.constant 0 : i32
              %gather3A_385 = tpu.memref_slice %arg8[%gather3A_382, %gather3A_383, %gather3A_384] : memref<2x64x768xf32, #tpu.memory_space<vmem>> -> memref<1x64x768xf32, #tpu.memory_space<vmem>>
              %gather3A_386 = tpu.memref_squeeze %gather3A_385 : memref<1x64x768xf32, #tpu.memory_space<vmem>> -> memref<64x768xf32, #tpu.memory_space<vmem>>
              %gather3A_387 = tpu.vector_load_idx %gather3A_386[%add3A_381, %add3A_352] : memref<64x768xf32, #tpu.memory_space<vmem>>[vector<16xi32>, vector<16xi32>], vector<16xf32>,
              %swap3A_388 = arith.index_cast %get3A_355 : i32 to index
              %swap3A_389 = arith.constant 32 : index
              %swap3A_390 = tpu.vector_load %arg9[%swap3A_388, %swap3A_389] {strides = array<i32>} : memref<32x128xf32, #tpu.memory_space<vmem>>, vector<16xf32>,
              tpu.vector_store %arg9[%swap3A_388, %swap3A_389], %gather3A_387 {strides = array<i32>} : memref<32x128xf32, #tpu.memory_space<vmem>>, vector<16xf32>,
              %add3A_391 = arith.constant 48 : i32
              %add3A_392 = vector.broadcast %add3A_391 : i32 to vector<16xi32>
              %add3A_393 = arith.addi %iota3A, %add3A_392 : vector<16xi32>
              %gather3A_394 = arith.constant 1 : i32
              %gather3A_395 = arith.constant 0 : i32
              %gather3A_396 = arith.constant 0 : i32
              %gather3A_397 = tpu.memref_slice %arg8[%gather3A_394, %gather3A_395, %gather3A_396] : memref<2x64x768xf32, #tpu.memory_space<vmem>> -> memref<1x64x768xf32, #tpu.memory_space<vmem>>
              %gather3A_398 = tpu.memref_squeeze %gather3A_397 : memref<1x64x768xf32, #tpu.memory_space<vmem>> -> memref<64x768xf32, #tpu.memory_space<vmem>>
              %gather3A_399 = tpu.vector_load_idx %gather3A_398[%add3A_393, %add3A_352] : memref<64x768xf32, #tpu.memory_space<vmem>>[vector<16xi32>, vector<16xi32>], vector<16xf32>,
              %swap3A_400 = arith.index_cast %get3A_355 : i32 to index
              %swap3A_401 = arith.constant 48 : index
              %swap3A_402 = tpu.vector_load %arg9[%swap3A_400, %swap3A_401] {strides = array<i32>} : memref<32x128xf32, #tpu.memory_space<vmem>>, vector<16xf32>,
              tpu.vector_store %arg9[%swap3A_400, %swap3A_401], %gather3A_399 {strides = array<i32>} : memref<32x128xf32, #tpu.memory_space<vmem>>, vector<16xf32>,
              %broadcast_in_dim3A_403 = arith.constant 0 : i32
              %broadcast_in_dim3A_404 = vector.broadcast %broadcast_in_dim3A_403 : i32 to vector<16xi32>
              %add3A_405 = vector.broadcast %get3A_355 : i32 to vector<16xi32>
              %add3A_406 = arith.addi %add3A_405, %broadcast_in_dim3A_404 : vector<16xi32>
              %broadcast_in_dim3A_407 = arith.constant 0 : i32
              %broadcast_in_dim3A_408 = vector.broadcast %broadcast_in_dim3A_407 : i32 to vector<16xi32>
              %add3A_409 = vector.broadcast %select_n3A_345 : i32 to vector<16xi32>
              %add3A_410 = arith.addi %add3A_409, %broadcast_in_dim3A_408 : vector<16xi32>
              %eq3A_411 = arith.constant 0 : i32
              %eq3A_412 = vector.broadcast %eq3A_411 : i32 to vector<16xi32>
              %eq3A_413 = arith.cmpi eq, %iota3A, %eq3A_412 : vector<16xi32>
              tpu.vector_store_idx %arg11[%add3A_406], %add3A_410 masked %eq3A_413 : memref<32xi32, #tpu.memory_space<vmem>>[vector<16xi32>], vector<16xi32>, vector<16xi1>
              %eq3A_414 = arith.constant 31 : i32
              %eq3A_415 = arith.cmpi eq, %get3A_355, %eq3A_414 : i32
              %convert_element_type3A_416 = arith.extui %eq3A_415 : i1 to i32
              %cond3A_417 = arith.constant 0 : i32
              %cond3A_418 = arith.cmpi ne, %convert_element_type3A_416, %cond3A_417 : i32
              scf.if %cond3A_418 {
                %dma_start3A_426 = arith.constant 0 : i32
                %dma_start3A_427 = arith.constant 0 : i32
                %dma_start3A_428 = tpu.memref_slice %arg4[%dma_start3A_426, %dma_start3A_427] : memref<16416x128xf32, #tpu.memory_space<hbm>> -> memref<16416x128xf32, #tpu.memory_space<hbm>>
                tpu.enqueue_indirect_dma source(%arg9 : memref<32x128xf32, #tpu.memory_space<vmem>>) target(%dma_start3A_428 : memref<16416x128xf32, #tpu.memory_space<hbm>>) offsets(%arg11 : memref<32xi32, #tpu.memory_space<vmem>>) semaphore(%arg19 : memref<!tpu.dma_semaphore, #tpu.memory_space<semaphore_mem>>)
                %dma_wait3A_429 = arith.constant 0 : i32
                %dma_wait3A_430 = arith.constant 0 : i32
                %dma_wait3A_431 = tpu.memref_slice %arg4[%dma_wait3A_429, %dma_wait3A_430] : memref<16416x128xf32, #tpu.memory_space<hbm>> -> memref<16416x128xf32, #tpu.memory_space<hbm>>
                tpu.wait_indirect_dma semaphore(%arg19 : memref<!tpu.dma_semaphore, #tpu.memory_space<semaphore_mem>>) src(%arg9 : memref<32x128xf32, #tpu.memory_space<vmem>>) dst(%dma_wait3A_431 : memref<16416x128xf32, #tpu.memory_space<hbm>>)
              } else {
              }
              %add3A_419 = arith.constant 1 : i32
              %add3A_420 = arith.addi %get3A_355, %add3A_419 : i32
              %rem3A_421 = arith.constant 32 : i32
              %rem3A_422 = arith.remsi %add3A_420, %rem3A_421 : i32
              %swap3A_423 = arith.constant 0 : i32
              %swap3A_424 = arith.index_cast %swap3A_423 : i32 to index
              %swap3A_425 = memref.load %arg12[%swap3A_424] : memref<2xi32, #tpu.memory_space<smem>>
              memref.store %rem3A_422, %arg12[%swap3A_424] : memref<2xi32, #tpu.memory_space<smem>>
            }
            %while3A_280 = arith.constant 1 : i32
            scf.for %while3A_285 = %while3A_278 to %while3A_274 step %while3A_280  : i32 {
              %jit3A_286 = arith.constant 16 : i32
              %div3A_287 = arith.divsi %while3A_285, %jit3A_286 : i32
              %sign3A_288 = arith.constant 0 : i32
              %sign3A_289 = arith.cmpi sgt, %while3A_285, %sign3A_288 : i32
              %sign3A_290 = arith.extui %sign3A_289 : i1 to i32
              %sign3A_291 = arith.constant 0 : i32
              %sign3A_292 = arith.cmpi slt, %while3A_285, %sign3A_291 : i32
              %sign3A_293 = arith.extui %sign3A_292 : i1 to i32
              %sign3A_294 = arith.subi %sign3A_290, %sign3A_293 : i32
              %sign3A_295 = arith.constant 0 : i32
              %sign3A_296 = arith.cmpi sgt, %jit3A_286, %sign3A_295 : i32
              %sign3A_297 = arith.extui %sign3A_296 : i1 to i32
              %sign3A_298 = arith.constant 0 : i32
              %sign3A_299 = arith.cmpi slt, %jit3A_286, %sign3A_298 : i32
              %sign3A_300 = arith.extui %sign3A_299 : i1 to i32
              %sign3A_301 = arith.subi %sign3A_297, %sign3A_300 : i32
              %ne3A_302 = arith.cmpi ne, %sign3A_294, %sign3A_301 : i32
              %rem3A_303 = arith.remsi %while3A_285, %jit3A_286 : i32
              %ne3A_304 = arith.constant 0 : i32
              %ne3A_305 = arith.cmpi ne, %rem3A_303, %ne3A_304 : i32
              %and3A_306 = arith.andi %ne3A_302, %ne3A_305 : i1
              %sub3A_307 = arith.constant 1 : i32
              %sub3A_308 = arith.subi %div3A_287, %sub3A_307 : i32
              %select_n3A_309 = arith.select %and3A_306, %sub3A_308, %div3A_287 : i32
              %mul3A_310 = arith.constant 16 : i32
              %mul3A_311 = arith.muli %select_n3A_309, %mul3A_310 : i32
              %sub3A_312 = arith.subi %while3A_285, %mul3A_311 : i32
              %eq3A_313 = vector.broadcast %sub3A_312 : i32 to vector<16xi32>
              %eq3A_314 = arith.cmpi eq, %iota3A, %eq3A_313 : vector<16xi32>
              %get3A_315 = arith.index_cast %mul3A_311 : i32 to index
              %get3A_316 = tpu.vector_load %arg7[%get3A_315] {strides = array<i32>} : memref<1040xi32, #tpu.memory_space<vmem>>, vector<16xi32>,
              %jit3A_317 = arith.constant 0 : i32
              %broadcast_in_dim3A = vector.broadcast %jit3A_317 : i32 to vector<16xi32>
              %select_n3A_318 = arith.select %eq3A_314, %get3A_316, %broadcast_in_dim3A : vector<16xi1>, vector<16xi32>
              %reduce_sum3A = arith.constant true
              %reduce_sum3A_319 = vector.broadcast %reduce_sum3A : i1 to vector<16xi1>
              %reduce_sum3A_320 = tpu.scan <sum>, %select_n3A_318 masked %reduce_sum3A_319 : vector<16xi32>, vector<16xi1> -> vector<16xi32>
              %reduce_sum3A_321 = vector.extract %reduce_sum3A_320[15] : i32 from vector<16xi32>
              %jit3A_322 = arith.constant 32768 : i32
              %div3A_323 = arith.divsi %reduce_sum3A_321, %jit3A_322 : i32
              %sign3A_324 = arith.constant 0 : i32
              %sign3A_325 = arith.cmpi sgt, %reduce_sum3A_321, %sign3A_324 : i32
              %sign3A_326 = arith.extui %sign3A_325 : i1 to i32
              %sign3A_327 = arith.constant 0 : i32
              %sign3A_328 = arith.cmpi slt, %reduce_sum3A_321, %sign3A_327 : i32
              %sign3A_329 = arith.extui %sign3A_328 : i1 to i32
              %sign3A_330 = arith.subi %sign3A_326, %sign3A_329 : i32
              %sign3A_331 = arith.constant 0 : i32
              %sign3A_332 = arith.cmpi sgt, %jit3A_322, %sign3A_331 : i32
              %sign3A_333 = arith.extui %sign3A_332 : i1 to i32
              %sign3A_334 = arith.constant 0 : i32
              %sign3A_335 = arith.cmpi slt, %jit3A_322, %sign3A_334 : i32
              %sign3A_336 = arith.extui %sign3A_335 : i1 to i32
              %sign3A_337 = arith.subi %sign3A_333, %sign3A_336 : i32
              %ne3A_338 = arith.cmpi ne, %sign3A_330, %sign3A_337 : i32
              %rem3A_339 = arith.remsi %reduce_sum3A_321, %jit3A_322 : i32
              %ne3A_340 = arith.constant 0 : i32
              %ne3A_341 = arith.cmpi ne, %rem3A_339, %ne3A_340 : i32
              %and3A_342 = arith.andi %ne3A_338, %ne3A_341 : i1
              %sub3A_343 = arith.constant 1 : i32
              %sub3A_344 = arith.subi %div3A_323, %sub3A_343 : i32
              %select_n3A_345 = arith.select %and3A_342, %sub3A_344, %div3A_323 : i32
              %and3A_346 = arith.constant 32767 : i32
              %and3A_347 = arith.andi %reduce_sum3A_321, %and3A_346 : i32
              %sub3A_348 = arith.subi %and3A_347, %mul3A_195 : i32
              %broadcast_in_dim3A_349 = arith.constant 0 : i32
              %broadcast_in_dim3A_350 = vector.broadcast %broadcast_in_dim3A_349 : i32 to vector<16xi32>
              %add3A_351 = vector.broadcast %sub3A_348 : i32 to vector<16xi32>
              %add3A_352 = arith.addi %add3A_351, %broadcast_in_dim3A_350 : vector<16xi32>
              %get3A_353 = arith.constant 0 : i32
              %get3A_354 = arith.index_cast %get3A_353 : i32 to index
              %get3A_355 = memref.load %arg12[%get3A_354] : memref<2xi32, #tpu.memory_space<smem>>
              %add3A_356 = arith.constant 0 : i32
              %add3A_357 = vector.broadcast %add3A_356 : i32 to vector<16xi32>
              %add3A_358 = arith.addi %iota3A, %add3A_357 : vector<16xi32>
              %gather3A = arith.constant 1 : i32
              %gather3A_359 = arith.constant 0 : i32
              %gather3A_360 = arith.constant 0 : i32
              %gather3A_361 = tpu.memref_slice %arg8[%gather3A, %gather3A_359, %gather3A_360] : memref<2x64x768xf32, #tpu.memory_space<vmem>> -> memref<1x64x768xf32, #tpu.memory_space<vmem>>
              %gather3A_362 = tpu.memref_squeeze %gather3A_361 : memref<1x64x768xf32, #tpu.memory_space<vmem>> -> memref<64x768xf32, #tpu.memory_space<vmem>>
              %gather3A_363 = tpu.vector_load_idx %gather3A_362[%add3A_358, %add3A_352] : memref<64x768xf32, #tpu.memory_space<vmem>>[vector<16xi32>, vector<16xi32>], vector<16xf32>,
              %swap3A_364 = arith.index_cast %get3A_355 : i32 to index
              %swap3A_365 = arith.constant 0 : index
              %swap3A_366 = tpu.vector_load %arg9[%swap3A_364, %swap3A_365] {strides = array<i32>} : memref<32x128xf32, #tpu.memory_space<vmem>>, vector<16xf32>,
              tpu.vector_store %arg9[%swap3A_364, %swap3A_365], %gather3A_363 {strides = array<i32>} : memref<32x128xf32, #tpu.memory_space<vmem>>, vector<16xf32>,
              %add3A_367 = arith.constant 16 : i32
              %add3A_368 = vector.broadcast %add3A_367 : i32 to vector<16xi32>
              %add3A_369 = arith.addi %iota3A, %add3A_368 : vector<16xi32>
              %gather3A_370 = arith.constant 1 : i32
              %gather3A_371 = arith.constant 0 : i32
              %gather3A_372 = arith.constant 0 : i32
              %gather3A_373 = tpu.memref_slice %arg8[%gather3A_370, %gather3A_371, %gather3A_372] : memref<2x64x768xf32, #tpu.memory_space<vmem>> -> memref<1x64x768xf32, #tpu.memory_space<vmem>>
              %gather3A_374 = tpu.memref_squeeze %gather3A_373 : memref<1x64x768xf32, #tpu.memory_space<vmem>> -> memref<64x768xf32, #tpu.memory_space<vmem>>
              %gather3A_375 = tpu.vector_load_idx %gather3A_374[%add3A_369, %add3A_352] : memref<64x768xf32, #tpu.memory_space<vmem>>[vector<16xi32>, vector<16xi32>], vector<16xf32>,
              %swap3A_376 = arith.index_cast %get3A_355 : i32 to index
              %swap3A_377 = arith.constant 16 : index
              %swap3A_378 = tpu.vector_load %arg9[%swap3A_376, %swap3A_377] {strides = array<i32>} : memref<32x128xf32, #tpu.memory_space<vmem>>, vector<16xf32>,
              tpu.vector_store %arg9[%swap3A_376, %swap3A_377], %gather3A_375 {strides = array<i32>} : memref<32x128xf32, #tpu.memory_space<vmem>>, vector<16xf32>,
              %add3A_379 = arith.constant 32 : i32
              %add3A_380 = vector.broadcast %add3A_379 : i32 to vector<16xi32>
              %add3A_381 = arith.addi %iota3A, %add3A_380 : vector<16xi32>
              %gather3A_382 = arith.constant 1 : i32
              %gather3A_383 = arith.constant 0 : i32
              %gather3A_384 = arith.constant 0 : i32
              %gather3A_385 = tpu.memref_slice %arg8[%gather3A_382, %gather3A_383, %gather3A_384] : memref<2x64x768xf32, #tpu.memory_space<vmem>> -> memref<1x64x768xf32, #tpu.memory_space<vmem>>
              %gather3A_386 = tpu.memref_squeeze %gather3A_385 : memref<1x64x768xf32, #tpu.memory_space<vmem>> -> memref<64x768xf32, #tpu.memory_space<vmem>>
              %gather3A_387 = tpu.vector_load_idx %gather3A_386[%add3A_381, %add3A_352] : memref<64x768xf32, #tpu.memory_space<vmem>>[vector<16xi32>, vector<16xi32>], vector<16xf32>,
              %swap3A_388 = arith.index_cast %get3A_355 : i32 to index
              %swap3A_389 = arith.constant 32 : index
              %swap3A_390 = tpu.vector_load %arg9[%swap3A_388, %swap3A_389] {strides = array<i32>} : memref<32x128xf32, #tpu.memory_space<vmem>>, vector<16xf32>,
              tpu.vector_store %arg9[%swap3A_388, %swap3A_389], %gather3A_387 {strides = array<i32>} : memref<32x128xf32, #tpu.memory_space<vmem>>, vector<16xf32>,
              %add3A_391 = arith.constant 48 : i32
              %add3A_392 = vector.broadcast %add3A_391 : i32 to vector<16xi32>
              %add3A_393 = arith.addi %iota3A, %add3A_392 : vector<16xi32>
              %gather3A_394 = arith.constant 1 : i32
              %gather3A_395 = arith.constant 0 : i32
              %gather3A_396 = arith.constant 0 : i32
              %gather3A_397 = tpu.memref_slice %arg8[%gather3A_394, %gather3A_395, %gather3A_396] : memref<2x64x768xf32, #tpu.memory_space<vmem>> -> memref<1x64x768xf32, #tpu.memory_space<vmem>>
              %gather3A_398 = tpu.memref_squeeze %gather3A_397 : memref<1x64x768xf32, #tpu.memory_space<vmem>> -> memref<64x768xf32, #tpu.memory_space<vmem>>
              %gather3A_399 = tpu.vector_load_idx %gather3A_398[%add3A_393, %add3A_352] : memref<64x768xf32, #tpu.memory_space<vmem>>[vector<16xi32>, vector<16xi32>], vector<16xf32>,
              %swap3A_400 = arith.index_cast %get3A_355 : i32 to index
              %swap3A_401 = arith.constant 48 : index
              %swap3A_402 = tpu.vector_load %arg9[%swap3A_400, %swap3A_401] {strides = array<i32>} : memref<32x128xf32, #tpu.memory_space<vmem>>, vector<16xf32>,
              tpu.vector_store %arg9[%swap3A_400, %swap3A_401], %gather3A_399 {strides = array<i32>} : memref<32x128xf32, #tpu.memory_space<vmem>>, vector<16xf32>,
              %broadcast_in_dim3A_403 = arith.constant 0 : i32
              %broadcast_in_dim3A_404 = vector.broadcast %broadcast_in_dim3A_403 : i32 to vector<16xi32>
              %add3A_405 = vector.broadcast %get3A_355 : i32 to vector<16xi32>
              %add3A_406 = arith.addi %add3A_405, %broadcast_in_dim3A_404 : vector<16xi32>
              %broadcast_in_dim3A_407 = arith.constant 0 : i32
              %broadcast_in_dim3A_408 = vector.broadcast %broadcast_in_dim3A_407 : i32 to vector<16xi32>
              %add3A_409 = vector.broadcast %select_n3A_345 : i32 to vector<16xi32>
              %add3A_410 = arith.addi %add3A_409, %broadcast_in_dim3A_408 : vector<16xi32>
              %eq3A_411 = arith.constant 0 : i32
              %eq3A_412 = vector.broadcast %eq3A_411 : i32 to vector<16xi32>
              %eq3A_413 = arith.cmpi eq, %iota3A, %eq3A_412 : vector<16xi32>
              tpu.vector_store_idx %arg11[%add3A_406], %add3A_410 masked %eq3A_413 : memref<32xi32, #tpu.memory_space<vmem>>[vector<16xi32>], vector<16xi32>, vector<16xi1>
              %eq3A_414 = arith.constant 31 : i32
              %eq3A_415 = arith.cmpi eq, %get3A_355, %eq3A_414 : i32
              %convert_element_type3A_416 = arith.extui %eq3A_415 : i1 to i32
              %cond3A_417 = arith.constant 0 : i32
              %cond3A_418 = arith.cmpi ne, %convert_element_type3A_416, %cond3A_417 : i32
              scf.if %cond3A_418 {
                %dma_start3A_426 = arith.constant 0 : i32
                %dma_start3A_427 = arith.constant 0 : i32
                %dma_start3A_428 = tpu.memref_slice %arg4[%dma_start3A_426, %dma_start3A_427] : memref<16416x128xf32, #tpu.memory_space<hbm>> -> memref<16416x128xf32, #tpu.memory_space<hbm>>
                tpu.enqueue_indirect_dma source(%arg9 : memref<32x128xf32, #tpu.memory_space<vmem>>) target(%dma_start3A_428 : memref<16416x128xf32, #tpu.memory_space<hbm>>) offsets(%arg11 : memref<32xi32, #tpu.memory_space<vmem>>) semaphore(%arg19 : memref<!tpu.dma_semaphore, #tpu.memory_space<semaphore_mem>>)
                %dma_wait3A_429 = arith.constant 0 : i32
                %dma_wait3A_430 = arith.constant 0 : i32
                %dma_wait3A_431 = tpu.memref_slice %arg4[%dma_wait3A_429, %dma_wait3A_430] : memref<16416x128xf32, #tpu.memory_space<hbm>> -> memref<16416x128xf32, #tpu.memory_space<hbm>>
                tpu.wait_indirect_dma semaphore(%arg19 : memref<!tpu.dma_semaphore, #tpu.memory_space<semaphore_mem>>) src(%arg9 : memref<32x128xf32, #tpu.memory_space<vmem>>) dst(%dma_wait3A_431 : memref<16416x128xf32, #tpu.memory_space<hbm>>)
              } else {
              }
              %add3A_419 = arith.constant 1 : i32
              %add3A_420 = arith.addi %get3A_355, %add3A_419 : i32
              %rem3A_421 = arith.constant 32 : i32
              %rem3A_422 = arith.remsi %add3A_420, %rem3A_421 : i32
              %swap3A_423 = arith.constant 0 : i32
              %swap3A_424 = arith.index_cast %swap3A_423 : i32 to index
              %swap3A_425 = memref.load %arg12[%swap3A_424] : memref<2xi32, #tpu.memory_space<smem>>
              memref.store %rem3A_422, %arg12[%swap3A_424] : memref<2xi32, #tpu.memory_space<smem>>
            }
            %swap3A_281 = arith.constant 0 : i32
            %swap3A_282 = arith.constant 1 : i32
            %swap3A_283 = arith.index_cast %swap3A_282 : i32 to index
            %swap3A_284 = memref.load %arg12[%swap3A_283] : memref<2xi32, #tpu.memory_space<smem>>
            memref.store %swap3A_281, %arg12[%swap3A_283] : memref<2xi32, #tpu.memory_space<smem>>
          } else {
          }
          %mul3A_236 = arith.constant 16 : i32
          %mul3A_237 = arith.muli %while3A_225, %mul3A_236 : i32
          %get3A_238 = arith.index_cast %mul3A_237 : i32 to index
          %get3A_239 = tpu.vector_load %arg6[%get3A_238] {strides = array<i32>} : memref<16400xi32, #tpu.memory_space<vmem>>, vector<16xi32>,
          %and3A_240 = arith.constant 32767 : i32
          %and3A_241 = vector.broadcast %and3A_240 : i32 to vector<16xi32>
          %and3A_242 = arith.andi %get3A_239, %and3A_241 : vector<16xi32>
          %ge3A = vector.broadcast %mul3A_195 : i32 to vector<16xi32>
          %ge3A_243 = arith.cmpi sge, %and3A_242, %ge3A : vector<16xi32>
          %add3A_244 = arith.constant 768 : i32
          %add3A_245 = arith.addi %mul3A_195, %add3A_244 : i32
          %lt3A_246 = vector.broadcast %add3A_245 : i32 to vector<16xi32>
          %lt3A_247 = arith.cmpi slt, %and3A_242, %lt3A_246 : vector<16xi32>
          %and3A_248 = arith.andi %ge3A_243, %lt3A_247 : vector<16xi1>
          %mul3A_249 = arith.constant 16 : i32
          %mul3A_250 = arith.muli %while3A_225, %mul3A_249 : i32
          %add3A_251 = vector.broadcast %mul3A_250 : i32 to vector<16xi32>
          %add3A_252 = arith.addi %add3A_251, %iota3A : vector<16xi32>
          %lt3A_253 = vector.broadcast %scan3A_80 : i32 to vector<16xi32>
          %lt3A_254 = arith.cmpi slt, %add3A_252, %lt3A_253 : vector<16xi32>
          %and3A_255 = arith.andi %and3A_248, %lt3A_254 : vector<16xi1>
          %all_reduce_population_count3A = tpu.all_reduce %and3A_255 {dim = 0 : i64, kind = #tpu.reduction_kind<sum>} : vector<16xi1> -> vector<16xi32>
          %slice3A = vector.extract_strided_slice %all_reduce_population_count3A {offsets = [0], sizes = [1], strides = [1]} : vector<16xi32> to vector<1xi32>
          %squeeze3A = vector.extract %slice3A[0] : i32 from vector<1xi32>
          %get3A_256 = arith.constant 1 : i32
          %get3A_257 = arith.index_cast %get3A_256 : i32 to index
          %get3A_258 = memref.load %arg12[%get3A_257] : memref<2xi32, #tpu.memory_space<smem>>
          %gt3A_259 = arith.constant 0 : i32
          %gt3A_260 = arith.cmpi sgt, %squeeze3A, %gt3A_259 : i32
          %convert_element_type3A_261 = arith.extui %gt3A_260 : i1 to i32
          %cond3A_262 = arith.constant 0 : i32
          %cond3A_263 = arith.cmpi ne, %convert_element_type3A_261, %cond3A_262 : i32
          scf.if %cond3A_263 {
            %swap3A_268 = arith.index_cast %get3A_258 : i32 to index
            %swap3A_269 = tpu.vector_load %arg7[%swap3A_268] masked %and3A_255 {strides = array<i32>} : memref<1040xi32, #tpu.memory_space<vmem>>, vector<16xi32>, vector<16xi1>
            tpu.vector_store %arg7[%swap3A_268], %get3A_239 masked %and3A_255 {strides = array<i32>} : memref<1040xi32, #tpu.memory_space<vmem>>, vector<16xi32>, vector<16xi1>
          } else {
          }
          %add3A_264 = arith.addi %get3A_258, %squeeze3A : i32
          %swap3A_265 = arith.constant 1 : i32
          %swap3A_266 = arith.index_cast %swap3A_265 : i32 to index
          %swap3A_267 = memref.load %arg12[%swap3A_266] : memref<2xi32, #tpu.memory_space<smem>>
          memref.store %add3A_264, %arg12[%swap3A_266] : memref<2xi32, #tpu.memory_space<smem>>
        }
        %get3A = arith.constant 1 : i32
        %get3A_209 = arith.index_cast %get3A : i32 to index
        %get3A_210 = memref.load %arg12[%get3A_209] : memref<2xi32, #tpu.memory_space<smem>>
        %while3A_211 = arith.constant 0 : i32
        %while3A_212 = arith.constant 0 : i32
        %while3A_213 = arith.subi %get3A_210, %while3A_212 : i32
        %while3A_214 = arith.addi %while3A_212, %while3A_213 : i32
        %while3A_215 = arith.constant 1 : i32
        %while3A_216 = arith.divsi %while3A_213, %while3A_215 : i32
        %while3A_217 = arith.muli %while3A_216, %while3A_215 : i32
        %while3A_218 = arith.addi %while3A_212, %while3A_217 : i32
        %while3A_219 = arith.constant 1 : i32
        scf.for %while3A_225 = %while3A_212 to %while3A_218 step %while3A_219  : i32 {
          %jit3A_226 = arith.constant 16 : i32
          %div3A_227 = arith.divsi %while3A_225, %jit3A_226 : i32
          %sign3A_228 = arith.constant 0 : i32
          %sign3A_229 = arith.cmpi sgt, %while3A_225, %sign3A_228 : i32
          %sign3A_230 = arith.extui %sign3A_229 : i1 to i32
          %sign3A_231 = arith.constant 0 : i32
          %sign3A_232 = arith.cmpi slt, %while3A_225, %sign3A_231 : i32
          %sign3A_233 = arith.extui %sign3A_232 : i1 to i32
          %sign3A_234 = arith.subi %sign3A_230, %sign3A_233 : i32
          %sign3A_235 = arith.constant 0 : i32
          %sign3A_236 = arith.cmpi sgt, %jit3A_226, %sign3A_235 : i32
          %sign3A_237 = arith.extui %sign3A_236 : i1 to i32
          %sign3A_238 = arith.constant 0 : i32
          %sign3A_239 = arith.cmpi slt, %jit3A_226, %sign3A_238 : i32
          %sign3A_240 = arith.extui %sign3A_239 : i1 to i32
          %sign3A_241 = arith.subi %sign3A_237, %sign3A_240 : i32
          %ne3A_242 = arith.cmpi ne, %sign3A_234, %sign3A_241 : i32
          %rem3A_243 = arith.remsi %while3A_225, %jit3A_226 : i32
          %ne3A_244 = arith.constant 0 : i32
          %ne3A_245 = arith.cmpi ne, %rem3A_243, %ne3A_244 : i32
          %and3A_246 = arith.andi %ne3A_242, %ne3A_245 : i1
          %sub3A_247 = arith.constant 1 : i32
          %sub3A_248 = arith.subi %div3A_227, %sub3A_247 : i32
          %select_n3A_249 = arith.select %and3A_246, %sub3A_248, %div3A_227 : i32
          %mul3A_250 = arith.constant 16 : i32
          %mul3A_251 = arith.muli %select_n3A_249, %mul3A_250 : i32
          %sub3A_252 = arith.subi %while3A_225, %mul3A_251 : i32
          %eq3A_253 = vector.broadcast %sub3A_252 : i32 to vector<16xi32>
          %eq3A_254 = arith.cmpi eq, %iota3A, %eq3A_253 : vector<16xi32>
          %get3A_255 = arith.index_cast %mul3A_251 : i32 to index
          %get3A_256 = tpu.vector_load %arg7[%get3A_255] {strides = array<i32>} : memref<1040xi32, #tpu.memory_space<vmem>>, vector<16xi32>,
          %jit3A_257 = arith.constant 0 : i32
          %broadcast_in_dim3A = vector.broadcast %jit3A_257 : i32 to vector<16xi32>
          %select_n3A_258 = arith.select %eq3A_254, %get3A_256, %broadcast_in_dim3A : vector<16xi1>, vector<16xi32>
          %reduce_sum3A = arith.constant true
          %reduce_sum3A_259 = vector.broadcast %reduce_sum3A : i1 to vector<16xi1>
          %reduce_sum3A_260 = tpu.scan <sum>, %select_n3A_258 masked %reduce_sum3A_259 : vector<16xi32>, vector<16xi1> -> vector<16xi32>
          %reduce_sum3A_261 = vector.extract %reduce_sum3A_260[15] : i32 from vector<16xi32>
          %jit3A_262 = arith.constant 32768 : i32
          %div3A_263 = arith.divsi %reduce_sum3A_261, %jit3A_262 : i32
          %sign3A_264 = arith.constant 0 : i32
          %sign3A_265 = arith.cmpi sgt, %reduce_sum3A_261, %sign3A_264 : i32
          %sign3A_266 = arith.extui %sign3A_265 : i1 to i32
          %sign3A_267 = arith.constant 0 : i32
          %sign3A_268 = arith.cmpi slt, %reduce_sum3A_261, %sign3A_267 : i32
          %sign3A_269 = arith.extui %sign3A_268 : i1 to i32
          %sign3A_270 = arith.subi %sign3A_266, %sign3A_269 : i32
          %sign3A_271 = arith.constant 0 : i32
          %sign3A_272 = arith.cmpi sgt, %jit3A_262, %sign3A_271 : i32
          %sign3A_273 = arith.extui %sign3A_272 : i1 to i32
          %sign3A_274 = arith.constant 0 : i32
          %sign3A_275 = arith.cmpi slt, %jit3A_262, %sign3A_274 : i32
          %sign3A_276 = arith.extui %sign3A_275 : i1 to i32
          %sign3A_277 = arith.subi %sign3A_273, %sign3A_276 : i32
          %ne3A_278 = arith.cmpi ne, %sign3A_270, %sign3A_277 : i32
          %rem3A_279 = arith.remsi %reduce_sum3A_261, %jit3A_262 : i32
          %ne3A_280 = arith.constant 0 : i32
          %ne3A_281 = arith.cmpi ne, %rem3A_279, %ne3A_280 : i32
          %and3A_282 = arith.andi %ne3A_278, %ne3A_281 : i1
          %sub3A_283 = arith.constant 1 : i32
          %sub3A_284 = arith.subi %div3A_263, %sub3A_283 : i32
          %select_n3A_285 = arith.select %and3A_282, %sub3A_284, %div3A_263 : i32
          %and3A_286 = arith.constant 32767 : i32
          %and3A_287 = arith.andi %reduce_sum3A_261, %and3A_286 : i32
          %sub3A_288 = arith.subi %and3A_287, %mul3A_195 : i32
          %broadcast_in_dim3A_289 = arith.constant 0 : i32
          %broadcast_in_dim3A_290 = vector.broadcast %broadcast_in_dim3A_289 : i32 to vector<16xi32>
          %add3A_291 = vector.broadcast %sub3A_288 : i32 to vector<16xi32>
          %add3A_292 = arith.addi %add3A_291, %broadcast_in_dim3A_290 : vector<16xi32>
          %get3A_293 = arith.constant 0 : i32
          %get3A_294 = arith.index_cast %get3A_293 : i32 to index
          %get3A_295 = memref.load %arg12[%get3A_294] : memref<2xi32, #tpu.memory_space<smem>>
          %add3A_296 = arith.constant 0 : i32
          %add3A_297 = vector.broadcast %add3A_296 : i32 to vector<16xi32>
          %add3A_298 = arith.addi %iota3A, %add3A_297 : vector<16xi32>
          %gather3A = arith.constant 1 : i32
          %gather3A_299 = arith.constant 0 : i32
          %gather3A_300 = arith.constant 0 : i32
          %gather3A_301 = tpu.memref_slice %arg8[%gather3A, %gather3A_299, %gather3A_300] : memref<2x64x768xf32, #tpu.memory_space<vmem>> -> memref<1x64x768xf32, #tpu.memory_space<vmem>>
          %gather3A_302 = tpu.memref_squeeze %gather3A_301 : memref<1x64x768xf32, #tpu.memory_space<vmem>> -> memref<64x768xf32, #tpu.memory_space<vmem>>
          %gather3A_303 = tpu.vector_load_idx %gather3A_302[%add3A_298, %add3A_292] : memref<64x768xf32, #tpu.memory_space<vmem>>[vector<16xi32>, vector<16xi32>], vector<16xf32>,
          %swap3A_304 = arith.index_cast %get3A_295 : i32 to index
          %swap3A_305 = arith.constant 0 : index
          %swap3A_306 = tpu.vector_load %arg9[%swap3A_304, %swap3A_305] {strides = array<i32>} : memref<32x128xf32, #tpu.memory_space<vmem>>, vector<16xf32>,
          tpu.vector_store %arg9[%swap3A_304, %swap3A_305], %gather3A_303 {strides = array<i32>} : memref<32x128xf32, #tpu.memory_space<vmem>>, vector<16xf32>,
          %add3A_307 = arith.constant 16 : i32
          %add3A_308 = vector.broadcast %add3A_307 : i32 to vector<16xi32>
          %add3A_309 = arith.addi %iota3A, %add3A_308 : vector<16xi32>
          %gather3A_310 = arith.constant 1 : i32
          %gather3A_311 = arith.constant 0 : i32
          %gather3A_312 = arith.constant 0 : i32
          %gather3A_313 = tpu.memref_slice %arg8[%gather3A_310, %gather3A_311, %gather3A_312] : memref<2x64x768xf32, #tpu.memory_space<vmem>> -> memref<1x64x768xf32, #tpu.memory_space<vmem>>
          %gather3A_314 = tpu.memref_squeeze %gather3A_313 : memref<1x64x768xf32, #tpu.memory_space<vmem>> -> memref<64x768xf32, #tpu.memory_space<vmem>>
          %gather3A_315 = tpu.vector_load_idx %gather3A_314[%add3A_309, %add3A_292] : memref<64x768xf32, #tpu.memory_space<vmem>>[vector<16xi32>, vector<16xi32>], vector<16xf32>,
          %swap3A_316 = arith.index_cast %get3A_295 : i32 to index
          %swap3A_317 = arith.constant 16 : index
          %swap3A_318 = tpu.vector_load %arg9[%swap3A_316, %swap3A_317] {strides = array<i32>} : memref<32x128xf32, #tpu.memory_space<vmem>>, vector<16xf32>,
          tpu.vector_store %arg9[%swap3A_316, %swap3A_317], %gather3A_315 {strides = array<i32>} : memref<32x128xf32, #tpu.memory_space<vmem>>, vector<16xf32>,
          %add3A_319 = arith.constant 32 : i32
          %add3A_320 = vector.broadcast %add3A_319 : i32 to vector<16xi32>
          %add3A_321 = arith.addi %iota3A, %add3A_320 : vector<16xi32>
          %gather3A_322 = arith.constant 1 : i32
          %gather3A_323 = arith.constant 0 : i32
          %gather3A_324 = arith.constant 0 : i32
          %gather3A_325 = tpu.memref_slice %arg8[%gather3A_322, %gather3A_323, %gather3A_324] : memref<2x64x768xf32, #tpu.memory_space<vmem>> -> memref<1x64x768xf32, #tpu.memory_space<vmem>>
          %gather3A_326 = tpu.memref_squeeze %gather3A_325 : memref<1x64x768xf32, #tpu.memory_space<vmem>> -> memref<64x768xf32, #tpu.memory_space<vmem>>
          %gather3A_327 = tpu.vector_load_idx %gather3A_326[%add3A_321, %add3A_292] : memref<64x768xf32, #tpu.memory_space<vmem>>[vector<16xi32>, vector<16xi32>], vector<16xf32>,
          %swap3A_328 = arith.index_cast %get3A_295 : i32 to index
          %swap3A_329 = arith.constant 32 : index
          %swap3A_330 = tpu.vector_load %arg9[%swap3A_328, %swap3A_329] {strides = array<i32>} : memref<32x128xf32, #tpu.memory_space<vmem>>, vector<16xf32>,
          tpu.vector_store %arg9[%swap3A_328, %swap3A_329], %gather3A_327 {strides = array<i32>} : memref<32x128xf32, #tpu.memory_space<vmem>>, vector<16xf32>,
          %add3A_331 = arith.constant 48 : i32
          %add3A_332 = vector.broadcast %add3A_331 : i32 to vector<16xi32>
          %add3A_333 = arith.addi %iota3A, %add3A_332 : vector<16xi32>
          %gather3A_334 = arith.constant 1 : i32
          %gather3A_335 = arith.constant 0 : i32
          %gather3A_336 = arith.constant 0 : i32
          %gather3A_337 = tpu.memref_slice %arg8[%gather3A_334, %gather3A_335, %gather3A_336] : memref<2x64x768xf32, #tpu.memory_space<vmem>> -> memref<1x64x768xf32, #tpu.memory_space<vmem>>
          %gather3A_338 = tpu.memref_squeeze %gather3A_337 : memref<1x64x768xf32, #tpu.memory_space<vmem>> -> memref<64x768xf32, #tpu.memory_space<vmem>>
          %gather3A_339 = tpu.vector_load_idx %gather3A_338[%add3A_333, %add3A_292] : memref<64x768xf32, #tpu.memory_space<vmem>>[vector<16xi32>, vector<16xi32>], vector<16xf32>,
          %swap3A_340 = arith.index_cast %get3A_295 : i32 to index
          %swap3A_341 = arith.constant 48 : index
          %swap3A_342 = tpu.vector_load %arg9[%swap3A_340, %swap3A_341] {strides = array<i32>} : memref<32x128xf32, #tpu.memory_space<vmem>>, vector<16xf32>,
          tpu.vector_store %arg9[%swap3A_340, %swap3A_341], %gather3A_339 {strides = array<i32>} : memref<32x128xf32, #tpu.memory_space<vmem>>, vector<16xf32>,
          %broadcast_in_dim3A_343 = arith.constant 0 : i32
          %broadcast_in_dim3A_344 = vector.broadcast %broadcast_in_dim3A_343 : i32 to vector<16xi32>
          %add3A_345 = vector.broadcast %get3A_295 : i32 to vector<16xi32>
          %add3A_346 = arith.addi %add3A_345, %broadcast_in_dim3A_344 : vector<16xi32>
          %broadcast_in_dim3A_347 = arith.constant 0 : i32
          %broadcast_in_dim3A_348 = vector.broadcast %broadcast_in_dim3A_347 : i32 to vector<16xi32>
          %add3A_349 = vector.broadcast %select_n3A_285 : i32 to vector<16xi32>
          %add3A_350 = arith.addi %add3A_349, %broadcast_in_dim3A_348 : vector<16xi32>
          %eq3A_351 = arith.constant 0 : i32
          %eq3A_352 = vector.broadcast %eq3A_351 : i32 to vector<16xi32>
          %eq3A_353 = arith.cmpi eq, %iota3A, %eq3A_352 : vector<16xi32>
          tpu.vector_store_idx %arg11[%add3A_346], %add3A_350 masked %eq3A_353 : memref<32xi32, #tpu.memory_space<vmem>>[vector<16xi32>], vector<16xi32>, vector<16xi1>
          %eq3A_354 = arith.constant 31 : i32
          %eq3A_355 = arith.cmpi eq, %get3A_295, %eq3A_354 : i32
          %convert_element_type3A_356 = arith.extui %eq3A_355 : i1 to i32
          %cond3A_357 = arith.constant 0 : i32
          %cond3A_358 = arith.cmpi ne, %convert_element_type3A_356, %cond3A_357 : i32
          scf.if %cond3A_358 {
            %dma_start3A_366 = arith.constant 0 : i32
            %dma_start3A_367 = arith.constant 0 : i32
            %dma_start3A_368 = tpu.memref_slice %arg4[%dma_start3A_366, %dma_start3A_367] : memref<16416x128xf32, #tpu.memory_space<hbm>> -> memref<16416x128xf32, #tpu.memory_space<hbm>>
            tpu.enqueue_indirect_dma source(%arg9 : memref<32x128xf32, #tpu.memory_space<vmem>>) target(%dma_start3A_368 : memref<16416x128xf32, #tpu.memory_space<hbm>>) offsets(%arg11 : memref<32xi32, #tpu.memory_space<vmem>>) semaphore(%arg19 : memref<!tpu.dma_semaphore, #tpu.memory_space<semaphore_mem>>)
            %dma_wait3A_369 = arith.constant 0 : i32
            %dma_wait3A_370 = arith.constant 0 : i32
            %dma_wait3A_371 = tpu.memref_slice %arg4[%dma_wait3A_369, %dma_wait3A_370] : memref<16416x128xf32, #tpu.memory_space<hbm>> -> memref<16416x128xf32, #tpu.memory_space<hbm>>
            tpu.wait_indirect_dma semaphore(%arg19 : memref<!tpu.dma_semaphore, #tpu.memory_space<semaphore_mem>>) src(%arg9 : memref<32x128xf32, #tpu.memory_space<vmem>>) dst(%dma_wait3A_371 : memref<16416x128xf32, #tpu.memory_space<hbm>>)
          } else {
          }
          %add3A_359 = arith.constant 1 : i32
          %add3A_360 = arith.addi %get3A_295, %add3A_359 : i32
          %rem3A_361 = arith.constant 32 : i32
          %rem3A_362 = arith.remsi %add3A_360, %rem3A_361 : i32
          %swap3A_363 = arith.constant 0 : i32
          %swap3A_364 = arith.index_cast %swap3A_363 : i32 to index
          %swap3A_365 = memref.load %arg12[%swap3A_364] : memref<2xi32, #tpu.memory_space<smem>>
          memref.store %rem3A_362, %arg12[%swap3A_364] : memref<2xi32, #tpu.memory_space<smem>>
        }
        %while3A_220 = arith.constant 1 : i32
        scf.for %while3A_225 = %while3A_218 to %while3A_214 step %while3A_220  : i32 {
          %jit3A_226 = arith.constant 16 : i32
          %div3A_227 = arith.divsi %while3A_225, %jit3A_226 : i32
          %sign3A_228 = arith.constant 0 : i32
          %sign3A_229 = arith.cmpi sgt, %while3A_225, %sign3A_228 : i32
          %sign3A_230 = arith.extui %sign3A_229 : i1 to i32
          %sign3A_231 = arith.constant 0 : i32
          %sign3A_232 = arith.cmpi slt, %while3A_225, %sign3A_231 : i32
          %sign3A_233 = arith.extui %sign3A_232 : i1 to i32
          %sign3A_234 = arith.subi %sign3A_230, %sign3A_233 : i32
          %sign3A_235 = arith.constant 0 : i32
          %sign3A_236 = arith.cmpi sgt, %jit3A_226, %sign3A_235 : i32
          %sign3A_237 = arith.extui %sign3A_236 : i1 to i32
          %sign3A_238 = arith.constant 0 : i32
          %sign3A_239 = arith.cmpi slt, %jit3A_226, %sign3A_238 : i32
          %sign3A_240 = arith.extui %sign3A_239 : i1 to i32
          %sign3A_241 = arith.subi %sign3A_237, %sign3A_240 : i32
          %ne3A_242 = arith.cmpi ne, %sign3A_234, %sign3A_241 : i32
          %rem3A_243 = arith.remsi %while3A_225, %jit3A_226 : i32
          %ne3A_244 = arith.constant 0 : i32
          %ne3A_245 = arith.cmpi ne, %rem3A_243, %ne3A_244 : i32
          %and3A_246 = arith.andi %ne3A_242, %ne3A_245 : i1
          %sub3A_247 = arith.constant 1 : i32
          %sub3A_248 = arith.subi %div3A_227, %sub3A_247 : i32
          %select_n3A_249 = arith.select %and3A_246, %sub3A_248, %div3A_227 : i32
          %mul3A_250 = arith.constant 16 : i32
          %mul3A_251 = arith.muli %select_n3A_249, %mul3A_250 : i32
          %sub3A_252 = arith.subi %while3A_225, %mul3A_251 : i32
          %eq3A_253 = vector.broadcast %sub3A_252 : i32 to vector<16xi32>
          %eq3A_254 = arith.cmpi eq, %iota3A, %eq3A_253 : vector<16xi32>
          %get3A_255 = arith.index_cast %mul3A_251 : i32 to index
          %get3A_256 = tpu.vector_load %arg7[%get3A_255] {strides = array<i32>} : memref<1040xi32, #tpu.memory_space<vmem>>, vector<16xi32>,
          %jit3A_257 = arith.constant 0 : i32
          %broadcast_in_dim3A = vector.broadcast %jit3A_257 : i32 to vector<16xi32>
          %select_n3A_258 = arith.select %eq3A_254, %get3A_256, %broadcast_in_dim3A : vector<16xi1>, vector<16xi32>
          %reduce_sum3A = arith.constant true
          %reduce_sum3A_259 = vector.broadcast %reduce_sum3A : i1 to vector<16xi1>
          %reduce_sum3A_260 = tpu.scan <sum>, %select_n3A_258 masked %reduce_sum3A_259 : vector<16xi32>, vector<16xi1> -> vector<16xi32>
          %reduce_sum3A_261 = vector.extract %reduce_sum3A_260[15] : i32 from vector<16xi32>
          %jit3A_262 = arith.constant 32768 : i32
          %div3A_263 = arith.divsi %reduce_sum3A_261, %jit3A_262 : i32
          %sign3A_264 = arith.constant 0 : i32
          %sign3A_265 = arith.cmpi sgt, %reduce_sum3A_261, %sign3A_264 : i32
          %sign3A_266 = arith.extui %sign3A_265 : i1 to i32
          %sign3A_267 = arith.constant 0 : i32
          %sign3A_268 = arith.cmpi slt, %reduce_sum3A_261, %sign3A_267 : i32
          %sign3A_269 = arith.extui %sign3A_268 : i1 to i32
          %sign3A_270 = arith.subi %sign3A_266, %sign3A_269 : i32
          %sign3A_271 = arith.constant 0 : i32
          %sign3A_272 = arith.cmpi sgt, %jit3A_262, %sign3A_271 : i32
          %sign3A_273 = arith.extui %sign3A_272 : i1 to i32
          %sign3A_274 = arith.constant 0 : i32
          %sign3A_275 = arith.cmpi slt, %jit3A_262, %sign3A_274 : i32
          %sign3A_276 = arith.extui %sign3A_275 : i1 to i32
          %sign3A_277 = arith.subi %sign3A_273, %sign3A_276 : i32
          %ne3A_278 = arith.cmpi ne, %sign3A_270, %sign3A_277 : i32
          %rem3A_279 = arith.remsi %reduce_sum3A_261, %jit3A_262 : i32
          %ne3A_280 = arith.constant 0 : i32
          %ne3A_281 = arith.cmpi ne, %rem3A_279, %ne3A_280 : i32
          %and3A_282 = arith.andi %ne3A_278, %ne3A_281 : i1
          %sub3A_283 = arith.constant 1 : i32
          %sub3A_284 = arith.subi %div3A_263, %sub3A_283 : i32
          %select_n3A_285 = arith.select %and3A_282, %sub3A_284, %div3A_263 : i32
          %and3A_286 = arith.constant 32767 : i32
          %and3A_287 = arith.andi %reduce_sum3A_261, %and3A_286 : i32
          %sub3A_288 = arith.subi %and3A_287, %mul3A_195 : i32
          %broadcast_in_dim3A_289 = arith.constant 0 : i32
          %broadcast_in_dim3A_290 = vector.broadcast %broadcast_in_dim3A_289 : i32 to vector<16xi32>
          %add3A_291 = vector.broadcast %sub3A_288 : i32 to vector<16xi32>
          %add3A_292 = arith.addi %add3A_291, %broadcast_in_dim3A_290 : vector<16xi32>
          %get3A_293 = arith.constant 0 : i32
          %get3A_294 = arith.index_cast %get3A_293 : i32 to index
          %get3A_295 = memref.load %arg12[%get3A_294] : memref<2xi32, #tpu.memory_space<smem>>
          %add3A_296 = arith.constant 0 : i32
          %add3A_297 = vector.broadcast %add3A_296 : i32 to vector<16xi32>
          %add3A_298 = arith.addi %iota3A, %add3A_297 : vector<16xi32>
          %gather3A = arith.constant 1 : i32
          %gather3A_299 = arith.constant 0 : i32
          %gather3A_300 = arith.constant 0 : i32
          %gather3A_301 = tpu.memref_slice %arg8[%gather3A, %gather3A_299, %gather3A_300] : memref<2x64x768xf32, #tpu.memory_space<vmem>> -> memref<1x64x768xf32, #tpu.memory_space<vmem>>
          %gather3A_302 = tpu.memref_squeeze %gather3A_301 : memref<1x64x768xf32, #tpu.memory_space<vmem>> -> memref<64x768xf32, #tpu.memory_space<vmem>>
          %gather3A_303 = tpu.vector_load_idx %gather3A_302[%add3A_298, %add3A_292] : memref<64x768xf32, #tpu.memory_space<vmem>>[vector<16xi32>, vector<16xi32>], vector<16xf32>,
          %swap3A_304 = arith.index_cast %get3A_295 : i32 to index
          %swap3A_305 = arith.constant 0 : index
          %swap3A_306 = tpu.vector_load %arg9[%swap3A_304, %swap3A_305] {strides = array<i32>} : memref<32x128xf32, #tpu.memory_space<vmem>>, vector<16xf32>,
          tpu.vector_store %arg9[%swap3A_304, %swap3A_305], %gather3A_303 {strides = array<i32>} : memref<32x128xf32, #tpu.memory_space<vmem>>, vector<16xf32>,
          %add3A_307 = arith.constant 16 : i32
          %add3A_308 = vector.broadcast %add3A_307 : i32 to vector<16xi32>
          %add3A_309 = arith.addi %iota3A, %add3A_308 : vector<16xi32>
          %gather3A_310 = arith.constant 1 : i32
          %gather3A_311 = arith.constant 0 : i32
          %gather3A_312 = arith.constant 0 : i32
          %gather3A_313 = tpu.memref_slice %arg8[%gather3A_310, %gather3A_311, %gather3A_312] : memref<2x64x768xf32, #tpu.memory_space<vmem>> -> memref<1x64x768xf32, #tpu.memory_space<vmem>>
          %gather3A_314 = tpu.memref_squeeze %gather3A_313 : memref<1x64x768xf32, #tpu.memory_space<vmem>> -> memref<64x768xf32, #tpu.memory_space<vmem>>
          %gather3A_315 = tpu.vector_load_idx %gather3A_314[%add3A_309, %add3A_292] : memref<64x768xf32, #tpu.memory_space<vmem>>[vector<16xi32>, vector<16xi32>], vector<16xf32>,
          %swap3A_316 = arith.index_cast %get3A_295 : i32 to index
          %swap3A_317 = arith.constant 16 : index
          %swap3A_318 = tpu.vector_load %arg9[%swap3A_316, %swap3A_317] {strides = array<i32>} : memref<32x128xf32, #tpu.memory_space<vmem>>, vector<16xf32>,
          tpu.vector_store %arg9[%swap3A_316, %swap3A_317], %gather3A_315 {strides = array<i32>} : memref<32x128xf32, #tpu.memory_space<vmem>>, vector<16xf32>,
          %add3A_319 = arith.constant 32 : i32
          %add3A_320 = vector.broadcast %add3A_319 : i32 to vector<16xi32>
          %add3A_321 = arith.addi %iota3A, %add3A_320 : vector<16xi32>
          %gather3A_322 = arith.constant 1 : i32
          %gather3A_323 = arith.constant 0 : i32
          %gather3A_324 = arith.constant 0 : i32
          %gather3A_325 = tpu.memref_slice %arg8[%gather3A_322, %gather3A_323, %gather3A_324] : memref<2x64x768xf32, #tpu.memory_space<vmem>> -> memref<1x64x768xf32, #tpu.memory_space<vmem>>
          %gather3A_326 = tpu.memref_squeeze %gather3A_325 : memref<1x64x768xf32, #tpu.memory_space<vmem>> -> memref<64x768xf32, #tpu.memory_space<vmem>>
          %gather3A_327 = tpu.vector_load_idx %gather3A_326[%add3A_321, %add3A_292] : memref<64x768xf32, #tpu.memory_space<vmem>>[vector<16xi32>, vector<16xi32>], vector<16xf32>,
          %swap3A_328 = arith.index_cast %get3A_295 : i32 to index
          %swap3A_329 = arith.constant 32 : index
          %swap3A_330 = tpu.vector_load %arg9[%swap3A_328, %swap3A_329] {strides = array<i32>} : memref<32x128xf32, #tpu.memory_space<vmem>>, vector<16xf32>,
          tpu.vector_store %arg9[%swap3A_328, %swap3A_329], %gather3A_327 {strides = array<i32>} : memref<32x128xf32, #tpu.memory_space<vmem>>, vector<16xf32>,
          %add3A_331 = arith.constant 48 : i32
          %add3A_332 = vector.broadcast %add3A_331 : i32 to vector<16xi32>
          %add3A_333 = arith.addi %iota3A, %add3A_332 : vector<16xi32>
          %gather3A_334 = arith.constant 1 : i32
          %gather3A_335 = arith.constant 0 : i32
          %gather3A_336 = arith.constant 0 : i32
          %gather3A_337 = tpu.memref_slice %arg8[%gather3A_334, %gather3A_335, %gather3A_336] : memref<2x64x768xf32, #tpu.memory_space<vmem>> -> memref<1x64x768xf32, #tpu.memory_space<vmem>>
          %gather3A_338 = tpu.memref_squeeze %gather3A_337 : memref<1x64x768xf32, #tpu.memory_space<vmem>> -> memref<64x768xf32, #tpu.memory_space<vmem>>
          %gather3A_339 = tpu.vector_load_idx %gather3A_338[%add3A_333, %add3A_292] : memref<64x768xf32, #tpu.memory_space<vmem>>[vector<16xi32>, vector<16xi32>], vector<16xf32>,
          %swap3A_340 = arith.index_cast %get3A_295 : i32 to index
          %swap3A_341 = arith.constant 48 : index
          %swap3A_342 = tpu.vector_load %arg9[%swap3A_340, %swap3A_341] {strides = array<i32>} : memref<32x128xf32, #tpu.memory_space<vmem>>, vector<16xf32>,
          tpu.vector_store %arg9[%swap3A_340, %swap3A_341], %gather3A_339 {strides = array<i32>} : memref<32x128xf32, #tpu.memory_space<vmem>>, vector<16xf32>,
          %broadcast_in_dim3A_343 = arith.constant 0 : i32
          %broadcast_in_dim3A_344 = vector.broadcast %broadcast_in_dim3A_343 : i32 to vector<16xi32>
          %add3A_345 = vector.broadcast %get3A_295 : i32 to vector<16xi32>
          %add3A_346 = arith.addi %add3A_345, %broadcast_in_dim3A_344 : vector<16xi32>
          %broadcast_in_dim3A_347 = arith.constant 0 : i32
          %broadcast_in_dim3A_348 = vector.broadcast %broadcast_in_dim3A_347 : i32 to vector<16xi32>
          %add3A_349 = vector.broadcast %select_n3A_285 : i32 to vector<16xi32>
          %add3A_350 = arith.addi %add3A_349, %broadcast_in_dim3A_348 : vector<16xi32>
          %eq3A_351 = arith.constant 0 : i32
          %eq3A_352 = vector.broadcast %eq3A_351 : i32 to vector<16xi32>
          %eq3A_353 = arith.cmpi eq, %iota3A, %eq3A_352 : vector<16xi32>
          tpu.vector_store_idx %arg11[%add3A_346], %add3A_350 masked %eq3A_353 : memref<32xi32, #tpu.memory_space<vmem>>[vector<16xi32>], vector<16xi32>, vector<16xi1>
          %eq3A_354 = arith.constant 31 : i32
          %eq3A_355 = arith.cmpi eq, %get3A_295, %eq3A_354 : i32
          %convert_element_type3A_356 = arith.extui %eq3A_355 : i1 to i32
          %cond3A_357 = arith.constant 0 : i32
          %cond3A_358 = arith.cmpi ne, %convert_element_type3A_356, %cond3A_357 : i32
          scf.if %cond3A_358 {
            %dma_start3A_366 = arith.constant 0 : i32
            %dma_start3A_367 = arith.constant 0 : i32
            %dma_start3A_368 = tpu.memref_slice %arg4[%dma_start3A_366, %dma_start3A_367] : memref<16416x128xf32, #tpu.memory_space<hbm>> -> memref<16416x128xf32, #tpu.memory_space<hbm>>
            tpu.enqueue_indirect_dma source(%arg9 : memref<32x128xf32, #tpu.memory_space<vmem>>) target(%dma_start3A_368 : memref<16416x128xf32, #tpu.memory_space<hbm>>) offsets(%arg11 : memref<32xi32, #tpu.memory_space<vmem>>) semaphore(%arg19 : memref<!tpu.dma_semaphore, #tpu.memory_space<semaphore_mem>>)
            %dma_wait3A_369 = arith.constant 0 : i32
            %dma_wait3A_370 = arith.constant 0 : i32
            %dma_wait3A_371 = tpu.memref_slice %arg4[%dma_wait3A_369, %dma_wait3A_370] : memref<16416x128xf32, #tpu.memory_space<hbm>> -> memref<16416x128xf32, #tpu.memory_space<hbm>>
            tpu.wait_indirect_dma semaphore(%arg19 : memref<!tpu.dma_semaphore, #tpu.memory_space<semaphore_mem>>) src(%arg9 : memref<32x128xf32, #tpu.memory_space<vmem>>) dst(%dma_wait3A_371 : memref<16416x128xf32, #tpu.memory_space<hbm>>)
          } else {
          }
          %add3A_359 = arith.constant 1 : i32
          %add3A_360 = arith.addi %get3A_295, %add3A_359 : i32
          %rem3A_361 = arith.constant 32 : i32
          %rem3A_362 = arith.remsi %add3A_360, %rem3A_361 : i32
          %swap3A_363 = arith.constant 0 : i32
          %swap3A_364 = arith.index_cast %swap3A_363 : i32 to index
          %swap3A_365 = memref.load %arg12[%swap3A_364] : memref<2xi32, #tpu.memory_space<smem>>
          memref.store %rem3A_362, %arg12[%swap3A_364] : memref<2xi32, #tpu.memory_space<smem>>
        }
        %swap3A_221 = arith.constant 0 : i32
        %swap3A_222 = arith.constant 1 : i32
        %swap3A_223 = arith.index_cast %swap3A_222 : i32 to index
        %swap3A_224 = memref.load %arg12[%swap3A_223] : memref<2xi32, #tpu.memory_space<smem>>
        memref.store %swap3A_221, %arg12[%swap3A_223] : memref<2xi32, #tpu.memory_space<smem>>
      } else {
      }
      %add3A_177 = arith.constant 2 : i32
      %add3A_178 = arith.addi %add3A_157, %add3A_177 : i32
      %add3A_179 = arith.addi %mul3A_2, %add3A_178 : i32
      %lt3A_180 = arith.cmpi slt, %add3A_178, %sub3A : i32
      %lt3A_181 = arith.constant 1302 : i32
      %lt3A_182 = arith.cmpi slt, %add3A_179, %lt3A_181 : i32
      %and3A_183 = arith.andi %lt3A_180, %lt3A_182 : i1
      %convert_element_type3A_184 = arith.extui %and3A_183 : i1 to i32
      %cond3A_185 = arith.constant 0 : i32
      %cond3A_186 = arith.cmpi ne, %convert_element_type3A_184, %cond3A_185 : i32
      scf.if %cond3A_186 {
        %mul3A_194 = arith.constant 768 : i32
        %mul3A_195 = arith.muli %add3A_179, %mul3A_194 : i32
        %dma_start3A_196 = arith.constant 1 : i32
        %dma_start3A_197 = arith.constant 0 : i32
        %dma_start3A_198 = arith.constant 0 : i32
        %dma_start3A_199 = tpu.memref_slice %arg8[%dma_start3A_196, %dma_start3A_197, %dma_start3A_198] : memref<2x64x768xf32, #tpu.memory_space<vmem>> -> memref<1x64x384xf32, #tpu.memory_space<vmem>>
        %dma_start3A_200 = tpu.memref_squeeze %dma_start3A_199 : memref<1x64x384xf32, #tpu.memory_space<vmem>> -> memref<64x384xf32, #tpu.memory_space<vmem>>
        %dma_start3A_201 = arith.constant 0 : i32
        %dma_start3A_202 = tpu.memref_slice %arg3[%dma_start3A_201, %mul3A_195] : memref<64x1000000xf32, #tpu.memory_space<hbm>> -> memref<64x384xf32, #tpu.memory_space<hbm>>
        %dma_start3A_203 = arith.constant 0 : i32
        %dma_start3A_204 = arith.constant 0 : i32
        %dma_start3A_205 = tpu.memref_slice %arg8[%dma_start3A_196, %dma_start3A_203, %dma_start3A_204] : memref<2x64x768xf32, #tpu.memory_space<vmem>> -> memref<1x64x384xf32, #tpu.memory_space<vmem>>
        %dma_start3A_206 = tpu.memref_squeeze %dma_start3A_205 : memref<1x64x384xf32, #tpu.memory_space<vmem>> -> memref<64x384xf32, #tpu.memory_space<vmem>>
        %dma_start3A_207 = arith.constant 0 : i32
        %dma_start3A_208 = tpu.memref_slice %arg3[%dma_start3A_207, %mul3A_195] : memref<64x1000000xf32, #tpu.memory_space<hbm>> -> memref<64x384xf32, #tpu.memory_space<hbm>>
        tpu.enqueue_dma source(%dma_start3A_208 : memref<64x384xf32, #tpu.memory_space<hbm>>) target(%dma_start3A_206 : memref<64x384xf32, #tpu.memory_space<vmem>>) target_semaphore(%arg17 : memref<!tpu.dma_semaphore, #tpu.memory_space<semaphore_mem>>)
        %mul3A_209 = arith.constant 768 : i32
        %mul3A_210 = arith.muli %add3A_179, %mul3A_209 : i32
        %add3A_211 = arith.constant 384 : i32
        %add3A_212 = arith.addi %mul3A_210, %add3A_211 : i32
        %dma_start3A_213 = arith.constant 1 : i32
        %dma_start3A_214 = arith.constant 0 : i32
        %dma_start3A_215 = arith.constant 384 : i32
        %dma_start3A_216 = tpu.memref_slice %arg8[%dma_start3A_213, %dma_start3A_214, %dma_start3A_215] : memref<2x64x768xf32, #tpu.memory_space<vmem>> -> memref<1x64x384xf32, #tpu.memory_space<vmem>>
        %dma_start3A_217 = tpu.memref_squeeze %dma_start3A_216 : memref<1x64x384xf32, #tpu.memory_space<vmem>> -> memref<64x384xf32, #tpu.memory_space<vmem>>
        %dma_start3A_218 = arith.constant 0 : i32
        %dma_start3A_219 = tpu.memref_slice %arg3[%dma_start3A_218, %add3A_212] : memref<64x1000000xf32, #tpu.memory_space<hbm>> -> memref<64x384xf32, #tpu.memory_space<hbm>>
        %dma_start3A_220 = arith.constant 0 : i32
        %dma_start3A_221 = arith.constant 384 : i32
        %dma_start3A_222 = tpu.memref_slice %arg8[%dma_start3A_213, %dma_start3A_220, %dma_start3A_221] : memref<2x64x768xf32, #tpu.memory_space<vmem>> -> memref<1x64x384xf32, #tpu.memory_space<vmem>>
        %dma_start3A_223 = tpu.memref_squeeze %dma_start3A_222 : memref<1x64x384xf32, #tpu.memory_space<vmem>> -> memref<64x384xf32, #tpu.memory_space<vmem>>
        %dma_start3A_224 = arith.constant 0 : i32
        %dma_start3A_225 = tpu.memref_slice %arg3[%dma_start3A_224, %add3A_212] : memref<64x1000000xf32, #tpu.memory_space<hbm>> -> memref<64x384xf32, #tpu.memory_space<hbm>>
        tpu.enqueue_dma source(%dma_start3A_225 : memref<64x384xf32, #tpu.memory_space<hbm>>) target(%dma_start3A_223 : memref<64x384xf32, #tpu.memory_space<vmem>>) target_semaphore(%arg18 : memref<!tpu.dma_semaphore, #tpu.memory_space<semaphore_mem>>)
      } else {
      }
      %lt3A_187 = arith.cmpi slt, %add3A_178, %sub3A : i32
      %eq3A_188 = arith.constant 1302 : i32
      %eq3A_189 = arith.cmpi eq, %add3A_179, %eq3A_188 : i32
      %and3A_190 = arith.andi %lt3A_187, %eq3A_189 : i1
      %convert_element_type3A_191 = arith.extui %and3A_190 : i1 to i32
      %cond3A_192 = arith.constant 0 : i32
      %cond3A_193 = arith.cmpi ne, %convert_element_type3A_191, %cond3A_192 : i32
      scf.if %cond3A_193 {
        %dma_start3A_194 = arith.constant 0 : i32
        %dma_start3A_195 = arith.constant 999936 : i32
        %dma_start3A_196 = tpu.memref_slice %arg3[%dma_start3A_194, %dma_start3A_195] : memref<64x1000000xf32, #tpu.memory_space<hbm>> -> memref<64x64xf32, #tpu.memory_space<hbm>>
        %dma_start3A_197 = arith.constant 0 : i32
        %dma_start3A_198 = arith.constant 999936 : i32
        %dma_start3A_199 = tpu.memref_slice %arg3[%dma_start3A_197, %dma_start3A_198] : memref<64x1000000xf32, #tpu.memory_space<hbm>> -> memref<64x64xf32, #tpu.memory_space<hbm>>
        tpu.enqueue_dma source(%dma_start3A_199 : memref<64x64xf32, #tpu.memory_space<hbm>>) target(%arg10 : memref<64x64xf32, #tpu.memory_space<vmem>>) target_semaphore(%arg17 : memref<!tpu.dma_semaphore, #tpu.memory_space<semaphore_mem>>)
      } else {
      }
    }
    %scan3A_107 = arith.constant 21 : i32
    %dma_start3A_108 = arith.constant 0 : i32
    %dma_start3A_109 = arith.constant 0 : i32
    %dma_start3A_110 = tpu.memref_slice %arg4[%dma_start3A_108, %dma_start3A_109] : memref<16416x128xf32, #tpu.memory_space<hbm>> -> memref<16416x128xf32, #tpu.memory_space<hbm>>
    tpu.enqueue_indirect_dma source(%arg9 : memref<32x128xf32, #tpu.memory_space<vmem>>) target(%dma_start3A_110 : memref<16416x128xf32, #tpu.memory_space<hbm>>) offsets(%arg11 : memref<32xi32, #tpu.memory_space<vmem>>) semaphore(%arg19 : memref<!tpu.dma_semaphore, #tpu.memory_space<semaphore_mem>>)
    %dma_wait3A = arith.constant 0 : i32
    %dma_wait3A_111 = arith.constant 0 : i32
    %dma_wait3A_112 = tpu.memref_slice %arg4[%dma_wait3A, %dma_wait3A_111] : memref<16416x128xf32, #tpu.memory_space<hbm>> -> memref<16416x128xf32, #tpu.memory_space<hbm>>
    tpu.wait_indirect_dma semaphore(%arg19 : memref<!tpu.dma_semaphore, #tpu.memory_space<semaphore_mem>>) src(%arg9 : memref<32x128xf32, #tpu.memory_space<vmem>>) dst(%dma_wait3A_112 : memref<16416x128xf32, #tpu.memory_space<hbm>>)
    return
  }
}

</mosaic_0001>

<sc_bundles>
// kernel: kernel.3.cloned.1.call-start
scs
__scs_entry_jumppad:
0x0: {  	(pc) =	sbr.rel $0x88, $3  }
0x1: {  	(tag) =	ssettag $0x0;
	lr =	simm.s32 $0x1  }
0x2: {  	[smem:$0x3F9F] =	sst lr;
	_ =	strace $0xD0000000  }
0x3: {  	_ = 	snop  }
0x4: {  	_ = 	snop  }
0x5: {  	_ = 	snop  }
0x6: {  	_ = 	snop  }
0x7: {  	_ = 	snop  }
__scs_overlays_trampoline_lowered:
0x8: {  	[smem:$0x3FAE] =	sst s0  }
0x9: {  	[smem:$0x3FAF] =	sst s1  }
0xa: {  	[smem:$0x3FB0] =	sst s2  }
0xb: {  	[smem:$0x3FB1] =	sst s3  }
0xc: {  	[smem:$0x3FB2] =	sst s4  }
0xd: {  	[smem:$0x3FB3] =	sst s5  }
0xe: {  	[smem:$0x3FB4] =	sst s6  }
0xf: {  	[smem:$0x3FB5] =	sst s7  }
0x10: {  	[smem:$0x3FB6] =	sst s8  }
0x11: {  	[smem:$0x3FB7] =	sst s9;
	s0 =	simm.s32 @!p0 $0x0  }
0x12: {  	s1 =	sld [smem:$0x3F9D];
	s0 =	simm.s32 @p0 $0x1  }
0x13: {  	[smem:$0x3FB8] =	sst s0;
	s0 =	simm.s32 @!p1 $0x0  }
0x14: {  	s2 =	sld [smem:$0x3F9C];
	s0 =	simm.s32 @p1 $0x1  }
0x15: {  	[smem:$0x3FB9] =	sst s0;
	s0 =	simm.s32 @!p2 $0x0  }
0x16: {  	s3 =	sld [smem:$0x3FDB];
	s0 =	simm.s32 @p2 $0x1  }
0x17: {  	s4 =	simm.s32 $0x1BF5;
	[smem:$0x3FBB] =	sst s0  }
0x18: {  	s0 =	sld [smem:$0x3F9E];
	_ =	swait.ge [sflag:s4], $0x0  }
0x19: {  	s7 =	sld [smem:$0x3F9F]  }
0x1a: {  	s8 =	sadd.s32 $0xFFFFE003, lr  }
0x1b: {  	s9 =	sadd.s32 $0xFFFFFEF7, lr;
	s5 =	simm.s32 $0xFFFFFFFF;
	p2 =	slt.u32 s8, $0xFFFFF086  }
0x1c: {  	p1 =	slt.u32 s9, $0xF7A;
	s5 =	simm.s32 @!p2 $0x0  }
0x1d: {  	s5 =	simm.s32 @p1 $0x1;
	p0 =	seq.s32 s7, s2  }
0x1e: {  	s7 =	smul.u32 @!p0 $0xF7A, s2;
	p2 =	seq.s32 @!p0 s5, $0x0  }
0x1f: {  	s9 =	smul.u32 $0xF7A, s1;
	s8 =	simm.s32 @!p0 $0x1BF5;
	p2 =	por !p2, p0  }
0x20: {  	[sflag:s8] =	ssyncset.s32 @!p0 $0xFFFFF086;
	s6 =	sadd.s32 @!p0 s3, s7;
	s7 =	simm.s32 @!p0 $0x108  }
0x21: {  	s3 =	sadd.s32 s3, s9;
	s6 =	sadd.s32 @!p0 $0x88, s6;
	s7 =	simm.s32 @p2 $0x1082  }
0x22: {  	[simem:s7], [sflag:s8] =	dma.local @!p0 [hbm:s6], $0xF7A  }
0x23: {  	s9 =	sor.u32 $0xD0000000, s2;
	s6 =	simm.s32 $0x108;
	_ =	swait.ge @!p0 [sflag:s8], $0x0  }
0x24: {  	s3 =	sadd.s32 $0x88, s3;
	s6 =	simm.s32 @!p1 $0x1082;
	[sflag:s4] =	ssyncset.s32 $0xFFFFF086  }
0x25: {  	[simem:s6], [sflag:s4] =	dma.local [hbm:s3], $0xF7A  }
0x26: {  	[smem:$0x3F9F] =	sst s1;
	(tag) =	ssettag s2;
	_ =	strace s9  }
0x27: {  	s1 =	sld [smem:$0x3FAF]  }
0x28: {  	s2 =	sld [smem:$0x3FB0]  }
0x29: {  	s4 =	sld [smem:$0x3FB2]  }
0x2a: {  	p0 =	seq.s32 s5, $0x0;
	s5 =	sld [smem:$0x3FB3]  }
0x2b: {  	s6 =	sld [smem:$0x3FB4]  }
0x2c: {  	s7 =	sld [smem:$0x3FB5]  }
0x2d: {  	s3 =	simm.s32 $0x108;
	s8 =	sld [smem:$0x3FB6]  }
0x2e: {  	s3 =	simm.s32 @!p0 $0x1082;
	s9 =	sld [smem:$0x3FB7]  }
0x2f: {  	lr =	sadd.s32 s0, s3;
	s0 =	sld [smem:$0x3FAE]  }
0x30: {  	s3 =	sld [smem:$0x3FB1]  }
0x31: {  	[smem:$0x3FBA] =	sst s10  }
0x32: {  	s10 =	sld [smem:$0x3FB8];
	_ =	sdelay $0x3  }
0x33: {  	p0 =	seq.s32 s10, $0x1;
	s10 =	sld [smem:$0x3FBA];
	_ =	sdelay $0x3  }
0x34: {  	[smem:$0x3FBA] =	sst s10  }
0x35: {  	s10 =	sld [smem:$0x3FB9];
	_ =	sdelay $0x3  }
0x36: {  	p1 =	seq.s32 s10, $0x1;
	s10 =	sld [smem:$0x3FBA];
	_ =	sdelay $0x3  }
0x37: {  	[smem:$0x3FBA] =	sst s10  }
0x38: {  	s10 =	sld [smem:$0x3FBB]  }
0x39: {  	_ = 	snop;
	(pc) =	sbr.ind lr, $3  }
0x3a: {  	_ = 	snop  }
0x3b: {  	_ = 	snop  }
0x3c: {  	p2 =	seq.s32 s10, $0x1;
	s10 =	sld [smem:$0x3FBA]  }
0x3d: {  	_ =	shalt  }
0x3e: {  	_ =	shalt  }
0x3f: {  	_ =	shalt  }
0x40: {  	_ =	shalt  }
0x41: {  	_ =	shalt  }
0x42: {  	_ =	shalt  }
0x43: {  	_ =	shalt  }
0x44: {  	_ =	shalt  }
0x45: {  	_ =	shalt  }
0x46: {  	_ =	shalt  }
0x47: {  	_ =	shalt  }
0x48: {  	_ =	shalt  }
0x49: {  	_ =	shalt  }
0x4a: {  	_ =	shalt  }
0x4b: {  	_ =	shalt  }
0x4c: {  	_ =	shalt  }
0x4d: {  	_ =	shalt  }
0x4e: {  	_ =	shalt  }
0x4f: {  	_ =	shalt  }
0x50: {  	_ =	shalt  }
0x51: {  	_ =	shalt  }
0x52: {  	_ =	shalt  }
0x53: {  	_ =	shalt  }
0x54: {  	_ =	shalt  }
0x55: {  	_ =	shalt  }
0x56: {  	_ =	shalt  }
0x57: {  	_ =	shalt  }
0x58: {  	_ =	shalt  }
0x59: {  	_ =	shalt  }
0x5a: {  	_ =	shalt  }
0x5b: {  	_ =	shalt  }
0x5c: {  	_ =	shalt  }
0x5d: {  	_ =	shalt  }
0x5e: {  	_ =	shalt  }
0x5f: {  	_ =	shalt  }
0x60: {  	_ =	shalt  }
0x61: {  	_ =	shalt  }
0x62: {  	_ =	shalt  }
0x63: {  	_ =	shalt  }
0x64: {  	_ =	shalt  }
0x65: {  	_ =	shalt  }
0x66: {  	_ =	shalt  }
0x67: {  	_ =	shalt  }
0x68: {  	_ =	shalt  }
0x69: {  	_ =	shalt  }
0x6a: {  	_ =	shalt  }
0x6b: {  	_ =	shalt  }
0x6c: {  	_ =	shalt  }
0x6d: {  	_ =	shalt  }
0x6e: {  	_ =	shalt  }
0x6f: {  	_ =	shalt  }
0x70: {  	_ =	shalt  }
0x71: {  	_ =	shalt  }
0x72: {  	_ =	shalt  }
0x73: {  	_ =	shalt  }
0x74: {  	_ =	shalt  }
0x75: {  	_ =	shalt  }
0x76: {  	_ =	shalt  }
0x77: {  	_ =	shalt  }
0x78: {  	_ =	shalt  }
0x79: {  	_ =	shalt  }
0x7a: {  	_ =	shalt  }
0x7b: {  	_ =	shalt  }
0x7c: {  	_ =	shalt  }
0x7d: {  	_ =	shalt  }
0x7e: {  	_ =	shalt  }
0x7f: {  	_ =	shalt  }
0x80: {  	_ =	shalt  }
0x81: {  	_ =	shalt  }
0x82: {  	_ =	shalt  }
0x83: {  	_ =	shalt  }
0x84: {  	_ =	shalt  }
0x85: {  	_ =	shalt  }
0x86: {  	_ =	shalt  }
0x87: {  	_ =	shalt  }
.Lfunc_end0:
.L_simem_size_0:
called_computation_lowered:
.L_overlay_start_0:
0x88: {  	s2 =	sld [smem:$0x3FD9]  }
0x89: {  	s3 =	sld [smem:$0x3FFE];
	_ =	sdelay $0x1  }
0x8a: {  	s1 =	srdreg.scid  }
0x8b: {  	s0 =	sand.u32 $0x1, s1  }
0x8c: {  	s17 =	sshll.u32 s0, $0xA;
	s2 =	sadd.s32 s3, s2  }
0x8d: {  	s2 =	sadd.s32 s2, s17  }
0x8e: {  	[smem:$0x3FC6] =	sst s2  }
0x8f: {  	_ = 	snop  }
0x90: {  	s2 =	sld [smem:$0x3FC9]  }
0x91: {  	s18 =	sld [smem:$0x3FC8];
	(tm) =	ssettm $0x1  }
0x92: {  	s4 =	sld [smem:$0x3FFB];
	_ =	sdelay $0x3  }
0x93: {  	_ =	strace s4  }
0x94: {  	s4 =	sld [smem:$0x3FFC];
	_ =	sdelay $0x3  }
0x95: {  	_ =	strace s4  }
0x96: {  	s4 =	sld [smem:$0x3FFD];
	_ =	sdelay $0x3  }
0x97: {  	_ =	strace s4  }
0x98: {  	_ =	strace $0x8FFFFFFF  }
0x99: {  	s19 =	sld [smem:$0x3FDB];
	_ =	sdelay $0x1  }
0x9a: {  	s5 =	simm.s32 $_scs_section_size  }
0x9b: {  	s6 =	simm.s32 $_size__tile_overlayer_lowered;
	s7 =	simm.s32 $_tile_overlayer_lowered  }
0x9c: {  	s22 =	simm.s32 $0x1BFF;
	s21 =	sshll.u32 s7, $0x1;
	s4 =	sadd.s32 s5, s19  }
0x9d: {  	s8 =	simm.s32 $0x0;
	s20 =	sshll.u32 s6, $0x1;
	s6 =	sadd.s32 s21, s4  }
0x9e: {  	[timem:s8], [sflag:s22] =	dma.local [hbm:s6], s20  }
0x9f: {  	_ =	swait.ge [sflag:s22], s20  }
0xa0: {  	s5 =	ssub.s32 $0x0, s20;
	[sflag:s22] =	ssyncset.done $0x0  }
0xa1: {  	[sflag:s22] =	ssyncadd.s32 s5;
	_ =	sdelay $0x1  }
0xa2: {  	s23 =	simm.s32 $0x1B8B  }
0xa3: {  	_ =	swait.ge [sflag:s23], $0x1  }
0xa4: {  	[sflag:s23] =	ssyncset.done $0x0  }
0xa5: {  	s25 =	simm.s32 $0x1B8E;
	s24 =	sld [smem:$0x3FFE];
	[sflag:s23] =	ssyncadd.s32 $0xFFFFFFFF  }
0xa6: {  	s26 =	simm.s32 $execute0_lowered;
	[smem:$0x3FD2] =	sst s25  }
0xa7: {  	s6 =	sshll.u32 s26, $0x1;
	_ =	strace $0x80000046;
	[dreg:$0x1] =	wrdreg $0xFFFFFFFF  }
0xa8: {  	s28 =	simm.s32 $_size_execute0_lowered;
	s4 =	sadd.s32 s4, s6;
	[dreg:$0x0] =	wrdreg $0x0  }
0xa9: {  	s6 =	sshll.u32 s28, $0x1;
	[dreg:$0x2] =	wrdreg s4  }
0xaa: {  	[dreg:$0x3] =	wrdreg s6  }
0xab: {  	[dreg:$0x4] =	wrdreg $0xC0  }
0xac: {  	_ =	task [dreg:s8], $0x5FFFF  }
0xad: {  	[dreg:$0x1] =	wrdreg $0xFFFFFFFF  }
0xae: {  	[dreg:$0x0] =	wrdreg $0x60  }
0xaf: {  	[dreg:$0x2] =	wrdreg s2  }
0xb0: {  	[dreg:$0x3] =	wrdreg s18  }
0xb1: {  	[dreg:$0x4] =	wrdreg s24  }
0xb2: {  	[dreg:$0x5] =	wrdreg $0x9  }
0xb3: {  	_ =	task.clear_ibuf [dreg:s8], $0x6FFFF;
	_ =	strace $0x90000046  }
0xb4: {  	s29 =	simm.s32 $0x9;
	_ =	strace $0x80000048  }
0xb5: {  	_ =	swait.ge [sflag:s29], $0x1  }
0xb6: {  	[sflag:s29] =	ssyncadd.s32 $0xFFFFFFFF  }
0xb7: {  	_ =	strace $0x90000048  }
0xb8: {  	_ =	sfence  }
0xb9: {  	s30 =	sld [smem:$0x0];
	_ =	sdelay $0x2  }
0xba: {  	s31 =	sshll.u32 s1, $0xD;
	s1 =	sshrl.u32 s1, $0x2  }
0xbb: {  	s3 =	sand.u32 $0x4000, s31;
	s1 =	sadd.s32 s1, s30  }
0xbc: {  	s0 =	sor.u32 s3, s0;
	s1 =	sshll.u32 s1, $0x11  }
0xbd: {  	s0 =	sor.u32 s1, s0  }
0xbe: {  	s0 =	sadd.s32 $0x8F2B, s0  }
0xbf: {  	[sflag:s0] =	ssyncadd.remote.s32 $0x1  }
0xc0: {  	_ =	sfence.sel $0xFFFF  }
0xc1: {  	[dreg:$0x0] =	wrdreg $0xFFFFFFFF;
	(pc) =	sbr.abs _section_cstart, $3  }
0xc2: {  	[dreg:$0x1] =	wrdreg $0xFFFFFFFF  }
0xc3: {  	_ =	task.clear_ibuf [dreg:s8], $0x2FFFF;
	_ =	strace $0x9FFFFFFF  }
0xc4: {  	(tm) =	ssettm $0x7FFFFFFF  }
0xc5: {  	_ =	shalt  }
tec
execute0_lowered:
.L_overlay_start_1:
0x0: {  	(tag) =	ssettag $0x1  }
0x1: {  	v0 =	vimm.s32 $0x1B80;
	vm14 =	vcmask $0x300;
	vm13 =	vcmask $0x704  }
0x2: {  	vm12 =	vcmask $0xB08;
	vm11 =	vcmask $0xF0C;
	vm10 =	vcmask $0x1310  }
0x3: {  	vm9 =	vcmask $0x1714;
	vm8 =	vcmask $0x1B18;
	vm7 =	vcmask $0x1F1C  }
0x4: {  	vm6 =	vcmask $0x2320;
	vm5 =	vcmask $0x2724;
	vm4 =	vcmask $0x2B28  }
0x5: {  	vm0 =	vcmask $0x2F2C;
	vm1 =	vcmask $0x3330;
	vm2 =	vcmask $0x3734  }
0x6: {  	s0 =	rddreg [dreg:$0x0];
	vm3 =	vcmask $0x3B38;
	v6 =	vimm.s32 $0x4B80;
	v7 =	vimm.s32 $0x7B80  }
0x7: {  	s2 =	rddreg [dreg:$0x1];
	s1 =	srdreg.scid;
	v8 =	vimm.s32 $0xAB80;
	v0 =	vsel vm14, $0x0, v0;
	v6 =	vsel vm14, $0x3000, v6  }
0x8: {  	s4 =	stileid.u32;
	s3 =	rddreg [dreg:$0x2];
	s18 =	simm.s32 $0x4900;
	v7 =	vsel vm14, $0x6000, v7;
	v8 =	vsel vm14, $0x9000, v8;
	v0 =	vsel vm13, $0x80, v0  }
0x9: {  	s12 =	simm.s32 $0x1;
	s14 =	simm.s32 $0x0;
	s1 =	sand.u32 $0x1, s1;
	v6 =	vsel vm13, $0x3080, v6;
	v7 =	vsel vm13, $0x6080, v7;
	v8 =	vsel vm13, $0x9080, v8  }
0xa: {  	s5 =	sshll.u32 s4, $0x1;
	s4 =	simm.s32 $0x0;
	s6 =	sadd.s32 $0x400, s3;
	v0 =	vsel vm12, $0x100, v0;
	v6 =	vsel vm12, $0x3100, v6;
	v7 =	vsel vm12, $0x6100, v7  }
0xb: {  	s24 =	sadd.s32 $0x40, s0;
	s13 =	sadd.s32 $0xF4200, s2;
	s25 =	sadd.s32 $0x10, s0;
	v8 =	vsel vm12, $0x9100, v8;
	v0 =	vsel vm11, $0x180, v0;
	v6 =	vsel vm11, $0x3180, v6  }
0xc: {  	s26 =	sadd.s32 $0x20, s0;
	s28 =	sadd.s32 $0x30, s0;
	[smem:$0x7FF] =	sst s4;
	v7 =	vsel vm11, $0x6180, v7;
	v8 =	vsel vm11, $0x9180, v8;
	v0 =	vsel vm10, $0x200, v0  }
0xd: {  	s8 =	sor.u32 s1, s5;
	_ =	strace $0x80000047;
	[dreg:$0x8] =	wrdreg s24;
	v6 =	vsel vm10, $0x3200, v6;
	v7 =	vsel vm10, $0x6200, v7;
	v8 =	vsel vm10, $0x9200, v8  }
0xe: {  	s1 =	ssub.s32 $0x2, s1;
	s5 =	smul.u32 $0x29, s8;
	[dreg:$0xa] =	wrdreg s25;
	v0 =	vsel vm9, $0x280, v0;
	v6 =	vsel vm9, $0x3280, v6;
	v7 =	vsel vm9, $0x6280, v7  }
0xf: {  	s7 =	sshrl.u32 s1, $0x1;
	s10 =	smul.u32 $0x3D800, s8;
	[dreg:$0xb] =	wrdreg s26;
	v8 =	vsel vm9, $0x9280, v8;
	v0 =	vsel vm8, $0x300, v0;
	v6 =	vsel vm8, $0x3300, v6  }
0x10: {  	s21 =	smul.u32 $0x7B00, s8;
	[dreg:$0xc] =	wrdreg s28;
	s24 =	simm.s32 $0x6;
	v7 =	vsel vm8, $0x6300, v7;
	v8 =	vsel vm8, $0x9300, v8;
	v0 =	vsel vm7, $0x380, v0  }
0x11: {  	s25 =	simm.s32 $0x10900;
	s1 =	ssub.s32 s1, s7;
	s9 =	sadd.s32 $0x29, s5;
	v6 =	vsel vm7, $0x3380, v6;
	v7 =	vsel vm7, $0x6380, v7;
	v8 =	vsel vm7, $0x9380, v8  }
0x12: {  	s22 =	sadd.s32 $0x1800, s10;
	s10 =	sshrl.u32 s10, $0x3;
	s11 =	sadd.s32 s2, s21;
	v0 =	vsel vm6, $0x1800, v0;
	v6 =	vsel vm6, $0x4800, v6;
	v7 =	vsel vm6, $0x7800, v7  }
0x13: {  	s1 =	smax.u32 s1, $0x1;
	s20 =	smin.u32 s9, $0x517;
	s9 =	smul.u32 $0x300, s9;
	v8 =	vsel vm6, $0xA800, v8;
	v0 =	vsel vm5, $0x1880, v0;
	v6 =	vsel vm5, $0x4880, v6  }
0x14: {  	s8 =	sshrl.u32 s22, $0x3;
	s10 =	sadd.s32 s2, s10;
	[dreg:$0x9] =	wrdreg s1;
	v7 =	vsel vm5, $0x7880, v7;
	v8 =	vsel vm5, $0xA880, v8;
	v1 =	vsel vm4, $0x1900, v0  }
0x15: {  	s23 =	sadd.s32 $0x300, s11;
	s29 =	sadd.s32 $0xF4280, s11;
	[dreg:$0x4] =	wrdreg s11;
	v0 =	vmov s21;
	v6 =	vsel vm4, $0x4900, v6;
	v7 =	vsel vm4, $0x7900, v7  }
0x16: {  	s30 =	sadd.s32 $0x1E8500, s11;
	s31 =	sadd.s32 $0x2DC780, s11;
	[dreg:$0x6] =	wrdreg s23;
	v8 =	vsel vm4, $0xA900, v8;
	v2 =	vsel vm0, $0x1980, v1;
	v1 =	vlaneseq.u32  }
0x17: {  	s11 =	simm.s32 $0x4;
	s22 =	simm.s32 $0x5;
	[dreg:$0xd] =	wrdreg s29;
	v6 =	vsel vm0, $0x4980, v6;
	v7 =	vsel vm0, $0x7980, v7;
	v8 =	vsel vm0, $0xA980, v8  }
.Ltmp0:
0x18: {  	s7 =	ssub.s32 s20, s5;
	[dreg:$0xe] =	wrdreg s30;
	v3 =	vsel vm1, $0x1A00, v2;
	v2 =	vor.u32 $0x4000, v1;
	v4 =	vor.u32 $0x4010, v1;
	(pc) =	sbr.rel .LBB2_1-.Ltmp0, $4  }
0x19: {  	s8 =	sadd.s32 s2, s8;
	s10 =	sadd.s32 $0x180, s10;
	[dreg:$0xf] =	wrdreg s31;
	v6 =	vsel vm1, $0x4A00, v6;
	v7 =	vsel vm1, $0x7A00, v7;
	v8 =	vsel vm1, $0xAA00, v8  }
0x1a: {  	s20 =	simm.s32 $0x1F900;
	[dreg:$0x5] =	wrdreg s10;
	s8 =	sadd.s32 $0x180, s8;
	v5 =	vsel vm2, $0x1A80, v3;
	v3 =	vmov s9;
	v6 =	vsel vm2, $0x4A80, v6  }
0x1b: {  	p0 =	slt.s32 s7, $0x1;
	p1 =	seq.s32 s7, $0x1;
	s10 =	simm.s32 $0x3;
	v7 =	vsel vm2, $0x7A80, v7;
	v8 =	vsel vm2, $0xAA80, v8;
	v5 =	vsel vm3, $0x1B00, v5  }
0x1c: {  	[dreg:$0x7] =	wrdreg s8;
	s8 =	simm.s32 $0x380;
	s9 =	simm.s32 $0x2;
	v6 =	vsel vm3, $0x4B00, v6;
	v7 =	vsel vm3, $0x7B00, v7;
	v8 =	vsel vm3, $0xAB00, v8  }
.LBB2_64:
0x1d: {  	s1 =	simm.s32 $0x20;
	s3 =	simm.s32 $0x1C900;
	s30 =	simm.s32 $0x7  }
0x1e: {  	[hbm4b:s6+s1] =	stream.indirect.scatter [tilespmem:s3], [sflag:$0x7], $0x80, s20, s1, $0xb8;
	[tilespmem:$0x1F980] =	vst v63  }
0x1f: {  	_ =	swait.ge [sflag:s30], $0x1000  }
0x20: {  	s14 =	rddreg [dreg:$0x10]  }
0x21: {  	s31 =	rddreg [dreg:$0x9];
	s14 =	sadd.s32 $0x1, s14  }
0x22: {  	p2 =	sne.s32 s14, s31  }
.Ltmp1:
0x23: {  	_ = 	snop;
	(pc) =	sbr.rel @!p2 .LBB2_65-.Ltmp1, $3  }
0x24: {  	_ =	sdelay $0x1  }
0x25: {  	[sflag:s30] =	ssyncset.done $0x0  }
0x26: {  	[sflag:s30] =	ssyncadd.s32 $0xFFFFF000  }
.LBB2_1:
.Ltmp2:
0x27: {  	(pc) =	sbr.rel @p0 .LBB2_3-.Ltmp2, $3  }
0x28: {  	_ =	sdelay $0x1  }
0x29: {  	[dreg:$0x10] =	wrdreg s14;
	[tilespmem:$0x1F900] =	vst v2  }
0x2a: {  	[tilespmem:$0x1F910] =	vst v4;
	[smem:$0x0] =	sst s4  }
0x2b: {  	s3 =	rddreg [dreg:$0x4]  }
0x2c: {  	[tilespmem:s18], [sflag:$0x3] =	stream.linear.gather [hbm4b:s3+s4], $0xC00, $0x38;
	[tilespmem:$0x1F980] =	vst v63  }
0x2d: {  	s1 =	rddreg [dreg:$0xd];
	s14 =	simm.s32 $0x6100  }
0x2e: {  	[tilespmem:s14], [sflag:$0x3] =	stream.linear.gather [hbm4b:s1+s4], $0xC00, $0x38;
	[tilespmem:$0x1F980] =	vst v63  }
0x2f: {  	s28 =	rddreg [dreg:$0xe];
	s29 =	simm.s32 $0x7900  }
0x30: {  	[tilespmem:s29], [sflag:$0x3] =	stream.linear.gather [hbm4b:s28+s4], $0xC00, $0x38;
	[tilespmem:$0x1F980] =	vst v63  }
0x31: {  	s30 =	rddreg [dreg:$0xf];
	s31 =	simm.s32 $0x9100  }
0x32: {  	[tilespmem:s31], [sflag:$0x3] =	stream.linear.gather [hbm4b:s30+s4], $0xC00, $0x38;
	[tilespmem:$0x1F980] =	vst v63  }
0x33: {  	s16 =	simm.s32 $0xA900;
	s15 =	sadd.s32 $0x3D0A00, s3  }
0x34: {  	[tilespmem:s16], [sflag:$0x3] =	stream.linear.gather [hbm4b:s15+s4], $0xC00, $0x38;
	[tilespmem:$0x1F980] =	vst v63  }
0x35: {  	s19 =	simm.s32 $0xC100;
	s17 =	sadd.s32 $0x4C4C80, s3  }
0x36: {  	[tilespmem:s19], [sflag:$0x3] =	stream.linear.gather [hbm4b:s17+s4], $0xC00, $0x38;
	[tilespmem:$0x1F980] =	vst v63  }
0x37: {  	s23 =	simm.s32 $0xD900;
	s21 =	sadd.s32 $0x5B8F00, s3  }
0x38: {  	[tilespmem:s23], [sflag:$0x3] =	stream.linear.gather [hbm4b:s21+s4], $0xC00, $0x38;
	[tilespmem:$0x1F980] =	vst v63  }
0x39: {  	s26 =	sadd.s32 $0x6AD180, s3;
	s28 =	simm.s32 $0xF100  }
0x3a: {  	[tilespmem:s28], [sflag:$0x3] =	stream.linear.gather [hbm4b:s26+s4], $0xC00, $0x38;
	[tilespmem:$0x1F980] =	vst v63  }
0x3b: {  	s3 =	rddreg [dreg:$0x5];
	s29 =	simm.s32 $0x5500  }
0x3c: {  	[tilespmem:s29], [sflag:$0x4] =	stream.linear.gather [hbm4b:s3+s4], $0xC00, $0x38;
	[tilespmem:$0x1F980] =	vst v63  }
0x3d: {  	s30 =	sadd.s32 $0xF4280, s3;
	s31 =	simm.s32 $0x6D00  }
0x3e: {  	[tilespmem:s31], [sflag:$0x4] =	stream.linear.gather [hbm4b:s30+s4], $0xC00, $0x38;
	[tilespmem:$0x1F980] =	vst v63  }
0x3f: {  	s14 =	sadd.s32 $0x1E8500, s3;
	s15 =	simm.s32 $0x8500  }
0x40: {  	[tilespmem:s15], [sflag:$0x4] =	stream.linear.gather [hbm4b:s14+s4], $0xC00, $0x38;
	[tilespmem:$0x1F980] =	vst v63  }
0x41: {  	s16 =	sadd.s32 $0x2DC780, s3;
	s17 =	simm.s32 $0x9D00  }
0x42: {  	[tilespmem:s17], [sflag:$0x4] =	stream.linear.gather [hbm4b:s16+s4], $0xC00, $0x38;
	[tilespmem:$0x1F980] =	vst v63  }
0x43: {  	s19 =	sadd.s32 $0x3D0A00, s3;
	s21 =	simm.s32 $0xB500  }
0x44: {  	[tilespmem:s21], [sflag:$0x4] =	stream.linear.gather [hbm4b:s19+s4], $0xC00, $0x38;
	[tilespmem:$0x1F980] =	vst v63  }
0x45: {  	s23 =	sadd.s32 $0x4C4C80, s3;
	s26 =	simm.s32 $0xCD00  }
0x46: {  	[tilespmem:s26], [sflag:$0x4] =	stream.linear.gather [hbm4b:s23+s4], $0xC00, $0x38;
	[tilespmem:$0x1F980] =	vst v63  }
0x47: {  	s28 =	sadd.s32 $0x5B8F00, s3;
	s29 =	simm.s32 $0xE500  }
0x48: {  	[tilespmem:s29], [sflag:$0x4] =	stream.linear.gather [hbm4b:s28+s4], $0xC00, $0x38;
	[tilespmem:$0x1F980] =	vst v63  }
0x49: {  	s30 =	sadd.s32 $0x6AD180, s3;
	s31 =	simm.s32 $0xFD00  }
0x4a: {  	[tilespmem:s31], [sflag:$0x4] =	stream.linear.gather [hbm4b:s30+s4], $0xC00, $0x38;
	[tilespmem:$0x1F980] =	vst v63  }
0x4b: {  	s1 =	simm.s32 @!p1 $0x0;
	s3 =	simm.s32 @!p1 $0x10900;
	s15 =	rddreg [dreg:$0x6]  }
0x4c: {  	[tilespmem:s3], [sflag:$0x5] =	stream.linear.gather @!p1 [hbm4b:s15+s1], $0xC00, $0x38;
	[tilespmem:$0x1F980] =	vst v63  }
0x4d: {  	s14 =	simm.s32 @!p1 $0x12100;
	s3 =	sadd.s32 @!p1 $0xF4280, s15  }
0x4e: {  	[tilespmem:s14], [sflag:$0x5] =	stream.linear.gather @!p1 [hbm4b:s3+s1], $0xC00, $0x38;
	[tilespmem:$0x1F980] =	vst v63  }
0x4f: {  	s3 =	sadd.s32 @!p1 $0x1E8500, s15;
	s14 =	simm.s32 @!p1 $0x13900  }
0x50: {  	[tilespmem:s14], [sflag:$0x5] =	stream.linear.gather @!p1 [hbm4b:s3+s1], $0xC00, $0x38;
	[tilespmem:$0x1F980] =	vst v63  }
0x51: {  	s3 =	sadd.s32 @!p1 $0x2DC780, s15;
	s14 =	simm.s32 @!p1 $0x15100  }
0x52: {  	[tilespmem:s14], [sflag:$0x5] =	stream.linear.gather @!p1 [hbm4b:s3+s1], $0xC00, $0x38;
	[tilespmem:$0x1F980] =	vst v63  }
0x53: {  	s3 =	sadd.s32 @!p1 $0x3D0A00, s15;
	s14 =	simm.s32 @!p1 $0x16900  }
0x54: {  	[tilespmem:s14], [sflag:$0x5] =	stream.linear.gather @!p1 [hbm4b:s3+s1], $0xC00, $0x38;
	[tilespmem:$0x1F980] =	vst v63  }
0x55: {  	s3 =	sadd.s32 @!p1 $0x4C4C80, s15;
	s14 =	simm.s32 @!p1 $0x18100  }
0x56: {  	[tilespmem:s14], [sflag:$0x5] =	stream.linear.gather @!p1 [hbm4b:s3+s1], $0xC00, $0x38;
	[tilespmem:$0x1F980] =	vst v63  }
0x57: {  	s3 =	sadd.s32 @!p1 $0x5B8F00, s15;
	s14 =	simm.s32 @!p1 $0x19900  }
0x58: {  	[tilespmem:s14], [sflag:$0x5] =	stream.linear.gather @!p1 [hbm4b:s3+s1], $0xC00, $0x38;
	[tilespmem:$0x1F980] =	vst v63  }
0x59: {  	s3 =	sadd.s32 @!p1 $0x6AD180, s15;
	s14 =	simm.s32 @!p1 $0x1B100  }
0x5a: {  	[tilespmem:s14], [sflag:$0x5] =	stream.linear.gather @!p1 [hbm4b:s3+s1], $0xC00, $0x38;
	[tilespmem:$0x1F980] =	vst v63  }
0x5b: {  	s15 =	rddreg [dreg:$0x7];
	s3 =	simm.s32 @!p1 $0x11500  }
0x5c: {  	[tilespmem:s3], [sflag:$0x6] =	stream.linear.gather @!p1 [hbm4b:s15+s1], $0xC00, $0x38;
	[tilespmem:$0x1F980] =	vst v63  }
0x5d: {  	s14 =	simm.s32 @!p1 $0x12D00;
	s3 =	sadd.s32 @!p1 $0xF4280, s15  }
0x5e: {  	[tilespmem:s14], [sflag:$0x6] =	stream.linear.gather @!p1 [hbm4b:s3+s1], $0xC00, $0x38;
	[tilespmem:$0x1F980] =	vst v63  }
0x5f: {  	s3 =	sadd.s32 @!p1 $0x1E8500, s15;
	s14 =	simm.s32 @!p1 $0x14500  }
0x60: {  	[tilespmem:s14], [sflag:$0x6] =	stream.linear.gather @!p1 [hbm4b:s3+s1], $0xC00, $0x38;
	[tilespmem:$0x1F980] =	vst v63  }
0x61: {  	s3 =	sadd.s32 @!p1 $0x2DC780, s15;
	s14 =	simm.s32 @!p1 $0x15D00  }
0x62: {  	[tilespmem:s14], [sflag:$0x6] =	stream.linear.gather @!p1 [hbm4b:s3+s1], $0xC00, $0x38;
	[tilespmem:$0x1F980] =	vst v63  }
0x63: {  	s3 =	sadd.s32 @!p1 $0x3D0A00, s15;
	s14 =	simm.s32 @!p1 $0x17500  }
0x64: {  	[tilespmem:s14], [sflag:$0x6] =	stream.linear.gather @!p1 [hbm4b:s3+s1], $0xC00, $0x38;
	[tilespmem:$0x1F980] =	vst v63  }
0x65: {  	s3 =	sadd.s32 @!p1 $0x4C4C80, s15;
	s14 =	simm.s32 @!p1 $0x18D00  }
0x66: {  	[tilespmem:s14], [sflag:$0x6] =	stream.linear.gather @!p1 [hbm4b:s3+s1], $0xC00, $0x38;
	[tilespmem:$0x1F980] =	vst v63  }
0x67: {  	s3 =	sadd.s32 @!p1 $0x5B8F00, s15;
	s14 =	simm.s32 @!p1 $0x1A500  }
0x68: {  	[tilespmem:s14], [sflag:$0x6] =	stream.linear.gather @!p1 [hbm4b:s3+s1], $0xC00, $0x38;
	[tilespmem:$0x1F980] =	vst v63  }
0x69: {  	s3 =	sadd.s32 @!p1 $0x6AD180, s15;
	s14 =	simm.s32 @!p1 $0x1BD00  }
0x6a: {  	[tilespmem:s14], [sflag:$0x6] =	stream.linear.gather @!p1 [hbm4b:s3+s1], $0xC00, $0x38;
	[tilespmem:$0x1F980] =	vst v63  }
.LBB2_3:
0x6b: {  	s14 =	simm.s32 $0x0  }
0x6c: {  	[tilespmem:s14], [sflag:$0x1] =	stream.linear.gather [hbm4b:s0+s14], $0x80, $0x38;
	[tilespmem:$0x1F980] =	vst v63  }
0x6d: {  	s1 =	rddreg [dreg:$0xa];
	s3 =	simm.s32 $0x100  }
0x6e: {  	[tilespmem:s3], [sflag:$0x1] =	stream.linear.gather [hbm4b:s1+s14], $0x80, $0x38;
	[tilespmem:$0x1F980] =	vst v63  }
0x6f: {  	s21 =	simm.s32 $0x200;
	s16 =	rddreg [dreg:$0xb]  }
0x70: {  	[tilespmem:s21], [sflag:$0x1] =	stream.linear.gather [hbm4b:s16+s14], $0x80, $0x38;
	[tilespmem:$0x1F980] =	vst v63  }
0x71: {  	s17 =	rddreg [dreg:$0xc];
	s19 =	simm.s32 $0x300  }
0x72: {  	[tilespmem:s19], [sflag:$0x1] =	stream.linear.gather [hbm4b:s17+s14], $0x80, $0x38;
	[tilespmem:$0x1F980] =	vst v63  }
0x73: {  	s23 =	rddreg [dreg:$0x8];
	s26 =	simm.s32 $0x80  }
0x74: {  	[tilespmem:s26], [sflag:$0x2] =	stream.linear.gather [hbm4b:s23+s14], $0x80, $0x38;
	[tilespmem:$0x1F980] =	vst v63  }
0x75: {  	s15 =	simm.s32 $0x180;
	s28 =	sadd.s32 $0x10, s23  }
0x76: {  	[tilespmem:s15], [sflag:$0x2] =	stream.linear.gather [hbm4b:s28+s14], $0x80, $0x38;
	[tilespmem:$0x1F980] =	vst v63  }
0x77: {  	s30 =	simm.s32 $0x280;
	s29 =	sadd.s32 $0x20, s23;
	s31 =	sadd.s32 $0x30, s23  }
0x78: {  	[tilespmem:s30], [sflag:$0x2] =	stream.linear.gather [hbm4b:s29+s14], $0x80, $0x38;
	[tilespmem:$0x1F980] =	vst v63  }
0x79: {  	s1 =	simm.s32 $0x0;
	s23 =	simm.s32 $0x0;
	s26 =	simm.s32 $0x0  }
0x7a: {  	[tilespmem:s8], [sflag:$0x2] =	stream.linear.gather [hbm4b:s31+s14], $0x80, $0x38;
	[tilespmem:$0x1F980] =	vst v63  }
.LBB2_4:
0x7b: {  	_ =	swait.ge [sflag:s12], $0x200  }
0x7c: {  	s3 =	sand.u32 $0x70, s14;
	s19 =	sand.u32 $0x300, s14;
	[sflag:s12] =	ssyncset.done $0x0  }
0x7d: {  	s3 =	sor.u32 s3, s19;
	[sflag:s12] =	ssyncadd.s32 $0xFFFFFE00  }
0x7e: {  	v9 =	vld [tilespmem:s3+$0x0];
	_ =	sdelay $0x4  }
0x7f: {  	vm0 =	vge.s32 v9, v0;
	vm1 =	vlt.s32 v9, v3  }
0x80: {  	vm0 =	vmand vm0, vm1  }
0x81: {  	v10 =	vmpcnt.ones.xlane vm0;
	_ =	sdelay $0x1  }
0x82: {  	(v2sf) =	vpush v10, $0x0;
	_ =	sdelay $0xe  }
0x83: {  	s28 =	spop (v2sf)  }
0x84: {  	p3 =	slt.s32 s28, $0x1  }
0x85: {  	s3 =	sadd.s32 @!p3 $0x0, s23;
	v10 =	vlaneseq.u32 @!p3  }
0x86: {  	v11 =	vmov @!p3 s3;
	v10 =	vmul.u32 @!p3 $0x8000, v10  }
0x87: {  	v11 =	vshll.u32 @!p3 v11, $0xF  }
0x88: {  	s30 =	simm.s32 $0x20;
	v10 =	vor.u32 @!p3 v10, v11  }
0x89: {  	s19 =	simm.s32 $0x10;
	s29 =	sadd.s32 s1, s28;
	s3 =	sshll.u32 s26, $0xA;
	v10 =	vsub.s32 @!p3 v10, v0  }
.LBB2_5:
0x8a: {  	s28 =	sand.u32 $0x70, s19  }
0x8b: {  	s31 =	sand.u32 $0x300, s30;
	v9 =	vadd.s32 @!p3 v9, v10;
	s15 =	smov.u32 s19;
	s19 =	sadd.s32 $0x10, s19  }
0x8c: {  	s28 =	sor.u32 s28, s31;
	p2 =	sne.s32 s19, $0x200;
	[tilespmem:s1+$0x400] =	vst.msk @!p3 vm0, v9;
	s1 =	smov.u32 s29  }
0x8d: {  	v9 =	vld [tilespmem:s28+$0x0];
	_ =	sdelay $0x4  }
0x8e: {  	vm0 =	vge.s32 v9, v0;
	vm1 =	vlt.s32 v9, v3  }
0x8f: {  	vm0 =	vmand vm0, vm1  }
0x90: {  	v10 =	vmpcnt.ones.xlane vm0;
	_ =	sdelay $0x1  }
0x91: {  	(v2sf) =	vpush v10, $0x0;
	_ =	sdelay $0xe  }
0x92: {  	s28 =	spop (v2sf)  }
0x93: {  	p3 =	slt.s32 s28, $0x1;
	s29 =	sadd.s32 s29, s28  }
.Ltmp3:
0x94: {  	s15 =	sadd.s32 @!p3 s15, s23;
	v10 =	vlaneseq.u32 @!p3;
	(pc) =	sbr.rel @p2 .LBB2_5-.Ltmp3, $4  }
0x95: {  	v11 =	vmov @!p3 s15;
	v10 =	vmul.u32 @!p3 $0x8000, v10  }
0x96: {  	v11 =	vshll.u32 @!p3 v11, $0xF  }
0x97: {  	v10 =	vor.u32 @!p3 v10, v11  }
0x98: {  	s30 =	sadd.s32 $0x20, s30;
	v10 =	vsub.s32 @!p3 v10, v0  }
0x99: {  	p2 =	seq.s32 s26, $0xF  }
0x9a: {  	s15 =	sshrl.u32 @!p2 s3, $0x3  }
0x9b: {  	v9 =	vadd.s32 @!p3 v9, v10;
	s15 =	sadd.s32 @!p2 s0, s15  }
0x9c: {  	[tilespmem:s1+$0x400] =	vst.msk @!p3 vm0, v9;
	s19 =	simm.s32 @!p2 $0x0;
	s1 =	sadd.s32 @!p2 $0x80, s15  }
0x9d: {  	[tilespmem:s19], [sflag:$0x1] =	stream.linear.gather @!p2 [hbm4b:s1+s19], $0x80, $0x38;
	[tilespmem:$0x1F980] =	vst v63  }
0x9e: {  	s28 =	simm.s32 @!p2 $0x100;
	s1 =	sadd.s32 @!p2 $0x90, s15  }
0x9f: {  	[tilespmem:s28], [sflag:$0x1] =	stream.linear.gather @!p2 [hbm4b:s1+s19], $0x80, $0x38;
	[tilespmem:$0x1F980] =	vst v63  }
0xa0: {  	s1 =	sadd.s32 @!p2 $0xA0, s15;
	s28 =	simm.s32 @!p2 $0x200  }
0xa1: {  	[tilespmem:s28], [sflag:$0x1] =	stream.linear.gather @!p2 [hbm4b:s1+s19], $0x80, $0x38;
	[tilespmem:$0x1F980] =	vst v63  }
0xa2: {  	s1 =	sadd.s32 @!p2 $0xB0, s15;
	s15 =	simm.s32 @!p2 $0x300  }
0xa3: {  	[tilespmem:s15], [sflag:$0x1] =	stream.linear.gather @!p2 [hbm4b:s1+s19], $0x80, $0x38;
	[tilespmem:$0x1F980] =	vst v63  }
0xa4: {  	s19 =	simm.s32 $0x0;
	_ =	swait.ge [sflag:s9], $0x200  }
0xa5: {  	s28 =	sand.u32 $0x70, s19;
	s1 =	sand.u32 $0x300, s19;
	[sflag:s9] =	ssyncset.done $0x0  }
0xa6: {  	s1 =	sor.u32 s28, s1;
	[sflag:s9] =	ssyncadd.s32 $0xFFFFFE00  }
0xa7: {  	v9 =	vld [tilespmem:s1+$0x80];
	_ =	sdelay $0x4  }
0xa8: {  	vm0 =	vge.s32 v9, v0;
	vm1 =	vlt.s32 v9, v3  }
0xa9: {  	vm0 =	vmand vm0, vm1  }
0xaa: {  	v10 =	vmpcnt.ones.xlane vm0;
	_ =	sdelay $0x1  }
0xab: {  	(v2sf) =	vpush v10, $0x0;
	_ =	sdelay $0xe  }
0xac: {  	s31 =	spop (v2sf)  }
0xad: {  	p4 =	slt.s32 s31, $0x1  }
0xae: {  	s15 =	sadd.s32 @!p4 $0x0, s21;
	v10 =	vlaneseq.u32 @!p4  }
0xaf: {  	v11 =	vmov @!p4 s15;
	v10 =	vmul.u32 @!p4 $0x8000, v10  }
0xb0: {  	v11 =	vshll.u32 @!p4 v11, $0xF  }
0xb1: {  	v10 =	vor.u32 @!p4 v10, v11  }
0xb2: {  	s30 =	simm.s32 $0x20;
	s19 =	simm.s32 $0x10;
	s1 =	sadd.s32 s29, s31;
	v10 =	vsub.s32 @!p4 v10, v0  }
.LBB2_7:
0xb3: {  	s15 =	sand.u32 $0x70, s19  }
0xb4: {  	s28 =	sand.u32 $0x300, s30;
	v9 =	vadd.s32 @!p4 v9, v10;
	s31 =	smov.u32 s19;
	s19 =	sadd.s32 $0x10, s19  }
0xb5: {  	s15 =	sor.u32 s15, s28;
	p3 =	sne.s32 s19, $0x200;
	[tilespmem:s29+$0x400] =	vst.msk @!p4 vm0, v9;
	s29 =	smov.u32 s1  }
0xb6: {  	v9 =	vld [tilespmem:s15+$0x80];
	_ =	sdelay $0x4  }
0xb7: {  	vm0 =	vge.s32 v9, v0;
	vm1 =	vlt.s32 v9, v3  }
0xb8: {  	vm0 =	vmand vm0, vm1  }
0xb9: {  	v10 =	vmpcnt.ones.xlane vm0;
	_ =	sdelay $0x1  }
0xba: {  	(v2sf) =	vpush v10, $0x0;
	_ =	sdelay $0xe  }
0xbb: {  	s15 =	spop (v2sf)  }
0xbc: {  	p4 =	slt.s32 s15, $0x1;
	s1 =	sadd.s32 s1, s15  }
.Ltmp4:
0xbd: {  	s15 =	sadd.s32 @!p4 s31, s21;
	v10 =	vlaneseq.u32 @!p4;
	(pc) =	sbr.rel @p3 .LBB2_7-.Ltmp4, $4  }
0xbe: {  	v11 =	vmov @!p4 s15;
	v10 =	vmul.u32 @!p4 $0x8000, v10  }
0xbf: {  	v11 =	vshll.u32 @!p4 v11, $0xF  }
0xc0: {  	v10 =	vor.u32 @!p4 v10, v11  }
0xc1: {  	s30 =	sadd.s32 $0x20, s30;
	v10 =	vsub.s32 @!p4 v10, v0  }
.Ltmp5:
0xc2: {  	(pc) =	sbr.rel @p2 .LBB2_10-.Ltmp5, $3  }
0xc3: {  	_ =	sdelay $0x1  }
0xc4: {  	v9 =	vadd.s32 @!p4 v9, v10  }
0xc5: {  	[tilespmem:s29+$0x400] =	vst.msk @!p4 vm0, v9  }
0xc6: {  	s3 =	sshrl.u32 s3, $0x3  }
0xc7: {  	s3 =	sadd.s32 s0, s3  }
0xc8: {  	s16 =	simm.s32 $0x80;
	s15 =	sadd.s32 $0xC0, s3  }
0xc9: {  	[tilespmem:s16], [sflag:$0x2] =	stream.linear.gather [hbm4b:s15+s4], $0x80, $0x38;
	[tilespmem:$0x1F980] =	vst v63  }
0xca: {  	s29 =	simm.s32 $0x180;
	s28 =	sadd.s32 $0xD0, s3  }
0xcb: {  	[tilespmem:s29], [sflag:$0x2] =	stream.linear.gather [hbm4b:s28+s4], $0x80, $0x38;
	[tilespmem:$0x1F980] =	vst v63  }
.Ltmp6:
0xcc: {  	_ = 	snop;
	(pc) =	sbr.rel .LBB2_4-.Ltmp6, $4  }
0xcd: {  	s31 =	simm.s32 $0x280;
	s26 =	sadd.s32 $0x1, s26;
	s30 =	sadd.s32 $0xE0, s3  }
0xce: {  	[tilespmem:s31], [sflag:$0x2] =	stream.linear.gather [hbm4b:s30+s4], $0x80, $0x38;
	[tilespmem:$0x1F980] =	vst v63  }
0xcf: {  	s23 =	sadd.s32 $0x400, s23;
	s21 =	sadd.s32 $0x400, s21;
	s3 =	sadd.s32 $0xF0, s3  }
0xd0: {  	[tilespmem:s8], [sflag:$0x2] =	stream.linear.gather [hbm4b:s3+s4], $0x80, $0x38;
	[tilespmem:$0x1F980] =	vst v63  }
.LBB2_10:
0xd1: {  	s3 =	sadd.s32 $0xF, s1  }
0xd2: {  	s14 =	sand.u32 $0xF, s3  }
0xd3: {  	s31 =	sshra.s32 s3, $0x1F;
	p3 =	slt.s32 s3, $0x1;
	p2 =	sne.s32 s14, $0x0  }
.Ltmp7:
0xd4: {  	s14 =	sshrl.u32 s31, $0x1C;
	p2 =	por !p3, !p2;
	(pc) =	sbr.rel .LBB2_11-.Ltmp7, $4  }
0xd5: {  	s3 =	sadd.s32 s14, s3;
	s14 =	simm.s32 $0x1;
	p2 =	por !p2, !p2  }
0xd6: {  	s3 =	sshra.s32 s3, $0x4;
	s14 =	simm.s32 @!p2 $0x0  }
0xd7: {  	s21 =	ssub.s32 s3, s14  }
0xd8: {  	v9 =	vmov s1;
	s23 =	simm.s32 $0x0;
	s14 =	simm.s32 $0x0;
	p2 =	slt.s32 s21, $0x1  }
.LBB2_62:
0xd9: {  	p4 =	sne.s32 @!p3 s1, $0x516  }
0xda: {  	p3 =	por p4, p3  }
0xdb: {  	s1 =	simm.s32 @!p3 $0x400;
	s3 =	simm.s32 @!p3 $0x7A1400;
	s15 =	simm.s32 @!p3 $0x1D900  }
0xdc: {  	[tilespmem:s15], [sflag:$0x5] =	stream.strided.gather @!p3 [hbm4b:s13+s1], $0x2000, s3, s1, $0x38;
	[tilespmem:$0x1F980] =	vst v63  }
.LBB2_63:
0xdd: {  	s23 =	sadd.s32 $0x1, s23  }
0xde: {  	p3 =	sne.s32 s23, $0x15  }
.Ltmp8:
0xdf: {  	_ = 	snop;
	(pc) =	sbr.rel @!p3 .LBB2_64-.Ltmp8, $1  }
0xe0: {  	_ =	sdelay $0x3  }
.LBB2_11:
0xe1: {  	s26 =	sshll.u32 s23, $0x1  }
0xe2: {  	s1 =	sadd.s32 s5, s26;
	p3 =	sge.s32 s26, s7  }
0xe3: {  	p4 =	sgt.u32 @!p3 s1, $0x515  }
0xe4: {  	p4 =	por p3, p4  }
.Ltmp9:
0xe5: {  	_ = 	snop;
	(pc) =	sbr.rel @p4 .LBB2_13-.Ltmp9, $1  }
0xe6: {  	_ =	sdelay $0x3  }
0xe7: {  	_ =	swait.ge [sflag:s10], $0x6000  }
.Ltmp10:
0xe8: {  	[sflag:s10] =	ssyncset.done $0x0;
	(pc) =	sbr.rel .LBB2_17-.Ltmp10, $4  }
0xe9: {  	[sflag:s10] =	ssyncadd.s32 $0xFFFFA000  }
0xea: {  	_ =	swait.ge [sflag:s11], $0x6000  }
0xeb: {  	[sflag:s11] =	ssyncset.done $0x0  }
0xec: {  	[sflag:s11] =	ssyncadd.s32 $0xFFFFA000  }
.LBB2_13:
0xed: {  	p4 =	sne.s32 @!p3 s1, $0x516  }
0xee: {  	p4 =	por p3, p4  }
.Ltmp11:
0xef: {  	_ = 	snop;
	(pc) =	sbr.rel @p4 .LBB2_17-.Ltmp11, $1  }
0xf0: {  	_ =	sdelay $0x3  }
0xf1: {  	_ =	swait.ge [sflag:s10], $0x2000  }
0xf2: {  	[sflag:s10] =	ssyncset.done $0x0  }
0xf3: {  	s3 =	simm.s32 $0x1D920;
	[sflag:s10] =	ssyncadd.s32 $0xFFFFE000  }
0xf4: {  	s1 =	simm.s32 $0x0;
	v10 =	vld [tilespmem:s3+$0xFFFFFFE0]  }
0xf5: {  	s15 =	smul.u32 $0x6000, s1  }
0xf6: {  	s1 =	simm.s32 $0x0  }
0xf7: {  	s19 =	sand.u32 $0x380, s1;
	s15 =	sshra.s32 s15, $0x2  }
0xf8: {  	s15 =	sor.u32 s19, s15  }
0xf9: {  	[tilespmem:s15+$0x4900] =	vst v10  }
0xfa: {  	v10 =	vld [tilespmem:s3+$0xFFFFFFF0];
	_ =	sdelay $0x4  }
0xfb: {  	[tilespmem:s15+$0x4910] =	vst v10  }
0xfc: {  	v10 =	vld [tilespmem:s3+$0x0];
	_ =	sdelay $0x4  }
0xfd: {  	[tilespmem:s15+$0x4920] =	vst v10  }
0xfe: {  	v10 =	vld [tilespmem:s3+$0x10];
	_ =	sdelay $0x4  }
0xff: {  	s3 =	simm.s32 $0x1D9A0;
	[tilespmem:s15+$0x4930] =	vst v10  }
0x100: {  	s28 =	simm.s32 $0x0;
	s19 =	simm.s32 $0x2;
	v10 =	vld [tilespmem:s3+$0xFFFFFFE0]  }
.LBB2_15:
0x101: {  	p4 =	sne.s32 s19, $0x3F;
	s15 =	smul.u32 $0x6000, s28  }
0x102: {  	s1 =	sadd.s32 $0x80, s1  }
0x103: {  	s28 =	sand.u32 $0x380, s1;
	s15 =	sshra.s32 s15, $0x2  }
0x104: {  	s15 =	sor.u32 s28, s15  }
0x105: {  	[tilespmem:s15+$0x4900] =	vst v10  }
0x106: {  	v10 =	vld [tilespmem:s3+$0xFFFFFFF0];
	_ =	sdelay $0x4  }
0x107: {  	[tilespmem:s15+$0x4910] =	vst v10  }
0x108: {  	v10 =	vld [tilespmem:s3+$0x0];
	_ =	sdelay $0x4  }
0x109: {  	[tilespmem:s15+$0x4920] =	vst v10  }
0x10a: {  	v10 =	vld [tilespmem:s3+$0x10];
	_ =	sdelay $0x1  }
.Ltmp12:
0x10b: {  	(pc) =	sbr.rel @p4 .LBB2_15-.Ltmp12, $3  }
0x10c: {  	_ =	sdelay $0x1  }
0x10d: {  	s3 =	sadd.s32 $0x80, s3;
	[tilespmem:s15+$0x4930] =	vst v10  }
0x10e: {  	s28 =	sshrl.u32 s19, $0x3;
	s19 =	sadd.s32 $0x1, s19;
	v10 =	vld [tilespmem:s3+$0xFFFFFFE0]  }
0x10f: {  	s15 =	smul.u32 $0x6000, s28  }
0x110: {  	s1 =	sadd.s32 $0x80, s1  }
0x111: {  	s1 =	sand.u32 $0x380, s1;
	s15 =	sshra.s32 s15, $0x2  }
0x112: {  	s1 =	sor.u32 s1, s15  }
0x113: {  	[tilespmem:s1+$0x4900] =	vst v10  }
0x114: {  	v10 =	vld [tilespmem:s3+$0xFFFFFFF0];
	_ =	sdelay $0x4  }
0x115: {  	[tilespmem:s1+$0x4910] =	vst v10  }
0x116: {  	v10 =	vld [tilespmem:s3+$0x0];
	_ =	sdelay $0x4  }
0x117: {  	[tilespmem:s1+$0x4920] =	vst v10  }
0x118: {  	v10 =	vld [tilespmem:s3+$0x10];
	_ =	sdelay $0x4  }
0x119: {  	[tilespmem:s1+$0x4930] =	vst v10  }
.LBB2_17:
.Ltmp13:
0x11a: {  	(pc) =	sbr.rel @p3 .LBB2_34-.Ltmp13, $1  }
0x11b: {  	_ =	sdelay $0x3  }
.Ltmp14:
0x11c: {  	(pc) =	sbr.rel @p2 .LBB2_33-.Ltmp14, $1  }
0x11d: {  	_ =	sdelay $0x3  }
.Ltmp15:
0x11e: {  	(pc) =	sbr.rel .LBB2_20-.Ltmp15, $3  }
0x11f: {  	s29 =	smul.u32 $0x600, s23;
	_ =	sdelay $0x1  }
0x120: {  	s1 =	sadd.s32 $0x300, s29  }
0x121: {  	s3 =	simm.s32 $0x0;
	v10 =	vmov s29;
	v11 =	vmov s1;
	s1 =	simm.s32 $0x0  }
.LBB2_21:
0x122: {  	s19 =	smov.u32 s3  }
.LBB2_24:
0x123: {  	s3 =	sshll.u32 s1, $0x4  }
0x124: {  	v12 =	vld [tilespmem:s3+$0x400];
	_ =	sdelay $0x4  }
0x125: {  	v13 =	vand.u32 $0x7FFF, v12  }
0x126: {  	v62 =	vor.u32 s3, v1;
	vm0 =	vge.u32 v13, v10;
	vm1 =	vlt.u32 v13, v11  }
0x127: {  	vm15 =	vlt.s32 v62, v9;
	vm0 =	vmand vm0, vm1  }
0x128: {  	vm0 =	vmand vm15, vm0  }
0x129: {  	v63 =	vmpcnt.ones.xlane vm0;
	_ =	sdelay $0x1  }
0x12a: {  	(v2sf) =	vpush v63, $0x0;
	_ =	sdelay $0xa  }
0x12b: {  	s1 =	sadd.s32 $0x1, s1  }
0x12c: {  	p4 =	sne.s32 s1, s21  }
.Ltmp16:
0x12d: {  	_ = 	snop;
	(pc) =	sbr.rel @!p4 .LBB2_25-.Ltmp16, $4  }
0x12e: {  	_ = 	snop  }
0x12f: {  	s28 =	spop (v2sf)  }
0x130: {  	p3 =	slt.s32 s28, $0x1;
	s3 =	sadd.s32 s28, s19  }
0x131: {  	[tilespmem:s19+$0x4480] =	vst.msk @!p3 vm0, v12;
	[smem:$0x1] =	sst s3  }
.LBB2_20:
0x132: {  	s15 =	sadd.s32 $0x10, s3  }
0x133: {  	p3 =	slt.s32 s15, $0x401  }
.Ltmp17:
0x134: {  	_ = 	snop;
	(pc) =	sbr.rel @p3 .LBB2_21-.Ltmp17, $2  }
0x135: {  	_ =	sdelay $0x2  }
0x136: {  	s19 =	simm.s32 $0x0  }
.LBB2_22:
0x137: {  	s15 =	sand.u32 $0x7FFFFFF0, s19  }
0x138: {  	v12 =	vld [tilespmem:s15+$0x4480];
	_ =	sdelay $0x1  }
0x139: {  	s30 =	sand.u32 $0xF, s19  }
0x13a: {  	v13 =	vmov s30  }
0x13b: {  	vm0 =	veq.s32 v13, v1  }
0x13c: {  	v12 =	vnsel vm0, $0x0, v12  }
0x13d: {  	(xrf0) =	vadd.scan.msk.s32 $0xffff, v12;
	_ =	sdelay $0x5  }
0x13e: {  	v12, _, _ =	vpop (xrf0)  }
0x13f: {  	(v2sf) =	vpush v12, $0xF;
	_ =	sdelay $0xe  }
0x140: {  	s31 =	spop (v2sf)  }
0x141: {  	s28 =	sand.u32 $0x7FFF, s31  }
0x142: {  	s30 =	ssub.s32 s28, s29  }
0x143: {  	v59 =	vmov s30  }
0x144: {  	v60 =	vshll.u32 v59, $0x3  }
0x145: {  	v12 =	vand.u32 $0x7F, v59;
	v13 =	vand.u32 $0xFFFFFC00, v60  }
0x146: {  	v12 =	vor.u32 v12, v13  }
0x147: {  	v13 =	vadd.s32 v5, v12;
	_ =	sdelay $0x4  }
0x148: {  	v13 =	vld.idx.msk [tilespmem:v13+s18+$0x0], $0xffff  }
0x149: {  	v14 =	vadd.s32 v6, v12;
	_ =	sdelay $0x1  }
0x14a: {  	s16 =	sshll.u32 s14, $0x9  }
0x14b: {  	s30 =	sshra.s32 s16, $0x2  }
0x14c: {  	[tilespmem:s30+$0x1C900] =	vst v13  }
0x14d: {  	v13 =	vld.idx.msk [tilespmem:v14+s18+$0x0], $0xffff  }
0x14e: {  	v61 =	vadd.s32 v7, v12;
	_ =	sdelay $0x3  }
0x14f: {  	[tilespmem:s30+$0x1C910] =	vst v13  }
0x150: {  	v13 =	vld.idx.msk [tilespmem:v61+s18+$0x0], $0xffff  }
0x151: {  	v12 =	vadd.s32 v8, v12;
	_ =	sdelay $0x3  }
0x152: {  	[tilespmem:s30+$0x1C920] =	vst v13  }
0x153: {  	s17 =	sshra.s32 s31, $0x1F;
	p4 =	slt.s32 s31, $0x1;
	p3 =	sne.s32 s28, $0x0;
	v12 =	vld.idx.msk [tilespmem:v12+s18+$0x0], $0xffff  }
0x154: {  	v62 =	vmov s14;
	s28 =	sshrl.u32 s17, $0x11;
	p3 =	por !p4, !p3  }
0x155: {  	s15 =	sadd.s32 s28, s31;
	s28 =	simm.s32 $0x1;
	p3 =	por !p3, !p3  }
0x156: {  	s15 =	sshra.s32 s15, $0xF;
	s28 =	simm.s32 @!p3 $0x0  }
0x157: {  	s15 =	ssub.s32 s15, s28  }
0x158: {  	p3 =	sne.s32 s14, $0x1F;
	v63 =	vmov s15;
	[tilespmem:s30+$0x1C930] =	vst v12  }
0x159: {  	s28 =	simm.s32 @!p3 $0x1F900;
	s15 =	simm.s32 @!p3 $0x20;
	s30 =	simm.s32 @!p3 $0x1C900;
	[tilespmem:v62+s20+$0x0] =	vst.idx.msk $0x1, v63  }
0x15a: {  	[hbm4b:s6+s15] =	stream.indirect.scatter @!p3 [tilespmem:s30], [sflag:$0x7], $0x80, s28, s15, $0xb8;
	[tilespmem:$0x1F980] =	vst v63  }
0x15b: {  	s28 =	simm.s32 @!p3 $0x7  }
0x15c: {  	_ =	swait.ge @!p3 [sflag:s28], $0x1000  }
0x15d: {  	s19 =	sadd.s32 $0x1, s19;
	s30 =	sadd.s32 $0x1, s14;
	[sflag:s28] =	ssyncset.done @!p3 $0x0  }
0x15e: {  	s31 =	sshra.s32 s30, $0x1F;
	[sflag:s28] =	ssyncadd.s32 @!p3 $0xFFFFF000;
	p3 =	sne.s32 s3, s19  }
.Ltmp18:
0x15f: {  	s15 =	sshrl.u32 s31, $0x1B;
	(pc) =	sbr.rel @p3 .LBB2_22-.Ltmp18, $4  }
0x160: {  	s15 =	sadd.s32 s15, s30  }
0x161: {  	s15 =	sand.u32 $0xFFFFFFE0, s15  }
0x162: {  	s14 =	ssub.s32 s30, s15  }
0x163: {  	[smem:$0x0] =	sst s14  }
.Ltmp19:
0x164: {  	(pc) =	sbr.rel .LBB2_24-.Ltmp19, $2  }
0x165: {  	_ =	sdelay $0x2  }
0x166: {  	s19 =	simm.s32 $0x0  }
.LBB2_25:
0x167: {  	p3 =	slt.s32 s3, $0x1  }
.Ltmp20:
0x168: {  	_ = 	snop;
	(pc) =	sbr.rel @p3 .LBB2_33-.Ltmp20, $1  }
0x169: {  	_ =	sdelay $0x3  }
0x16a: {  	s3 =	sadd.s32 s19, s28  }
0x16b: {  	p4 =	sne.s32 s3, $0x1  }
.Ltmp21:
0x16c: {  	_ = 	snop;
	(pc) =	sbr.rel @!p4 .LBB2_27-.Ltmp21, $2  }
0x16d: {  	_ =	sdelay $0x2  }
0x16e: {  	s19 =	simm.s32 $0x0;
	s1 =	simm.s32 $0x1;
	p3 =	por $0x0, $0x0  }
0x16f: {  	s15 =	sand.u32 $0x7FFFFFF0, s19  }
0x170: {  	v10 =	vld [tilespmem:s15+$0x4480];
	_ =	sdelay $0x1  }
0x171: {  	s16 =	sand.u32 $0xF, s19  }
0x172: {  	v11 =	vmov s16  }
0x173: {  	vm0 =	veq.s32 v11, v1  }
0x174: {  	v10 =	vnsel vm0, $0x0, v10  }
0x175: {  	(xrf0) =	vadd.scan.msk.s32 $0xffff, v10;
	_ =	sdelay $0x5  }
0x176: {  	v10, _, _ =	vpop (xrf0)  }
0x177: {  	(v2sf) =	vpush v10, $0xF;
	_ =	sdelay $0xe  }
0x178: {  	s15 =	spop (v2sf)  }
0x179: {  	s17 =	sand.u32 $0x7FFF, s15  }
0x17a: {  	s28 =	ssub.s32 s17, s29  }
0x17b: {  	v10 =	vmov s28  }
0x17c: {  	v11 =	vshll.u32 v10, $0x3  }
0x17d: {  	v10 =	vand.u32 $0x7F, v10;
	v11 =	vand.u32 $0xFFFFFC00, v11  }
0x17e: {  	v10 =	vor.u32 v10, v11  }
0x17f: {  	v11 =	vadd.s32 v5, v10;
	_ =	sdelay $0x4  }
0x180: {  	v11 =	vld.idx.msk [tilespmem:v11+s18+$0x0], $0xffff  }
0x181: {  	v12 =	vadd.s32 v6, v10;
	_ =	sdelay $0x1  }
0x182: {  	s28 =	sshll.u32 s14, $0x9  }
0x183: {  	s28 =	sshra.s32 s28, $0x2  }
0x184: {  	[tilespmem:s28+$0x1C900] =	vst v11  }
0x185: {  	v11 =	vld.idx.msk [tilespmem:v12+s18+$0x0], $0xffff  }
0x186: {  	v63 =	vadd.s32 v7, v10;
	_ =	sdelay $0x3  }
0x187: {  	[tilespmem:s28+$0x1C910] =	vst v11  }
0x188: {  	v11 =	vld.idx.msk [tilespmem:v63+s18+$0x0], $0xffff  }
0x189: {  	v10 =	vadd.s32 v8, v10;
	_ =	sdelay $0x3  }
0x18a: {  	[tilespmem:s28+$0x1C920] =	vst v11  }
0x18b: {  	s30 =	sshra.s32 s15, $0x1F;
	p3 =	slt.s32 s15, $0x1;
	p4 =	sne.s32 s17, $0x0;
	v10 =	vld.idx.msk [tilespmem:v10+s18+$0x0], $0xffff  }
0x18c: {  	p5 =	sne.s32 s14, $0x1F;
	s16 =	sshrl.u32 s30, $0x11;
	p3 =	por !p3, !p4;
	v11 =	vmov s14  }
0x18d: {  	s30 =	simm.s32 $0x1;
	s15 =	sadd.s32 s16, s15;
	p3 =	por !p3, !p3  }
0x18e: {  	s31 =	simm.s32 @!p5 $0x7;
	s15 =	sshra.s32 s15, $0xF;
	s30 =	simm.s32 @!p3 $0x0  }
0x18f: {  	p4 =	sne.s32 s3, $0x2;
	s15 =	ssub.s32 s15, s30;
	s30 =	sadd.s32 $0x1, s14  }
.Ltmp22:
0x190: {  	s17 =	simm.s32 @!p5 $0x1C900;
	[tilespmem:s28+$0x1C930] =	vst v10;
	v10 =	vmov s15;
	s28 =	sshra.s32 s30, $0x1F;
	(pc) =	sbr.rel @!p4 .LBB2_29-.Ltmp22, $4  }
0x191: {  	s16 =	simm.s32 @!p5 $0x20;
	s15 =	simm.s32 @!p5 $0x1F900;
	[tilespmem:v11+s20+$0x0] =	vst.idx.msk $0x1, v10;
	s28 =	sshrl.u32 s28, $0x1B  }
0x192: {  	[hbm4b:s6+s16] =	stream.indirect.scatter @!p5 [tilespmem:s17], [sflag:$0x7], $0x80, s15, s16, $0xb8;
	[tilespmem:$0x1F980] =	vst v63  }
0x193: {  	s19 =	simm.s32 $0x2;
	s17 =	sadd.s32 s28, s30;
	_ =	swait.ge @!p5 [sflag:s31], $0x1000  }
0x194: {  	p3 =	por $0x1, $0x1;
	s28 =	sand.u32 $0xFFFFFFE0, s17;
	[sflag:s31] =	ssyncset.done @!p5 $0x0  }
.LBB2_30:
0x195: {  	s15 =	sand.u32 $0x7FFFFFF0, s1;
	[sflag:s31] =	ssyncadd.s32 @!p5 $0xFFFFF000;
	s30 =	ssub.s32 s30, s28  }
0x196: {  	v10 =	vld [tilespmem:s15+$0x4480];
	[smem:$0x0] =	sst s30;
	s15 =	smov.u32 s19;
	s19 =	sadd.s32 $0x1, s19  }
0x197: {  	p4 =	sne.s32 s3, s19  }
0x198: {  	s16 =	sand.u32 $0xF, s1;
	s1 =	smov.u32 s15  }
0x199: {  	v11 =	vmov s16  }
0x19a: {  	vm0 =	veq.s32 v11, v1  }
0x19b: {  	v10 =	vnsel vm0, $0x0, v10  }
0x19c: {  	(xrf0) =	vadd.scan.msk.s32 $0xffff, v10;
	_ =	sdelay $0x5  }
0x19d: {  	v10, _, _ =	vpop (xrf0)  }
0x19e: {  	(v2sf) =	vpush v10, $0xF;
	_ =	sdelay $0xe  }
0x19f: {  	s15 =	spop (v2sf)  }
0x1a0: {  	s16 =	sshra.s32 s15, $0x1F;
	s17 =	sand.u32 $0x7FFF, s15  }
0x1a1: {  	p5 =	slt.s32 s15, $0x1;
	p6 =	sne.s32 s17, $0x0;
	s17 =	ssub.s32 s17, s29  }
0x1a2: {  	s16 =	sshrl.u32 s16, $0x11;
	p5 =	por !p5, !p6;
	v10 =	vmov s17  }
0x1a3: {  	s15 =	sadd.s32 s16, s15;
	s16 =	simm.s32 $0x1;
	p5 =	por !p5, !p5;
	v11 =	vshll.u32 v10, $0x3  }
0x1a4: {  	s15 =	sshra.s32 s15, $0xF;
	v10 =	vand.u32 $0x7F, v10;
	s16 =	simm.s32 @!p5 $0x0;
	v11 =	vand.u32 $0xFFFFFC00, v11  }
0x1a5: {  	s15 =	ssub.s32 s15, s16;
	v10 =	vor.u32 v10, v11  }
0x1a6: {  	v11 =	vadd.s32 v5, v10;
	_ =	sdelay $0x4  }
0x1a7: {  	v11 =	vld.idx.msk [tilespmem:v11+s18+$0x0], $0xffff;
	_ =	sdelay $0x1  }
0x1a8: {  	v12 =	vadd.s32 v6, v10;
	_ =	sdelay $0x1  }
0x1a9: {  	s16 =	sshll.u32 s30, $0x9  }
0x1aa: {  	s16 =	sshra.s32 s16, $0x2  }
0x1ab: {  	[tilespmem:s16+$0x1C900] =	vst v11  }
0x1ac: {  	v11 =	vld.idx.msk [tilespmem:v12+s18+$0x0], $0xffff;
	_ =	sdelay $0x1  }
0x1ad: {  	v12 =	vadd.s32 v7, v10;
	_ =	sdelay $0x3  }
0x1ae: {  	[tilespmem:s16+$0x1C910] =	vst v11  }
0x1af: {  	v11 =	vld.idx.msk [tilespmem:v12+s18+$0x0], $0xffff;
	_ =	sdelay $0x1  }
0x1b0: {  	v10 =	vadd.s32 v8, v10;
	_ =	sdelay $0x3  }
0x1b1: {  	[tilespmem:s16+$0x1C920] =	vst v11  }
0x1b2: {  	v10 =	vld.idx.msk [tilespmem:v10+s18+$0x0], $0xffff;
	_ =	sdelay $0x1  }
0x1b3: {  	v11 =	vmov s30;
	_ =	sdelay $0x2  }
0x1b4: {  	p5 =	sne.s32 s30, $0x1F  }
0x1b5: {  	s31 =	simm.s32 @!p5 $0x7;
	s30 =	sadd.s32 $0x1, s30;
	[tilespmem:s16+$0x1C930] =	vst v10;
	v10 =	vmov s15  }
.Ltmp23:
0x1b6: {  	s15 =	simm.s32 @!p5 $0x1F900;
	s16 =	sshra.s32 s30, $0x1F;
	[tilespmem:v11+s20+$0x0] =	vst.idx.msk $0x1, v10;
	(pc) =	sbr.rel @p4 .LBB2_30-.Ltmp23, $4  }
0x1b7: {  	s17 =	simm.s32 @!p5 $0x20;
	s28 =	simm.s32 @!p5 $0x1C900;
	s16 =	sshrl.u32 s16, $0x1B  }
0x1b8: {  	[hbm4b:s6+s17] =	stream.indirect.scatter @!p5 [tilespmem:s28], [sflag:$0x7], $0x80, s15, s17, $0xb8;
	[tilespmem:$0x1F980] =	vst v63  }
0x1b9: {  	s15 =	sadd.s32 s16, s30;
	_ =	swait.ge @!p5 [sflag:s31], $0x1000  }
0x1ba: {  	s28 =	sand.u32 $0xFFFFFFE0, s15;
	[sflag:s31] =	ssyncset.done @!p5 $0x0  }
0x1bb: {  	s19 =	smov.u32 s1  }
.LBB2_32:
0x1bc: {  	p4 =	por p5, !p3  }
0x1bd: {  	s1 =	sand.u32 $0x7FFFFFF0, s19;
	[sflag:s31] =	ssyncadd.s32 @!p4 $0xFFFFF000  }
0x1be: {  	v10 =	vld [tilespmem:s1+$0x4480];
	_ =	sdelay $0x1  }
0x1bf: {  	s17 =	sand.u32 $0xF, s19  }
0x1c0: {  	v11 =	vmov s17  }
0x1c1: {  	vm0 =	veq.s32 v11, v1  }
0x1c2: {  	v10 =	vnsel vm0, $0x0, v10  }
0x1c3: {  	(xrf0) =	vadd.scan.msk.s32 $0xffff, v10;
	_ =	sdelay $0x5  }
0x1c4: {  	v10, _, _ =	vpop (xrf0)  }
0x1c5: {  	(v2sf) =	vpush v10, $0xF;
	_ =	sdelay $0xe  }
0x1c6: {  	s19 =	spop (v2sf)  }
0x1c7: {  	s3 =	sand.u32 $0x7FFF, s19  }
0x1c8: {  	s15 =	ssub.s32 s3, s29  }
0x1c9: {  	v10 =	vmov s15  }
0x1ca: {  	v11 =	vshll.u32 v10, $0x3  }
0x1cb: {  	v10 =	vand.u32 $0x7F, v10;
	v11 =	vand.u32 $0xFFFFFC00, v11  }
0x1cc: {  	v10 =	vor.u32 v10, v11  }
0x1cd: {  	v11 =	vadd.s32 v5, v10;
	_ =	sdelay $0x4  }
0x1ce: {  	v11 =	vld.idx.msk [tilespmem:v11+s18+$0x0], $0xffff  }
0x1cf: {  	s15 =	ssub.s32 @p3 s30, s28;
	v12 =	vadd.s32 v6, v10  }
0x1d0: {  	s14 =	smov.u32 @p3 s15  }
0x1d1: {  	s16 =	sshll.u32 s14, $0x9  }
0x1d2: {  	s16 =	sshra.s32 s16, $0x2  }
0x1d3: {  	[tilespmem:s16+$0x1C900] =	vst v11  }
0x1d4: {  	v11 =	vld.idx.msk [tilespmem:v12+s18+$0x0], $0xffff  }
0x1d5: {  	v63 =	vadd.s32 v7, v10;
	_ =	sdelay $0x3  }
0x1d6: {  	[tilespmem:s16+$0x1C910] =	vst v11  }
0x1d7: {  	v11 =	vld.idx.msk [tilespmem:v63+s18+$0x0], $0xffff  }
0x1d8: {  	v10 =	vadd.s32 v8, v10;
	_ =	sdelay $0x3  }
0x1d9: {  	[tilespmem:s16+$0x1C920] =	vst v11  }
0x1da: {  	s17 =	sshra.s32 s19, $0x1F;
	p5 =	slt.s32 s19, $0x1;
	p6 =	sne.s32 s3, $0x0;
	v10 =	vld.idx.msk [tilespmem:v10+s18+$0x0], $0xffff  }
0x1db: {  	s3 =	simm.s32 $0x1;
	s28 =	sshrl.u32 s17, $0x11;
	p4 =	por !p5, !p6;
	v11 =	vmov s14  }
0x1dc: {  	s1 =	sadd.s32 s28, s19;
	p4 =	por !p4, !p4;
	[smem:$0x0] =	sst @p3 s15  }
0x1dd: {  	s1 =	sshra.s32 s1, $0xF;
	s3 =	simm.s32 @!p4 $0x0;
	s29 =	sadd.s32 $0x1, s14  }
0x1de: {  	p3 =	sne.s32 s14, $0x1F;
	s1 =	ssub.s32 s1, s3;
	s30 =	sshra.s32 s29, $0x1F  }
0x1df: {  	s17 =	simm.s32 @!p3 $0x1C900;
	s15 =	sshrl.u32 s30, $0x1B;
	[tilespmem:s16+$0x1C930] =	vst v10;
	v10 =	vmov s1  }
0x1e0: {  	s14 =	simm.s32 @!p3 $0x7;
	s1 =	simm.s32 @!p3 $0x1F900;
	s16 =	simm.s32 @!p3 $0x20;
	[tilespmem:v11+s20+$0x0] =	vst.idx.msk $0x1, v10  }
0x1e1: {  	[hbm4b:s6+s16] =	stream.indirect.scatter @!p3 [tilespmem:s17], [sflag:$0x7], $0x80, s1, s16, $0xb8;
	[tilespmem:$0x1F980] =	vst v63  }
0x1e2: {  	s31 =	sadd.s32 s15, s29;
	_ =	swait.ge @!p3 [sflag:s14], $0x1000  }
0x1e3: {  	s1 =	sand.u32 $0xFFFFFFE0, s31;
	[sflag:s14] =	ssyncset.done @!p3 $0x0  }
0x1e4: {  	[sflag:s14] =	ssyncadd.s32 @!p3 $0xFFFFF000;
	s14 =	ssub.s32 s29, s1  }
0x1e5: {  	[smem:$0x0] =	sst s14  }
.LBB2_33:
0x1e6: {  	[smem:$0x1] =	sst s4  }
.LBB2_34:
0x1e7: {  	s3 =	sadd.s32 $0x2, s26  }
0x1e8: {  	s1 =	sadd.s32 s5, s3;
	p3 =	sge.s32 s3, s7  }
0x1e9: {  	p4 =	sgt.u32 @!p3 s1, $0x515  }
0x1ea: {  	p4 =	por p3, p4  }
.Ltmp24:
0x1eb: {  	_ = 	snop;
	(pc) =	sbr.rel @p4 .LBB2_36-.Ltmp24, $1  }
0x1ec: {  	_ =	sdelay $0x3  }
0x1ed: {  	s3 =	smul.u32 $0x300, s1;
	_ =	sdelay $0x1  }
0x1ee: {  	s3 =	sadd.s32 s2, s3  }
0x1ef: {  	[tilespmem:s18], [sflag:$0x3] =	stream.linear.gather [hbm4b:s3+s4], $0xC00, $0x38;
	[tilespmem:$0x1F980] =	vst v63  }
0x1f0: {  	s16 =	simm.s32 $0x6100;
	s15 =	sadd.s32 $0xF4280, s3  }
0x1f1: {  	[tilespmem:s16], [sflag:$0x3] =	stream.linear.gather [hbm4b:s15+s4], $0xC00, $0x38;
	[tilespmem:$0x1F980] =	vst v63  }
0x1f2: {  	s19 =	simm.s32 $0x7900;
	s17 =	sadd.s32 $0x1E8500, s3  }
0x1f3: {  	[tilespmem:s19], [sflag:$0x3] =	stream.linear.gather [hbm4b:s17+s4], $0xC00, $0x38;
	[tilespmem:$0x1F980] =	vst v63  }
0x1f4: {  	s29 =	simm.s32 $0x9100;
	s28 =	sadd.s32 $0x2DC780, s3  }
0x1f5: {  	[tilespmem:s29], [sflag:$0x3] =	stream.linear.gather [hbm4b:s28+s4], $0xC00, $0x38;
	[tilespmem:$0x1F980] =	vst v63  }
0x1f6: {  	s31 =	simm.s32 $0xA900;
	s30 =	sadd.s32 $0x3D0A00, s3  }
0x1f7: {  	[tilespmem:s31], [sflag:$0x3] =	stream.linear.gather [hbm4b:s30+s4], $0xC00, $0x38;
	[tilespmem:$0x1F980] =	vst v63  }
0x1f8: {  	s17 =	sadd.s32 $0x4C4C80, s3;
	s19 =	simm.s32 $0xC100;
	s30 =	smul.u32 $0x1800, s1  }
0x1f9: {  	[tilespmem:s19], [sflag:$0x3] =	stream.linear.gather [hbm4b:s17+s4], $0xC00, $0x38;
	[tilespmem:$0x1F980] =	vst v63  }
0x1fa: {  	s28 =	sadd.s32 $0x5B8F00, s3;
	s29 =	simm.s32 $0xD900;
	s1 =	sshrl.u32 s30, $0x3  }
0x1fb: {  	[tilespmem:s29], [sflag:$0x3] =	stream.linear.gather [hbm4b:s28+s4], $0xC00, $0x38;
	[tilespmem:$0x1F980] =	vst v63  }
0x1fc: {  	s3 =	sadd.s32 $0x6AD180, s3;
	s31 =	simm.s32 $0xF100;
	s1 =	sadd.s32 s2, s1  }
0x1fd: {  	[tilespmem:s31], [sflag:$0x3] =	stream.linear.gather [hbm4b:s3+s4], $0xC00, $0x38;
	[tilespmem:$0x1F980] =	vst v63  }
0x1fe: {  	s16 =	simm.s32 $0x5500;
	s15 =	sadd.s32 $0x180, s1  }
0x1ff: {  	[tilespmem:s16], [sflag:$0x4] =	stream.linear.gather [hbm4b:s15+s4], $0xC00, $0x38;
	[tilespmem:$0x1F980] =	vst v63  }
0x200: {  	s19 =	simm.s32 $0x6D00;
	s17 =	sadd.s32 $0xF4400, s1  }
0x201: {  	[tilespmem:s19], [sflag:$0x4] =	stream.linear.gather [hbm4b:s17+s4], $0xC00, $0x38;
	[tilespmem:$0x1F980] =	vst v63  }
0x202: {  	s28 =	sadd.s32 $0x1E8680, s1;
	s29 =	simm.s32 $0x8500  }
0x203: {  	[tilespmem:s29], [sflag:$0x4] =	stream.linear.gather [hbm4b:s28+s4], $0xC00, $0x38;
	[tilespmem:$0x1F980] =	vst v63  }
0x204: {  	s30 =	sadd.s32 $0x2DC900, s1;
	s31 =	simm.s32 $0x9D00  }
0x205: {  	[tilespmem:s31], [sflag:$0x4] =	stream.linear.gather [hbm4b:s30+s4], $0xC00, $0x38;
	[tilespmem:$0x1F980] =	vst v63  }
0x206: {  	s16 =	sadd.s32 $0x3D0B80, s1;
	s17 =	simm.s32 $0xB500  }
0x207: {  	[tilespmem:s17], [sflag:$0x4] =	stream.linear.gather [hbm4b:s16+s4], $0xC00, $0x38;
	[tilespmem:$0x1F980] =	vst v63  }
0x208: {  	s19 =	sadd.s32 $0x4C4E00, s1;
	s28 =	simm.s32 $0xCD00  }
0x209: {  	[tilespmem:s28], [sflag:$0x4] =	stream.linear.gather [hbm4b:s19+s4], $0xC00, $0x38;
	[tilespmem:$0x1F980] =	vst v63  }
.Ltmp25:
0x20a: {  	_ = 	snop;
	(pc) =	sbr.rel .LBB2_37-.Ltmp25, $4  }
0x20b: {  	s29 =	sadd.s32 $0x5B9080, s1;
	s30 =	simm.s32 $0xE500  }
0x20c: {  	[tilespmem:s30], [sflag:$0x4] =	stream.linear.gather [hbm4b:s29+s4], $0xC00, $0x38;
	[tilespmem:$0x1F980] =	vst v63  }
0x20d: {  	s1 =	sadd.s32 $0x6AD300, s1;
	s31 =	simm.s32 $0xFD00  }
0x20e: {  	[tilespmem:s31], [sflag:$0x4] =	stream.linear.gather [hbm4b:s1+s4], $0xC00, $0x38;
	[tilespmem:$0x1F980] =	vst v63  }
.LBB2_36:
0x20f: {  	p4 =	sne.s32 @!p3 s1, $0x516  }
0x210: {  	p3 =	por p4, p3  }
0x211: {  	s1 =	simm.s32 @!p3 $0x400;
	s3 =	simm.s32 @!p3 $0x7A1400;
	s15 =	simm.s32 @!p3 $0x1D900  }
0x212: {  	[tilespmem:s15], [sflag:$0x3] =	stream.strided.gather @!p3 [hbm4b:s13+s1], $0x2000, s3, s1, $0x38;
	[tilespmem:$0x1F980] =	vst v63  }
.LBB2_37:
0x213: {  	s1 =	sor.u32 $0x1, s26  }
0x214: {  	s3 =	sadd.s32 s5, s1;
	p3 =	sge.s32 s1, s7  }
0x215: {  	p4 =	sgt.u32 @!p3 s3, $0x515  }
0x216: {  	p4 =	por p3, p4  }
.Ltmp26:
0x217: {  	_ = 	snop;
	(pc) =	sbr.rel @p4 .LBB2_39-.Ltmp26, $1  }
0x218: {  	_ =	sdelay $0x3  }
0x219: {  	_ =	swait.ge [sflag:s22], $0x6000  }
.Ltmp27:
0x21a: {  	[sflag:s22] =	ssyncset.done $0x0;
	(pc) =	sbr.rel .LBB2_43-.Ltmp27, $4  }
0x21b: {  	[sflag:s22] =	ssyncadd.s32 $0xFFFFA000  }
0x21c: {  	_ =	swait.ge [sflag:s24], $0x6000  }
0x21d: {  	[sflag:s24] =	ssyncset.done $0x0  }
0x21e: {  	[sflag:s24] =	ssyncadd.s32 $0xFFFFA000  }
.LBB2_39:
0x21f: {  	p4 =	sne.s32 @!p3 s3, $0x516  }
0x220: {  	p4 =	por p3, p4  }
.Ltmp28:
0x221: {  	_ = 	snop;
	(pc) =	sbr.rel @p4 .LBB2_43-.Ltmp28, $1  }
0x222: {  	_ =	sdelay $0x3  }
0x223: {  	_ =	swait.ge [sflag:s22], $0x2000  }
0x224: {  	[sflag:s22] =	ssyncset.done $0x0  }
0x225: {  	s15 =	simm.s32 $0x1D920;
	[sflag:s22] =	ssyncadd.s32 $0xFFFFE000  }
0x226: {  	s3 =	simm.s32 $0x0;
	v10 =	vld [tilespmem:s15+$0xFFFFFFE0]  }
0x227: {  	s16 =	smul.u32 $0x6000, s3  }
0x228: {  	s3 =	simm.s32 $0x0  }
0x229: {  	s17 =	sand.u32 $0x380, s3;
	s16 =	sshra.s32 s16, $0x2  }
0x22a: {  	s16 =	sor.u32 s17, s16  }
0x22b: {  	[tilespmem:s16+$0x10900] =	vst v10  }
0x22c: {  	v10 =	vld [tilespmem:s15+$0xFFFFFFF0];
	_ =	sdelay $0x3  }
0x22d: {  	s16 =	sadd.s32 $0x10900, s16  }
0x22e: {  	[tilespmem:s16+$0x10] =	vst v10  }
0x22f: {  	v10 =	vld [tilespmem:s15+$0x0];
	_ =	sdelay $0x4  }
0x230: {  	[tilespmem:s16+$0x20] =	vst v10  }
0x231: {  	v10 =	vld [tilespmem:s15+$0x10];
	_ =	sdelay $0x4  }
0x232: {  	s19 =	simm.s32 $0x1D9A0;
	[tilespmem:s16+$0x30] =	vst v10  }
0x233: {  	s28 =	simm.s32 $0x0;
	s29 =	simm.s32 $0x2;
	v10 =	vld [tilespmem:s19+$0xFFFFFFE0]  }
.LBB2_41:
0x234: {  	p4 =	sne.s32 s29, $0x3F;
	s15 =	smul.u32 $0x6000, s28  }
0x235: {  	s3 =	sadd.s32 $0x80, s3  }
0x236: {  	s16 =	sand.u32 $0x380, s3;
	s15 =	sshra.s32 s15, $0x2  }
0x237: {  	s15 =	sor.u32 s16, s15  }
0x238: {  	[tilespmem:s15+$0x10900] =	vst v10  }
0x239: {  	v10 =	vld [tilespmem:s19+$0xFFFFFFF0];
	_ =	sdelay $0x3  }
0x23a: {  	s15 =	sadd.s32 $0x10900, s15  }
0x23b: {  	[tilespmem:s15+$0x10] =	vst v10  }
0x23c: {  	v10 =	vld [tilespmem:s19+$0x0];
	_ =	sdelay $0x4  }
0x23d: {  	[tilespmem:s15+$0x20] =	vst v10  }
0x23e: {  	v10 =	vld [tilespmem:s19+$0x10];
	_ =	sdelay $0x1  }
.Ltmp29:
0x23f: {  	(pc) =	sbr.rel @p4 .LBB2_41-.Ltmp29, $3  }
0x240: {  	_ =	sdelay $0x1  }
0x241: {  	s19 =	sadd.s32 $0x80, s19;
	[tilespmem:s15+$0x30] =	vst v10  }
0x242: {  	s28 =	sshrl.u32 s29, $0x3;
	s29 =	sadd.s32 $0x1, s29;
	v10 =	vld [tilespmem:s19+$0xFFFFFFE0]  }
0x243: {  	s15 =	smul.u32 $0x6000, s28  }
0x244: {  	s3 =	sadd.s32 $0x80, s3  }
0x245: {  	s3 =	sand.u32 $0x380, s3;
	s15 =	sshra.s32 s15, $0x2  }
0x246: {  	s3 =	sor.u32 s3, s15  }
0x247: {  	[tilespmem:s3+$0x10900] =	vst v10  }
0x248: {  	v10 =	vld [tilespmem:s19+$0xFFFFFFF0];
	_ =	sdelay $0x3  }
0x249: {  	s3 =	sadd.s32 $0x10900, s3  }
0x24a: {  	[tilespmem:s3+$0x10] =	vst v10  }
0x24b: {  	v10 =	vld [tilespmem:s19+$0x0];
	_ =	sdelay $0x4  }
0x24c: {  	[tilespmem:s3+$0x20] =	vst v10  }
0x24d: {  	v10 =	vld [tilespmem:s19+$0x10];
	_ =	sdelay $0x4  }
0x24e: {  	[tilespmem:s3+$0x30] =	vst v10  }
.LBB2_43:
.Ltmp30:
0x24f: {  	(pc) =	sbr.rel @p3 .LBB2_60-.Ltmp30, $1  }
0x250: {  	_ =	sdelay $0x3  }
.Ltmp31:
0x251: {  	(pc) =	sbr.rel @p2 .LBB2_59-.Ltmp31, $1  }
0x252: {  	_ =	sdelay $0x3  }
.Ltmp32:
0x253: {  	(pc) =	sbr.rel .LBB2_46-.Ltmp32, $3  }
0x254: {  	s29 =	smul.u32 $0x300, s1;
	_ =	sdelay $0x1  }
0x255: {  	s1 =	sadd.s32 $0x300, s29  }
0x256: {  	s3 =	simm.s32 $0x0;
	v10 =	vmov s29;
	v11 =	vmov s1;
	s1 =	simm.s32 $0x0  }
.LBB2_47:
0x257: {  	s19 =	smov.u32 s3  }
.LBB2_50:
0x258: {  	s3 =	sshll.u32 s1, $0x4  }
0x259: {  	v12 =	vld [tilespmem:s3+$0x400];
	_ =	sdelay $0x4  }
0x25a: {  	v13 =	vand.u32 $0x7FFF, v12  }
0x25b: {  	v62 =	vor.u32 s3, v1;
	vm0 =	vge.u32 v13, v10;
	vm1 =	vlt.u32 v13, v11  }
0x25c: {  	vm15 =	vlt.s32 v62, v9;
	vm0 =	vmand vm0, vm1  }
0x25d: {  	vm0 =	vmand vm15, vm0  }
0x25e: {  	v63 =	vmpcnt.ones.xlane vm0;
	_ =	sdelay $0x1  }
0x25f: {  	(v2sf) =	vpush v63, $0x0;
	_ =	sdelay $0xa  }
0x260: {  	s1 =	sadd.s32 $0x1, s1  }
0x261: {  	p4 =	sne.s32 s1, s21  }
.Ltmp33:
0x262: {  	_ = 	snop;
	(pc) =	sbr.rel @!p4 .LBB2_51-.Ltmp33, $4  }
0x263: {  	_ = 	snop  }
0x264: {  	s28 =	spop (v2sf)  }
0x265: {  	p3 =	slt.s32 s28, $0x1;
	s3 =	sadd.s32 s28, s19  }
0x266: {  	[tilespmem:s19+$0x4480] =	vst.msk @!p3 vm0, v12;
	[smem:$0x1] =	sst s3  }
.LBB2_46:
0x267: {  	s15 =	sadd.s32 $0x10, s3  }
0x268: {  	p3 =	slt.s32 s15, $0x401  }
.Ltmp34:
0x269: {  	_ = 	snop;
	(pc) =	sbr.rel @p3 .LBB2_47-.Ltmp34, $2  }
0x26a: {  	_ =	sdelay $0x2  }
0x26b: {  	s19 =	simm.s32 $0x0  }
.LBB2_48:
0x26c: {  	s15 =	sand.u32 $0x7FFFFFF0, s19  }
0x26d: {  	v12 =	vld [tilespmem:s15+$0x4480];
	_ =	sdelay $0x1  }
0x26e: {  	s28 =	sand.u32 $0xF, s19  }
0x26f: {  	v13 =	vmov s28  }
0x270: {  	vm0 =	veq.s32 v13, v1  }
0x271: {  	v12 =	vnsel vm0, $0x0, v12  }
0x272: {  	(xrf0) =	vadd.scan.msk.s32 $0xffff, v12;
	_ =	sdelay $0x5  }
0x273: {  	v12, _, _ =	vpop (xrf0)  }
0x274: {  	(v2sf) =	vpush v12, $0xF;
	_ =	sdelay $0xe  }
0x275: {  	s30 =	spop (v2sf)  }
0x276: {  	s16 =	sand.u32 $0x7FFF, s30  }
0x277: {  	s17 =	ssub.s32 s16, s29  }
0x278: {  	v59 =	vmov s17  }
0x279: {  	v60 =	vshll.u32 v59, $0x3  }
0x27a: {  	v12 =	vand.u32 $0x7F, v59;
	v13 =	vand.u32 $0xFFFFFC00, v60  }
0x27b: {  	v12 =	vor.u32 v12, v13  }
0x27c: {  	v13 =	vadd.s32 v5, v12;
	_ =	sdelay $0x4  }
0x27d: {  	v13 =	vld.idx.msk [tilespmem:v13+s25+$0x0], $0xffff  }
0x27e: {  	v14 =	vadd.s32 v6, v12;
	_ =	sdelay $0x1  }
0x27f: {  	s31 =	sshll.u32 s14, $0x9  }
0x280: {  	s17 =	sshra.s32 s31, $0x2  }
0x281: {  	[tilespmem:s17+$0x1C900] =	vst v13  }
0x282: {  	v13 =	vld.idx.msk [tilespmem:v14+s25+$0x0], $0xffff  }
0x283: {  	v61 =	vadd.s32 v7, v12;
	_ =	sdelay $0x3  }
0x284: {  	[tilespmem:s17+$0x1C910] =	vst v13  }
0x285: {  	v13 =	vld.idx.msk [tilespmem:v61+s25+$0x0], $0xffff  }
0x286: {  	v12 =	vadd.s32 v8, v12;
	_ =	sdelay $0x3  }
0x287: {  	[tilespmem:s17+$0x1C920] =	vst v13  }
0x288: {  	s28 =	sshra.s32 s30, $0x1F;
	p4 =	slt.s32 s30, $0x1;
	p3 =	sne.s32 s16, $0x0;
	v12 =	vld.idx.msk [tilespmem:v12+s25+$0x0], $0xffff  }
0x289: {  	v62 =	vmov s14;
	s16 =	sshrl.u32 s28, $0x11;
	p3 =	por !p4, !p3  }
0x28a: {  	s15 =	sadd.s32 s16, s30;
	s16 =	simm.s32 $0x1;
	p3 =	por !p3, !p3  }
0x28b: {  	s15 =	sshra.s32 s15, $0xF;
	s16 =	simm.s32 @!p3 $0x0  }
0x28c: {  	s15 =	ssub.s32 s15, s16  }
0x28d: {  	p3 =	sne.s32 s14, $0x1F;
	v63 =	vmov s15;
	[tilespmem:s17+$0x1C930] =	vst v12  }
0x28e: {  	s16 =	simm.s32 @!p3 $0x1F900;
	s15 =	simm.s32 @!p3 $0x20;
	s17 =	simm.s32 @!p3 $0x1C900;
	[tilespmem:v62+s20+$0x0] =	vst.idx.msk $0x1, v63  }
0x28f: {  	[hbm4b:s6+s15] =	stream.indirect.scatter @!p3 [tilespmem:s17], [sflag:$0x7], $0x80, s16, s15, $0xb8;
	[tilespmem:$0x1F980] =	vst v63  }
0x290: {  	s16 =	simm.s32 @!p3 $0x7  }
0x291: {  	_ =	swait.ge @!p3 [sflag:s16], $0x1000  }
0x292: {  	s19 =	sadd.s32 $0x1, s19;
	s30 =	sadd.s32 $0x1, s14;
	[sflag:s16] =	ssyncset.done @!p3 $0x0  }
0x293: {  	s31 =	sshra.s32 s30, $0x1F;
	[sflag:s16] =	ssyncadd.s32 @!p3 $0xFFFFF000;
	p3 =	sne.s32 s3, s19  }
.Ltmp35:
0x294: {  	s15 =	sshrl.u32 s31, $0x1B;
	(pc) =	sbr.rel @p3 .LBB2_48-.Ltmp35, $4  }
0x295: {  	s15 =	sadd.s32 s15, s30  }
0x296: {  	s15 =	sand.u32 $0xFFFFFFE0, s15  }
0x297: {  	s14 =	ssub.s32 s30, s15  }
0x298: {  	[smem:$0x0] =	sst s14  }
.Ltmp36:
0x299: {  	(pc) =	sbr.rel .LBB2_50-.Ltmp36, $2  }
0x29a: {  	_ =	sdelay $0x2  }
0x29b: {  	s19 =	simm.s32 $0x0  }
.LBB2_51:
0x29c: {  	p3 =	slt.s32 s3, $0x1  }
.Ltmp37:
0x29d: {  	_ = 	snop;
	(pc) =	sbr.rel @p3 .LBB2_59-.Ltmp37, $1  }
0x29e: {  	_ =	sdelay $0x3  }
0x29f: {  	s3 =	sadd.s32 s19, s28  }
0x2a0: {  	p4 =	sne.s32 s3, $0x1  }
.Ltmp38:
0x2a1: {  	_ = 	snop;
	(pc) =	sbr.rel @!p4 .LBB2_53-.Ltmp38, $2  }
0x2a2: {  	_ =	sdelay $0x2  }
0x2a3: {  	s19 =	simm.s32 $0x0;
	s1 =	simm.s32 $0x1;
	p3 =	por $0x0, $0x0  }
0x2a4: {  	s15 =	sand.u32 $0x7FFFFFF0, s19  }
0x2a5: {  	v10 =	vld [tilespmem:s15+$0x4480];
	_ =	sdelay $0x1  }
0x2a6: {  	s17 =	sand.u32 $0xF, s19  }
0x2a7: {  	v11 =	vmov s17  }
0x2a8: {  	vm0 =	veq.s32 v11, v1  }
0x2a9: {  	v10 =	vnsel vm0, $0x0, v10  }
0x2aa: {  	(xrf0) =	vadd.scan.msk.s32 $0xffff, v10;
	_ =	sdelay $0x5  }
0x2ab: {  	v10, _, _ =	vpop (xrf0)  }
0x2ac: {  	(v2sf) =	vpush v10, $0xF;
	_ =	sdelay $0xe  }
0x2ad: {  	s15 =	spop (v2sf)  }
0x2ae: {  	s16 =	sand.u32 $0x7FFF, s15  }
0x2af: {  	s17 =	ssub.s32 s16, s29  }
0x2b0: {  	v10 =	vmov s17  }
0x2b1: {  	v11 =	vshll.u32 v10, $0x3  }
0x2b2: {  	v10 =	vand.u32 $0x7F, v10;
	v11 =	vand.u32 $0xFFFFFC00, v11  }
0x2b3: {  	v10 =	vor.u32 v10, v11  }
0x2b4: {  	v11 =	vadd.s32 v5, v10;
	_ =	sdelay $0x4  }
0x2b5: {  	v11 =	vld.idx.msk [tilespmem:v11+s25+$0x0], $0xffff  }
0x2b6: {  	v12 =	vadd.s32 v6, v10;
	_ =	sdelay $0x1  }
0x2b7: {  	s19 =	sshll.u32 s14, $0x9  }
0x2b8: {  	s17 =	sshra.s32 s19, $0x2  }
0x2b9: {  	[tilespmem:s17+$0x1C900] =	vst v11  }
0x2ba: {  	v11 =	vld.idx.msk [tilespmem:v12+s25+$0x0], $0xffff  }
0x2bb: {  	v63 =	vadd.s32 v7, v10;
	_ =	sdelay $0x3  }
0x2bc: {  	[tilespmem:s17+$0x1C910] =	vst v11  }
0x2bd: {  	v11 =	vld.idx.msk [tilespmem:v63+s25+$0x0], $0xffff  }
0x2be: {  	v10 =	vadd.s32 v8, v10;
	_ =	sdelay $0x3  }
0x2bf: {  	[tilespmem:s17+$0x1C920] =	vst v11  }
0x2c0: {  	p3 =	slt.s32 s15, $0x1;
	p4 =	sne.s32 s16, $0x0;
	s19 =	sshra.s32 s15, $0x1F;
	v10 =	vld.idx.msk [tilespmem:v10+s25+$0x0], $0xffff  }
0x2c1: {  	p5 =	sne.s32 s14, $0x1F;
	p3 =	por !p3, !p4;
	s19 =	sshrl.u32 s19, $0x11;
	v11 =	vmov s14  }
0x2c2: {  	s16 =	simm.s32 $0x1;
	p3 =	por !p3, !p3;
	s15 =	sadd.s32 s19, s15  }
0x2c3: {  	s30 =	sadd.s32 $0x1, s14;
	s16 =	simm.s32 @!p3 $0x0;
	s15 =	sshra.s32 s15, $0xF  }
0x2c4: {  	s31 =	simm.s32 @!p5 $0x7;
	p4 =	sne.s32 s3, $0x2;
	s15 =	ssub.s32 s15, s16  }
.Ltmp39:
0x2c5: {  	s28 =	simm.s32 @!p5 $0x1C900;
	s16 =	sshra.s32 s30, $0x1F;
	[tilespmem:s17+$0x1C930] =	vst v10;
	v10 =	vmov s15;
	(pc) =	sbr.rel @!p4 .LBB2_55-.Ltmp39, $4  }
0x2c6: {  	s16 =	sshrl.u32 s16, $0x1B;
	s15 =	simm.s32 @!p5 $0x1F900;
	s17 =	simm.s32 @!p5 $0x20;
	[tilespmem:v11+s20+$0x0] =	vst.idx.msk $0x1, v10  }
0x2c7: {  	[hbm4b:s6+s17] =	stream.indirect.scatter @!p5 [tilespmem:s28], [sflag:$0x7], $0x80, s15, s17, $0xb8;
	[tilespmem:$0x1F980] =	vst v63  }
0x2c8: {  	s19 =	simm.s32 $0x2;
	s17 =	sadd.s32 s16, s30;
	_ =	swait.ge @!p5 [sflag:s31], $0x1000  }
0x2c9: {  	p3 =	por $0x1, $0x1;
	s28 =	sand.u32 $0xFFFFFFE0, s17;
	[sflag:s31] =	ssyncset.done @!p5 $0x0  }
.LBB2_56:
0x2ca: {  	s15 =	sand.u32 $0x7FFFFFF0, s1;
	[sflag:s31] =	ssyncadd.s32 @!p5 $0xFFFFF000;
	s30 =	ssub.s32 s30, s28  }
0x2cb: {  	v10 =	vld [tilespmem:s15+$0x4480];
	[smem:$0x0] =	sst s30;
	s15 =	smov.u32 s19;
	s19 =	sadd.s32 $0x1, s19  }
0x2cc: {  	p4 =	sne.s32 s3, s19  }
0x2cd: {  	s16 =	sand.u32 $0xF, s1;
	s1 =	smov.u32 s15  }
0x2ce: {  	v11 =	vmov s16  }
0x2cf: {  	vm0 =	veq.s32 v11, v1  }
0x2d0: {  	v10 =	vnsel vm0, $0x0, v10  }
0x2d1: {  	(xrf0) =	vadd.scan.msk.s32 $0xffff, v10;
	_ =	sdelay $0x5  }
0x2d2: {  	v10, _, _ =	vpop (xrf0)  }
0x2d3: {  	(v2sf) =	vpush v10, $0xF;
	_ =	sdelay $0xe  }
0x2d4: {  	s15 =	spop (v2sf)  }
0x2d5: {  	s16 =	sshra.s32 s15, $0x1F;
	s17 =	sand.u32 $0x7FFF, s15  }
0x2d6: {  	p5 =	slt.s32 s15, $0x1;
	p6 =	sne.s32 s17, $0x0;
	s17 =	ssub.s32 s17, s29  }
0x2d7: {  	s16 =	sshrl.u32 s16, $0x11;
	p5 =	por !p5, !p6;
	v10 =	vmov s17  }
0x2d8: {  	s15 =	sadd.s32 s16, s15;
	s16 =	simm.s32 $0x1;
	p5 =	por !p5, !p5;
	v11 =	vshll.u32 v10, $0x3  }
0x2d9: {  	s15 =	sshra.s32 s15, $0xF;
	v10 =	vand.u32 $0x7F, v10;
	s16 =	simm.s32 @!p5 $0x0;
	v11 =	vand.u32 $0xFFFFFC00, v11  }
0x2da: {  	s15 =	ssub.s32 s15, s16;
	v10 =	vor.u32 v10, v11  }
0x2db: {  	v11 =	vadd.s32 v5, v10;
	_ =	sdelay $0x4  }
0x2dc: {  	v11 =	vld.idx.msk [tilespmem:v11+s25+$0x0], $0xffff;
	_ =	sdelay $0x1  }
0x2dd: {  	v12 =	vadd.s32 v6, v10;
	_ =	sdelay $0x1  }
0x2de: {  	s16 =	sshll.u32 s30, $0x9  }
0x2df: {  	s16 =	sshra.s32 s16, $0x2  }
0x2e0: {  	[tilespmem:s16+$0x1C900] =	vst v11  }
0x2e1: {  	v11 =	vld.idx.msk [tilespmem:v12+s25+$0x0], $0xffff;
	_ =	sdelay $0x1  }
0x2e2: {  	v12 =	vadd.s32 v7, v10;
	_ =	sdelay $0x3  }
0x2e3: {  	[tilespmem:s16+$0x1C910] =	vst v11  }
0x2e4: {  	v11 =	vld.idx.msk [tilespmem:v12+s25+$0x0], $0xffff;
	_ =	sdelay $0x1  }
0x2e5: {  	v10 =	vadd.s32 v8, v10;
	_ =	sdelay $0x3  }
0x2e6: {  	[tilespmem:s16+$0x1C920] =	vst v11  }
0x2e7: {  	v10 =	vld.idx.msk [tilespmem:v10+s25+$0x0], $0xffff;
	_ =	sdelay $0x1  }
0x2e8: {  	v11 =	vmov s30;
	_ =	sdelay $0x2  }
0x2e9: {  	p5 =	sne.s32 s30, $0x1F  }
0x2ea: {  	s31 =	simm.s32 @!p5 $0x7;
	s30 =	sadd.s32 $0x1, s30;
	[tilespmem:s16+$0x1C930] =	vst v10;
	v10 =	vmov s15  }
.Ltmp40:
0x2eb: {  	s15 =	simm.s32 @!p5 $0x1F900;
	s16 =	sshra.s32 s30, $0x1F;
	[tilespmem:v11+s20+$0x0] =	vst.idx.msk $0x1, v10;
	(pc) =	sbr.rel @p4 .LBB2_56-.Ltmp40, $4  }
0x2ec: {  	s17 =	simm.s32 @!p5 $0x20;
	s28 =	simm.s32 @!p5 $0x1C900;
	s16 =	sshrl.u32 s16, $0x1B  }
0x2ed: {  	[hbm4b:s6+s17] =	stream.indirect.scatter @!p5 [tilespmem:s28], [sflag:$0x7], $0x80, s15, s17, $0xb8;
	[tilespmem:$0x1F980] =	vst v63  }
0x2ee: {  	s15 =	sadd.s32 s16, s30;
	_ =	swait.ge @!p5 [sflag:s31], $0x1000  }
0x2ef: {  	s28 =	sand.u32 $0xFFFFFFE0, s15;
	[sflag:s31] =	ssyncset.done @!p5 $0x0  }
0x2f0: {  	s19 =	smov.u32 s1  }
.LBB2_58:
0x2f1: {  	p4 =	por p5, !p3  }
0x2f2: {  	s1 =	sand.u32 $0x7FFFFFF0, s19;
	[sflag:s31] =	ssyncadd.s32 @!p4 $0xFFFFF000  }
0x2f3: {  	v10 =	vld [tilespmem:s1+$0x4480];
	_ =	sdelay $0x1  }
0x2f4: {  	s17 =	sand.u32 $0xF, s19  }
0x2f5: {  	v11 =	vmov s17  }
0x2f6: {  	vm0 =	veq.s32 v11, v1  }
0x2f7: {  	v10 =	vnsel vm0, $0x0, v10  }
0x2f8: {  	(xrf0) =	vadd.scan.msk.s32 $0xffff, v10;
	_ =	sdelay $0x5  }
0x2f9: {  	v10, _, _ =	vpop (xrf0)  }
0x2fa: {  	(v2sf) =	vpush v10, $0xF;
	_ =	sdelay $0xe  }
0x2fb: {  	s19 =	spop (v2sf)  }
0x2fc: {  	s3 =	sand.u32 $0x7FFF, s19  }
0x2fd: {  	s15 =	ssub.s32 s3, s29  }
0x2fe: {  	v10 =	vmov s15  }
0x2ff: {  	v11 =	vshll.u32 v10, $0x3  }
0x300: {  	v10 =	vand.u32 $0x7F, v10;
	v11 =	vand.u32 $0xFFFFFC00, v11  }
0x301: {  	v10 =	vor.u32 v10, v11  }
0x302: {  	v11 =	vadd.s32 v5, v10;
	_ =	sdelay $0x4  }
0x303: {  	v11 =	vld.idx.msk [tilespmem:v11+s25+$0x0], $0xffff  }
0x304: {  	s15 =	ssub.s32 @p3 s30, s28;
	v12 =	vadd.s32 v6, v10  }
0x305: {  	s14 =	smov.u32 @p3 s15  }
0x306: {  	s16 =	sshll.u32 s14, $0x9  }
0x307: {  	s16 =	sshra.s32 s16, $0x2  }
0x308: {  	[tilespmem:s16+$0x1C900] =	vst v11  }
0x309: {  	v11 =	vld.idx.msk [tilespmem:v12+s25+$0x0], $0xffff  }
0x30a: {  	v63 =	vadd.s32 v7, v10;
	_ =	sdelay $0x3  }
0x30b: {  	[tilespmem:s16+$0x1C910] =	vst v11  }
0x30c: {  	v11 =	vld.idx.msk [tilespmem:v63+s25+$0x0], $0xffff  }
0x30d: {  	v10 =	vadd.s32 v8, v10;
	_ =	sdelay $0x3  }
0x30e: {  	[tilespmem:s16+$0x1C920] =	vst v11  }
0x30f: {  	s17 =	sshra.s32 s19, $0x1F;
	p5 =	slt.s32 s19, $0x1;
	p6 =	sne.s32 s3, $0x0;
	v10 =	vld.idx.msk [tilespmem:v10+s25+$0x0], $0xffff  }
0x310: {  	s3 =	simm.s32 $0x1;
	s28 =	sshrl.u32 s17, $0x11;
	p4 =	por !p5, !p6;
	v11 =	vmov s14  }
0x311: {  	s1 =	sadd.s32 s28, s19;
	p4 =	por !p4, !p4;
	[smem:$0x0] =	sst @p3 s15  }
0x312: {  	s1 =	sshra.s32 s1, $0xF;
	s3 =	simm.s32 @!p4 $0x0;
	s29 =	sadd.s32 $0x1, s14  }
0x313: {  	p3 =	sne.s32 s14, $0x1F;
	s1 =	ssub.s32 s1, s3;
	s30 =	sshra.s32 s29, $0x1F  }
0x314: {  	s17 =	simm.s32 @!p3 $0x1C900;
	s15 =	sshrl.u32 s30, $0x1B;
	[tilespmem:s16+$0x1C930] =	vst v10;
	v10 =	vmov s1  }
0x315: {  	s14 =	simm.s32 @!p3 $0x7;
	s1 =	simm.s32 @!p3 $0x1F900;
	s16 =	simm.s32 @!p3 $0x20;
	[tilespmem:v11+s20+$0x0] =	vst.idx.msk $0x1, v10  }
0x316: {  	[hbm4b:s6+s16] =	stream.indirect.scatter @!p3 [tilespmem:s17], [sflag:$0x7], $0x80, s1, s16, $0xb8;
	[tilespmem:$0x1F980] =	vst v63  }
0x317: {  	s31 =	sadd.s32 s15, s29;
	_ =	swait.ge @!p3 [sflag:s14], $0x1000  }
0x318: {  	s1 =	sand.u32 $0xFFFFFFE0, s31;
	[sflag:s14] =	ssyncset.done @!p3 $0x0  }
0x319: {  	[sflag:s14] =	ssyncadd.s32 @!p3 $0xFFFFF000;
	s14 =	ssub.s32 s29, s1  }
0x31a: {  	[smem:$0x0] =	sst s14  }
.LBB2_59:
0x31b: {  	[smem:$0x1] =	sst s4  }
.LBB2_60:
0x31c: {  	s3 =	sadd.s32 $0x3, s26  }
0x31d: {  	s1 =	sadd.s32 s5, s3;
	p3 =	sge.s32 s3, s7  }
0x31e: {  	p4 =	sgt.u32 @!p3 s1, $0x515  }
0x31f: {  	p4 =	por p3, p4  }
.Ltmp41:
0x320: {  	_ = 	snop;
	(pc) =	sbr.rel @p4 .LBB2_62-.Ltmp41, $1  }
0x321: {  	_ =	sdelay $0x3  }
0x322: {  	s3 =	smul.u32 $0x300, s1;
	_ =	sdelay $0x1  }
0x323: {  	s3 =	sadd.s32 s2, s3  }
0x324: {  	[tilespmem:s25], [sflag:$0x5] =	stream.linear.gather [hbm4b:s3+s4], $0xC00, $0x38;
	[tilespmem:$0x1F980] =	vst v63  }
0x325: {  	s16 =	simm.s32 $0x12100;
	s15 =	sadd.s32 $0xF4280, s3  }
0x326: {  	[tilespmem:s16], [sflag:$0x5] =	stream.linear.gather [hbm4b:s15+s4], $0xC00, $0x38;
	[tilespmem:$0x1F980] =	vst v63  }
0x327: {  	s31 =	simm.s32 $0x13900;
	s30 =	sadd.s32 $0x1E8500, s3  }
0x328: {  	[tilespmem:s31], [sflag:$0x5] =	stream.linear.gather [hbm4b:s30+s4], $0xC00, $0x38;
	[tilespmem:$0x1F980] =	vst v63  }
0x329: {  	s17 =	simm.s32 $0x15100;
	s16 =	sadd.s32 $0x2DC780, s3  }
0x32a: {  	[tilespmem:s17], [sflag:$0x5] =	stream.linear.gather [hbm4b:s16+s4], $0xC00, $0x38;
	[tilespmem:$0x1F980] =	vst v63  }
0x32b: {  	s26 =	simm.s32 $0x16900;
	s19 =	sadd.s32 $0x3D0A00, s3  }
0x32c: {  	[tilespmem:s26], [sflag:$0x5] =	stream.linear.gather [hbm4b:s19+s4], $0xC00, $0x38;
	[tilespmem:$0x1F980] =	vst v63  }
0x32d: {  	s29 =	simm.s32 $0x18100;
	s28 =	sadd.s32 $0x4C4C80, s3;
	s16 =	smul.u32 $0x1800, s1  }
0x32e: {  	[tilespmem:s29], [sflag:$0x5] =	stream.linear.gather [hbm4b:s28+s4], $0xC00, $0x38;
	[tilespmem:$0x1F980] =	vst v63  }
0x32f: {  	s30 =	sadd.s32 $0x5B8F00, s3;
	s31 =	simm.s32 $0x19900;
	s1 =	sshrl.u32 s16, $0x3  }
0x330: {  	[tilespmem:s31], [sflag:$0x5] =	stream.linear.gather [hbm4b:s30+s4], $0xC00, $0x38;
	[tilespmem:$0x1F980] =	vst v63  }
0x331: {  	s3 =	sadd.s32 $0x6AD180, s3;
	s17 =	simm.s32 $0x1B100;
	s1 =	sadd.s32 s2, s1  }
0x332: {  	[tilespmem:s17], [sflag:$0x5] =	stream.linear.gather [hbm4b:s3+s4], $0xC00, $0x38;
	[tilespmem:$0x1F980] =	vst v63  }
0x333: {  	s26 =	simm.s32 $0x11500;
	s19 =	sadd.s32 $0x180, s1  }
0x334: {  	[tilespmem:s26], [sflag:$0x6] =	stream.linear.gather [hbm4b:s19+s4], $0xC00, $0x38;
	[tilespmem:$0x1F980] =	vst v63  }
0x335: {  	s28 =	sadd.s32 $0xF4400, s1;
	s29 =	simm.s32 $0x12D00  }
0x336: {  	[tilespmem:s29], [sflag:$0x6] =	stream.linear.gather [hbm4b:s28+s4], $0xC00, $0x38;
	[tilespmem:$0x1F980] =	vst v63  }
0x337: {  	s30 =	sadd.s32 $0x1E8680, s1;
	s31 =	simm.s32 $0x14500  }
0x338: {  	[tilespmem:s31], [sflag:$0x6] =	stream.linear.gather [hbm4b:s30+s4], $0xC00, $0x38;
	[tilespmem:$0x1F980] =	vst v63  }
0x339: {  	s16 =	simm.s32 $0x15D00;
	s15 =	sadd.s32 $0x2DC900, s1  }
0x33a: {  	[tilespmem:s16], [sflag:$0x6] =	stream.linear.gather [hbm4b:s15+s4], $0xC00, $0x38;
	[tilespmem:$0x1F980] =	vst v63  }
0x33b: {  	s17 =	sadd.s32 $0x3D0B80, s1;
	s19 =	simm.s32 $0x17500  }
0x33c: {  	[tilespmem:s19], [sflag:$0x6] =	stream.linear.gather [hbm4b:s17+s4], $0xC00, $0x38;
	[tilespmem:$0x1F980] =	vst v63  }
0x33d: {  	s26 =	sadd.s32 $0x4C4E00, s1;
	s28 =	simm.s32 $0x18D00  }
0x33e: {  	[tilespmem:s28], [sflag:$0x6] =	stream.linear.gather [hbm4b:s26+s4], $0xC00, $0x38;
	[tilespmem:$0x1F980] =	vst v63  }
.Ltmp42:
0x33f: {  	_ = 	snop;
	(pc) =	sbr.rel .LBB2_63-.Ltmp42, $4  }
0x340: {  	s29 =	sadd.s32 $0x5B9080, s1;
	s30 =	simm.s32 $0x1A500  }
0x341: {  	[tilespmem:s30], [sflag:$0x6] =	stream.linear.gather [hbm4b:s29+s4], $0xC00, $0x38;
	[tilespmem:$0x1F980] =	vst v63  }
0x342: {  	s1 =	sadd.s32 $0x6AD300, s1;
	s31 =	simm.s32 $0x1BD00  }
0x343: {  	[tilespmem:s31], [sflag:$0x6] =	stream.linear.gather [hbm4b:s1+s4], $0xC00, $0x38;
	[tilespmem:$0x1F980] =	vst v63  }
.LBB2_27:
.Ltmp43:
0x344: {  	(pc) =	sbr.rel .LBB2_32-.Ltmp43, $2  }
0x345: {  	_ =	sdelay $0x2  }
0x346: {  	_ = 	snop  }
.LBB2_53:
.Ltmp44:
0x347: {  	(pc) =	sbr.rel .LBB2_58-.Ltmp44, $2  }
0x348: {  	_ =	sdelay $0x2  }
0x349: {  	_ = 	snop  }
.LBB2_29:
.Ltmp45:
0x34a: {  	(pc) =	sbr.rel .LBB2_32-.Ltmp45, $2  }
0x34b: {  	_ =	sdelay $0x2  }
0x34c: {  	s19 =	simm.s32 $0x1  }
.LBB2_55:
.Ltmp46:
0x34d: {  	(pc) =	sbr.rel .LBB2_58-.Ltmp46, $2  }
0x34e: {  	_ =	sdelay $0x2  }
0x34f: {  	s19 =	simm.s32 $0x1  }
.LBB2_65:
0x350: {  	_ =	sfence.sel $0x180000  }
0x351: {  	[bflag:$0x0] =	sbarrier.arrive $0xFFFF  }
0x352: {  	_ =	strace $0x90000047  }
0x353: {  	s0 =	stileid.u32;
	[bflag:$0x2] =	sbarrier.arrive $0xFFFF  }
0x354: {  	p0 =	sne.s32 s0, $0x0;
	s0 =	rddreg [dreg:$0x3]  }
0x355: {  	s0 =	sadd.s32 @!p0 $0x100000, s0  }
0x356: {  	[sflag:s0] =	ssyncadd.tile.s32 @!p0 $0x1;
	_ =	shalt  }
.Lfunc_end2:
_tile_overlayer_lowered:
.L_overlay_start_2:
0x357: {  	(tag) =	ssettag $0x2  }
0x358: {  	s0 =	rddreg [dreg:$0x0];
	s2 =	stileid.u32  }
0x359: {  	s1 =	rddreg [dreg:$0x1];
	p0 =	sne.s32 s2, $0x0  }
0x35a: {  	s3 =	rddreg [dreg:$0x2];
	[bflag:$0x3] =	sbarrier.arrive $0xFFFF;
	s2 =	simm.s32 @!p0 $0x1C08  }
0x35b: {  	[timem:s3], [sflag:s2] =	dma.local @!p0 [hbm:s0], s1  }
0x35c: {  	s0 =	simm.s32 @!p0 $0x8  }
0x35d: {  	_ =	swait.ge @!p0 [sflag:s0], s1  }
0x35e: {  	s1 =	ssub.s32 @!p0 $0x0, s1;
	[sflag:s0] =	ssyncset.done @!p0 $0x0  }
0x35f: {  	[sflag:s0] =	ssyncadd.s32 @!p0 s1  }
0x360: {  	[bflag:$0x3] =	sbarrier.arrive $0xFFFF  }
0x361: {  	_ =	shalt  }

</sc_bundles>
